<compile_context>
chip_gen: v7x
topology: tpu7x:2x2x1
jax: 0.10.2.dev20260603
libtpu: 0.0.44.dev20260713+nightly
codegen_flags: <defaults>
</compile_context>

<pallas_src>
import functools

import jax
import jax.numpy as jnp
from jax import lax
from jax.experimental import pallas as pl
from jax.experimental.pallas import tpu as pltpu
from jax.experimental.pallas import tpu_sc as plsc

N = 10000
D = 256
E = 160000
HID = 256
OUT = 256
H = 128
CH = 128
NCHUNK = E // CH
NSUB = 16
NFULL = N // CH
TAIL = N - NFULL * CH
NITER = 28
CNITER = 21
BLK = 1000


def _mlp1_body(x_ref, w1_ref, b1_ref, t_ref):
    xb = x_ref[...]
    a = jnp.dot(xb, w1_ref[:D, :], preferred_element_type=jnp.float32) + b1_ref[...]
    b = jnp.dot(xb, w1_ref[D:, :], preferred_element_type=jnp.float32)
    t_ref[0] = a[:, :H]
    t_ref[1] = a[:, H:]
    t_ref[2] = b[:, :H]
    t_ref[3] = b[:, H:]


def _mlp2_body(t_ref, s0_ref, s1_ref, c0_ref, c1_ref, w2_ref, b2_ref, o_ref):
    z0 = jnp.maximum(t_ref[0] + t_ref[2], 0.0)
    z1 = jnp.maximum(t_ref[1] + t_ref[3], 0.0)
    s0 = s0_ref[...] + z0
    s1 = s1_ref[...] + z1
    acc = jnp.dot(s0, w2_ref[:H, :], preferred_element_type=jnp.float32)
    acc = acc + jnp.dot(s1, w2_ref[H:, :], preferred_element_type=jnp.float32)
    cnt = c0_ref[:, 0:1] + c1_ref[:, 0:1] + 1.0
    o_ref[...] = acc / cnt + b2_ref[...]


def _edge_body(t_hbm, src_hbm, dst_hbm, s0_out, s1_out,
               a0, a1, a2, b0, b1, b2, d0, d1, d2,
               acc0, acc1, acc2, ga0, ga1, ga2, gb0, gb1, gb2,
               sc0, sc1, sc2, s_sp):
    cid = lax.axis_index("c")
    sid = lax.axis_index("s")
    aidx = [a0, a1, a2]
    bidx = [b0, b1, b2]
    didx = [d0, d1, d2]
    acc = [acc0, acc1, acc2]
    ga = [ga0, ga1, ga2]
    gb = [gb0, gb1, gb2]
    sc = [sc0, sc1, sc2]
    zero16 = jnp.zeros((16,), jnp.float32)
    acc_a = acc0

    def zrow(r, carry):
        for j in range(8):
            acc_a[r, pl.ds(j * 16, 16)] = zero16
        return carry
    lax.fori_loop(0, CH, zrow, 0)

    for k in range(5):
        ck = sid + k * NSUB

        @pl.when(ck < NFULL)
        def _():
            pltpu.sync_copy(acc_a, s_sp.at[pl.ds(ck * CH, CH), :])

    @pl.when(sid == NSUB - 1)
    def _():
        pltpu.sync_copy(acc_a.at[pl.ds(0, TAIL), :],
                        s_sp.at[pl.ds(NFULL * CH, TAIL), :])

    plsc.subcore_barrier()

    aoff = jnp.full((16,), cid * N, jnp.int32)
    boff = jnp.full((16,), 2 * N + cid * N, jnp.int32)

    nch = (NCHUNK - sid + NSUB - 1) // NSUB

    def valid(j):
        return jnp.logical_and(j >= 0, j < nch)

    def stage_idx_ga(j, p):
        @pl.when(valid(j))
        def _():
            ebase = (sid + j * NSUB) * CH
            pltpu.sync_copy(src_hbm.at[pl.ds(ebase, CH)], aidx[p])
            pltpu.sync_copy(dst_hbm.at[pl.ds(ebase, CH)], didx[p])
            for jj in range(8):
                sl = pl.ds(jj * 16, 16)
                aidx[p][sl] = aidx[p][sl] + aoff
                bidx[p][sl] = didx[p][sl] + boff
            pltpu.make_async_copy(t_hbm.at[aidx[p]], acc[p], ga[p]).start()

    def stage_gb(j, p):
        @pl.when(valid(j))
        def _():
            pltpu.make_async_copy(t_hbm.at[aidx[p]], acc[p], ga[p]).wait()
            pltpu.make_async_copy(t_hbm.at[bidx[p]], acc[p], gb[p]).start(add=True)

    def stage_relu_scatter(j, p):
        @pl.when(valid(j))
        def _():
            pltpu.make_async_copy(t_hbm.at[bidx[p]], acc[p], gb[p]).wait()
            acc_p = acc[p]

            def relu_rows(r, c2):
                for half in range(4):
                    rr = r * 4 + half
                    for jj in range(8):
                        sl = pl.ds(jj * 16, 16)
                        acc_p[rr, sl] = jnp.maximum(acc_p[rr, sl], 0.0)
                return c2
            lax.fori_loop(0, CH // 4, relu_rows, 0)
            pltpu.make_async_copy(acc[p], s_sp.at[didx[p]], sc[p]).start(add=True)

    def stage_wait_scatter(j, p):
        @pl.when(valid(j))
        def _():
            pltpu.make_async_copy(acc[p], s_sp.at[didx[p]], sc[p]).wait()

    def outer(g, carry):
        for b in range(3):
            i = g * 3 + b
            stage_wait_scatter(i - 3, b)
            stage_idx_ga(i, b)
            stage_gb(i - 1, (b - 1) % 3)
            stage_relu_scatter(i - 2, (b - 2) % 3)
        return carry
    lax.fori_loop(0, NITER, outer, 0)

    plsc.subcore_barrier()

    for k in range(5):
        ck = sid + k * NSUB
        r0 = ck * CH

        @pl.when(jnp.logical_and(ck < NFULL, cid == 0))
        def _():
            pltpu.sync_copy(s_sp.at[pl.ds(r0, CH), :], acc_a)
            pltpu.sync_copy(acc_a, s0_out.at[pl.ds(r0, CH), :])

        @pl.when(jnp.logical_and(ck < NFULL, cid == 1))
        def _():
            pltpu.sync_copy(s_sp.at[pl.ds(r0, CH), :], acc_a)
            pltpu.sync_copy(acc_a, s1_out.at[pl.ds(r0, CH), :])

    rt = NFULL * CH

    @pl.when(jnp.logical_and(sid == NSUB - 1, cid == 0))
    def _():
        pltpu.sync_copy(s_sp.at[pl.ds(rt, TAIL), :], acc_a.at[pl.ds(0, TAIL), :])
        pltpu.sync_copy(acc_a.at[pl.ds(0, TAIL), :], s0_out.at[pl.ds(rt, TAIL), :])

    @pl.when(jnp.logical_and(sid == NSUB - 1, cid == 1))
    def _():
        pltpu.sync_copy(s_sp.at[pl.ds(rt, TAIL), :], acc_a.at[pl.ds(0, TAIL), :])
        pltpu.sync_copy(acc_a.at[pl.ds(0, TAIL), :], s1_out.at[pl.ds(rt, TAIL), :])


def _count_body(dst_hbm, c0_out, c1_out, cd0, cd1, obuf, cs0, cs1, cnt_sp):
    didx = [cd0, cd1]
    csem = [cs0, cs1]
    cid = lax.axis_index("c")
    sid = lax.axis_index("s")
    zero16 = jnp.zeros((16,), jnp.float32)
    one16 = jnp.ones((16,), jnp.float32)

    def zrow(r, carry):
        for j in range(8):
            obuf[r, pl.ds(j * 16, 16)] = zero16
        return carry
    lax.fori_loop(0, CH, zrow, 0)

    for k in range(5):
        ck = sid + k * NSUB

        @pl.when(ck < NFULL)
        def _():
            pltpu.sync_copy(obuf, cnt_sp.at[pl.ds(ck * CH, CH), :])

    @pl.when(sid == NSUB - 1)
    def _():
        pltpu.sync_copy(obuf.at[pl.ds(0, TAIL), :],
                        cnt_sp.at[pl.ds(NFULL * CH, TAIL), :])

    def orow(r, carry):
        for j in range(8):
            obuf[r, pl.ds(j * 16, 16)] = one16
        return carry
    lax.fori_loop(0, CH, orow, 0)

    plsc.subcore_barrier()

    wid = sid * 2 + cid
    nch = (NCHUNK - wid + 2 * NSUB - 1) // (2 * NSUB)

    def cvalid(j):
        return jnp.logical_and(j >= 0, j < nch)

    def c_stage_idx_scatter(j, p):
        @pl.when(cvalid(j))
        def _():
            ebase = (wid + j * 2 * NSUB) * CH
            pltpu.sync_copy(dst_hbm.at[pl.ds(ebase, CH)], didx[p])
            pltpu.make_async_copy(obuf, cnt_sp.at[didx[p]], csem[p]).start(add=True)

    def c_stage_wait(j, p):
        @pl.when(cvalid(j))
        def _():
            pltpu.make_async_copy(obuf, cnt_sp.at[didx[p]], csem[p]).wait()

    def c_outer(g, carry):
        for b in range(2):
            i = g * 2 + b
            c_stage_wait(i - 2, b)
            c_stage_idx_scatter(i, b)
        return carry
    lax.fori_loop(0, CNITER, c_outer, 0)

    plsc.subcore_barrier()

    for k in range(5):
        ck = sid + k * NSUB
        r0 = ck * CH

        @pl.when(jnp.logical_and(ck < NFULL, cid == 0))
        def _():
            pltpu.sync_copy(cnt_sp.at[pl.ds(r0, CH), :], obuf)
            pltpu.sync_copy(obuf, c0_out.at[pl.ds(r0, CH), :])

        @pl.when(jnp.logical_and(ck < NFULL, cid == 1))
        def _():
            pltpu.sync_copy(cnt_sp.at[pl.ds(r0, CH), :], obuf)
            pltpu.sync_copy(obuf, c1_out.at[pl.ds(r0, CH), :])

    rt = NFULL * CH

    @pl.when(jnp.logical_and(sid == NSUB - 1, cid == 0))
    def _():
        pltpu.sync_copy(cnt_sp.at[pl.ds(rt, TAIL), :], obuf.at[pl.ds(0, TAIL), :])
        pltpu.sync_copy(obuf.at[pl.ds(0, TAIL), :], c0_out.at[pl.ds(rt, TAIL), :])

    @pl.when(jnp.logical_and(sid == NSUB - 1, cid == 1))
    def _():
        pltpu.sync_copy(cnt_sp.at[pl.ds(rt, TAIL), :], obuf.at[pl.ds(0, TAIL), :])
        pltpu.sync_copy(obuf.at[pl.ds(0, TAIL), :], c1_out.at[pl.ds(rt, TAIL), :])


@functools.cache
def _edge_kernel():
    return functools.partial(
        pl.kernel,
        out_type=(
            jax.ShapeDtypeStruct((N, H), jnp.float32),
            jax.ShapeDtypeStruct((N, H), jnp.float32),
        ),
        mesh=plsc.VectorSubcoreMesh(core_axis_name="c", subcore_axis_name="s"),
        scratch_types=(
            [pltpu.VMEM((CH,), jnp.int32)] * 9
            + [pltpu.VMEM((CH, H), jnp.float32)] * 3
            + [pltpu.SemaphoreType.DMA] * 9
            + [pltpu.VMEM_SHARED((N, H), jnp.float32)]
        ),
    )(_edge_body)


@functools.cache
def _count_kernel():
    return functools.partial(
        pl.kernel,
        out_type=(
            jax.ShapeDtypeStruct((N, H), jnp.float32),
            jax.ShapeDtypeStruct((N, H), jnp.float32),
        ),
        mesh=plsc.VectorSubcoreMesh(core_axis_name="c", subcore_axis_name="s"),
        scratch_types=[
            pltpu.VMEM((CH,), jnp.int32),
            pltpu.VMEM((CH,), jnp.int32),
            pltpu.VMEM((CH, H), jnp.float32),
            pltpu.SemaphoreType.DMA,
            pltpu.SemaphoreType.DMA,
            pltpu.VMEM_SHARED((N, H), jnp.float32),
        ],
    )(_count_body)


def kernel(x, edge_index, W1, b1, W2, b2):
    src = edge_index[0]
    dst = edge_index[1]
    b1_2d = b1.reshape(1, HID)
    b2_2d = b2.reshape(1, OUT)

    c0, c1 = _count_kernel()(dst)

    t = pl.pallas_call(
        _mlp1_body,
        grid=(N // BLK,),
        in_specs=[
            pl.BlockSpec((BLK, D), lambda i: (i, 0)),
            pl.BlockSpec((2 * D, HID), lambda i: (0, 0)),
            pl.BlockSpec((1, HID), lambda i: (0, 0)),
        ],
        out_specs=pl.BlockSpec((4, BLK, H), lambda i: (0, i, 0)),
        out_shape=jax.ShapeDtypeStruct((4, N, H), jnp.float32),
    )(x, W1, b1_2d)

    s0, s1 = _edge_kernel()(t.reshape(4 * N, H), src, dst)

    out = pl.pallas_call(
        _mlp2_body,
        grid=(N // BLK,),
        in_specs=[
            pl.BlockSpec((4, BLK, H), lambda i: (0, i, 0)),
            pl.BlockSpec((BLK, H), lambda i: (i, 0)),
            pl.BlockSpec((BLK, H), lambda i: (i, 0)),
            pl.BlockSpec((BLK, H), lambda i: (i, 0)),
            pl.BlockSpec((BLK, H), lambda i: (i, 0)),
            pl.BlockSpec((HID, OUT), lambda i: (0, 0)),
            pl.BlockSpec((1, OUT), lambda i: (0, 0)),
        ],
        out_specs=pl.BlockSpec((BLK, OUT), lambda i: (i, 0)),
        out_shape=jax.ShapeDtypeStruct((N, OUT), jnp.float32),
    )(t, s0, s1, c0, c1, W2, b2_2d)
    return out

# --- scband reference (transcript-rebuilt; emitter-appended) ---
"""Pipeline reference for scband-costum-edge-conv-layer-7799660609770 (READ-ONLY COPY).

The authoritative reference and input builder live on the scoring server;
editing this copy changes nothing except your own understanding.
"""

import jax, jax.numpy as jnp
import numpy as np

N = 10000
D = 256
E = 160000
HID = 256
OUT = 256


def setup_inputs(seed: int = 0) -> dict:
    key = jax.random.key(seed)
    k1, k2, k3, k4, k5, k6 = jax.random.split(key, 6)
    x = jax.random.normal(k1, (N, D), dtype=jnp.float32)
    edge_index = jax.random.randint(k2, (2, E), 0, N, dtype=jnp.int32)
    # MLP params: Linear(2*D -> HID), ReLU, Linear(HID -> OUT)
    W1 = jax.random.normal(k3, (2 * D, HID), dtype=jnp.float32) * (1.0 / np.sqrt(2 * D))
    b1 = jax.random.normal(k4, (HID,), dtype=jnp.float32) * 0.01
    W2 = jax.random.normal(k5, (HID, OUT), dtype=jnp.float32) * (1.0 / np.sqrt(HID))
    b2 = jax.random.normal(k6, (OUT,), dtype=jnp.float32) * 0.01
    return {"x": x, "edge_index": edge_index, "W1": W1, "b1": b1, "W2": W2, "b2": b2}


def reference(x, edge_index, W1, b1, W2, b2):
    n = x.shape[0]
    src = edge_index[0]
    dst = edge_index[1]
    # add self loops
    loops = jnp.arange(n, dtype=edge_index.dtype)
    src = jnp.concatenate([src, loops], axis=0)
    dst = jnp.concatenate([dst, loops], axis=0)
    # edge features: concat of gathered endpoint features
    edge_features = jnp.concatenate([x[src], x[dst]], axis=-1)
    # edge MLP
    h = jnp.maximum(edge_features @ W1 + b1, 0.0)
    edge_out = h @ W2 + b2
    # mean aggregation over destination nodes (scatter-add + count)
    agg = jax.ops.segment_sum(edge_out, dst, num_segments=n)
    counts = jax.ops.segment_sum(jnp.ones((dst.shape[0],), dtype=edge_out.dtype), dst, num_segments=n)
    return agg / jnp.clip(counts, 1.0)[:, None]

if __name__ == "__main__":
    import jax
    _d = setup_inputs()
    print(jax.jit(kernel)(*tuple(_d.values())))

</pallas_src>

<mosaic_0001>
#map = affine_map<(d0, d1) -> (0)>
#map1 = affine_map<(d0, d1) -> (0, 0)>
module attributes {stable_mosaic.version = 14 : i64} {
  func.func @_count_body(%arg0: i32, %arg1: i32, %arg2: memref<160000xi32, #tpu.memory_space<hbm>>, %arg3: memref<10000x128xf32, #tpu.memory_space<hbm>>, %arg4: memref<10000x128xf32, #tpu.memory_space<hbm>>, %arg5: memref<128xi32, #tpu.memory_space<vmem>>, %arg6: memref<128xi32, #tpu.memory_space<vmem>>, %arg7: memref<128x128xf32, #tpu.memory_space<vmem>>, %arg8: memref<!tpu.dma_semaphore, #tpu.memory_space<semaphore_mem>>, %arg9: memref<!tpu.dma_semaphore, #tpu.memory_space<semaphore_mem>>, %arg10: memref<10000x128xf32, #tpu.memory_space<vmem_shared>>) attributes {dimension_semantics = [#tpu.dimension_semantics<core_parallel>, #tpu.dimension_semantics<subcore_parallel>], iteration_bounds = array<i64: 2, 16>, scalar_prefetch = 0 : i64, scratch_operands = 6 : i64, tpu.core_type = #tpu.core_type<sc_vector_subcore>, window_params = [{transform_indices = #map}, {transform_indices = #map1}, {transform_indices = #map1}]} {
    %broadcast_in_dim3A = arith.constant 0.000000e+00 : f32
    %broadcast_in_dim3A_0 = vector.broadcast %broadcast_in_dim3A : f32 to vector<16xf32>
    %broadcast_in_dim3A_1 = arith.constant 1.000000e+00 : f32
    %broadcast_in_dim3A_2 = vector.broadcast %broadcast_in_dim3A_1 : f32 to vector<16xf32>
    %scan3A = arith.constant 0 : i32
    %scan3A_3 = arith.constant 0 : i32
    %scan3A_4 = arith.constant 128 : i32
    %scan3A_5 = arith.addi %scan3A_3, %scan3A_4 : i32
    %scan3A_6 = arith.constant 1 : i32
    scf.for %scan3A_196 = %scan3A_3 to %scan3A_5 step %scan3A_6  : i32 {
      %swap3A = arith.index_cast %scan3A_196 : i32 to index
      %swap3A_197 = arith.constant 0 : index
      %swap3A_198 = tpu.vector_load %arg7[%swap3A, %swap3A_197] {strides = array<i32>} : memref<128x128xf32, #tpu.memory_space<vmem>>, vector<1x16xf32>,
      %swap3A_199 = vector.shape_cast %swap3A_198 : vector<1x16xf32> to vector<16xf32>
      %swap3A_200 = vector.shape_cast %broadcast_in_dim3A_0 : vector<16xf32> to vector<1x16xf32>
      tpu.vector_store %arg7[%swap3A, %swap3A_197], %swap3A_200 {strides = array<i32>} : memref<128x128xf32, #tpu.memory_space<vmem>>, vector<1x16xf32>,
      %swap3A_201 = arith.index_cast %scan3A_196 : i32 to index
      %swap3A_202 = arith.constant 16 : index
      %swap3A_203 = tpu.vector_load %arg7[%swap3A_201, %swap3A_202] {strides = array<i32>} : memref<128x128xf32, #tpu.memory_space<vmem>>, vector<1x16xf32>,
      %swap3A_204 = vector.shape_cast %swap3A_203 : vector<1x16xf32> to vector<16xf32>
      %swap3A_205 = vector.shape_cast %broadcast_in_dim3A_0 : vector<16xf32> to vector<1x16xf32>
      tpu.vector_store %arg7[%swap3A_201, %swap3A_202], %swap3A_205 {strides = array<i32>} : memref<128x128xf32, #tpu.memory_space<vmem>>, vector<1x16xf32>,
      %swap3A_206 = arith.index_cast %scan3A_196 : i32 to index
      %swap3A_207 = arith.constant 32 : index
      %swap3A_208 = tpu.vector_load %arg7[%swap3A_206, %swap3A_207] {strides = array<i32>} : memref<128x128xf32, #tpu.memory_space<vmem>>, vector<1x16xf32>,
      %swap3A_209 = vector.shape_cast %swap3A_208 : vector<1x16xf32> to vector<16xf32>
      %swap3A_210 = vector.shape_cast %broadcast_in_dim3A_0 : vector<16xf32> to vector<1x16xf32>
      tpu.vector_store %arg7[%swap3A_206, %swap3A_207], %swap3A_210 {strides = array<i32>} : memref<128x128xf32, #tpu.memory_space<vmem>>, vector<1x16xf32>,
      %swap3A_211 = arith.index_cast %scan3A_196 : i32 to index
      %swap3A_212 = arith.constant 48 : index
      %swap3A_213 = tpu.vector_load %arg7[%swap3A_211, %swap3A_212] {strides = array<i32>} : memref<128x128xf32, #tpu.memory_space<vmem>>, vector<1x16xf32>,
      %swap3A_214 = vector.shape_cast %swap3A_213 : vector<1x16xf32> to vector<16xf32>
      %swap3A_215 = vector.shape_cast %broadcast_in_dim3A_0 : vector<16xf32> to vector<1x16xf32>
      tpu.vector_store %arg7[%swap3A_211, %swap3A_212], %swap3A_215 {strides = array<i32>} : memref<128x128xf32, #tpu.memory_space<vmem>>, vector<1x16xf32>,
      %swap3A_216 = arith.index_cast %scan3A_196 : i32 to index
      %swap3A_217 = arith.constant 64 : index
      %swap3A_218 = tpu.vector_load %arg7[%swap3A_216, %swap3A_217] {strides = array<i32>} : memref<128x128xf32, #tpu.memory_space<vmem>>, vector<1x16xf32>,
      %swap3A_219 = vector.shape_cast %swap3A_218 : vector<1x16xf32> to vector<16xf32>
      %swap3A_220 = vector.shape_cast %broadcast_in_dim3A_0 : vector<16xf32> to vector<1x16xf32>
      tpu.vector_store %arg7[%swap3A_216, %swap3A_217], %swap3A_220 {strides = array<i32>} : memref<128x128xf32, #tpu.memory_space<vmem>>, vector<1x16xf32>,
      %swap3A_221 = arith.index_cast %scan3A_196 : i32 to index
      %swap3A_222 = arith.constant 80 : index
      %swap3A_223 = tpu.vector_load %arg7[%swap3A_221, %swap3A_222] {strides = array<i32>} : memref<128x128xf32, #tpu.memory_space<vmem>>, vector<1x16xf32>,
      %swap3A_224 = vector.shape_cast %swap3A_223 : vector<1x16xf32> to vector<16xf32>
      %swap3A_225 = vector.shape_cast %broadcast_in_dim3A_0 : vector<16xf32> to vector<1x16xf32>
      tpu.vector_store %arg7[%swap3A_221, %swap3A_222], %swap3A_225 {strides = array<i32>} : memref<128x128xf32, #tpu.memory_space<vmem>>, vector<1x16xf32>,
      %swap3A_226 = arith.index_cast %scan3A_196 : i32 to index
      %swap3A_227 = arith.constant 96 : index
      %swap3A_228 = tpu.vector_load %arg7[%swap3A_226, %swap3A_227] {strides = array<i32>} : memref<128x128xf32, #tpu.memory_space<vmem>>, vector<1x16xf32>,
      %swap3A_229 = vector.shape_cast %swap3A_228 : vector<1x16xf32> to vector<16xf32>
      %swap3A_230 = vector.shape_cast %broadcast_in_dim3A_0 : vector<16xf32> to vector<1x16xf32>
      tpu.vector_store %arg7[%swap3A_226, %swap3A_227], %swap3A_230 {strides = array<i32>} : memref<128x128xf32, #tpu.memory_space<vmem>>, vector<1x16xf32>,
      %swap3A_231 = arith.index_cast %scan3A_196 : i32 to index
      %swap3A_232 = arith.constant 112 : index
      %swap3A_233 = tpu.vector_load %arg7[%swap3A_231, %swap3A_232] {strides = array<i32>} : memref<128x128xf32, #tpu.memory_space<vmem>>, vector<1x16xf32>,
      %swap3A_234 = vector.shape_cast %swap3A_233 : vector<1x16xf32> to vector<16xf32>
      %swap3A_235 = vector.shape_cast %broadcast_in_dim3A_0 : vector<16xf32> to vector<1x16xf32>
      tpu.vector_store %arg7[%swap3A_231, %swap3A_232], %swap3A_235 {strides = array<i32>} : memref<128x128xf32, #tpu.memory_space<vmem>>, vector<1x16xf32>,
    }
    %scan3A_7 = arith.constant 128 : i32
    %add3A = arith.constant 0 : i32
    %add3A_8 = arith.addi %arg1, %add3A : i32
    %lt3A = arith.constant 78 : i32
    %lt3A_9 = arith.cmpi slt, %add3A_8, %lt3A : i32
    %convert_element_type3A = arith.extui %lt3A_9 : i1 to i32
    %cond3A = arith.constant 0 : i32
    %cond3A_10 = arith.cmpi ne, %convert_element_type3A, %cond3A : i32
    scf.if %cond3A_10 {
      %mul3A_196 = arith.constant 128 : i32
      %mul3A_197 = arith.muli %add3A_8, %mul3A_196 : i32
      "tpu.region"() ({
        %run_scoped3A = tpu.sem_alloc : memref<!tpu.dma_semaphore, #tpu.memory_space<semaphore_mem>>
        %dma_start3A = arith.constant 0 : i32
        %dma_start3A_198 = tpu.memref_slice %arg10[%mul3A_197, %dma_start3A] : memref<10000x128xf32, #tpu.memory_space<vmem_shared>> -> memref<128x128xf32, #tpu.memory_space<vmem_shared>>
        %dma_start3A_199 = arith.constant 0 : i32
        %dma_start3A_200 = tpu.memref_slice %arg10[%mul3A_197, %dma_start3A_199] : memref<10000x128xf32, #tpu.memory_space<vmem_shared>> -> memref<128x128xf32, #tpu.memory_space<vmem_shared>>
        tpu.enqueue_dma source(%arg7 : memref<128x128xf32, #tpu.memory_space<vmem>>) target(%dma_start3A_200 : memref<128x128xf32, #tpu.memory_space<vmem_shared>>) target_semaphore(%run_scoped3A : memref<!tpu.dma_semaphore, #tpu.memory_space<semaphore_mem>>)
        %dma_wait3A = arith.constant 0 : i32
        %dma_wait3A_201 = tpu.memref_slice %arg10[%mul3A_197, %dma_wait3A] : memref<10000x128xf32, #tpu.memory_space<vmem_shared>> -> memref<128x128xf32, #tpu.memory_space<vmem_shared>>
        %dma_wait3A_202 = arith.constant 0 : i32
        %dma_wait3A_203 = tpu.memref_slice %arg10[%mul3A_197, %dma_wait3A_202] : memref<10000x128xf32, #tpu.memory_space<vmem_shared>> -> memref<128x128xf32, #tpu.memory_space<vmem_shared>>
        tpu.wait_dma2 semaphore(%run_scoped3A : memref<!tpu.dma_semaphore, #tpu.memory_space<semaphore_mem>>) src(%arg7 : memref<128x128xf32, #tpu.memory_space<vmem>>) dst(%dma_wait3A_203 : memref<128x128xf32, #tpu.memory_space<vmem_shared>>)
        tpu.yield
      }) : () -> ()
    } else {
    }
    %add3A_11 = arith.constant 16 : i32
    %add3A_12 = arith.addi %arg1, %add3A_11 : i32
    %lt3A_13 = arith.constant 78 : i32
    %lt3A_14 = arith.cmpi slt, %add3A_12, %lt3A_13 : i32
    %convert_element_type3A_15 = arith.extui %lt3A_14 : i1 to i32
    %cond3A_16 = arith.constant 0 : i32
    %cond3A_17 = arith.cmpi ne, %convert_element_type3A_15, %cond3A_16 : i32
    scf.if %cond3A_17 {
      %mul3A_196 = arith.constant 128 : i32
      %mul3A_197 = arith.muli %add3A_12, %mul3A_196 : i32
      "tpu.region"() ({
        %run_scoped3A = tpu.sem_alloc : memref<!tpu.dma_semaphore, #tpu.memory_space<semaphore_mem>>
        %dma_start3A = arith.constant 0 : i32
        %dma_start3A_198 = tpu.memref_slice %arg10[%mul3A_197, %dma_start3A] : memref<10000x128xf32, #tpu.memory_space<vmem_shared>> -> memref<128x128xf32, #tpu.memory_space<vmem_shared>>
        %dma_start3A_199 = arith.constant 0 : i32
        %dma_start3A_200 = tpu.memref_slice %arg10[%mul3A_197, %dma_start3A_199] : memref<10000x128xf32, #tpu.memory_space<vmem_shared>> -> memref<128x128xf32, #tpu.memory_space<vmem_shared>>
        tpu.enqueue_dma source(%arg7 : memref<128x128xf32, #tpu.memory_space<vmem>>) target(%dma_start3A_200 : memref<128x128xf32, #tpu.memory_space<vmem_shared>>) target_semaphore(%run_scoped3A : memref<!tpu.dma_semaphore, #tpu.memory_space<semaphore_mem>>)
        %dma_wait3A = arith.constant 0 : i32
        %dma_wait3A_201 = tpu.memref_slice %arg10[%mul3A_197, %dma_wait3A] : memref<10000x128xf32, #tpu.memory_space<vmem_shared>> -> memref<128x128xf32, #tpu.memory_space<vmem_shared>>
        %dma_wait3A_202 = arith.constant 0 : i32
        %dma_wait3A_203 = tpu.memref_slice %arg10[%mul3A_197, %dma_wait3A_202] : memref<10000x128xf32, #tpu.memory_space<vmem_shared>> -> memref<128x128xf32, #tpu.memory_space<vmem_shared>>
        tpu.wait_dma2 semaphore(%run_scoped3A : memref<!tpu.dma_semaphore, #tpu.memory_space<semaphore_mem>>) src(%arg7 : memref<128x128xf32, #tpu.memory_space<vmem>>) dst(%dma_wait3A_203 : memref<128x128xf32, #tpu.memory_space<vmem_shared>>)
        tpu.yield
      }) : () -> ()
    } else {
    }
    %add3A_18 = arith.constant 32 : i32
    %add3A_19 = arith.addi %arg1, %add3A_18 : i32
    %lt3A_20 = arith.constant 78 : i32
    %lt3A_21 = arith.cmpi slt, %add3A_19, %lt3A_20 : i32
    %convert_element_type3A_22 = arith.extui %lt3A_21 : i1 to i32
    %cond3A_23 = arith.constant 0 : i32
    %cond3A_24 = arith.cmpi ne, %convert_element_type3A_22, %cond3A_23 : i32
    scf.if %cond3A_24 {
      %mul3A_196 = arith.constant 128 : i32
      %mul3A_197 = arith.muli %add3A_19, %mul3A_196 : i32
      "tpu.region"() ({
        %run_scoped3A = tpu.sem_alloc : memref<!tpu.dma_semaphore, #tpu.memory_space<semaphore_mem>>
        %dma_start3A = arith.constant 0 : i32
        %dma_start3A_198 = tpu.memref_slice %arg10[%mul3A_197, %dma_start3A] : memref<10000x128xf32, #tpu.memory_space<vmem_shared>> -> memref<128x128xf32, #tpu.memory_space<vmem_shared>>
        %dma_start3A_199 = arith.constant 0 : i32
        %dma_start3A_200 = tpu.memref_slice %arg10[%mul3A_197, %dma_start3A_199] : memref<10000x128xf32, #tpu.memory_space<vmem_shared>> -> memref<128x128xf32, #tpu.memory_space<vmem_shared>>
        tpu.enqueue_dma source(%arg7 : memref<128x128xf32, #tpu.memory_space<vmem>>) target(%dma_start3A_200 : memref<128x128xf32, #tpu.memory_space<vmem_shared>>) target_semaphore(%run_scoped3A : memref<!tpu.dma_semaphore, #tpu.memory_space<semaphore_mem>>)
        %dma_wait3A = arith.constant 0 : i32
        %dma_wait3A_201 = tpu.memref_slice %arg10[%mul3A_197, %dma_wait3A] : memref<10000x128xf32, #tpu.memory_space<vmem_shared>> -> memref<128x128xf32, #tpu.memory_space<vmem_shared>>
        %dma_wait3A_202 = arith.constant 0 : i32
        %dma_wait3A_203 = tpu.memref_slice %arg10[%mul3A_197, %dma_wait3A_202] : memref<10000x128xf32, #tpu.memory_space<vmem_shared>> -> memref<128x128xf32, #tpu.memory_space<vmem_shared>>
        tpu.wait_dma2 semaphore(%run_scoped3A : memref<!tpu.dma_semaphore, #tpu.memory_space<semaphore_mem>>) src(%arg7 : memref<128x128xf32, #tpu.memory_space<vmem>>) dst(%dma_wait3A_203 : memref<128x128xf32, #tpu.memory_space<vmem_shared>>)
        tpu.yield
      }) : () -> ()
    } else {
    }
    %add3A_25 = arith.constant 48 : i32
    %add3A_26 = arith.addi %arg1, %add3A_25 : i32
    %lt3A_27 = arith.constant 78 : i32
    %lt3A_28 = arith.cmpi slt, %add3A_26, %lt3A_27 : i32
    %convert_element_type3A_29 = arith.extui %lt3A_28 : i1 to i32
    %cond3A_30 = arith.constant 0 : i32
    %cond3A_31 = arith.cmpi ne, %convert_element_type3A_29, %cond3A_30 : i32
    scf.if %cond3A_31 {
      %mul3A_196 = arith.constant 128 : i32
      %mul3A_197 = arith.muli %add3A_26, %mul3A_196 : i32
      "tpu.region"() ({
        %run_scoped3A = tpu.sem_alloc : memref<!tpu.dma_semaphore, #tpu.memory_space<semaphore_mem>>
        %dma_start3A = arith.constant 0 : i32
        %dma_start3A_198 = tpu.memref_slice %arg10[%mul3A_197, %dma_start3A] : memref<10000x128xf32, #tpu.memory_space<vmem_shared>> -> memref<128x128xf32, #tpu.memory_space<vmem_shared>>
        %dma_start3A_199 = arith.constant 0 : i32
        %dma_start3A_200 = tpu.memref_slice %arg10[%mul3A_197, %dma_start3A_199] : memref<10000x128xf32, #tpu.memory_space<vmem_shared>> -> memref<128x128xf32, #tpu.memory_space<vmem_shared>>
        tpu.enqueue_dma source(%arg7 : memref<128x128xf32, #tpu.memory_space<vmem>>) target(%dma_start3A_200 : memref<128x128xf32, #tpu.memory_space<vmem_shared>>) target_semaphore(%run_scoped3A : memref<!tpu.dma_semaphore, #tpu.memory_space<semaphore_mem>>)
        %dma_wait3A = arith.constant 0 : i32
        %dma_wait3A_201 = tpu.memref_slice %arg10[%mul3A_197, %dma_wait3A] : memref<10000x128xf32, #tpu.memory_space<vmem_shared>> -> memref<128x128xf32, #tpu.memory_space<vmem_shared>>
        %dma_wait3A_202 = arith.constant 0 : i32
        %dma_wait3A_203 = tpu.memref_slice %arg10[%mul3A_197, %dma_wait3A_202] : memref<10000x128xf32, #tpu.memory_space<vmem_shared>> -> memref<128x128xf32, #tpu.memory_space<vmem_shared>>
        tpu.wait_dma2 semaphore(%run_scoped3A : memref<!tpu.dma_semaphore, #tpu.memory_space<semaphore_mem>>) src(%arg7 : memref<128x128xf32, #tpu.memory_space<vmem>>) dst(%dma_wait3A_203 : memref<128x128xf32, #tpu.memory_space<vmem_shared>>)
        tpu.yield
      }) : () -> ()
    } else {
    }
    %add3A_32 = arith.constant 64 : i32
    %add3A_33 = arith.addi %arg1, %add3A_32 : i32
    %lt3A_34 = arith.constant 78 : i32
    %lt3A_35 = arith.cmpi slt, %add3A_33, %lt3A_34 : i32
    %convert_element_type3A_36 = arith.extui %lt3A_35 : i1 to i32
    %cond3A_37 = arith.constant 0 : i32
    %cond3A_38 = arith.cmpi ne, %convert_element_type3A_36, %cond3A_37 : i32
    scf.if %cond3A_38 {
      %mul3A_196 = arith.constant 128 : i32
      %mul3A_197 = arith.muli %add3A_33, %mul3A_196 : i32
      "tpu.region"() ({
        %run_scoped3A = tpu.sem_alloc : memref<!tpu.dma_semaphore, #tpu.memory_space<semaphore_mem>>
        %dma_start3A = arith.constant 0 : i32
        %dma_start3A_198 = tpu.memref_slice %arg10[%mul3A_197, %dma_start3A] : memref<10000x128xf32, #tpu.memory_space<vmem_shared>> -> memref<128x128xf32, #tpu.memory_space<vmem_shared>>
        %dma_start3A_199 = arith.constant 0 : i32
        %dma_start3A_200 = tpu.memref_slice %arg10[%mul3A_197, %dma_start3A_199] : memref<10000x128xf32, #tpu.memory_space<vmem_shared>> -> memref<128x128xf32, #tpu.memory_space<vmem_shared>>
        tpu.enqueue_dma source(%arg7 : memref<128x128xf32, #tpu.memory_space<vmem>>) target(%dma_start3A_200 : memref<128x128xf32, #tpu.memory_space<vmem_shared>>) target_semaphore(%run_scoped3A : memref<!tpu.dma_semaphore, #tpu.memory_space<semaphore_mem>>)
        %dma_wait3A = arith.constant 0 : i32
        %dma_wait3A_201 = tpu.memref_slice %arg10[%mul3A_197, %dma_wait3A] : memref<10000x128xf32, #tpu.memory_space<vmem_shared>> -> memref<128x128xf32, #tpu.memory_space<vmem_shared>>
        %dma_wait3A_202 = arith.constant 0 : i32
        %dma_wait3A_203 = tpu.memref_slice %arg10[%mul3A_197, %dma_wait3A_202] : memref<10000x128xf32, #tpu.memory_space<vmem_shared>> -> memref<128x128xf32, #tpu.memory_space<vmem_shared>>
        tpu.wait_dma2 semaphore(%run_scoped3A : memref<!tpu.dma_semaphore, #tpu.memory_space<semaphore_mem>>) src(%arg7 : memref<128x128xf32, #tpu.memory_space<vmem>>) dst(%dma_wait3A_203 : memref<128x128xf32, #tpu.memory_space<vmem_shared>>)
        tpu.yield
      }) : () -> ()
    } else {
    }
    %eq3A = arith.constant 15 : i32
    %eq3A_39 = arith.cmpi eq, %arg1, %eq3A : i32
    %convert_element_type3A_40 = arith.extui %eq3A_39 : i1 to i32
    %cond3A_41 = arith.constant 0 : i32
    %cond3A_42 = arith.cmpi ne, %convert_element_type3A_40, %cond3A_41 : i32
    scf.if %cond3A_42 {
      "tpu.region"() ({
        %run_scoped3A = tpu.sem_alloc : memref<!tpu.dma_semaphore, #tpu.memory_space<semaphore_mem>>
        %dma_start3A = arith.constant 0 : i32
        %dma_start3A_196 = arith.constant 0 : i32
        %dma_start3A_197 = tpu.memref_slice %arg7[%dma_start3A, %dma_start3A_196] : memref<128x128xf32, #tpu.memory_space<vmem>> -> memref<16x128xf32, #tpu.memory_space<vmem>>
        %dma_start3A_198 = arith.constant 9984 : i32
        %dma_start3A_199 = arith.constant 0 : i32
        %dma_start3A_200 = tpu.memref_slice %arg10[%dma_start3A_198, %dma_start3A_199] : memref<10000x128xf32, #tpu.memory_space<vmem_shared>> -> memref<16x128xf32, #tpu.memory_space<vmem_shared>>
        %dma_start3A_201 = arith.constant 9984 : i32
        %dma_start3A_202 = arith.constant 0 : i32
        %dma_start3A_203 = tpu.memref_slice %arg10[%dma_start3A_201, %dma_start3A_202] : memref<10000x128xf32, #tpu.memory_space<vmem_shared>> -> memref<16x128xf32, #tpu.memory_space<vmem_shared>>
        %dma_start3A_204 = arith.constant 0 : i32
        %dma_start3A_205 = arith.constant 0 : i32
        %dma_start3A_206 = tpu.memref_slice %arg7[%dma_start3A_204, %dma_start3A_205] : memref<128x128xf32, #tpu.memory_space<vmem>> -> memref<16x128xf32, #tpu.memory_space<vmem>>
        tpu.enqueue_dma source(%dma_start3A_206 : memref<16x128xf32, #tpu.memory_space<vmem>>) target(%dma_start3A_203 : memref<16x128xf32, #tpu.memory_space<vmem_shared>>) target_semaphore(%run_scoped3A : memref<!tpu.dma_semaphore, #tpu.memory_space<semaphore_mem>>)
        %dma_wait3A = arith.constant 0 : i32
        %dma_wait3A_207 = arith.constant 0 : i32
        %dma_wait3A_208 = tpu.memref_slice %arg7[%dma_wait3A, %dma_wait3A_207] : memref<128x128xf32, #tpu.memory_space<vmem>> -> memref<16x128xf32, #tpu.memory_space<vmem>>
        %dma_wait3A_209 = arith.constant 9984 : i32
        %dma_wait3A_210 = arith.constant 0 : i32
        %dma_wait3A_211 = tpu.memref_slice %arg10[%dma_wait3A_209, %dma_wait3A_210] : memref<10000x128xf32, #tpu.memory_space<vmem_shared>> -> memref<16x128xf32, #tpu.memory_space<vmem_shared>>
        %dma_wait3A_212 = arith.constant 9984 : i32
        %dma_wait3A_213 = arith.constant 0 : i32
        %dma_wait3A_214 = tpu.memref_slice %arg10[%dma_wait3A_212, %dma_wait3A_213] : memref<10000x128xf32, #tpu.memory_space<vmem_shared>> -> memref<16x128xf32, #tpu.memory_space<vmem_shared>>
        %dma_wait3A_215 = arith.constant 0 : i32
        %dma_wait3A_216 = arith.constant 0 : i32
        %dma_wait3A_217 = tpu.memref_slice %arg7[%dma_wait3A_215, %dma_wait3A_216] : memref<128x128xf32, #tpu.memory_space<vmem>> -> memref<16x128xf32, #tpu.memory_space<vmem>>
        tpu.wait_dma2 semaphore(%run_scoped3A : memref<!tpu.dma_semaphore, #tpu.memory_space<semaphore_mem>>) src(%dma_wait3A_217 : memref<16x128xf32, #tpu.memory_space<vmem>>) dst(%dma_wait3A_214 : memref<16x128xf32, #tpu.memory_space<vmem_shared>>)
        tpu.yield
      }) : () -> ()
    } else {
    }
    %scan3A_43 = arith.constant 0 : i32
    %scan3A_44 = arith.constant 0 : i32
    %scan3A_45 = arith.constant 128 : i32
    %scan3A_46 = arith.addi %scan3A_44, %scan3A_45 : i32
    %scan3A_47 = arith.constant 1 : i32
    scf.for %scan3A_196 = %scan3A_44 to %scan3A_46 step %scan3A_47  : i32 {
      %swap3A = arith.index_cast %scan3A_196 : i32 to index
      %swap3A_197 = arith.constant 0 : index
      %swap3A_198 = tpu.vector_load %arg7[%swap3A, %swap3A_197] {strides = array<i32>} : memref<128x128xf32, #tpu.memory_space<vmem>>, vector<1x16xf32>,
      %swap3A_199 = vector.shape_cast %swap3A_198 : vector<1x16xf32> to vector<16xf32>
      %swap3A_200 = vector.shape_cast %broadcast_in_dim3A_2 : vector<16xf32> to vector<1x16xf32>
      tpu.vector_store %arg7[%swap3A, %swap3A_197], %swap3A_200 {strides = array<i32>} : memref<128x128xf32, #tpu.memory_space<vmem>>, vector<1x16xf32>,
      %swap3A_201 = arith.index_cast %scan3A_196 : i32 to index
      %swap3A_202 = arith.constant 16 : index
      %swap3A_203 = tpu.vector_load %arg7[%swap3A_201, %swap3A_202] {strides = array<i32>} : memref<128x128xf32, #tpu.memory_space<vmem>>, vector<1x16xf32>,
      %swap3A_204 = vector.shape_cast %swap3A_203 : vector<1x16xf32> to vector<16xf32>
      %swap3A_205 = vector.shape_cast %broadcast_in_dim3A_2 : vector<16xf32> to vector<1x16xf32>
      tpu.vector_store %arg7[%swap3A_201, %swap3A_202], %swap3A_205 {strides = array<i32>} : memref<128x128xf32, #tpu.memory_space<vmem>>, vector<1x16xf32>,
      %swap3A_206 = arith.index_cast %scan3A_196 : i32 to index
      %swap3A_207 = arith.constant 32 : index
      %swap3A_208 = tpu.vector_load %arg7[%swap3A_206, %swap3A_207] {strides = array<i32>} : memref<128x128xf32, #tpu.memory_space<vmem>>, vector<1x16xf32>,
      %swap3A_209 = vector.shape_cast %swap3A_208 : vector<1x16xf32> to vector<16xf32>
      %swap3A_210 = vector.shape_cast %broadcast_in_dim3A_2 : vector<16xf32> to vector<1x16xf32>
      tpu.vector_store %arg7[%swap3A_206, %swap3A_207], %swap3A_210 {strides = array<i32>} : memref<128x128xf32, #tpu.memory_space<vmem>>, vector<1x16xf32>,
      %swap3A_211 = arith.index_cast %scan3A_196 : i32 to index
      %swap3A_212 = arith.constant 48 : index
      %swap3A_213 = tpu.vector_load %arg7[%swap3A_211, %swap3A_212] {strides = array<i32>} : memref<128x128xf32, #tpu.memory_space<vmem>>, vector<1x16xf32>,
      %swap3A_214 = vector.shape_cast %swap3A_213 : vector<1x16xf32> to vector<16xf32>
      %swap3A_215 = vector.shape_cast %broadcast_in_dim3A_2 : vector<16xf32> to vector<1x16xf32>
      tpu.vector_store %arg7[%swap3A_211, %swap3A_212], %swap3A_215 {strides = array<i32>} : memref<128x128xf32, #tpu.memory_space<vmem>>, vector<1x16xf32>,
      %swap3A_216 = arith.index_cast %scan3A_196 : i32 to index
      %swap3A_217 = arith.constant 64 : index
      %swap3A_218 = tpu.vector_load %arg7[%swap3A_216, %swap3A_217] {strides = array<i32>} : memref<128x128xf32, #tpu.memory_space<vmem>>, vector<1x16xf32>,
      %swap3A_219 = vector.shape_cast %swap3A_218 : vector<1x16xf32> to vector<16xf32>
      %swap3A_220 = vector.shape_cast %broadcast_in_dim3A_2 : vector<16xf32> to vector<1x16xf32>
      tpu.vector_store %arg7[%swap3A_216, %swap3A_217], %swap3A_220 {strides = array<i32>} : memref<128x128xf32, #tpu.memory_space<vmem>>, vector<1x16xf32>,
      %swap3A_221 = arith.index_cast %scan3A_196 : i32 to index
      %swap3A_222 = arith.constant 80 : index
      %swap3A_223 = tpu.vector_load %arg7[%swap3A_221, %swap3A_222] {strides = array<i32>} : memref<128x128xf32, #tpu.memory_space<vmem>>, vector<1x16xf32>,
      %swap3A_224 = vector.shape_cast %swap3A_223 : vector<1x16xf32> to vector<16xf32>
      %swap3A_225 = vector.shape_cast %broadcast_in_dim3A_2 : vector<16xf32> to vector<1x16xf32>
      tpu.vector_store %arg7[%swap3A_221, %swap3A_222], %swap3A_225 {strides = array<i32>} : memref<128x128xf32, #tpu.memory_space<vmem>>, vector<1x16xf32>,
      %swap3A_226 = arith.index_cast %scan3A_196 : i32 to index
      %swap3A_227 = arith.constant 96 : index
      %swap3A_228 = tpu.vector_load %arg7[%swap3A_226, %swap3A_227] {strides = array<i32>} : memref<128x128xf32, #tpu.memory_space<vmem>>, vector<1x16xf32>,
      %swap3A_229 = vector.shape_cast %swap3A_228 : vector<1x16xf32> to vector<16xf32>
      %swap3A_230 = vector.shape_cast %broadcast_in_dim3A_2 : vector<16xf32> to vector<1x16xf32>
      tpu.vector_store %arg7[%swap3A_226, %swap3A_227], %swap3A_230 {strides = array<i32>} : memref<128x128xf32, #tpu.memory_space<vmem>>, vector<1x16xf32>,
      %swap3A_231 = arith.index_cast %scan3A_196 : i32 to index
      %swap3A_232 = arith.constant 112 : index
      %swap3A_233 = tpu.vector_load %arg7[%swap3A_231, %swap3A_232] {strides = array<i32>} : memref<128x128xf32, #tpu.memory_space<vmem>>, vector<1x16xf32>,
      %swap3A_234 = vector.shape_cast %swap3A_233 : vector<1x16xf32> to vector<16xf32>
      %swap3A_235 = vector.shape_cast %broadcast_in_dim3A_2 : vector<16xf32> to vector<1x16xf32>
      tpu.vector_store %arg7[%swap3A_231, %swap3A_232], %swap3A_235 {strides = array<i32>} : memref<128x128xf32, #tpu.memory_space<vmem>>, vector<1x16xf32>,
    }
    %scan3A_48 = arith.constant 128 : i32
    %barrier3A = arith.constant 0 : index
    tpu.barrier barrier_id(%barrier3A)
    %mul3A = arith.constant 2 : i32
    %mul3A_49 = arith.muli %arg1, %mul3A : i32
    %add3A_50 = arith.addi %mul3A_49, %arg0 : i32
    %sub3A = arith.constant 1250 : i32
    %sub3A_51 = arith.subi %sub3A, %add3A_50 : i32
    %add3A_52 = arith.constant 32 : i32
    %add3A_53 = arith.addi %sub3A_51, %add3A_52 : i32
    %sub3A_54 = arith.constant 1 : i32
    %sub3A_55 = arith.subi %add3A_53, %sub3A_54 : i32
    %jit3A = arith.constant 32 : i32
    %div3A = arith.divsi %sub3A_55, %jit3A : i32
    %sign3A = arith.constant 0 : i32
    %sign3A_56 = arith.cmpi sgt, %sub3A_55, %sign3A : i32
    %sign3A_57 = arith.extui %sign3A_56 : i1 to i32
    %sign3A_58 = arith.constant 0 : i32
    %sign3A_59 = arith.cmpi slt, %sub3A_55, %sign3A_58 : i32
    %sign3A_60 = arith.extui %sign3A_59 : i1 to i32
    %sign3A_61 = arith.subi %sign3A_57, %sign3A_60 : i32
    %sign3A_62 = arith.constant 0 : i32
    %sign3A_63 = arith.cmpi sgt, %jit3A, %sign3A_62 : i32
    %sign3A_64 = arith.extui %sign3A_63 : i1 to i32
    %sign3A_65 = arith.constant 0 : i32
    %sign3A_66 = arith.cmpi slt, %jit3A, %sign3A_65 : i32
    %sign3A_67 = arith.extui %sign3A_66 : i1 to i32
    %sign3A_68 = arith.subi %sign3A_64, %sign3A_67 : i32
    %ne3A = arith.cmpi ne, %sign3A_61, %sign3A_68 : i32
    %rem3A = arith.remsi %sub3A_55, %jit3A : i32
    %ne3A_69 = arith.constant 0 : i32
    %ne3A_70 = arith.cmpi ne, %rem3A, %ne3A_69 : i32
    %and3A = arith.andi %ne3A, %ne3A_70 : i1
    %sub3A_71 = arith.constant 1 : i32
    %sub3A_72 = arith.subi %div3A, %sub3A_71 : i32
    %select_n3A = arith.select %and3A, %sub3A_72, %div3A : i32
    %scan3A_73 = arith.constant 0 : i32
    %scan3A_74 = arith.constant 0 : i32
    %scan3A_75 = arith.constant 21 : i32
    %scan3A_76 = arith.addi %scan3A_74, %scan3A_75 : i32
    %scan3A_77 = arith.constant 1 : i32
    scf.for %scan3A_196 = %scan3A_74 to %scan3A_76 step %scan3A_77  : i32 {
      %mul3A_197 = arith.constant 2 : i32
      %mul3A_198 = arith.muli %scan3A_196, %mul3A_197 : i32
      %add3A_199 = arith.constant 0 : i32
      %add3A_200 = arith.addi %mul3A_198, %add3A_199 : i32
      %sub3A_201 = arith.constant 2 : i32
      %sub3A_202 = arith.subi %add3A_200, %sub3A_201 : i32
      %ge3A = arith.constant 0 : i32
      %ge3A_203 = arith.cmpi sge, %sub3A_202, %ge3A : i32
      %lt3A_204 = arith.cmpi slt, %sub3A_202, %select_n3A : i32
      %and3A_205 = arith.andi %ge3A_203, %lt3A_204 : i1
      %convert_element_type3A_206 = arith.extui %and3A_205 : i1 to i32
      %cond3A_207 = arith.constant 0 : i32
      %cond3A_208 = arith.cmpi ne, %convert_element_type3A_206, %cond3A_207 : i32
      scf.if %cond3A_208 {
        %dma_wait3A = arith.constant 0 : i32
        %dma_wait3A_236 = arith.constant 0 : i32
        %dma_wait3A_237 = tpu.memref_slice %arg10[%dma_wait3A, %dma_wait3A_236] : memref<10000x128xf32, #tpu.memory_space<vmem_shared>> -> memref<10000x128xf32, #tpu.memory_space<vmem_shared>>
        tpu.wait_indirect_dma semaphore(%arg8 : memref<!tpu.dma_semaphore, #tpu.memory_space<semaphore_mem>>) src(%arg7 : memref<128x128xf32, #tpu.memory_space<vmem>>) dst(%dma_wait3A_237 : memref<10000x128xf32, #tpu.memory_space<vmem_shared>>)
      } else {
      }
      %ge3A_209 = arith.constant 0 : i32
      %ge3A_210 = arith.cmpi sge, %add3A_200, %ge3A_209 : i32
      %lt3A_211 = arith.cmpi slt, %add3A_200, %select_n3A : i32
      %and3A_212 = arith.andi %ge3A_210, %lt3A_211 : i1
      %convert_element_type3A_213 = arith.extui %and3A_212 : i1 to i32
      %cond3A_214 = arith.constant 0 : i32
      %cond3A_215 = arith.cmpi ne, %convert_element_type3A_213, %cond3A_214 : i32
      scf.if %cond3A_215 {
        %mul3A_236 = arith.constant 2 : i32
        %mul3A_237 = arith.muli %add3A_200, %mul3A_236 : i32
        %mul3A_238 = arith.constant 16 : i32
        %mul3A_239 = arith.muli %mul3A_237, %mul3A_238 : i32
        %add3A_240 = arith.addi %add3A_50, %mul3A_239 : i32
        %mul3A_241 = arith.constant 128 : i32
        %mul3A_242 = arith.muli %add3A_240, %mul3A_241 : i32
        "tpu.region"() ({
          %run_scoped3A = tpu.sem_alloc : memref<!tpu.dma_semaphore, #tpu.memory_space<semaphore_mem>>
          %dma_start3A_245 = tpu.memref_slice %arg2[%mul3A_242] : memref<160000xi32, #tpu.memory_space<hbm>> -> memref<128xi32, #tpu.memory_space<hbm>>
          %dma_start3A_246 = tpu.memref_slice %arg2[%mul3A_242] : memref<160000xi32, #tpu.memory_space<hbm>> -> memref<128xi32, #tpu.memory_space<hbm>>
          tpu.enqueue_dma source(%dma_start3A_246 : memref<128xi32, #tpu.memory_space<hbm>>) target(%arg5 : memref<128xi32, #tpu.memory_space<vmem>>) target_semaphore(%run_scoped3A : memref<!tpu.dma_semaphore, #tpu.memory_space<semaphore_mem>>)
          %dma_wait3A = tpu.memref_slice %arg2[%mul3A_242] : memref<160000xi32, #tpu.memory_space<hbm>> -> memref<128xi32, #tpu.memory_space<hbm>>
          %dma_wait3A_247 = tpu.memref_slice %arg2[%mul3A_242] : memref<160000xi32, #tpu.memory_space<hbm>> -> memref<128xi32, #tpu.memory_space<hbm>>
          tpu.wait_dma2 semaphore(%run_scoped3A : memref<!tpu.dma_semaphore, #tpu.memory_space<semaphore_mem>>) src(%dma_wait3A_247 : memref<128xi32, #tpu.memory_space<hbm>>) dst(%arg5 : memref<128xi32, #tpu.memory_space<vmem>>)
          tpu.yield
        }) : () -> ()
        %dma_start3A = arith.constant 0 : i32
        %dma_start3A_243 = arith.constant 0 : i32
        %dma_start3A_244 = tpu.memref_slice %arg10[%dma_start3A, %dma_start3A_243] : memref<10000x128xf32, #tpu.memory_space<vmem_shared>> -> memref<10000x128xf32, #tpu.memory_space<vmem_shared>>
        tpu.enqueue_indirect_dma source(%arg7 : memref<128x128xf32, #tpu.memory_space<vmem>>) target(%dma_start3A_244 : memref<10000x128xf32, #tpu.memory_space<vmem_shared>>) offsets(%arg5 : memref<128xi32, #tpu.memory_space<vmem>>) semaphore(%arg8 : memref<!tpu.dma_semaphore, #tpu.memory_space<semaphore_mem>>) {add = true}
      } else {
      }
      %mul3A_216 = arith.constant 2 : i32
      %mul3A_217 = arith.muli %scan3A_196, %mul3A_216 : i32
      %add3A_218 = arith.constant 1 : i32
      %add3A_219 = arith.addi %mul3A_217, %add3A_218 : i32
      %sub3A_220 = arith.constant 2 : i32
      %sub3A_221 = arith.subi %add3A_219, %sub3A_220 : i32
      %ge3A_222 = arith.constant 0 : i32
      %ge3A_223 = arith.cmpi sge, %sub3A_221, %ge3A_222 : i32
      %lt3A_224 = arith.cmpi slt, %sub3A_221, %select_n3A : i32
      %and3A_225 = arith.andi %ge3A_223, %lt3A_224 : i1
      %convert_element_type3A_226 = arith.extui %and3A_225 : i1 to i32
      %cond3A_227 = arith.constant 0 : i32
      %cond3A_228 = arith.cmpi ne, %convert_element_type3A_226, %cond3A_227 : i32
      scf.if %cond3A_228 {
        %dma_wait3A = arith.constant 0 : i32
        %dma_wait3A_236 = arith.constant 0 : i32
        %dma_wait3A_237 = tpu.memref_slice %arg10[%dma_wait3A, %dma_wait3A_236] : memref<10000x128xf32, #tpu.memory_space<vmem_shared>> -> memref<10000x128xf32, #tpu.memory_space<vmem_shared>>
        tpu.wait_indirect_dma semaphore(%arg9 : memref<!tpu.dma_semaphore, #tpu.memory_space<semaphore_mem>>) src(%arg7 : memref<128x128xf32, #tpu.memory_space<vmem>>) dst(%dma_wait3A_237 : memref<10000x128xf32, #tpu.memory_space<vmem_shared>>)
      } else {
      }
      %ge3A_229 = arith.constant 0 : i32
      %ge3A_230 = arith.cmpi sge, %add3A_219, %ge3A_229 : i32
      %lt3A_231 = arith.cmpi slt, %add3A_219, %select_n3A : i32
      %and3A_232 = arith.andi %ge3A_230, %lt3A_231 : i1
      %convert_element_type3A_233 = arith.extui %and3A_232 : i1 to i32
      %cond3A_234 = arith.constant 0 : i32
      %cond3A_235 = arith.cmpi ne, %convert_element_type3A_233, %cond3A_234 : i32
      scf.if %cond3A_235 {
        %mul3A_236 = arith.constant 2 : i32
        %mul3A_237 = arith.muli %add3A_219, %mul3A_236 : i32
        %mul3A_238 = arith.constant 16 : i32
        %mul3A_239 = arith.muli %mul3A_237, %mul3A_238 : i32
        %add3A_240 = arith.addi %add3A_50, %mul3A_239 : i32
        %mul3A_241 = arith.constant 128 : i32
        %mul3A_242 = arith.muli %add3A_240, %mul3A_241 : i32
        "tpu.region"() ({
          %run_scoped3A = tpu.sem_alloc : memref<!tpu.dma_semaphore, #tpu.memory_space<semaphore_mem>>
          %dma_start3A_245 = tpu.memref_slice %arg2[%mul3A_242] : memref<160000xi32, #tpu.memory_space<hbm>> -> memref<128xi32, #tpu.memory_space<hbm>>
          %dma_start3A_246 = tpu.memref_slice %arg2[%mul3A_242] : memref<160000xi32, #tpu.memory_space<hbm>> -> memref<128xi32, #tpu.memory_space<hbm>>
          tpu.enqueue_dma source(%dma_start3A_246 : memref<128xi32, #tpu.memory_space<hbm>>) target(%arg6 : memref<128xi32, #tpu.memory_space<vmem>>) target_semaphore(%run_scoped3A : memref<!tpu.dma_semaphore, #tpu.memory_space<semaphore_mem>>)
          %dma_wait3A = tpu.memref_slice %arg2[%mul3A_242] : memref<160000xi32, #tpu.memory_space<hbm>> -> memref<128xi32, #tpu.memory_space<hbm>>
          %dma_wait3A_247 = tpu.memref_slice %arg2[%mul3A_242] : memref<160000xi32, #tpu.memory_space<hbm>> -> memref<128xi32, #tpu.memory_space<hbm>>
          tpu.wait_dma2 semaphore(%run_scoped3A : memref<!tpu.dma_semaphore, #tpu.memory_space<semaphore_mem>>) src(%dma_wait3A_247 : memref<128xi32, #tpu.memory_space<hbm>>) dst(%arg6 : memref<128xi32, #tpu.memory_space<vmem>>)
          tpu.yield
        }) : () -> ()
        %dma_start3A = arith.constant 0 : i32
        %dma_start3A_243 = arith.constant 0 : i32
        %dma_start3A_244 = tpu.memref_slice %arg10[%dma_start3A, %dma_start3A_243] : memref<10000x128xf32, #tpu.memory_space<vmem_shared>> -> memref<10000x128xf32, #tpu.memory_space<vmem_shared>>
        tpu.enqueue_indirect_dma source(%arg7 : memref<128x128xf32, #tpu.memory_space<vmem>>) target(%dma_start3A_244 : memref<10000x128xf32, #tpu.memory_space<vmem_shared>>) offsets(%arg6 : memref<128xi32, #tpu.memory_space<vmem>>) semaphore(%arg9 : memref<!tpu.dma_semaphore, #tpu.memory_space<semaphore_mem>>) {add = true}
      } else {
      }
    }
    %scan3A_78 = arith.constant 21 : i32
    %barrier3A_79 = arith.constant 0 : index
    tpu.barrier barrier_id(%barrier3A_79)
    %add3A_80 = arith.constant 0 : i32
    %add3A_81 = arith.addi %arg1, %add3A_80 : i32
    %mul3A_82 = arith.constant 128 : i32
    %mul3A_83 = arith.muli %add3A_81, %mul3A_82 : i32
    %lt3A_84 = arith.constant 78 : i32
    %lt3A_85 = arith.cmpi slt, %add3A_81, %lt3A_84 : i32
    %eq3A_86 = arith.constant 0 : i32
    %eq3A_87 = arith.cmpi eq, %arg0, %eq3A_86 : i32
    %and3A_88 = arith.andi %lt3A_85, %eq3A_87 : i1
    %convert_element_type3A_89 = arith.extui %and3A_88 : i1 to i32
    %cond3A_90 = arith.constant 0 : i32
    %cond3A_91 = arith.cmpi ne, %convert_element_type3A_89, %cond3A_90 : i32
    scf.if %cond3A_91 {
      "tpu.region"() ({
        %run_scoped3A = tpu.sem_alloc : memref<!tpu.dma_semaphore, #tpu.memory_space<semaphore_mem>>
        %dma_start3A = arith.constant 0 : i32
        %dma_start3A_196 = tpu.memref_slice %arg10[%mul3A_83, %dma_start3A] : memref<10000x128xf32, #tpu.memory_space<vmem_shared>> -> memref<128x128xf32, #tpu.memory_space<vmem_shared>>
        %dma_start3A_197 = arith.constant 0 : i32
        %dma_start3A_198 = tpu.memref_slice %arg10[%mul3A_83, %dma_start3A_197] : memref<10000x128xf32, #tpu.memory_space<vmem_shared>> -> memref<128x128xf32, #tpu.memory_space<vmem_shared>>
        tpu.enqueue_dma source(%dma_start3A_198 : memref<128x128xf32, #tpu.memory_space<vmem_shared>>) target(%arg7 : memref<128x128xf32, #tpu.memory_space<vmem>>) target_semaphore(%run_scoped3A : memref<!tpu.dma_semaphore, #tpu.memory_space<semaphore_mem>>)
        %dma_wait3A = arith.constant 0 : i32
        %dma_wait3A_199 = tpu.memref_slice %arg10[%mul3A_83, %dma_wait3A] : memref<10000x128xf32, #tpu.memory_space<vmem_shared>> -> memref<128x128xf32, #tpu.memory_space<vmem_shared>>
        %dma_wait3A_200 = arith.constant 0 : i32
        %dma_wait3A_201 = tpu.memref_slice %arg10[%mul3A_83, %dma_wait3A_200] : memref<10000x128xf32, #tpu.memory_space<vmem_shared>> -> memref<128x128xf32, #tpu.memory_space<vmem_shared>>
        tpu.wait_dma2 semaphore(%run_scoped3A : memref<!tpu.dma_semaphore, #tpu.memory_space<semaphore_mem>>) src(%dma_wait3A_201 : memref<128x128xf32, #tpu.memory_space<vmem_shared>>) dst(%arg7 : memref<128x128xf32, #tpu.memory_space<vmem>>)
        tpu.yield
      }) : () -> ()
      "tpu.region"() ({
        %run_scoped3A = tpu.sem_alloc : memref<!tpu.dma_semaphore, #tpu.memory_space<semaphore_mem>>
        %dma_start3A = arith.constant 0 : i32
        %dma_start3A_196 = tpu.memref_slice %arg3[%mul3A_83, %dma_start3A] : memref<10000x128xf32, #tpu.memory_space<hbm>> -> memref<128x128xf32, #tpu.memory_space<hbm>>
        %dma_start3A_197 = arith.constant 0 : i32
        %dma_start3A_198 = tpu.memref_slice %arg3[%mul3A_83, %dma_start3A_197] : memref<10000x128xf32, #tpu.memory_space<hbm>> -> memref<128x128xf32, #tpu.memory_space<hbm>>
        tpu.enqueue_dma source(%arg7 : memref<128x128xf32, #tpu.memory_space<vmem>>) target(%dma_start3A_198 : memref<128x128xf32, #tpu.memory_space<hbm>>) target_semaphore(%run_scoped3A : memref<!tpu.dma_semaphore, #tpu.memory_space<semaphore_mem>>)
        %dma_wait3A = arith.constant 0 : i32
        %dma_wait3A_199 = tpu.memref_slice %arg3[%mul3A_83, %dma_wait3A] : memref<10000x128xf32, #tpu.memory_space<hbm>> -> memref<128x128xf32, #tpu.memory_space<hbm>>
        %dma_wait3A_200 = arith.constant 0 : i32
        %dma_wait3A_201 = tpu.memref_slice %arg3[%mul3A_83, %dma_wait3A_200] : memref<10000x128xf32, #tpu.memory_space<hbm>> -> memref<128x128xf32, #tpu.memory_space<hbm>>
        tpu.wait_dma2 semaphore(%run_scoped3A : memref<!tpu.dma_semaphore, #tpu.memory_space<semaphore_mem>>) src(%arg7 : memref<128x128xf32, #tpu.memory_space<vmem>>) dst(%dma_wait3A_201 : memref<128x128xf32, #tpu.memory_space<hbm>>)
        tpu.yield
      }) : () -> ()
    } else {
    }
    %lt3A_92 = arith.constant 78 : i32
    %lt3A_93 = arith.cmpi slt, %add3A_81, %lt3A_92 : i32
    %eq3A_94 = arith.constant 1 : i32
    %eq3A_95 = arith.cmpi eq, %arg0, %eq3A_94 : i32
    %and3A_96 = arith.andi %lt3A_93, %eq3A_95 : i1
    %convert_element_type3A_97 = arith.extui %and3A_96 : i1 to i32
    %cond3A_98 = arith.constant 0 : i32
    %cond3A_99 = arith.cmpi ne, %convert_element_type3A_97, %cond3A_98 : i32
    scf.if %cond3A_99 {
      "tpu.region"() ({
        %run_scoped3A = tpu.sem_alloc : memref<!tpu.dma_semaphore, #tpu.memory_space<semaphore_mem>>
        %dma_start3A = arith.constant 0 : i32
        %dma_start3A_196 = tpu.memref_slice %arg10[%mul3A_83, %dma_start3A] : memref<10000x128xf32, #tpu.memory_space<vmem_shared>> -> memref<128x128xf32, #tpu.memory_space<vmem_shared>>
        %dma_start3A_197 = arith.constant 0 : i32
        %dma_start3A_198 = tpu.memref_slice %arg10[%mul3A_83, %dma_start3A_197] : memref<10000x128xf32, #tpu.memory_space<vmem_shared>> -> memref<128x128xf32, #tpu.memory_space<vmem_shared>>
        tpu.enqueue_dma source(%dma_start3A_198 : memref<128x128xf32, #tpu.memory_space<vmem_shared>>) target(%arg7 : memref<128x128xf32, #tpu.memory_space<vmem>>) target_semaphore(%run_scoped3A : memref<!tpu.dma_semaphore, #tpu.memory_space<semaphore_mem>>)
        %dma_wait3A = arith.constant 0 : i32
        %dma_wait3A_199 = tpu.memref_slice %arg10[%mul3A_83, %dma_wait3A] : memref<10000x128xf32, #tpu.memory_space<vmem_shared>> -> memref<128x128xf32, #tpu.memory_space<vmem_shared>>
        %dma_wait3A_200 = arith.constant 0 : i32
        %dma_wait3A_201 = tpu.memref_slice %arg10[%mul3A_83, %dma_wait3A_200] : memref<10000x128xf32, #tpu.memory_space<vmem_shared>> -> memref<128x128xf32, #tpu.memory_space<vmem_shared>>
        tpu.wait_dma2 semaphore(%run_scoped3A : memref<!tpu.dma_semaphore, #tpu.memory_space<semaphore_mem>>) src(%dma_wait3A_201 : memref<128x128xf32, #tpu.memory_space<vmem_shared>>) dst(%arg7 : memref<128x128xf32, #tpu.memory_space<vmem>>)
        tpu.yield
      }) : () -> ()
      "tpu.region"() ({
        %run_scoped3A = tpu.sem_alloc : memref<!tpu.dma_semaphore, #tpu.memory_space<semaphore_mem>>
        %dma_start3A = arith.constant 0 : i32
        %dma_start3A_196 = tpu.memref_slice %arg4[%mul3A_83, %dma_start3A] : memref<10000x128xf32, #tpu.memory_space<hbm>> -> memref<128x128xf32, #tpu.memory_space<hbm>>
        %dma_start3A_197 = arith.constant 0 : i32
        %dma_start3A_198 = tpu.memref_slice %arg4[%mul3A_83, %dma_start3A_197] : memref<10000x128xf32, #tpu.memory_space<hbm>> -> memref<128x128xf32, #tpu.memory_space<hbm>>
        tpu.enqueue_dma source(%arg7 : memref<128x128xf32, #tpu.memory_space<vmem>>) target(%dma_start3A_198 : memref<128x128xf32, #tpu.memory_space<hbm>>) target_semaphore(%run_scoped3A : memref<!tpu.dma_semaphore, #tpu.memory_space<semaphore_mem>>)
        %dma_wait3A = arith.constant 0 : i32
        %dma_wait3A_199 = tpu.memref_slice %arg4[%mul3A_83, %dma_wait3A] : memref<10000x128xf32, #tpu.memory_space<hbm>> -> memref<128x128xf32, #tpu.memory_space<hbm>>
        %dma_wait3A_200 = arith.constant 0 : i32
        %dma_wait3A_201 = tpu.memref_slice %arg4[%mul3A_83, %dma_wait3A_200] : memref<10000x128xf32, #tpu.memory_space<hbm>> -> memref<128x128xf32, #tpu.memory_space<hbm>>
        tpu.wait_dma2 semaphore(%run_scoped3A : memref<!tpu.dma_semaphore, #tpu.memory_space<semaphore_mem>>) src(%arg7 : memref<128x128xf32, #tpu.memory_space<vmem>>) dst(%dma_wait3A_201 : memref<128x128xf32, #tpu.memory_space<hbm>>)
        tpu.yield
      }) : () -> ()
    } else {
    }
    %add3A_100 = arith.constant 16 : i32
    %add3A_101 = arith.addi %arg1, %add3A_100 : i32
    %mul3A_102 = arith.constant 128 : i32
    %mul3A_103 = arith.muli %add3A_101, %mul3A_102 : i32
    %lt3A_104 = arith.constant 78 : i32
    %lt3A_105 = arith.cmpi slt, %add3A_101, %lt3A_104 : i32
    %eq3A_106 = arith.constant 0 : i32
    %eq3A_107 = arith.cmpi eq, %arg0, %eq3A_106 : i32
    %and3A_108 = arith.andi %lt3A_105, %eq3A_107 : i1
    %convert_element_type3A_109 = arith.extui %and3A_108 : i1 to i32
    %cond3A_110 = arith.constant 0 : i32
    %cond3A_111 = arith.cmpi ne, %convert_element_type3A_109, %cond3A_110 : i32
    scf.if %cond3A_111 {
      "tpu.region"() ({
        %run_scoped3A = tpu.sem_alloc : memref<!tpu.dma_semaphore, #tpu.memory_space<semaphore_mem>>
        %dma_start3A = arith.constant 0 : i32
        %dma_start3A_196 = tpu.memref_slice %arg10[%mul3A_103, %dma_start3A] : memref<10000x128xf32, #tpu.memory_space<vmem_shared>> -> memref<128x128xf32, #tpu.memory_space<vmem_shared>>
        %dma_start3A_197 = arith.constant 0 : i32
        %dma_start3A_198 = tpu.memref_slice %arg10[%mul3A_103, %dma_start3A_197] : memref<10000x128xf32, #tpu.memory_space<vmem_shared>> -> memref<128x128xf32, #tpu.memory_space<vmem_shared>>
        tpu.enqueue_dma source(%dma_start3A_198 : memref<128x128xf32, #tpu.memory_space<vmem_shared>>) target(%arg7 : memref<128x128xf32, #tpu.memory_space<vmem>>) target_semaphore(%run_scoped3A : memref<!tpu.dma_semaphore, #tpu.memory_space<semaphore_mem>>)
        %dma_wait3A = arith.constant 0 : i32
        %dma_wait3A_199 = tpu.memref_slice %arg10[%mul3A_103, %dma_wait3A] : memref<10000x128xf32, #tpu.memory_space<vmem_shared>> -> memref<128x128xf32, #tpu.memory_space<vmem_shared>>
        %dma_wait3A_200 = arith.constant 0 : i32
        %dma_wait3A_201 = tpu.memref_slice %arg10[%mul3A_103, %dma_wait3A_200] : memref<10000x128xf32, #tpu.memory_space<vmem_shared>> -> memref<128x128xf32, #tpu.memory_space<vmem_shared>>
        tpu.wait_dma2 semaphore(%run_scoped3A : memref<!tpu.dma_semaphore, #tpu.memory_space<semaphore_mem>>) src(%dma_wait3A_201 : memref<128x128xf32, #tpu.memory_space<vmem_shared>>) dst(%arg7 : memref<128x128xf32, #tpu.memory_space<vmem>>)
        tpu.yield
      }) : () -> ()
      "tpu.region"() ({
        %run_scoped3A = tpu.sem_alloc : memref<!tpu.dma_semaphore, #tpu.memory_space<semaphore_mem>>
        %dma_start3A = arith.constant 0 : i32
        %dma_start3A_196 = tpu.memref_slice %arg3[%mul3A_103, %dma_start3A] : memref<10000x128xf32, #tpu.memory_space<hbm>> -> memref<128x128xf32, #tpu.memory_space<hbm>>
        %dma_start3A_197 = arith.constant 0 : i32
        %dma_start3A_198 = tpu.memref_slice %arg3[%mul3A_103, %dma_start3A_197] : memref<10000x128xf32, #tpu.memory_space<hbm>> -> memref<128x128xf32, #tpu.memory_space<hbm>>
        tpu.enqueue_dma source(%arg7 : memref<128x128xf32, #tpu.memory_space<vmem>>) target(%dma_start3A_198 : memref<128x128xf32, #tpu.memory_space<hbm>>) target_semaphore(%run_scoped3A : memref<!tpu.dma_semaphore, #tpu.memory_space<semaphore_mem>>)
        %dma_wait3A = arith.constant 0 : i32
        %dma_wait3A_199 = tpu.memref_slice %arg3[%mul3A_103, %dma_wait3A] : memref<10000x128xf32, #tpu.memory_space<hbm>> -> memref<128x128xf32, #tpu.memory_space<hbm>>
        %dma_wait3A_200 = arith.constant 0 : i32
        %dma_wait3A_201 = tpu.memref_slice %arg3[%mul3A_103, %dma_wait3A_200] : memref<10000x128xf32, #tpu.memory_space<hbm>> -> memref<128x128xf32, #tpu.memory_space<hbm>>
        tpu.wait_dma2 semaphore(%run_scoped3A : memref<!tpu.dma_semaphore, #tpu.memory_space<semaphore_mem>>) src(%arg7 : memref<128x128xf32, #tpu.memory_space<vmem>>) dst(%dma_wait3A_201 : memref<128x128xf32, #tpu.memory_space<hbm>>)
        tpu.yield
      }) : () -> ()
    } else {
    }
    %lt3A_112 = arith.constant 78 : i32
    %lt3A_113 = arith.cmpi slt, %add3A_101, %lt3A_112 : i32
    %eq3A_114 = arith.constant 1 : i32
    %eq3A_115 = arith.cmpi eq, %arg0, %eq3A_114 : i32
    %and3A_116 = arith.andi %lt3A_113, %eq3A_115 : i1
    %convert_element_type3A_117 = arith.extui %and3A_116 : i1 to i32
    %cond3A_118 = arith.constant 0 : i32
    %cond3A_119 = arith.cmpi ne, %convert_element_type3A_117, %cond3A_118 : i32
    scf.if %cond3A_119 {
      "tpu.region"() ({
        %run_scoped3A = tpu.sem_alloc : memref<!tpu.dma_semaphore, #tpu.memory_space<semaphore_mem>>
        %dma_start3A = arith.constant 0 : i32
        %dma_start3A_196 = tpu.memref_slice %arg10[%mul3A_103, %dma_start3A] : memref<10000x128xf32, #tpu.memory_space<vmem_shared>> -> memref<128x128xf32, #tpu.memory_space<vmem_shared>>
        %dma_start3A_197 = arith.constant 0 : i32
        %dma_start3A_198 = tpu.memref_slice %arg10[%mul3A_103, %dma_start3A_197] : memref<10000x128xf32, #tpu.memory_space<vmem_shared>> -> memref<128x128xf32, #tpu.memory_space<vmem_shared>>
        tpu.enqueue_dma source(%dma_start3A_198 : memref<128x128xf32, #tpu.memory_space<vmem_shared>>) target(%arg7 : memref<128x128xf32, #tpu.memory_space<vmem>>) target_semaphore(%run_scoped3A : memref<!tpu.dma_semaphore, #tpu.memory_space<semaphore_mem>>)
        %dma_wait3A = arith.constant 0 : i32
        %dma_wait3A_199 = tpu.memref_slice %arg10[%mul3A_103, %dma_wait3A] : memref<10000x128xf32, #tpu.memory_space<vmem_shared>> -> memref<128x128xf32, #tpu.memory_space<vmem_shared>>
        %dma_wait3A_200 = arith.constant 0 : i32
        %dma_wait3A_201 = tpu.memref_slice %arg10[%mul3A_103, %dma_wait3A_200] : memref<10000x128xf32, #tpu.memory_space<vmem_shared>> -> memref<128x128xf32, #tpu.memory_space<vmem_shared>>
        tpu.wait_dma2 semaphore(%run_scoped3A : memref<!tpu.dma_semaphore, #tpu.memory_space<semaphore_mem>>) src(%dma_wait3A_201 : memref<128x128xf32, #tpu.memory_space<vmem_shared>>) dst(%arg7 : memref<128x128xf32, #tpu.memory_space<vmem>>)
        tpu.yield
      }) : () -> ()
      "tpu.region"() ({
        %run_scoped3A = tpu.sem_alloc : memref<!tpu.dma_semaphore, #tpu.memory_space<semaphore_mem>>
        %dma_start3A = arith.constant 0 : i32
        %dma_start3A_196 = tpu.memref_slice %arg4[%mul3A_103, %dma_start3A] : memref<10000x128xf32, #tpu.memory_space<hbm>> -> memref<128x128xf32, #tpu.memory_space<hbm>>
        %dma_start3A_197 = arith.constant 0 : i32
        %dma_start3A_198 = tpu.memref_slice %arg4[%mul3A_103, %dma_start3A_197] : memref<10000x128xf32, #tpu.memory_space<hbm>> -> memref<128x128xf32, #tpu.memory_space<hbm>>
        tpu.enqueue_dma source(%arg7 : memref<128x128xf32, #tpu.memory_space<vmem>>) target(%dma_start3A_198 : memref<128x128xf32, #tpu.memory_space<hbm>>) target_semaphore(%run_scoped3A : memref<!tpu.dma_semaphore, #tpu.memory_space<semaphore_mem>>)
        %dma_wait3A = arith.constant 0 : i32
        %dma_wait3A_199 = tpu.memref_slice %arg4[%mul3A_103, %dma_wait3A] : memref<10000x128xf32, #tpu.memory_space<hbm>> -> memref<128x128xf32, #tpu.memory_space<hbm>>
        %dma_wait3A_200 = arith.constant 0 : i32
        %dma_wait3A_201 = tpu.memref_slice %arg4[%mul3A_103, %dma_wait3A_200] : memref<10000x128xf32, #tpu.memory_space<hbm>> -> memref<128x128xf32, #tpu.memory_space<hbm>>
        tpu.wait_dma2 semaphore(%run_scoped3A : memref<!tpu.dma_semaphore, #tpu.memory_space<semaphore_mem>>) src(%arg7 : memref<128x128xf32, #tpu.memory_space<vmem>>) dst(%dma_wait3A_201 : memref<128x128xf32, #tpu.memory_space<hbm>>)
        tpu.yield
      }) : () -> ()
    } else {
    }
    %add3A_120 = arith.constant 32 : i32
    %add3A_121 = arith.addi %arg1, %add3A_120 : i32
    %mul3A_122 = arith.constant 128 : i32
    %mul3A_123 = arith.muli %add3A_121, %mul3A_122 : i32
    %lt3A_124 = arith.constant 78 : i32
    %lt3A_125 = arith.cmpi slt, %add3A_121, %lt3A_124 : i32
    %eq3A_126 = arith.constant 0 : i32
    %eq3A_127 = arith.cmpi eq, %arg0, %eq3A_126 : i32
    %and3A_128 = arith.andi %lt3A_125, %eq3A_127 : i1
    %convert_element_type3A_129 = arith.extui %and3A_128 : i1 to i32
    %cond3A_130 = arith.constant 0 : i32
    %cond3A_131 = arith.cmpi ne, %convert_element_type3A_129, %cond3A_130 : i32
    scf.if %cond3A_131 {
      "tpu.region"() ({
        %run_scoped3A = tpu.sem_alloc : memref<!tpu.dma_semaphore, #tpu.memory_space<semaphore_mem>>
        %dma_start3A = arith.constant 0 : i32
        %dma_start3A_196 = tpu.memref_slice %arg10[%mul3A_123, %dma_start3A] : memref<10000x128xf32, #tpu.memory_space<vmem_shared>> -> memref<128x128xf32, #tpu.memory_space<vmem_shared>>
        %dma_start3A_197 = arith.constant 0 : i32
        %dma_start3A_198 = tpu.memref_slice %arg10[%mul3A_123, %dma_start3A_197] : memref<10000x128xf32, #tpu.memory_space<vmem_shared>> -> memref<128x128xf32, #tpu.memory_space<vmem_shared>>
        tpu.enqueue_dma source(%dma_start3A_198 : memref<128x128xf32, #tpu.memory_space<vmem_shared>>) target(%arg7 : memref<128x128xf32, #tpu.memory_space<vmem>>) target_semaphore(%run_scoped3A : memref<!tpu.dma_semaphore, #tpu.memory_space<semaphore_mem>>)
        %dma_wait3A = arith.constant 0 : i32
        %dma_wait3A_199 = tpu.memref_slice %arg10[%mul3A_123, %dma_wait3A] : memref<10000x128xf32, #tpu.memory_space<vmem_shared>> -> memref<128x128xf32, #tpu.memory_space<vmem_shared>>
        %dma_wait3A_200 = arith.constant 0 : i32
        %dma_wait3A_201 = tpu.memref_slice %arg10[%mul3A_123, %dma_wait3A_200] : memref<10000x128xf32, #tpu.memory_space<vmem_shared>> -> memref<128x128xf32, #tpu.memory_space<vmem_shared>>
        tpu.wait_dma2 semaphore(%run_scoped3A : memref<!tpu.dma_semaphore, #tpu.memory_space<semaphore_mem>>) src(%dma_wait3A_201 : memref<128x128xf32, #tpu.memory_space<vmem_shared>>) dst(%arg7 : memref<128x128xf32, #tpu.memory_space<vmem>>)
        tpu.yield
      }) : () -> ()
      "tpu.region"() ({
        %run_scoped3A = tpu.sem_alloc : memref<!tpu.dma_semaphore, #tpu.memory_space<semaphore_mem>>
        %dma_start3A = arith.constant 0 : i32
        %dma_start3A_196 = tpu.memref_slice %arg3[%mul3A_123, %dma_start3A] : memref<10000x128xf32, #tpu.memory_space<hbm>> -> memref<128x128xf32, #tpu.memory_space<hbm>>
        %dma_start3A_197 = arith.constant 0 : i32
        %dma_start3A_198 = tpu.memref_slice %arg3[%mul3A_123, %dma_start3A_197] : memref<10000x128xf32, #tpu.memory_space<hbm>> -> memref<128x128xf32, #tpu.memory_space<hbm>>
        tpu.enqueue_dma source(%arg7 : memref<128x128xf32, #tpu.memory_space<vmem>>) target(%dma_start3A_198 : memref<128x128xf32, #tpu.memory_space<hbm>>) target_semaphore(%run_scoped3A : memref<!tpu.dma_semaphore, #tpu.memory_space<semaphore_mem>>)
        %dma_wait3A = arith.constant 0 : i32
        %dma_wait3A_199 = tpu.memref_slice %arg3[%mul3A_123, %dma_wait3A] : memref<10000x128xf32, #tpu.memory_space<hbm>> -> memref<128x128xf32, #tpu.memory_space<hbm>>
        %dma_wait3A_200 = arith.constant 0 : i32
        %dma_wait3A_201 = tpu.memref_slice %arg3[%mul3A_123, %dma_wait3A_200] : memref<10000x128xf32, #tpu.memory_space<hbm>> -> memref<128x128xf32, #tpu.memory_space<hbm>>
        tpu.wait_dma2 semaphore(%run_scoped3A : memref<!tpu.dma_semaphore, #tpu.memory_space<semaphore_mem>>) src(%arg7 : memref<128x128xf32, #tpu.memory_space<vmem>>) dst(%dma_wait3A_201 : memref<128x128xf32, #tpu.memory_space<hbm>>)
        tpu.yield
      }) : () -> ()
    } else {
    }
    %lt3A_132 = arith.constant 78 : i32
    %lt3A_133 = arith.cmpi slt, %add3A_121, %lt3A_132 : i32
    %eq3A_134 = arith.constant 1 : i32
    %eq3A_135 = arith.cmpi eq, %arg0, %eq3A_134 : i32
    %and3A_136 = arith.andi %lt3A_133, %eq3A_135 : i1
    %convert_element_type3A_137 = arith.extui %and3A_136 : i1 to i32
    %cond3A_138 = arith.constant 0 : i32
    %cond3A_139 = arith.cmpi ne, %convert_element_type3A_137, %cond3A_138 : i32
    scf.if %cond3A_139 {
      "tpu.region"() ({
        %run_scoped3A = tpu.sem_alloc : memref<!tpu.dma_semaphore, #tpu.memory_space<semaphore_mem>>
        %dma_start3A = arith.constant 0 : i32
        %dma_start3A_196 = tpu.memref_slice %arg10[%mul3A_123, %dma_start3A] : memref<10000x128xf32, #tpu.memory_space<vmem_shared>> -> memref<128x128xf32, #tpu.memory_space<vmem_shared>>
        %dma_start3A_197 = arith.constant 0 : i32
        %dma_start3A_198 = tpu.memref_slice %arg10[%mul3A_123, %dma_start3A_197] : memref<10000x128xf32, #tpu.memory_space<vmem_shared>> -> memref<128x128xf32, #tpu.memory_space<vmem_shared>>
        tpu.enqueue_dma source(%dma_start3A_198 : memref<128x128xf32, #tpu.memory_space<vmem_shared>>) target(%arg7 : memref<128x128xf32, #tpu.memory_space<vmem>>) target_semaphore(%run_scoped3A : memref<!tpu.dma_semaphore, #tpu.memory_space<semaphore_mem>>)
        %dma_wait3A = arith.constant 0 : i32
        %dma_wait3A_199 = tpu.memref_slice %arg10[%mul3A_123, %dma_wait3A] : memref<10000x128xf32, #tpu.memory_space<vmem_shared>> -> memref<128x128xf32, #tpu.memory_space<vmem_shared>>
        %dma_wait3A_200 = arith.constant 0 : i32
        %dma_wait3A_201 = tpu.memref_slice %arg10[%mul3A_123, %dma_wait3A_200] : memref<10000x128xf32, #tpu.memory_space<vmem_shared>> -> memref<128x128xf32, #tpu.memory_space<vmem_shared>>
        tpu.wait_dma2 semaphore(%run_scoped3A : memref<!tpu.dma_semaphore, #tpu.memory_space<semaphore_mem>>) src(%dma_wait3A_201 : memref<128x128xf32, #tpu.memory_space<vmem_shared>>) dst(%arg7 : memref<128x128xf32, #tpu.memory_space<vmem>>)
        tpu.yield
      }) : () -> ()
      "tpu.region"() ({
        %run_scoped3A = tpu.sem_alloc : memref<!tpu.dma_semaphore, #tpu.memory_space<semaphore_mem>>
        %dma_start3A = arith.constant 0 : i32
        %dma_start3A_196 = tpu.memref_slice %arg4[%mul3A_123, %dma_start3A] : memref<10000x128xf32, #tpu.memory_space<hbm>> -> memref<128x128xf32, #tpu.memory_space<hbm>>
        %dma_start3A_197 = arith.constant 0 : i32
        %dma_start3A_198 = tpu.memref_slice %arg4[%mul3A_123, %dma_start3A_197] : memref<10000x128xf32, #tpu.memory_space<hbm>> -> memref<128x128xf32, #tpu.memory_space<hbm>>
        tpu.enqueue_dma source(%arg7 : memref<128x128xf32, #tpu.memory_space<vmem>>) target(%dma_start3A_198 : memref<128x128xf32, #tpu.memory_space<hbm>>) target_semaphore(%run_scoped3A : memref<!tpu.dma_semaphore, #tpu.memory_space<semaphore_mem>>)
        %dma_wait3A = arith.constant 0 : i32
        %dma_wait3A_199 = tpu.memref_slice %arg4[%mul3A_123, %dma_wait3A] : memref<10000x128xf32, #tpu.memory_space<hbm>> -> memref<128x128xf32, #tpu.memory_space<hbm>>
        %dma_wait3A_200 = arith.constant 0 : i32
        %dma_wait3A_201 = tpu.memref_slice %arg4[%mul3A_123, %dma_wait3A_200] : memref<10000x128xf32, #tpu.memory_space<hbm>> -> memref<128x128xf32, #tpu.memory_space<hbm>>
        tpu.wait_dma2 semaphore(%run_scoped3A : memref<!tpu.dma_semaphore, #tpu.memory_space<semaphore_mem>>) src(%arg7 : memref<128x128xf32, #tpu.memory_space<vmem>>) dst(%dma_wait3A_201 : memref<128x128xf32, #tpu.memory_space<hbm>>)
        tpu.yield
      }) : () -> ()
    } else {
    }
    %add3A_140 = arith.constant 48 : i32
    %add3A_141 = arith.addi %arg1, %add3A_140 : i32
    %mul3A_142 = arith.constant 128 : i32
    %mul3A_143 = arith.muli %add3A_141, %mul3A_142 : i32
    %lt3A_144 = arith.constant 78 : i32
    %lt3A_145 = arith.cmpi slt, %add3A_141, %lt3A_144 : i32
    %eq3A_146 = arith.constant 0 : i32
    %eq3A_147 = arith.cmpi eq, %arg0, %eq3A_146 : i32
    %and3A_148 = arith.andi %lt3A_145, %eq3A_147 : i1
    %convert_element_type3A_149 = arith.extui %and3A_148 : i1 to i32
    %cond3A_150 = arith.constant 0 : i32
    %cond3A_151 = arith.cmpi ne, %convert_element_type3A_149, %cond3A_150 : i32
    scf.if %cond3A_151 {
      "tpu.region"() ({
        %run_scoped3A = tpu.sem_alloc : memref<!tpu.dma_semaphore, #tpu.memory_space<semaphore_mem>>
        %dma_start3A = arith.constant 0 : i32
        %dma_start3A_196 = tpu.memref_slice %arg10[%mul3A_143, %dma_start3A] : memref<10000x128xf32, #tpu.memory_space<vmem_shared>> -> memref<128x128xf32, #tpu.memory_space<vmem_shared>>
        %dma_start3A_197 = arith.constant 0 : i32
        %dma_start3A_198 = tpu.memref_slice %arg10[%mul3A_143, %dma_start3A_197] : memref<10000x128xf32, #tpu.memory_space<vmem_shared>> -> memref<128x128xf32, #tpu.memory_space<vmem_shared>>
        tpu.enqueue_dma source(%dma_start3A_198 : memref<128x128xf32, #tpu.memory_space<vmem_shared>>) target(%arg7 : memref<128x128xf32, #tpu.memory_space<vmem>>) target_semaphore(%run_scoped3A : memref<!tpu.dma_semaphore, #tpu.memory_space<semaphore_mem>>)
        %dma_wait3A = arith.constant 0 : i32
        %dma_wait3A_199 = tpu.memref_slice %arg10[%mul3A_143, %dma_wait3A] : memref<10000x128xf32, #tpu.memory_space<vmem_shared>> -> memref<128x128xf32, #tpu.memory_space<vmem_shared>>
        %dma_wait3A_200 = arith.constant 0 : i32
        %dma_wait3A_201 = tpu.memref_slice %arg10[%mul3A_143, %dma_wait3A_200] : memref<10000x128xf32, #tpu.memory_space<vmem_shared>> -> memref<128x128xf32, #tpu.memory_space<vmem_shared>>
        tpu.wait_dma2 semaphore(%run_scoped3A : memref<!tpu.dma_semaphore, #tpu.memory_space<semaphore_mem>>) src(%dma_wait3A_201 : memref<128x128xf32, #tpu.memory_space<vmem_shared>>) dst(%arg7 : memref<128x128xf32, #tpu.memory_space<vmem>>)
        tpu.yield
      }) : () -> ()
      "tpu.region"() ({
        %run_scoped3A = tpu.sem_alloc : memref<!tpu.dma_semaphore, #tpu.memory_space<semaphore_mem>>
        %dma_start3A = arith.constant 0 : i32
        %dma_start3A_196 = tpu.memref_slice %arg3[%mul3A_143, %dma_start3A] : memref<10000x128xf32, #tpu.memory_space<hbm>> -> memref<128x128xf32, #tpu.memory_space<hbm>>
        %dma_start3A_197 = arith.constant 0 : i32
        %dma_start3A_198 = tpu.memref_slice %arg3[%mul3A_143, %dma_start3A_197] : memref<10000x128xf32, #tpu.memory_space<hbm>> -> memref<128x128xf32, #tpu.memory_space<hbm>>
        tpu.enqueue_dma source(%arg7 : memref<128x128xf32, #tpu.memory_space<vmem>>) target(%dma_start3A_198 : memref<128x128xf32, #tpu.memory_space<hbm>>) target_semaphore(%run_scoped3A : memref<!tpu.dma_semaphore, #tpu.memory_space<semaphore_mem>>)
        %dma_wait3A = arith.constant 0 : i32
        %dma_wait3A_199 = tpu.memref_slice %arg3[%mul3A_143, %dma_wait3A] : memref<10000x128xf32, #tpu.memory_space<hbm>> -> memref<128x128xf32, #tpu.memory_space<hbm>>
        %dma_wait3A_200 = arith.constant 0 : i32
        %dma_wait3A_201 = tpu.memref_slice %arg3[%mul3A_143, %dma_wait3A_200] : memref<10000x128xf32, #tpu.memory_space<hbm>> -> memref<128x128xf32, #tpu.memory_space<hbm>>
        tpu.wait_dma2 semaphore(%run_scoped3A : memref<!tpu.dma_semaphore, #tpu.memory_space<semaphore_mem>>) src(%arg7 : memref<128x128xf32, #tpu.memory_space<vmem>>) dst(%dma_wait3A_201 : memref<128x128xf32, #tpu.memory_space<hbm>>)
        tpu.yield
      }) : () -> ()
    } else {
    }
    %lt3A_152 = arith.constant 78 : i32
    %lt3A_153 = arith.cmpi slt, %add3A_141, %lt3A_152 : i32
    %eq3A_154 = arith.constant 1 : i32
    %eq3A_155 = arith.cmpi eq, %arg0, %eq3A_154 : i32
    %and3A_156 = arith.andi %lt3A_153, %eq3A_155 : i1
    %convert_element_type3A_157 = arith.extui %and3A_156 : i1 to i32
    %cond3A_158 = arith.constant 0 : i32
    %cond3A_159 = arith.cmpi ne, %convert_element_type3A_157, %cond3A_158 : i32
    scf.if %cond3A_159 {
      "tpu.region"() ({
        %run_scoped3A = tpu.sem_alloc : memref<!tpu.dma_semaphore, #tpu.memory_space<semaphore_mem>>
        %dma_start3A = arith.constant 0 : i32
        %dma_start3A_196 = tpu.memref_slice %arg10[%mul3A_143, %dma_start3A] : memref<10000x128xf32, #tpu.memory_space<vmem_shared>> -> memref<128x128xf32, #tpu.memory_space<vmem_shared>>
        %dma_start3A_197 = arith.constant 0 : i32
        %dma_start3A_198 = tpu.memref_slice %arg10[%mul3A_143, %dma_start3A_197] : memref<10000x128xf32, #tpu.memory_space<vmem_shared>> -> memref<128x128xf32, #tpu.memory_space<vmem_shared>>
        tpu.enqueue_dma source(%dma_start3A_198 : memref<128x128xf32, #tpu.memory_space<vmem_shared>>) target(%arg7 : memref<128x128xf32, #tpu.memory_space<vmem>>) target_semaphore(%run_scoped3A : memref<!tpu.dma_semaphore, #tpu.memory_space<semaphore_mem>>)
        %dma_wait3A = arith.constant 0 : i32
        %dma_wait3A_199 = tpu.memref_slice %arg10[%mul3A_143, %dma_wait3A] : memref<10000x128xf32, #tpu.memory_space<vmem_shared>> -> memref<128x128xf32, #tpu.memory_space<vmem_shared>>
        %dma_wait3A_200 = arith.constant 0 : i32
        %dma_wait3A_201 = tpu.memref_slice %arg10[%mul3A_143, %dma_wait3A_200] : memref<10000x128xf32, #tpu.memory_space<vmem_shared>> -> memref<128x128xf32, #tpu.memory_space<vmem_shared>>
        tpu.wait_dma2 semaphore(%run_scoped3A : memref<!tpu.dma_semaphore, #tpu.memory_space<semaphore_mem>>) src(%dma_wait3A_201 : memref<128x128xf32, #tpu.memory_space<vmem_shared>>) dst(%arg7 : memref<128x128xf32, #tpu.memory_space<vmem>>)
        tpu.yield
      }) : () -> ()
      "tpu.region"() ({
        %run_scoped3A = tpu.sem_alloc : memref<!tpu.dma_semaphore, #tpu.memory_space<semaphore_mem>>
        %dma_start3A = arith.constant 0 : i32
        %dma_start3A_196 = tpu.memref_slice %arg4[%mul3A_143, %dma_start3A] : memref<10000x128xf32, #tpu.memory_space<hbm>> -> memref<128x128xf32, #tpu.memory_space<hbm>>
        %dma_start3A_197 = arith.constant 0 : i32
        %dma_start3A_198 = tpu.memref_slice %arg4[%mul3A_143, %dma_start3A_197] : memref<10000x128xf32, #tpu.memory_space<hbm>> -> memref<128x128xf32, #tpu.memory_space<hbm>>
        tpu.enqueue_dma source(%arg7 : memref<128x128xf32, #tpu.memory_space<vmem>>) target(%dma_start3A_198 : memref<128x128xf32, #tpu.memory_space<hbm>>) target_semaphore(%run_scoped3A : memref<!tpu.dma_semaphore, #tpu.memory_space<semaphore_mem>>)
        %dma_wait3A = arith.constant 0 : i32
        %dma_wait3A_199 = tpu.memref_slice %arg4[%mul3A_143, %dma_wait3A] : memref<10000x128xf32, #tpu.memory_space<hbm>> -> memref<128x128xf32, #tpu.memory_space<hbm>>
        %dma_wait3A_200 = arith.constant 0 : i32
        %dma_wait3A_201 = tpu.memref_slice %arg4[%mul3A_143, %dma_wait3A_200] : memref<10000x128xf32, #tpu.memory_space<hbm>> -> memref<128x128xf32, #tpu.memory_space<hbm>>
        tpu.wait_dma2 semaphore(%run_scoped3A : memref<!tpu.dma_semaphore, #tpu.memory_space<semaphore_mem>>) src(%arg7 : memref<128x128xf32, #tpu.memory_space<vmem>>) dst(%dma_wait3A_201 : memref<128x128xf32, #tpu.memory_space<hbm>>)
        tpu.yield
      }) : () -> ()
    } else {
    }
    %add3A_160 = arith.constant 64 : i32
    %add3A_161 = arith.addi %arg1, %add3A_160 : i32
    %mul3A_162 = arith.constant 128 : i32
    %mul3A_163 = arith.muli %add3A_161, %mul3A_162 : i32
    %lt3A_164 = arith.constant 78 : i32
    %lt3A_165 = arith.cmpi slt, %add3A_161, %lt3A_164 : i32
    %eq3A_166 = arith.constant 0 : i32
    %eq3A_167 = arith.cmpi eq, %arg0, %eq3A_166 : i32
    %and3A_168 = arith.andi %lt3A_165, %eq3A_167 : i1
    %convert_element_type3A_169 = arith.extui %and3A_168 : i1 to i32
    %cond3A_170 = arith.constant 0 : i32
    %cond3A_171 = arith.cmpi ne, %convert_element_type3A_169, %cond3A_170 : i32
    scf.if %cond3A_171 {
      "tpu.region"() ({
        %run_scoped3A = tpu.sem_alloc : memref<!tpu.dma_semaphore, #tpu.memory_space<semaphore_mem>>
        %dma_start3A = arith.constant 0 : i32
        %dma_start3A_196 = tpu.memref_slice %arg10[%mul3A_163, %dma_start3A] : memref<10000x128xf32, #tpu.memory_space<vmem_shared>> -> memref<128x128xf32, #tpu.memory_space<vmem_shared>>
        %dma_start3A_197 = arith.constant 0 : i32
        %dma_start3A_198 = tpu.memref_slice %arg10[%mul3A_163, %dma_start3A_197] : memref<10000x128xf32, #tpu.memory_space<vmem_shared>> -> memref<128x128xf32, #tpu.memory_space<vmem_shared>>
        tpu.enqueue_dma source(%dma_start3A_198 : memref<128x128xf32, #tpu.memory_space<vmem_shared>>) target(%arg7 : memref<128x128xf32, #tpu.memory_space<vmem>>) target_semaphore(%run_scoped3A : memref<!tpu.dma_semaphore, #tpu.memory_space<semaphore_mem>>)
        %dma_wait3A = arith.constant 0 : i32
        %dma_wait3A_199 = tpu.memref_slice %arg10[%mul3A_163, %dma_wait3A] : memref<10000x128xf32, #tpu.memory_space<vmem_shared>> -> memref<128x128xf32, #tpu.memory_space<vmem_shared>>
        %dma_wait3A_200 = arith.constant 0 : i32
        %dma_wait3A_201 = tpu.memref_slice %arg10[%mul3A_163, %dma_wait3A_200] : memref<10000x128xf32, #tpu.memory_space<vmem_shared>> -> memref<128x128xf32, #tpu.memory_space<vmem_shared>>
        tpu.wait_dma2 semaphore(%run_scoped3A : memref<!tpu.dma_semaphore, #tpu.memory_space<semaphore_mem>>) src(%dma_wait3A_201 : memref<128x128xf32, #tpu.memory_space<vmem_shared>>) dst(%arg7 : memref<128x128xf32, #tpu.memory_space<vmem>>)
        tpu.yield
      }) : () -> ()
      "tpu.region"() ({
        %run_scoped3A = tpu.sem_alloc : memref<!tpu.dma_semaphore, #tpu.memory_space<semaphore_mem>>
        %dma_start3A = arith.constant 0 : i32
        %dma_start3A_196 = tpu.memref_slice %arg3[%mul3A_163, %dma_start3A] : memref<10000x128xf32, #tpu.memory_space<hbm>> -> memref<128x128xf32, #tpu.memory_space<hbm>>
        %dma_start3A_197 = arith.constant 0 : i32
        %dma_start3A_198 = tpu.memref_slice %arg3[%mul3A_163, %dma_start3A_197] : memref<10000x128xf32, #tpu.memory_space<hbm>> -> memref<128x128xf32, #tpu.memory_space<hbm>>
        tpu.enqueue_dma source(%arg7 : memref<128x128xf32, #tpu.memory_space<vmem>>) target(%dma_start3A_198 : memref<128x128xf32, #tpu.memory_space<hbm>>) target_semaphore(%run_scoped3A : memref<!tpu.dma_semaphore, #tpu.memory_space<semaphore_mem>>)
        %dma_wait3A = arith.constant 0 : i32
        %dma_wait3A_199 = tpu.memref_slice %arg3[%mul3A_163, %dma_wait3A] : memref<10000x128xf32, #tpu.memory_space<hbm>> -> memref<128x128xf32, #tpu.memory_space<hbm>>
        %dma_wait3A_200 = arith.constant 0 : i32
        %dma_wait3A_201 = tpu.memref_slice %arg3[%mul3A_163, %dma_wait3A_200] : memref<10000x128xf32, #tpu.memory_space<hbm>> -> memref<128x128xf32, #tpu.memory_space<hbm>>
        tpu.wait_dma2 semaphore(%run_scoped3A : memref<!tpu.dma_semaphore, #tpu.memory_space<semaphore_mem>>) src(%arg7 : memref<128x128xf32, #tpu.memory_space<vmem>>) dst(%dma_wait3A_201 : memref<128x128xf32, #tpu.memory_space<hbm>>)
        tpu.yield
      }) : () -> ()
    } else {
    }
    %lt3A_172 = arith.constant 78 : i32
    %lt3A_173 = arith.cmpi slt, %add3A_161, %lt3A_172 : i32
    %eq3A_174 = arith.constant 1 : i32
    %eq3A_175 = arith.cmpi eq, %arg0, %eq3A_174 : i32
    %and3A_176 = arith.andi %lt3A_173, %eq3A_175 : i1
    %convert_element_type3A_177 = arith.extui %and3A_176 : i1 to i32
    %cond3A_178 = arith.constant 0 : i32
    %cond3A_179 = arith.cmpi ne, %convert_element_type3A_177, %cond3A_178 : i32
    scf.if %cond3A_179 {
      "tpu.region"() ({
        %run_scoped3A = tpu.sem_alloc : memref<!tpu.dma_semaphore, #tpu.memory_space<semaphore_mem>>
        %dma_start3A = arith.constant 0 : i32
        %dma_start3A_196 = tpu.memref_slice %arg10[%mul3A_163, %dma_start3A] : memref<10000x128xf32, #tpu.memory_space<vmem_shared>> -> memref<128x128xf32, #tpu.memory_space<vmem_shared>>
        %dma_start3A_197 = arith.constant 0 : i32
        %dma_start3A_198 = tpu.memref_slice %arg10[%mul3A_163, %dma_start3A_197] : memref<10000x128xf32, #tpu.memory_space<vmem_shared>> -> memref<128x128xf32, #tpu.memory_space<vmem_shared>>
        tpu.enqueue_dma source(%dma_start3A_198 : memref<128x128xf32, #tpu.memory_space<vmem_shared>>) target(%arg7 : memref<128x128xf32, #tpu.memory_space<vmem>>) target_semaphore(%run_scoped3A : memref<!tpu.dma_semaphore, #tpu.memory_space<semaphore_mem>>)
        %dma_wait3A = arith.constant 0 : i32
        %dma_wait3A_199 = tpu.memref_slice %arg10[%mul3A_163, %dma_wait3A] : memref<10000x128xf32, #tpu.memory_space<vmem_shared>> -> memref<128x128xf32, #tpu.memory_space<vmem_shared>>
        %dma_wait3A_200 = arith.constant 0 : i32
        %dma_wait3A_201 = tpu.memref_slice %arg10[%mul3A_163, %dma_wait3A_200] : memref<10000x128xf32, #tpu.memory_space<vmem_shared>> -> memref<128x128xf32, #tpu.memory_space<vmem_shared>>
        tpu.wait_dma2 semaphore(%run_scoped3A : memref<!tpu.dma_semaphore, #tpu.memory_space<semaphore_mem>>) src(%dma_wait3A_201 : memref<128x128xf32, #tpu.memory_space<vmem_shared>>) dst(%arg7 : memref<128x128xf32, #tpu.memory_space<vmem>>)
        tpu.yield
      }) : () -> ()
      "tpu.region"() ({
        %run_scoped3A = tpu.sem_alloc : memref<!tpu.dma_semaphore, #tpu.memory_space<semaphore_mem>>
        %dma_start3A = arith.constant 0 : i32
        %dma_start3A_196 = tpu.memref_slice %arg4[%mul3A_163, %dma_start3A] : memref<10000x128xf32, #tpu.memory_space<hbm>> -> memref<128x128xf32, #tpu.memory_space<hbm>>
        %dma_start3A_197 = arith.constant 0 : i32
        %dma_start3A_198 = tpu.memref_slice %arg4[%mul3A_163, %dma_start3A_197] : memref<10000x128xf32, #tpu.memory_space<hbm>> -> memref<128x128xf32, #tpu.memory_space<hbm>>
        tpu.enqueue_dma source(%arg7 : memref<128x128xf32, #tpu.memory_space<vmem>>) target(%dma_start3A_198 : memref<128x128xf32, #tpu.memory_space<hbm>>) target_semaphore(%run_scoped3A : memref<!tpu.dma_semaphore, #tpu.memory_space<semaphore_mem>>)
        %dma_wait3A = arith.constant 0 : i32
        %dma_wait3A_199 = tpu.memref_slice %arg4[%mul3A_163, %dma_wait3A] : memref<10000x128xf32, #tpu.memory_space<hbm>> -> memref<128x128xf32, #tpu.memory_space<hbm>>
        %dma_wait3A_200 = arith.constant 0 : i32
        %dma_wait3A_201 = tpu.memref_slice %arg4[%mul3A_163, %dma_wait3A_200] : memref<10000x128xf32, #tpu.memory_space<hbm>> -> memref<128x128xf32, #tpu.memory_space<hbm>>
        tpu.wait_dma2 semaphore(%run_scoped3A : memref<!tpu.dma_semaphore, #tpu.memory_space<semaphore_mem>>) src(%arg7 : memref<128x128xf32, #tpu.memory_space<vmem>>) dst(%dma_wait3A_201 : memref<128x128xf32, #tpu.memory_space<hbm>>)
        tpu.yield
      }) : () -> ()
    } else {
    }
    %eq3A_180 = arith.constant 15 : i32
    %eq3A_181 = arith.cmpi eq, %arg1, %eq3A_180 : i32
    %eq3A_182 = arith.constant 0 : i32
    %eq3A_183 = arith.cmpi eq, %arg0, %eq3A_182 : i32
    %and3A_184 = arith.andi %eq3A_181, %eq3A_183 : i1
    %convert_element_type3A_185 = arith.extui %and3A_184 : i1 to i32
    %cond3A_186 = arith.constant 0 : i32
    %cond3A_187 = arith.cmpi ne, %convert_element_type3A_185, %cond3A_186 : i32
    scf.if %cond3A_187 {
      "tpu.region"() ({
        %run_scoped3A = tpu.sem_alloc : memref<!tpu.dma_semaphore, #tpu.memory_space<semaphore_mem>>
        %dma_start3A = arith.constant 0 : i32
        %dma_start3A_196 = arith.constant 0 : i32
        %dma_start3A_197 = tpu.memref_slice %arg7[%dma_start3A, %dma_start3A_196] : memref<128x128xf32, #tpu.memory_space<vmem>> -> memref<16x128xf32, #tpu.memory_space<vmem>>
        %dma_start3A_198 = arith.constant 9984 : i32
        %dma_start3A_199 = arith.constant 0 : i32
        %dma_start3A_200 = tpu.memref_slice %arg10[%dma_start3A_198, %dma_start3A_199] : memref<10000x128xf32, #tpu.memory_space<vmem_shared>> -> memref<16x128xf32, #tpu.memory_space<vmem_shared>>
        %dma_start3A_201 = arith.constant 0 : i32
        %dma_start3A_202 = arith.constant 0 : i32
        %dma_start3A_203 = tpu.memref_slice %arg7[%dma_start3A_201, %dma_start3A_202] : memref<128x128xf32, #tpu.memory_space<vmem>> -> memref<16x128xf32, #tpu.memory_space<vmem>>
        %dma_start3A_204 = arith.constant 9984 : i32
        %dma_start3A_205 = arith.constant 0 : i32
        %dma_start3A_206 = tpu.memref_slice %arg10[%dma_start3A_204, %dma_start3A_205] : memref<10000x128xf32, #tpu.memory_space<vmem_shared>> -> memref<16x128xf32, #tpu.memory_space<vmem_shared>>
        tpu.enqueue_dma source(%dma_start3A_206 : memref<16x128xf32, #tpu.memory_space<vmem_shared>>) target(%dma_start3A_203 : memref<16x128xf32, #tpu.memory_space<vmem>>) target_semaphore(%run_scoped3A : memref<!tpu.dma_semaphore, #tpu.memory_space<semaphore_mem>>)
        %dma_wait3A = arith.constant 0 : i32
        %dma_wait3A_207 = arith.constant 0 : i32
        %dma_wait3A_208 = tpu.memref_slice %arg7[%dma_wait3A, %dma_wait3A_207] : memref<128x128xf32, #tpu.memory_space<vmem>> -> memref<16x128xf32, #tpu.memory_space<vmem>>
        %dma_wait3A_209 = arith.constant 9984 : i32
        %dma_wait3A_210 = arith.constant 0 : i32
        %dma_wait3A_211 = tpu.memref_slice %arg10[%dma_wait3A_209, %dma_wait3A_210] : memref<10000x128xf32, #tpu.memory_space<vmem_shared>> -> memref<16x128xf32, #tpu.memory_space<vmem_shared>>
        %dma_wait3A_212 = arith.constant 0 : i32
        %dma_wait3A_213 = arith.constant 0 : i32
        %dma_wait3A_214 = tpu.memref_slice %arg7[%dma_wait3A_212, %dma_wait3A_213] : memref<128x128xf32, #tpu.memory_space<vmem>> -> memref<16x128xf32, #tpu.memory_space<vmem>>
        %dma_wait3A_215 = arith.constant 9984 : i32
        %dma_wait3A_216 = arith.constant 0 : i32
        %dma_wait3A_217 = tpu.memref_slice %arg10[%dma_wait3A_215, %dma_wait3A_216] : memref<10000x128xf32, #tpu.memory_space<vmem_shared>> -> memref<16x128xf32, #tpu.memory_space<vmem_shared>>
        tpu.wait_dma2 semaphore(%run_scoped3A : memref<!tpu.dma_semaphore, #tpu.memory_space<semaphore_mem>>) src(%dma_wait3A_217 : memref<16x128xf32, #tpu.memory_space<vmem_shared>>) dst(%dma_wait3A_214 : memref<16x128xf32, #tpu.memory_space<vmem>>)
        tpu.yield
      }) : () -> ()
      "tpu.region"() ({
        %run_scoped3A = tpu.sem_alloc : memref<!tpu.dma_semaphore, #tpu.memory_space<semaphore_mem>>
        %dma_start3A = arith.constant 0 : i32
        %dma_start3A_196 = arith.constant 0 : i32
        %dma_start3A_197 = tpu.memref_slice %arg7[%dma_start3A, %dma_start3A_196] : memref<128x128xf32, #tpu.memory_space<vmem>> -> memref<16x128xf32, #tpu.memory_space<vmem>>
        %dma_start3A_198 = arith.constant 9984 : i32
        %dma_start3A_199 = arith.constant 0 : i32
        %dma_start3A_200 = tpu.memref_slice %arg3[%dma_start3A_198, %dma_start3A_199] : memref<10000x128xf32, #tpu.memory_space<hbm>> -> memref<16x128xf32, #tpu.memory_space<hbm>>
        %dma_start3A_201 = arith.constant 9984 : i32
        %dma_start3A_202 = arith.constant 0 : i32
        %dma_start3A_203 = tpu.memref_slice %arg3[%dma_start3A_201, %dma_start3A_202] : memref<10000x128xf32, #tpu.memory_space<hbm>> -> memref<16x128xf32, #tpu.memory_space<hbm>>
        %dma_start3A_204 = arith.constant 0 : i32
        %dma_start3A_205 = arith.constant 0 : i32
        %dma_start3A_206 = tpu.memref_slice %arg7[%dma_start3A_204, %dma_start3A_205] : memref<128x128xf32, #tpu.memory_space<vmem>> -> memref<16x128xf32, #tpu.memory_space<vmem>>
        tpu.enqueue_dma source(%dma_start3A_206 : memref<16x128xf32, #tpu.memory_space<vmem>>) target(%dma_start3A_203 : memref<16x128xf32, #tpu.memory_space<hbm>>) target_semaphore(%run_scoped3A : memref<!tpu.dma_semaphore, #tpu.memory_space<semaphore_mem>>)
        %dma_wait3A = arith.constant 0 : i32
        %dma_wait3A_207 = arith.constant 0 : i32
        %dma_wait3A_208 = tpu.memref_slice %arg7[%dma_wait3A, %dma_wait3A_207] : memref<128x128xf32, #tpu.memory_space<vmem>> -> memref<16x128xf32, #tpu.memory_space<vmem>>
        %dma_wait3A_209 = arith.constant 9984 : i32
        %dma_wait3A_210 = arith.constant 0 : i32
        %dma_wait3A_211 = tpu.memref_slice %arg3[%dma_wait3A_209, %dma_wait3A_210] : memref<10000x128xf32, #tpu.memory_space<hbm>> -> memref<16x128xf32, #tpu.memory_space<hbm>>
        %dma_wait3A_212 = arith.constant 9984 : i32
        %dma_wait3A_213 = arith.constant 0 : i32
        %dma_wait3A_214 = tpu.memref_slice %arg3[%dma_wait3A_212, %dma_wait3A_213] : memref<10000x128xf32, #tpu.memory_space<hbm>> -> memref<16x128xf32, #tpu.memory_space<hbm>>
        %dma_wait3A_215 = arith.constant 0 : i32
        %dma_wait3A_216 = arith.constant 0 : i32
        %dma_wait3A_217 = tpu.memref_slice %arg7[%dma_wait3A_215, %dma_wait3A_216] : memref<128x128xf32, #tpu.memory_space<vmem>> -> memref<16x128xf32, #tpu.memory_space<vmem>>
        tpu.wait_dma2 semaphore(%run_scoped3A : memref<!tpu.dma_semaphore, #tpu.memory_space<semaphore_mem>>) src(%dma_wait3A_217 : memref<16x128xf32, #tpu.memory_space<vmem>>) dst(%dma_wait3A_214 : memref<16x128xf32, #tpu.memory_space<hbm>>)
        tpu.yield
      }) : () -> ()
    } else {
    }
    %eq3A_188 = arith.constant 15 : i32
    %eq3A_189 = arith.cmpi eq, %arg1, %eq3A_188 : i32
    %eq3A_190 = arith.constant 1 : i32
    %eq3A_191 = arith.cmpi eq, %arg0, %eq3A_190 : i32
    %and3A_192 = arith.andi %eq3A_189, %eq3A_191 : i1
    %convert_element_type3A_193 = arith.extui %and3A_192 : i1 to i32
    %cond3A_194 = arith.constant 0 : i32
    %cond3A_195 = arith.cmpi ne, %convert_element_type3A_193, %cond3A_194 : i32
    scf.if %cond3A_195 {
      "tpu.region"() ({
        %run_scoped3A = tpu.sem_alloc : memref<!tpu.dma_semaphore, #tpu.memory_space<semaphore_mem>>
        %dma_start3A = arith.constant 0 : i32
        %dma_start3A_196 = arith.constant 0 : i32
        %dma_start3A_197 = tpu.memref_slice %arg7[%dma_start3A, %dma_start3A_196] : memref<128x128xf32, #tpu.memory_space<vmem>> -> memref<16x128xf32, #tpu.memory_space<vmem>>
        %dma_start3A_198 = arith.constant 9984 : i32
        %dma_start3A_199 = arith.constant 0 : i32
        %dma_start3A_200 = tpu.memref_slice %arg10[%dma_start3A_198, %dma_start3A_199] : memref<10000x128xf32, #tpu.memory_space<vmem_shared>> -> memref<16x128xf32, #tpu.memory_space<vmem_shared>>
        %dma_start3A_201 = arith.constant 0 : i32
        %dma_start3A_202 = arith.constant 0 : i32
        %dma_start3A_203 = tpu.memref_slice %arg7[%dma_start3A_201, %dma_start3A_202] : memref<128x128xf32, #tpu.memory_space<vmem>> -> memref<16x128xf32, #tpu.memory_space<vmem>>
        %dma_start3A_204 = arith.constant 9984 : i32
        %dma_start3A_205 = arith.constant 0 : i32
        %dma_start3A_206 = tpu.memref_slice %arg10[%dma_start3A_204, %dma_start3A_205] : memref<10000x128xf32, #tpu.memory_space<vmem_shared>> -> memref<16x128xf32, #tpu.memory_space<vmem_shared>>
        tpu.enqueue_dma source(%dma_start3A_206 : memref<16x128xf32, #tpu.memory_space<vmem_shared>>) target(%dma_start3A_203 : memref<16x128xf32, #tpu.memory_space<vmem>>) target_semaphore(%run_scoped3A : memref<!tpu.dma_semaphore, #tpu.memory_space<semaphore_mem>>)
        %dma_wait3A = arith.constant 0 : i32
        %dma_wait3A_207 = arith.constant 0 : i32
        %dma_wait3A_208 = tpu.memref_slice %arg7[%dma_wait3A, %dma_wait3A_207] : memref<128x128xf32, #tpu.memory_space<vmem>> -> memref<16x128xf32, #tpu.memory_space<vmem>>
        %dma_wait3A_209 = arith.constant 9984 : i32
        %dma_wait3A_210 = arith.constant 0 : i32
        %dma_wait3A_211 = tpu.memref_slice %arg10[%dma_wait3A_209, %dma_wait3A_210] : memref<10000x128xf32, #tpu.memory_space<vmem_shared>> -> memref<16x128xf32, #tpu.memory_space<vmem_shared>>
        %dma_wait3A_212 = arith.constant 0 : i32
        %dma_wait3A_213 = arith.constant 0 : i32
        %dma_wait3A_214 = tpu.memref_slice %arg7[%dma_wait3A_212, %dma_wait3A_213] : memref<128x128xf32, #tpu.memory_space<vmem>> -> memref<16x128xf32, #tpu.memory_space<vmem>>
        %dma_wait3A_215 = arith.constant 9984 : i32
        %dma_wait3A_216 = arith.constant 0 : i32
        %dma_wait3A_217 = tpu.memref_slice %arg10[%dma_wait3A_215, %dma_wait3A_216] : memref<10000x128xf32, #tpu.memory_space<vmem_shared>> -> memref<16x128xf32, #tpu.memory_space<vmem_shared>>
        tpu.wait_dma2 semaphore(%run_scoped3A : memref<!tpu.dma_semaphore, #tpu.memory_space<semaphore_mem>>) src(%dma_wait3A_217 : memref<16x128xf32, #tpu.memory_space<vmem_shared>>) dst(%dma_wait3A_214 : memref<16x128xf32, #tpu.memory_space<vmem>>)
        tpu.yield
      }) : () -> ()
      "tpu.region"() ({
        %run_scoped3A = tpu.sem_alloc : memref<!tpu.dma_semaphore, #tpu.memory_space<semaphore_mem>>
        %dma_start3A = arith.constant 0 : i32
        %dma_start3A_196 = arith.constant 0 : i32
        %dma_start3A_197 = tpu.memref_slice %arg7[%dma_start3A, %dma_start3A_196] : memref<128x128xf32, #tpu.memory_space<vmem>> -> memref<16x128xf32, #tpu.memory_space<vmem>>
        %dma_start3A_198 = arith.constant 9984 : i32
        %dma_start3A_199 = arith.constant 0 : i32
        %dma_start3A_200 = tpu.memref_slice %arg4[%dma_start3A_198, %dma_start3A_199] : memref<10000x128xf32, #tpu.memory_space<hbm>> -> memref<16x128xf32, #tpu.memory_space<hbm>>
        %dma_start3A_201 = arith.constant 9984 : i32
        %dma_start3A_202 = arith.constant 0 : i32
        %dma_start3A_203 = tpu.memref_slice %arg4[%dma_start3A_201, %dma_start3A_202] : memref<10000x128xf32, #tpu.memory_space<hbm>> -> memref<16x128xf32, #tpu.memory_space<hbm>>
        %dma_start3A_204 = arith.constant 0 : i32
        %dma_start3A_205 = arith.constant 0 : i32
        %dma_start3A_206 = tpu.memref_slice %arg7[%dma_start3A_204, %dma_start3A_205] : memref<128x128xf32, #tpu.memory_space<vmem>> -> memref<16x128xf32, #tpu.memory_space<vmem>>
        tpu.enqueue_dma source(%dma_start3A_206 : memref<16x128xf32, #tpu.memory_space<vmem>>) target(%dma_start3A_203 : memref<16x128xf32, #tpu.memory_space<hbm>>) target_semaphore(%run_scoped3A : memref<!tpu.dma_semaphore, #tpu.memory_space<semaphore_mem>>)
        %dma_wait3A = arith.constant 0 : i32
        %dma_wait3A_207 = arith.constant 0 : i32
        %dma_wait3A_208 = tpu.memref_slice %arg7[%dma_wait3A, %dma_wait3A_207] : memref<128x128xf32, #tpu.memory_space<vmem>> -> memref<16x128xf32, #tpu.memory_space<vmem>>
        %dma_wait3A_209 = arith.constant 9984 : i32
        %dma_wait3A_210 = arith.constant 0 : i32
        %dma_wait3A_211 = tpu.memref_slice %arg4[%dma_wait3A_209, %dma_wait3A_210] : memref<10000x128xf32, #tpu.memory_space<hbm>> -> memref<16x128xf32, #tpu.memory_space<hbm>>
        %dma_wait3A_212 = arith.constant 9984 : i32
        %dma_wait3A_213 = arith.constant 0 : i32
        %dma_wait3A_214 = tpu.memref_slice %arg4[%dma_wait3A_212, %dma_wait3A_213] : memref<10000x128xf32, #tpu.memory_space<hbm>> -> memref<16x128xf32, #tpu.memory_space<hbm>>
        %dma_wait3A_215 = arith.constant 0 : i32
        %dma_wait3A_216 = arith.constant 0 : i32
        %dma_wait3A_217 = tpu.memref_slice %arg7[%dma_wait3A_215, %dma_wait3A_216] : memref<128x128xf32, #tpu.memory_space<vmem>> -> memref<16x128xf32, #tpu.memory_space<vmem>>
        tpu.wait_dma2 semaphore(%run_scoped3A : memref<!tpu.dma_semaphore, #tpu.memory_space<semaphore_mem>>) src(%dma_wait3A_217 : memref<16x128xf32, #tpu.memory_space<vmem>>) dst(%dma_wait3A_214 : memref<16x128xf32, #tpu.memory_space<hbm>>)
        tpu.yield
      }) : () -> ()
    } else {
    }
    return
  }
}

#map = affine_map<(d0, d1) -> (0, 0)>
#map1 = affine_map<(d0, d1) -> (0)>
module attributes {stable_mosaic.version = 14 : i64} {
  func.func @_edge_body(%arg0: i32, %arg1: i32, %arg2: memref<40000x128xf32, #tpu.memory_space<hbm>>, %arg3: memref<160000xi32, #tpu.memory_space<hbm>>, %arg4: memref<160000xi32, #tpu.memory_space<hbm>>, %arg5: memref<10000x128xf32, #tpu.memory_space<hbm>>, %arg6: memref<10000x128xf32, #tpu.memory_space<hbm>>, %arg7: memref<128xi32, #tpu.memory_space<vmem>>, %arg8: memref<128xi32, #tpu.memory_space<vmem>>, %arg9: memref<128xi32, #tpu.memory_space<vmem>>, %arg10: memref<128xi32, #tpu.memory_space<vmem>>, %arg11: memref<128xi32, #tpu.memory_space<vmem>>, %arg12: memref<128xi32, #tpu.memory_space<vmem>>, %arg13: memref<128xi32, #tpu.memory_space<vmem>>, %arg14: memref<128xi32, #tpu.memory_space<vmem>>, %arg15: memref<128xi32, #tpu.memory_space<vmem>>, %arg16: memref<128x128xf32, #tpu.memory_space<vmem>>, %arg17: memref<128x128xf32, #tpu.memory_space<vmem>>, %arg18: memref<128x128xf32, #tpu.memory_space<vmem>>, %arg19: memref<!tpu.dma_semaphore, #tpu.memory_space<semaphore_mem>>, %arg20: memref<!tpu.dma_semaphore, #tpu.memory_space<semaphore_mem>>, %arg21: memref<!tpu.dma_semaphore, #tpu.memory_space<semaphore_mem>>, %arg22: memref<!tpu.dma_semaphore, #tpu.memory_space<semaphore_mem>>, %arg23: memref<!tpu.dma_semaphore, #tpu.memory_space<semaphore_mem>>, %arg24: memref<!tpu.dma_semaphore, #tpu.memory_space<semaphore_mem>>, %arg25: memref<!tpu.dma_semaphore, #tpu.memory_space<semaphore_mem>>, %arg26: memref<!tpu.dma_semaphore, #tpu.memory_space<semaphore_mem>>, %arg27: memref<!tpu.dma_semaphore, #tpu.memory_space<semaphore_mem>>, %arg28: memref<10000x128xf32, #tpu.memory_space<vmem_shared>>) attributes {dimension_semantics = [#tpu.dimension_semantics<core_parallel>, #tpu.dimension_semantics<subcore_parallel>], iteration_bounds = array<i64: 2, 16>, scalar_prefetch = 0 : i64, scratch_operands = 22 : i64, tpu.core_type = #tpu.core_type<sc_vector_subcore>, window_params = [{transform_indices = #map}, {transform_indices = #map1}, {transform_indices = #map1}, {transform_indices = #map}, {transform_indices = #map}]} {
    %broadcast_in_dim3A = arith.constant 0.000000e+00 : f32
    %broadcast_in_dim3A_0 = vector.broadcast %broadcast_in_dim3A : f32 to vector<16xf32>
    %scan3A = arith.constant 0 : i32
    %scan3A_1 = arith.constant 0 : i32
    %scan3A_2 = arith.constant 128 : i32
    %scan3A_3 = arith.addi %scan3A_1, %scan3A_2 : i32
    %scan3A_4 = arith.constant 1 : i32
    scf.for %scan3A_193 = %scan3A_1 to %scan3A_3 step %scan3A_4  : i32 {
      %swap3A = arith.index_cast %scan3A_193 : i32 to index
      %swap3A_194 = arith.constant 0 : index
      %swap3A_195 = tpu.vector_load %arg16[%swap3A, %swap3A_194] {strides = array<i32>} : memref<128x128xf32, #tpu.memory_space<vmem>>, vector<1x16xf32>,
      %swap3A_196 = vector.shape_cast %swap3A_195 : vector<1x16xf32> to vector<16xf32>
      %swap3A_197 = vector.shape_cast %broadcast_in_dim3A_0 : vector<16xf32> to vector<1x16xf32>
      tpu.vector_store %arg16[%swap3A, %swap3A_194], %swap3A_197 {strides = array<i32>} : memref<128x128xf32, #tpu.memory_space<vmem>>, vector<1x16xf32>,
      %swap3A_198 = arith.index_cast %scan3A_193 : i32 to index
      %swap3A_199 = arith.constant 16 : index
      %swap3A_200 = tpu.vector_load %arg16[%swap3A_198, %swap3A_199] {strides = array<i32>} : memref<128x128xf32, #tpu.memory_space<vmem>>, vector<1x16xf32>,
      %swap3A_201 = vector.shape_cast %swap3A_200 : vector<1x16xf32> to vector<16xf32>
      %swap3A_202 = vector.shape_cast %broadcast_in_dim3A_0 : vector<16xf32> to vector<1x16xf32>
      tpu.vector_store %arg16[%swap3A_198, %swap3A_199], %swap3A_202 {strides = array<i32>} : memref<128x128xf32, #tpu.memory_space<vmem>>, vector<1x16xf32>,
      %swap3A_203 = arith.index_cast %scan3A_193 : i32 to index
      %swap3A_204 = arith.constant 32 : index
      %swap3A_205 = tpu.vector_load %arg16[%swap3A_203, %swap3A_204] {strides = array<i32>} : memref<128x128xf32, #tpu.memory_space<vmem>>, vector<1x16xf32>,
      %swap3A_206 = vector.shape_cast %swap3A_205 : vector<1x16xf32> to vector<16xf32>
      %swap3A_207 = vector.shape_cast %broadcast_in_dim3A_0 : vector<16xf32> to vector<1x16xf32>
      tpu.vector_store %arg16[%swap3A_203, %swap3A_204], %swap3A_207 {strides = array<i32>} : memref<128x128xf32, #tpu.memory_space<vmem>>, vector<1x16xf32>,
      %swap3A_208 = arith.index_cast %scan3A_193 : i32 to index
      %swap3A_209 = arith.constant 48 : index
      %swap3A_210 = tpu.vector_load %arg16[%swap3A_208, %swap3A_209] {strides = array<i32>} : memref<128x128xf32, #tpu.memory_space<vmem>>, vector<1x16xf32>,
      %swap3A_211 = vector.shape_cast %swap3A_210 : vector<1x16xf32> to vector<16xf32>
      %swap3A_212 = vector.shape_cast %broadcast_in_dim3A_0 : vector<16xf32> to vector<1x16xf32>
      tpu.vector_store %arg16[%swap3A_208, %swap3A_209], %swap3A_212 {strides = array<i32>} : memref<128x128xf32, #tpu.memory_space<vmem>>, vector<1x16xf32>,
      %swap3A_213 = arith.index_cast %scan3A_193 : i32 to index
      %swap3A_214 = arith.constant 64 : index
      %swap3A_215 = tpu.vector_load %arg16[%swap3A_213, %swap3A_214] {strides = array<i32>} : memref<128x128xf32, #tpu.memory_space<vmem>>, vector<1x16xf32>,
      %swap3A_216 = vector.shape_cast %swap3A_215 : vector<1x16xf32> to vector<16xf32>
      %swap3A_217 = vector.shape_cast %broadcast_in_dim3A_0 : vector<16xf32> to vector<1x16xf32>
      tpu.vector_store %arg16[%swap3A_213, %swap3A_214], %swap3A_217 {strides = array<i32>} : memref<128x128xf32, #tpu.memory_space<vmem>>, vector<1x16xf32>,
      %swap3A_218 = arith.index_cast %scan3A_193 : i32 to index
      %swap3A_219 = arith.constant 80 : index
      %swap3A_220 = tpu.vector_load %arg16[%swap3A_218, %swap3A_219] {strides = array<i32>} : memref<128x128xf32, #tpu.memory_space<vmem>>, vector<1x16xf32>,
      %swap3A_221 = vector.shape_cast %swap3A_220 : vector<1x16xf32> to vector<16xf32>
      %swap3A_222 = vector.shape_cast %broadcast_in_dim3A_0 : vector<16xf32> to vector<1x16xf32>
      tpu.vector_store %arg16[%swap3A_218, %swap3A_219], %swap3A_222 {strides = array<i32>} : memref<128x128xf32, #tpu.memory_space<vmem>>, vector<1x16xf32>,
      %swap3A_223 = arith.index_cast %scan3A_193 : i32 to index
      %swap3A_224 = arith.constant 96 : index
      %swap3A_225 = tpu.vector_load %arg16[%swap3A_223, %swap3A_224] {strides = array<i32>} : memref<128x128xf32, #tpu.memory_space<vmem>>, vector<1x16xf32>,
      %swap3A_226 = vector.shape_cast %swap3A_225 : vector<1x16xf32> to vector<16xf32>
      %swap3A_227 = vector.shape_cast %broadcast_in_dim3A_0 : vector<16xf32> to vector<1x16xf32>
      tpu.vector_store %arg16[%swap3A_223, %swap3A_224], %swap3A_227 {strides = array<i32>} : memref<128x128xf32, #tpu.memory_space<vmem>>, vector<1x16xf32>,
      %swap3A_228 = arith.index_cast %scan3A_193 : i32 to index
      %swap3A_229 = arith.constant 112 : index
      %swap3A_230 = tpu.vector_load %arg16[%swap3A_228, %swap3A_229] {strides = array<i32>} : memref<128x128xf32, #tpu.memory_space<vmem>>, vector<1x16xf32>,
      %swap3A_231 = vector.shape_cast %swap3A_230 : vector<1x16xf32> to vector<16xf32>
      %swap3A_232 = vector.shape_cast %broadcast_in_dim3A_0 : vector<16xf32> to vector<1x16xf32>
      tpu.vector_store %arg16[%swap3A_228, %swap3A_229], %swap3A_232 {strides = array<i32>} : memref<128x128xf32, #tpu.memory_space<vmem>>, vector<1x16xf32>,
    }
    %scan3A_5 = arith.constant 128 : i32
    %add3A = arith.constant 0 : i32
    %add3A_6 = arith.addi %arg1, %add3A : i32
    %lt3A = arith.constant 78 : i32
    %lt3A_7 = arith.cmpi slt, %add3A_6, %lt3A : i32
    %convert_element_type3A = arith.extui %lt3A_7 : i1 to i32
    %cond3A = arith.constant 0 : i32
    %cond3A_8 = arith.cmpi ne, %convert_element_type3A, %cond3A : i32
    scf.if %cond3A_8 {
      %mul3A_193 = arith.constant 128 : i32
      %mul3A_194 = arith.muli %add3A_6, %mul3A_193 : i32
      "tpu.region"() ({
        %run_scoped3A = tpu.sem_alloc : memref<!tpu.dma_semaphore, #tpu.memory_space<semaphore_mem>>
        %dma_start3A = arith.constant 0 : i32
        %dma_start3A_195 = tpu.memref_slice %arg28[%mul3A_194, %dma_start3A] : memref<10000x128xf32, #tpu.memory_space<vmem_shared>> -> memref<128x128xf32, #tpu.memory_space<vmem_shared>>
        %dma_start3A_196 = arith.constant 0 : i32
        %dma_start3A_197 = tpu.memref_slice %arg28[%mul3A_194, %dma_start3A_196] : memref<10000x128xf32, #tpu.memory_space<vmem_shared>> -> memref<128x128xf32, #tpu.memory_space<vmem_shared>>
        tpu.enqueue_dma source(%arg16 : memref<128x128xf32, #tpu.memory_space<vmem>>) target(%dma_start3A_197 : memref<128x128xf32, #tpu.memory_space<vmem_shared>>) target_semaphore(%run_scoped3A : memref<!tpu.dma_semaphore, #tpu.memory_space<semaphore_mem>>)
        %dma_wait3A = arith.constant 0 : i32
        %dma_wait3A_198 = tpu.memref_slice %arg28[%mul3A_194, %dma_wait3A] : memref<10000x128xf32, #tpu.memory_space<vmem_shared>> -> memref<128x128xf32, #tpu.memory_space<vmem_shared>>
        %dma_wait3A_199 = arith.constant 0 : i32
        %dma_wait3A_200 = tpu.memref_slice %arg28[%mul3A_194, %dma_wait3A_199] : memref<10000x128xf32, #tpu.memory_space<vmem_shared>> -> memref<128x128xf32, #tpu.memory_space<vmem_shared>>
        tpu.wait_dma2 semaphore(%run_scoped3A : memref<!tpu.dma_semaphore, #tpu.memory_space<semaphore_mem>>) src(%arg16 : memref<128x128xf32, #tpu.memory_space<vmem>>) dst(%dma_wait3A_200 : memref<128x128xf32, #tpu.memory_space<vmem_shared>>)
        tpu.yield
      }) : () -> ()
    } else {
    }
    %add3A_9 = arith.constant 16 : i32
    %add3A_10 = arith.addi %arg1, %add3A_9 : i32
    %lt3A_11 = arith.constant 78 : i32
    %lt3A_12 = arith.cmpi slt, %add3A_10, %lt3A_11 : i32
    %convert_element_type3A_13 = arith.extui %lt3A_12 : i1 to i32
    %cond3A_14 = arith.constant 0 : i32
    %cond3A_15 = arith.cmpi ne, %convert_element_type3A_13, %cond3A_14 : i32
    scf.if %cond3A_15 {
      %mul3A_193 = arith.constant 128 : i32
      %mul3A_194 = arith.muli %add3A_10, %mul3A_193 : i32
      "tpu.region"() ({
        %run_scoped3A = tpu.sem_alloc : memref<!tpu.dma_semaphore, #tpu.memory_space<semaphore_mem>>
        %dma_start3A = arith.constant 0 : i32
        %dma_start3A_195 = tpu.memref_slice %arg28[%mul3A_194, %dma_start3A] : memref<10000x128xf32, #tpu.memory_space<vmem_shared>> -> memref<128x128xf32, #tpu.memory_space<vmem_shared>>
        %dma_start3A_196 = arith.constant 0 : i32
        %dma_start3A_197 = tpu.memref_slice %arg28[%mul3A_194, %dma_start3A_196] : memref<10000x128xf32, #tpu.memory_space<vmem_shared>> -> memref<128x128xf32, #tpu.memory_space<vmem_shared>>
        tpu.enqueue_dma source(%arg16 : memref<128x128xf32, #tpu.memory_space<vmem>>) target(%dma_start3A_197 : memref<128x128xf32, #tpu.memory_space<vmem_shared>>) target_semaphore(%run_scoped3A : memref<!tpu.dma_semaphore, #tpu.memory_space<semaphore_mem>>)
        %dma_wait3A = arith.constant 0 : i32
        %dma_wait3A_198 = tpu.memref_slice %arg28[%mul3A_194, %dma_wait3A] : memref<10000x128xf32, #tpu.memory_space<vmem_shared>> -> memref<128x128xf32, #tpu.memory_space<vmem_shared>>
        %dma_wait3A_199 = arith.constant 0 : i32
        %dma_wait3A_200 = tpu.memref_slice %arg28[%mul3A_194, %dma_wait3A_199] : memref<10000x128xf32, #tpu.memory_space<vmem_shared>> -> memref<128x128xf32, #tpu.memory_space<vmem_shared>>
        tpu.wait_dma2 semaphore(%run_scoped3A : memref<!tpu.dma_semaphore, #tpu.memory_space<semaphore_mem>>) src(%arg16 : memref<128x128xf32, #tpu.memory_space<vmem>>) dst(%dma_wait3A_200 : memref<128x128xf32, #tpu.memory_space<vmem_shared>>)
        tpu.yield
      }) : () -> ()
    } else {
    }
    %add3A_16 = arith.constant 32 : i32
    %add3A_17 = arith.addi %arg1, %add3A_16 : i32
    %lt3A_18 = arith.constant 78 : i32
    %lt3A_19 = arith.cmpi slt, %add3A_17, %lt3A_18 : i32
    %convert_element_type3A_20 = arith.extui %lt3A_19 : i1 to i32
    %cond3A_21 = arith.constant 0 : i32
    %cond3A_22 = arith.cmpi ne, %convert_element_type3A_20, %cond3A_21 : i32
    scf.if %cond3A_22 {
      %mul3A_193 = arith.constant 128 : i32
      %mul3A_194 = arith.muli %add3A_17, %mul3A_193 : i32
      "tpu.region"() ({
        %run_scoped3A = tpu.sem_alloc : memref<!tpu.dma_semaphore, #tpu.memory_space<semaphore_mem>>
        %dma_start3A = arith.constant 0 : i32
        %dma_start3A_195 = tpu.memref_slice %arg28[%mul3A_194, %dma_start3A] : memref<10000x128xf32, #tpu.memory_space<vmem_shared>> -> memref<128x128xf32, #tpu.memory_space<vmem_shared>>
        %dma_start3A_196 = arith.constant 0 : i32
        %dma_start3A_197 = tpu.memref_slice %arg28[%mul3A_194, %dma_start3A_196] : memref<10000x128xf32, #tpu.memory_space<vmem_shared>> -> memref<128x128xf32, #tpu.memory_space<vmem_shared>>
        tpu.enqueue_dma source(%arg16 : memref<128x128xf32, #tpu.memory_space<vmem>>) target(%dma_start3A_197 : memref<128x128xf32, #tpu.memory_space<vmem_shared>>) target_semaphore(%run_scoped3A : memref<!tpu.dma_semaphore, #tpu.memory_space<semaphore_mem>>)
        %dma_wait3A = arith.constant 0 : i32
        %dma_wait3A_198 = tpu.memref_slice %arg28[%mul3A_194, %dma_wait3A] : memref<10000x128xf32, #tpu.memory_space<vmem_shared>> -> memref<128x128xf32, #tpu.memory_space<vmem_shared>>
        %dma_wait3A_199 = arith.constant 0 : i32
        %dma_wait3A_200 = tpu.memref_slice %arg28[%mul3A_194, %dma_wait3A_199] : memref<10000x128xf32, #tpu.memory_space<vmem_shared>> -> memref<128x128xf32, #tpu.memory_space<vmem_shared>>
        tpu.wait_dma2 semaphore(%run_scoped3A : memref<!tpu.dma_semaphore, #tpu.memory_space<semaphore_mem>>) src(%arg16 : memref<128x128xf32, #tpu.memory_space<vmem>>) dst(%dma_wait3A_200 : memref<128x128xf32, #tpu.memory_space<vmem_shared>>)
        tpu.yield
      }) : () -> ()
    } else {
    }
    %add3A_23 = arith.constant 48 : i32
    %add3A_24 = arith.addi %arg1, %add3A_23 : i32
    %lt3A_25 = arith.constant 78 : i32
    %lt3A_26 = arith.cmpi slt, %add3A_24, %lt3A_25 : i32
    %convert_element_type3A_27 = arith.extui %lt3A_26 : i1 to i32
    %cond3A_28 = arith.constant 0 : i32
    %cond3A_29 = arith.cmpi ne, %convert_element_type3A_27, %cond3A_28 : i32
    scf.if %cond3A_29 {
      %mul3A_193 = arith.constant 128 : i32
      %mul3A_194 = arith.muli %add3A_24, %mul3A_193 : i32
      "tpu.region"() ({
        %run_scoped3A = tpu.sem_alloc : memref<!tpu.dma_semaphore, #tpu.memory_space<semaphore_mem>>
        %dma_start3A = arith.constant 0 : i32
        %dma_start3A_195 = tpu.memref_slice %arg28[%mul3A_194, %dma_start3A] : memref<10000x128xf32, #tpu.memory_space<vmem_shared>> -> memref<128x128xf32, #tpu.memory_space<vmem_shared>>
        %dma_start3A_196 = arith.constant 0 : i32
        %dma_start3A_197 = tpu.memref_slice %arg28[%mul3A_194, %dma_start3A_196] : memref<10000x128xf32, #tpu.memory_space<vmem_shared>> -> memref<128x128xf32, #tpu.memory_space<vmem_shared>>
        tpu.enqueue_dma source(%arg16 : memref<128x128xf32, #tpu.memory_space<vmem>>) target(%dma_start3A_197 : memref<128x128xf32, #tpu.memory_space<vmem_shared>>) target_semaphore(%run_scoped3A : memref<!tpu.dma_semaphore, #tpu.memory_space<semaphore_mem>>)
        %dma_wait3A = arith.constant 0 : i32
        %dma_wait3A_198 = tpu.memref_slice %arg28[%mul3A_194, %dma_wait3A] : memref<10000x128xf32, #tpu.memory_space<vmem_shared>> -> memref<128x128xf32, #tpu.memory_space<vmem_shared>>
        %dma_wait3A_199 = arith.constant 0 : i32
        %dma_wait3A_200 = tpu.memref_slice %arg28[%mul3A_194, %dma_wait3A_199] : memref<10000x128xf32, #tpu.memory_space<vmem_shared>> -> memref<128x128xf32, #tpu.memory_space<vmem_shared>>
        tpu.wait_dma2 semaphore(%run_scoped3A : memref<!tpu.dma_semaphore, #tpu.memory_space<semaphore_mem>>) src(%arg16 : memref<128x128xf32, #tpu.memory_space<vmem>>) dst(%dma_wait3A_200 : memref<128x128xf32, #tpu.memory_space<vmem_shared>>)
        tpu.yield
      }) : () -> ()
    } else {
    }
    %add3A_30 = arith.constant 64 : i32
    %add3A_31 = arith.addi %arg1, %add3A_30 : i32
    %lt3A_32 = arith.constant 78 : i32
    %lt3A_33 = arith.cmpi slt, %add3A_31, %lt3A_32 : i32
    %convert_element_type3A_34 = arith.extui %lt3A_33 : i1 to i32
    %cond3A_35 = arith.constant 0 : i32
    %cond3A_36 = arith.cmpi ne, %convert_element_type3A_34, %cond3A_35 : i32
    scf.if %cond3A_36 {
      %mul3A_193 = arith.constant 128 : i32
      %mul3A_194 = arith.muli %add3A_31, %mul3A_193 : i32
      "tpu.region"() ({
        %run_scoped3A = tpu.sem_alloc : memref<!tpu.dma_semaphore, #tpu.memory_space<semaphore_mem>>
        %dma_start3A = arith.constant 0 : i32
        %dma_start3A_195 = tpu.memref_slice %arg28[%mul3A_194, %dma_start3A] : memref<10000x128xf32, #tpu.memory_space<vmem_shared>> -> memref<128x128xf32, #tpu.memory_space<vmem_shared>>
        %dma_start3A_196 = arith.constant 0 : i32
        %dma_start3A_197 = tpu.memref_slice %arg28[%mul3A_194, %dma_start3A_196] : memref<10000x128xf32, #tpu.memory_space<vmem_shared>> -> memref<128x128xf32, #tpu.memory_space<vmem_shared>>
        tpu.enqueue_dma source(%arg16 : memref<128x128xf32, #tpu.memory_space<vmem>>) target(%dma_start3A_197 : memref<128x128xf32, #tpu.memory_space<vmem_shared>>) target_semaphore(%run_scoped3A : memref<!tpu.dma_semaphore, #tpu.memory_space<semaphore_mem>>)
        %dma_wait3A = arith.constant 0 : i32
        %dma_wait3A_198 = tpu.memref_slice %arg28[%mul3A_194, %dma_wait3A] : memref<10000x128xf32, #tpu.memory_space<vmem_shared>> -> memref<128x128xf32, #tpu.memory_space<vmem_shared>>
        %dma_wait3A_199 = arith.constant 0 : i32
        %dma_wait3A_200 = tpu.memref_slice %arg28[%mul3A_194, %dma_wait3A_199] : memref<10000x128xf32, #tpu.memory_space<vmem_shared>> -> memref<128x128xf32, #tpu.memory_space<vmem_shared>>
        tpu.wait_dma2 semaphore(%run_scoped3A : memref<!tpu.dma_semaphore, #tpu.memory_space<semaphore_mem>>) src(%arg16 : memref<128x128xf32, #tpu.memory_space<vmem>>) dst(%dma_wait3A_200 : memref<128x128xf32, #tpu.memory_space<vmem_shared>>)
        tpu.yield
      }) : () -> ()
    } else {
    }
    %eq3A = arith.constant 15 : i32
    %eq3A_37 = arith.cmpi eq, %arg1, %eq3A : i32
    %convert_element_type3A_38 = arith.extui %eq3A_37 : i1 to i32
    %cond3A_39 = arith.constant 0 : i32
    %cond3A_40 = arith.cmpi ne, %convert_element_type3A_38, %cond3A_39 : i32
    scf.if %cond3A_40 {
      "tpu.region"() ({
        %run_scoped3A = tpu.sem_alloc : memref<!tpu.dma_semaphore, #tpu.memory_space<semaphore_mem>>
        %dma_start3A = arith.constant 0 : i32
        %dma_start3A_193 = arith.constant 0 : i32
        %dma_start3A_194 = tpu.memref_slice %arg16[%dma_start3A, %dma_start3A_193] : memref<128x128xf32, #tpu.memory_space<vmem>> -> memref<16x128xf32, #tpu.memory_space<vmem>>
        %dma_start3A_195 = arith.constant 9984 : i32
        %dma_start3A_196 = arith.constant 0 : i32
        %dma_start3A_197 = tpu.memref_slice %arg28[%dma_start3A_195, %dma_start3A_196] : memref<10000x128xf32, #tpu.memory_space<vmem_shared>> -> memref<16x128xf32, #tpu.memory_space<vmem_shared>>
        %dma_start3A_198 = arith.constant 9984 : i32
        %dma_start3A_199 = arith.constant 0 : i32
        %dma_start3A_200 = tpu.memref_slice %arg28[%dma_start3A_198, %dma_start3A_199] : memref<10000x128xf32, #tpu.memory_space<vmem_shared>> -> memref<16x128xf32, #tpu.memory_space<vmem_shared>>
        %dma_start3A_201 = arith.constant 0 : i32
        %dma_start3A_202 = arith.constant 0 : i32
        %dma_start3A_203 = tpu.memref_slice %arg16[%dma_start3A_201, %dma_start3A_202] : memref<128x128xf32, #tpu.memory_space<vmem>> -> memref<16x128xf32, #tpu.memory_space<vmem>>
        tpu.enqueue_dma source(%dma_start3A_203 : memref<16x128xf32, #tpu.memory_space<vmem>>) target(%dma_start3A_200 : memref<16x128xf32, #tpu.memory_space<vmem_shared>>) target_semaphore(%run_scoped3A : memref<!tpu.dma_semaphore, #tpu.memory_space<semaphore_mem>>)
        %dma_wait3A = arith.constant 0 : i32
        %dma_wait3A_204 = arith.constant 0 : i32
        %dma_wait3A_205 = tpu.memref_slice %arg16[%dma_wait3A, %dma_wait3A_204] : memref<128x128xf32, #tpu.memory_space<vmem>> -> memref<16x128xf32, #tpu.memory_space<vmem>>
        %dma_wait3A_206 = arith.constant 9984 : i32
        %dma_wait3A_207 = arith.constant 0 : i32
        %dma_wait3A_208 = tpu.memref_slice %arg28[%dma_wait3A_206, %dma_wait3A_207] : memref<10000x128xf32, #tpu.memory_space<vmem_shared>> -> memref<16x128xf32, #tpu.memory_space<vmem_shared>>
        %dma_wait3A_209 = arith.constant 9984 : i32
        %dma_wait3A_210 = arith.constant 0 : i32
        %dma_wait3A_211 = tpu.memref_slice %arg28[%dma_wait3A_209, %dma_wait3A_210] : memref<10000x128xf32, #tpu.memory_space<vmem_shared>> -> memref<16x128xf32, #tpu.memory_space<vmem_shared>>
        %dma_wait3A_212 = arith.constant 0 : i32
        %dma_wait3A_213 = arith.constant 0 : i32
        %dma_wait3A_214 = tpu.memref_slice %arg16[%dma_wait3A_212, %dma_wait3A_213] : memref<128x128xf32, #tpu.memory_space<vmem>> -> memref<16x128xf32, #tpu.memory_space<vmem>>
        tpu.wait_dma2 semaphore(%run_scoped3A : memref<!tpu.dma_semaphore, #tpu.memory_space<semaphore_mem>>) src(%dma_wait3A_214 : memref<16x128xf32, #tpu.memory_space<vmem>>) dst(%dma_wait3A_211 : memref<16x128xf32, #tpu.memory_space<vmem_shared>>)
        tpu.yield
      }) : () -> ()
    } else {
    }
    %barrier3A = arith.constant 0 : index
    tpu.barrier barrier_id(%barrier3A)
    %mul3A = arith.constant 10000 : i32
    %mul3A_41 = arith.muli %arg0, %mul3A : i32
    %broadcast_in_dim3A_42 = vector.broadcast %mul3A_41 : i32 to vector<16xi32>
    %mul3A_43 = arith.constant 10000 : i32
    %mul3A_44 = arith.muli %arg0, %mul3A_43 : i32
    %add3A_45 = arith.constant 20000 : i32
    %add3A_46 = arith.addi %add3A_45, %mul3A_44 : i32
    %broadcast_in_dim3A_47 = vector.broadcast %add3A_46 : i32 to vector<16xi32>
    %sub3A = arith.constant 1250 : i32
    %sub3A_48 = arith.subi %sub3A, %arg1 : i32
    %add3A_49 = arith.constant 16 : i32
    %add3A_50 = arith.addi %sub3A_48, %add3A_49 : i32
    %sub3A_51 = arith.constant 1 : i32
    %sub3A_52 = arith.subi %add3A_50, %sub3A_51 : i32
    %jit3A = arith.constant 16 : i32
    %div3A = arith.divsi %sub3A_52, %jit3A : i32
    %sign3A = arith.constant 0 : i32
    %sign3A_53 = arith.cmpi sgt, %sub3A_52, %sign3A : i32
    %sign3A_54 = arith.extui %sign3A_53 : i1 to i32
    %sign3A_55 = arith.constant 0 : i32
    %sign3A_56 = arith.cmpi slt, %sub3A_52, %sign3A_55 : i32
    %sign3A_57 = arith.extui %sign3A_56 : i1 to i32
    %sign3A_58 = arith.subi %sign3A_54, %sign3A_57 : i32
    %sign3A_59 = arith.constant 0 : i32
    %sign3A_60 = arith.cmpi sgt, %jit3A, %sign3A_59 : i32
    %sign3A_61 = arith.extui %sign3A_60 : i1 to i32
    %sign3A_62 = arith.constant 0 : i32
    %sign3A_63 = arith.cmpi slt, %jit3A, %sign3A_62 : i32
    %sign3A_64 = arith.extui %sign3A_63 : i1 to i32
    %sign3A_65 = arith.subi %sign3A_61, %sign3A_64 : i32
    %ne3A = arith.cmpi ne, %sign3A_58, %sign3A_65 : i32
    %rem3A = arith.remsi %sub3A_52, %jit3A : i32
    %ne3A_66 = arith.constant 0 : i32
    %ne3A_67 = arith.cmpi ne, %rem3A, %ne3A_66 : i32
    %and3A = arith.andi %ne3A, %ne3A_67 : i1
    %sub3A_68 = arith.constant 1 : i32
    %sub3A_69 = arith.subi %div3A, %sub3A_68 : i32
    %select_n3A = arith.select %and3A, %sub3A_69, %div3A : i32
    %scan3A_70 = arith.constant 0 : i32
    %scan3A_71 = arith.constant 0 : i32
    %scan3A_72 = arith.constant 28 : i32
    %scan3A_73 = arith.addi %scan3A_71, %scan3A_72 : i32
    %scan3A_74 = arith.constant 1 : i32
    scf.for %scan3A_193 = %scan3A_71 to %scan3A_73 step %scan3A_74  : i32 {
      %mul3A_194 = arith.constant 3 : i32
      %mul3A_195 = arith.muli %scan3A_193, %mul3A_194 : i32
      %add3A_196 = arith.constant 0 : i32
      %add3A_197 = arith.addi %mul3A_195, %add3A_196 : i32
      %sub3A_198 = arith.constant 3 : i32
      %sub3A_199 = arith.subi %add3A_197, %sub3A_198 : i32
      %ge3A = arith.constant 0 : i32
      %ge3A_200 = arith.cmpi sge, %sub3A_199, %ge3A : i32
      %lt3A_201 = arith.cmpi slt, %sub3A_199, %select_n3A : i32
      %and3A_202 = arith.andi %ge3A_200, %lt3A_201 : i1
      %convert_element_type3A_203 = arith.extui %and3A_202 : i1 to i32
      %cond3A_204 = arith.constant 0 : i32
      %cond3A_205 = arith.cmpi ne, %convert_element_type3A_203, %cond3A_204 : i32
      scf.if %cond3A_205 {
        %dma_wait3A = arith.constant 0 : i32
        %dma_wait3A_307 = arith.constant 0 : i32
        %dma_wait3A_308 = tpu.memref_slice %arg28[%dma_wait3A, %dma_wait3A_307] : memref<10000x128xf32, #tpu.memory_space<vmem_shared>> -> memref<10000x128xf32, #tpu.memory_space<vmem_shared>>
        tpu.wait_indirect_dma semaphore(%arg25 : memref<!tpu.dma_semaphore, #tpu.memory_space<semaphore_mem>>) src(%arg16 : memref<128x128xf32, #tpu.memory_space<vmem>>) dst(%dma_wait3A_308 : memref<10000x128xf32, #tpu.memory_space<vmem_shared>>)
      } else {
      }
      %ge3A_206 = arith.constant 0 : i32
      %ge3A_207 = arith.cmpi sge, %add3A_197, %ge3A_206 : i32
      %lt3A_208 = arith.cmpi slt, %add3A_197, %select_n3A : i32
      %and3A_209 = arith.andi %ge3A_207, %lt3A_208 : i1
      %convert_element_type3A_210 = arith.extui %and3A_209 : i1 to i32
      %cond3A_211 = arith.constant 0 : i32
      %cond3A_212 = arith.cmpi ne, %convert_element_type3A_210, %cond3A_211 : i32
      scf.if %cond3A_212 {
        %mul3A_307 = arith.constant 16 : i32
        %mul3A_308 = arith.muli %add3A_197, %mul3A_307 : i32
        %add3A_309 = arith.addi %arg1, %mul3A_308 : i32
        %mul3A_310 = arith.constant 128 : i32
        %mul3A_311 = arith.muli %add3A_309, %mul3A_310 : i32
        "tpu.region"() ({
          %run_scoped3A = tpu.sem_alloc : memref<!tpu.dma_semaphore, #tpu.memory_space<semaphore_mem>>
          %dma_start3A_440 = tpu.memref_slice %arg3[%mul3A_311] : memref<160000xi32, #tpu.memory_space<hbm>> -> memref<128xi32, #tpu.memory_space<hbm>>
          %dma_start3A_441 = tpu.memref_slice %arg3[%mul3A_311] : memref<160000xi32, #tpu.memory_space<hbm>> -> memref<128xi32, #tpu.memory_space<hbm>>
          tpu.enqueue_dma source(%dma_start3A_441 : memref<128xi32, #tpu.memory_space<hbm>>) target(%arg7 : memref<128xi32, #tpu.memory_space<vmem>>) target_semaphore(%run_scoped3A : memref<!tpu.dma_semaphore, #tpu.memory_space<semaphore_mem>>)
          %dma_wait3A = tpu.memref_slice %arg3[%mul3A_311] : memref<160000xi32, #tpu.memory_space<hbm>> -> memref<128xi32, #tpu.memory_space<hbm>>
          %dma_wait3A_442 = tpu.memref_slice %arg3[%mul3A_311] : memref<160000xi32, #tpu.memory_space<hbm>> -> memref<128xi32, #tpu.memory_space<hbm>>
          tpu.wait_dma2 semaphore(%run_scoped3A : memref<!tpu.dma_semaphore, #tpu.memory_space<semaphore_mem>>) src(%dma_wait3A_442 : memref<128xi32, #tpu.memory_space<hbm>>) dst(%arg7 : memref<128xi32, #tpu.memory_space<vmem>>)
          tpu.yield
        }) : () -> ()
        "tpu.region"() ({
          %run_scoped3A = tpu.sem_alloc : memref<!tpu.dma_semaphore, #tpu.memory_space<semaphore_mem>>
          %dma_start3A_440 = tpu.memref_slice %arg4[%mul3A_311] : memref<160000xi32, #tpu.memory_space<hbm>> -> memref<128xi32, #tpu.memory_space<hbm>>
          %dma_start3A_441 = tpu.memref_slice %arg4[%mul3A_311] : memref<160000xi32, #tpu.memory_space<hbm>> -> memref<128xi32, #tpu.memory_space<hbm>>
          tpu.enqueue_dma source(%dma_start3A_441 : memref<128xi32, #tpu.memory_space<hbm>>) target(%arg13 : memref<128xi32, #tpu.memory_space<vmem>>) target_semaphore(%run_scoped3A : memref<!tpu.dma_semaphore, #tpu.memory_space<semaphore_mem>>)
          %dma_wait3A = tpu.memref_slice %arg4[%mul3A_311] : memref<160000xi32, #tpu.memory_space<hbm>> -> memref<128xi32, #tpu.memory_space<hbm>>
          %dma_wait3A_442 = tpu.memref_slice %arg4[%mul3A_311] : memref<160000xi32, #tpu.memory_space<hbm>> -> memref<128xi32, #tpu.memory_space<hbm>>
          tpu.wait_dma2 semaphore(%run_scoped3A : memref<!tpu.dma_semaphore, #tpu.memory_space<semaphore_mem>>) src(%dma_wait3A_442 : memref<128xi32, #tpu.memory_space<hbm>>) dst(%arg13 : memref<128xi32, #tpu.memory_space<vmem>>)
          tpu.yield
        }) : () -> ()
        %get3A = arith.constant 0 : index
        %get3A_312 = tpu.vector_load %arg7[%get3A] {strides = array<i32>} : memref<128xi32, #tpu.memory_space<vmem>>, vector<16xi32>,
        %get3A_313 = vector.shape_cast %get3A_312 : vector<16xi32> to vector<16xi32>
        %add3A_314 = arith.addi %get3A_313, %broadcast_in_dim3A_42 : vector<16xi32>
        %swap3A = arith.constant 0 : index
        %swap3A_315 = tpu.vector_load %arg7[%swap3A] {strides = array<i32>} : memref<128xi32, #tpu.memory_space<vmem>>, vector<16xi32>,
        %swap3A_316 = vector.shape_cast %swap3A_315 : vector<16xi32> to vector<16xi32>
        %swap3A_317 = vector.shape_cast %add3A_314 : vector<16xi32> to vector<16xi32>
        tpu.vector_store %arg7[%swap3A], %swap3A_317 {strides = array<i32>} : memref<128xi32, #tpu.memory_space<vmem>>, vector<16xi32>,
        %get3A_318 = arith.constant 0 : index
        %get3A_319 = tpu.vector_load %arg13[%get3A_318] {strides = array<i32>} : memref<128xi32, #tpu.memory_space<vmem>>, vector<16xi32>,
        %get3A_320 = vector.shape_cast %get3A_319 : vector<16xi32> to vector<16xi32>
        %add3A_321 = arith.addi %get3A_320, %broadcast_in_dim3A_47 : vector<16xi32>
        %swap3A_322 = arith.constant 0 : index
        %swap3A_323 = tpu.vector_load %arg10[%swap3A_322] {strides = array<i32>} : memref<128xi32, #tpu.memory_space<vmem>>, vector<16xi32>,
        %swap3A_324 = vector.shape_cast %swap3A_323 : vector<16xi32> to vector<16xi32>
        %swap3A_325 = vector.shape_cast %add3A_321 : vector<16xi32> to vector<16xi32>
        tpu.vector_store %arg10[%swap3A_322], %swap3A_325 {strides = array<i32>} : memref<128xi32, #tpu.memory_space<vmem>>, vector<16xi32>,
        %get3A_326 = arith.constant 16 : index
        %get3A_327 = tpu.vector_load %arg7[%get3A_326] {strides = array<i32>} : memref<128xi32, #tpu.memory_space<vmem>>, vector<16xi32>,
        %get3A_328 = vector.shape_cast %get3A_327 : vector<16xi32> to vector<16xi32>
        %add3A_329 = arith.addi %get3A_328, %broadcast_in_dim3A_42 : vector<16xi32>
        %swap3A_330 = arith.constant 16 : index
        %swap3A_331 = tpu.vector_load %arg7[%swap3A_330] {strides = array<i32>} : memref<128xi32, #tpu.memory_space<vmem>>, vector<16xi32>,
        %swap3A_332 = vector.shape_cast %swap3A_331 : vector<16xi32> to vector<16xi32>
        %swap3A_333 = vector.shape_cast %add3A_329 : vector<16xi32> to vector<16xi32>
        tpu.vector_store %arg7[%swap3A_330], %swap3A_333 {strides = array<i32>} : memref<128xi32, #tpu.memory_space<vmem>>, vector<16xi32>,
        %get3A_334 = arith.constant 16 : index
        %get3A_335 = tpu.vector_load %arg13[%get3A_334] {strides = array<i32>} : memref<128xi32, #tpu.memory_space<vmem>>, vector<16xi32>,
        %get3A_336 = vector.shape_cast %get3A_335 : vector<16xi32> to vector<16xi32>
        %add3A_337 = arith.addi %get3A_336, %broadcast_in_dim3A_47 : vector<16xi32>
        %swap3A_338 = arith.constant 16 : index
        %swap3A_339 = tpu.vector_load %arg10[%swap3A_338] {strides = array<i32>} : memref<128xi32, #tpu.memory_space<vmem>>, vector<16xi32>,
        %swap3A_340 = vector.shape_cast %swap3A_339 : vector<16xi32> to vector<16xi32>
        %swap3A_341 = vector.shape_cast %add3A_337 : vector<16xi32> to vector<16xi32>
        tpu.vector_store %arg10[%swap3A_338], %swap3A_341 {strides = array<i32>} : memref<128xi32, #tpu.memory_space<vmem>>, vector<16xi32>,
        %get3A_342 = arith.constant 32 : index
        %get3A_343 = tpu.vector_load %arg7[%get3A_342] {strides = array<i32>} : memref<128xi32, #tpu.memory_space<vmem>>, vector<16xi32>,
        %get3A_344 = vector.shape_cast %get3A_343 : vector<16xi32> to vector<16xi32>
        %add3A_345 = arith.addi %get3A_344, %broadcast_in_dim3A_42 : vector<16xi32>
        %swap3A_346 = arith.constant 32 : index
        %swap3A_347 = tpu.vector_load %arg7[%swap3A_346] {strides = array<i32>} : memref<128xi32, #tpu.memory_space<vmem>>, vector<16xi32>,
        %swap3A_348 = vector.shape_cast %swap3A_347 : vector<16xi32> to vector<16xi32>
        %swap3A_349 = vector.shape_cast %add3A_345 : vector<16xi32> to vector<16xi32>
        tpu.vector_store %arg7[%swap3A_346], %swap3A_349 {strides = array<i32>} : memref<128xi32, #tpu.memory_space<vmem>>, vector<16xi32>,
        %get3A_350 = arith.constant 32 : index
        %get3A_351 = tpu.vector_load %arg13[%get3A_350] {strides = array<i32>} : memref<128xi32, #tpu.memory_space<vmem>>, vector<16xi32>,
        %get3A_352 = vector.shape_cast %get3A_351 : vector<16xi32> to vector<16xi32>
        %add3A_353 = arith.addi %get3A_352, %broadcast_in_dim3A_47 : vector<16xi32>
        %swap3A_354 = arith.constant 32 : index
        %swap3A_355 = tpu.vector_load %arg10[%swap3A_354] {strides = array<i32>} : memref<128xi32, #tpu.memory_space<vmem>>, vector<16xi32>,
        %swap3A_356 = vector.shape_cast %swap3A_355 : vector<16xi32> to vector<16xi32>
        %swap3A_357 = vector.shape_cast %add3A_353 : vector<16xi32> to vector<16xi32>
        tpu.vector_store %arg10[%swap3A_354], %swap3A_357 {strides = array<i32>} : memref<128xi32, #tpu.memory_space<vmem>>, vector<16xi32>,
        %get3A_358 = arith.constant 48 : index
        %get3A_359 = tpu.vector_load %arg7[%get3A_358] {strides = array<i32>} : memref<128xi32, #tpu.memory_space<vmem>>, vector<16xi32>,
        %get3A_360 = vector.shape_cast %get3A_359 : vector<16xi32> to vector<16xi32>
        %add3A_361 = arith.addi %get3A_360, %broadcast_in_dim3A_42 : vector<16xi32>
        %swap3A_362 = arith.constant 48 : index
        %swap3A_363 = tpu.vector_load %arg7[%swap3A_362] {strides = array<i32>} : memref<128xi32, #tpu.memory_space<vmem>>, vector<16xi32>,
        %swap3A_364 = vector.shape_cast %swap3A_363 : vector<16xi32> to vector<16xi32>
        %swap3A_365 = vector.shape_cast %add3A_361 : vector<16xi32> to vector<16xi32>
        tpu.vector_store %arg7[%swap3A_362], %swap3A_365 {strides = array<i32>} : memref<128xi32, #tpu.memory_space<vmem>>, vector<16xi32>,
        %get3A_366 = arith.constant 48 : index
        %get3A_367 = tpu.vector_load %arg13[%get3A_366] {strides = array<i32>} : memref<128xi32, #tpu.memory_space<vmem>>, vector<16xi32>,
        %get3A_368 = vector.shape_cast %get3A_367 : vector<16xi32> to vector<16xi32>
        %add3A_369 = arith.addi %get3A_368, %broadcast_in_dim3A_47 : vector<16xi32>
        %swap3A_370 = arith.constant 48 : index
        %swap3A_371 = tpu.vector_load %arg10[%swap3A_370] {strides = array<i32>} : memref<128xi32, #tpu.memory_space<vmem>>, vector<16xi32>,
        %swap3A_372 = vector.shape_cast %swap3A_371 : vector<16xi32> to vector<16xi32>
        %swap3A_373 = vector.shape_cast %add3A_369 : vector<16xi32> to vector<16xi32>
        tpu.vector_store %arg10[%swap3A_370], %swap3A_373 {strides = array<i32>} : memref<128xi32, #tpu.memory_space<vmem>>, vector<16xi32>,
        %get3A_374 = arith.constant 64 : index
        %get3A_375 = tpu.vector_load %arg7[%get3A_374] {strides = array<i32>} : memref<128xi32, #tpu.memory_space<vmem>>, vector<16xi32>,
        %get3A_376 = vector.shape_cast %get3A_375 : vector<16xi32> to vector<16xi32>
        %add3A_377 = arith.addi %get3A_376, %broadcast_in_dim3A_42 : vector<16xi32>
        %swap3A_378 = arith.constant 64 : index
        %swap3A_379 = tpu.vector_load %arg7[%swap3A_378] {strides = array<i32>} : memref<128xi32, #tpu.memory_space<vmem>>, vector<16xi32>,
        %swap3A_380 = vector.shape_cast %swap3A_379 : vector<16xi32> to vector<16xi32>
        %swap3A_381 = vector.shape_cast %add3A_377 : vector<16xi32> to vector<16xi32>
        tpu.vector_store %arg7[%swap3A_378], %swap3A_381 {strides = array<i32>} : memref<128xi32, #tpu.memory_space<vmem>>, vector<16xi32>,
        %get3A_382 = arith.constant 64 : index
        %get3A_383 = tpu.vector_load %arg13[%get3A_382] {strides = array<i32>} : memref<128xi32, #tpu.memory_space<vmem>>, vector<16xi32>,
        %get3A_384 = vector.shape_cast %get3A_383 : vector<16xi32> to vector<16xi32>
        %add3A_385 = arith.addi %get3A_384, %broadcast_in_dim3A_47 : vector<16xi32>
        %swap3A_386 = arith.constant 64 : index
        %swap3A_387 = tpu.vector_load %arg10[%swap3A_386] {strides = array<i32>} : memref<128xi32, #tpu.memory_space<vmem>>, vector<16xi32>,
        %swap3A_388 = vector.shape_cast %swap3A_387 : vector<16xi32> to vector<16xi32>
        %swap3A_389 = vector.shape_cast %add3A_385 : vector<16xi32> to vector<16xi32>
        tpu.vector_store %arg10[%swap3A_386], %swap3A_389 {strides = array<i32>} : memref<128xi32, #tpu.memory_space<vmem>>, vector<16xi32>,
        %get3A_390 = arith.constant 80 : index
        %get3A_391 = tpu.vector_load %arg7[%get3A_390] {strides = array<i32>} : memref<128xi32, #tpu.memory_space<vmem>>, vector<16xi32>,
        %get3A_392 = vector.shape_cast %get3A_391 : vector<16xi32> to vector<16xi32>
        %add3A_393 = arith.addi %get3A_392, %broadcast_in_dim3A_42 : vector<16xi32>
        %swap3A_394 = arith.constant 80 : index
        %swap3A_395 = tpu.vector_load %arg7[%swap3A_394] {strides = array<i32>} : memref<128xi32, #tpu.memory_space<vmem>>, vector<16xi32>,
        %swap3A_396 = vector.shape_cast %swap3A_395 : vector<16xi32> to vector<16xi32>
        %swap3A_397 = vector.shape_cast %add3A_393 : vector<16xi32> to vector<16xi32>
        tpu.vector_store %arg7[%swap3A_394], %swap3A_397 {strides = array<i32>} : memref<128xi32, #tpu.memory_space<vmem>>, vector<16xi32>,
        %get3A_398 = arith.constant 80 : index
        %get3A_399 = tpu.vector_load %arg13[%get3A_398] {strides = array<i32>} : memref<128xi32, #tpu.memory_space<vmem>>, vector<16xi32>,
        %get3A_400 = vector.shape_cast %get3A_399 : vector<16xi32> to vector<16xi32>
        %add3A_401 = arith.addi %get3A_400, %broadcast_in_dim3A_47 : vector<16xi32>
        %swap3A_402 = arith.constant 80 : index
        %swap3A_403 = tpu.vector_load %arg10[%swap3A_402] {strides = array<i32>} : memref<128xi32, #tpu.memory_space<vmem>>, vector<16xi32>,
        %swap3A_404 = vector.shape_cast %swap3A_403 : vector<16xi32> to vector<16xi32>
        %swap3A_405 = vector.shape_cast %add3A_401 : vector<16xi32> to vector<16xi32>
        tpu.vector_store %arg10[%swap3A_402], %swap3A_405 {strides = array<i32>} : memref<128xi32, #tpu.memory_space<vmem>>, vector<16xi32>,
        %get3A_406 = arith.constant 96 : index
        %get3A_407 = tpu.vector_load %arg7[%get3A_406] {strides = array<i32>} : memref<128xi32, #tpu.memory_space<vmem>>, vector<16xi32>,
        %get3A_408 = vector.shape_cast %get3A_407 : vector<16xi32> to vector<16xi32>
        %add3A_409 = arith.addi %get3A_408, %broadcast_in_dim3A_42 : vector<16xi32>
        %swap3A_410 = arith.constant 96 : index
        %swap3A_411 = tpu.vector_load %arg7[%swap3A_410] {strides = array<i32>} : memref<128xi32, #tpu.memory_space<vmem>>, vector<16xi32>,
        %swap3A_412 = vector.shape_cast %swap3A_411 : vector<16xi32> to vector<16xi32>
        %swap3A_413 = vector.shape_cast %add3A_409 : vector<16xi32> to vector<16xi32>
        tpu.vector_store %arg7[%swap3A_410], %swap3A_413 {strides = array<i32>} : memref<128xi32, #tpu.memory_space<vmem>>, vector<16xi32>,
        %get3A_414 = arith.constant 96 : index
        %get3A_415 = tpu.vector_load %arg13[%get3A_414] {strides = array<i32>} : memref<128xi32, #tpu.memory_space<vmem>>, vector<16xi32>,
        %get3A_416 = vector.shape_cast %get3A_415 : vector<16xi32> to vector<16xi32>
        %add3A_417 = arith.addi %get3A_416, %broadcast_in_dim3A_47 : vector<16xi32>
        %swap3A_418 = arith.constant 96 : index
        %swap3A_419 = tpu.vector_load %arg10[%swap3A_418] {strides = array<i32>} : memref<128xi32, #tpu.memory_space<vmem>>, vector<16xi32>,
        %swap3A_420 = vector.shape_cast %swap3A_419 : vector<16xi32> to vector<16xi32>
        %swap3A_421 = vector.shape_cast %add3A_417 : vector<16xi32> to vector<16xi32>
        tpu.vector_store %arg10[%swap3A_418], %swap3A_421 {strides = array<i32>} : memref<128xi32, #tpu.memory_space<vmem>>, vector<16xi32>,
        %get3A_422 = arith.constant 112 : index
        %get3A_423 = tpu.vector_load %arg7[%get3A_422] {strides = array<i32>} : memref<128xi32, #tpu.memory_space<vmem>>, vector<16xi32>,
        %get3A_424 = vector.shape_cast %get3A_423 : vector<16xi32> to vector<16xi32>
        %add3A_425 = arith.addi %get3A_424, %broadcast_in_dim3A_42 : vector<16xi32>
        %swap3A_426 = arith.constant 112 : index
        %swap3A_427 = tpu.vector_load %arg7[%swap3A_426] {strides = array<i32>} : memref<128xi32, #tpu.memory_space<vmem>>, vector<16xi32>,
        %swap3A_428 = vector.shape_cast %swap3A_427 : vector<16xi32> to vector<16xi32>
        %swap3A_429 = vector.shape_cast %add3A_425 : vector<16xi32> to vector<16xi32>
        tpu.vector_store %arg7[%swap3A_426], %swap3A_429 {strides = array<i32>} : memref<128xi32, #tpu.memory_space<vmem>>, vector<16xi32>,
        %get3A_430 = arith.constant 112 : index
        %get3A_431 = tpu.vector_load %arg13[%get3A_430] {strides = array<i32>} : memref<128xi32, #tpu.memory_space<vmem>>, vector<16xi32>,
        %get3A_432 = vector.shape_cast %get3A_431 : vector<16xi32> to vector<16xi32>
        %add3A_433 = arith.addi %get3A_432, %broadcast_in_dim3A_47 : vector<16xi32>
        %swap3A_434 = arith.constant 112 : index
        %swap3A_435 = tpu.vector_load %arg10[%swap3A_434] {strides = array<i32>} : memref<128xi32, #tpu.memory_space<vmem>>, vector<16xi32>,
        %swap3A_436 = vector.shape_cast %swap3A_435 : vector<16xi32> to vector<16xi32>
        %swap3A_437 = vector.shape_cast %add3A_433 : vector<16xi32> to vector<16xi32>
        tpu.vector_store %arg10[%swap3A_434], %swap3A_437 {strides = array<i32>} : memref<128xi32, #tpu.memory_space<vmem>>, vector<16xi32>,
        %dma_start3A = arith.constant 0 : i32
        %dma_start3A_438 = arith.constant 0 : i32
        %dma_start3A_439 = tpu.memref_slice %arg2[%dma_start3A, %dma_start3A_438] : memref<40000x128xf32, #tpu.memory_space<hbm>> -> memref<40000x128xf32, #tpu.memory_space<hbm>>
        tpu.enqueue_indirect_dma source(%dma_start3A_439 : memref<40000x128xf32, #tpu.memory_space<hbm>>) target(%arg16 : memref<128x128xf32, #tpu.memory_space<vmem>>) offsets(%arg7 : memref<128xi32, #tpu.memory_space<vmem>>) semaphore(%arg19 : memref<!tpu.dma_semaphore, #tpu.memory_space<semaphore_mem>>)
      } else {
      }
      %sub3A_213 = arith.constant 1 : i32
      %sub3A_214 = arith.subi %add3A_197, %sub3A_213 : i32
      %ge3A_215 = arith.constant 0 : i32
      %ge3A_216 = arith.cmpi sge, %sub3A_214, %ge3A_215 : i32
      %lt3A_217 = arith.cmpi slt, %sub3A_214, %select_n3A : i32
      %and3A_218 = arith.andi %ge3A_216, %lt3A_217 : i1
      %convert_element_type3A_219 = arith.extui %and3A_218 : i1 to i32
      %cond3A_220 = arith.constant 0 : i32
      %cond3A_221 = arith.cmpi ne, %convert_element_type3A_219, %cond3A_220 : i32
      scf.if %cond3A_221 {
        %dma_wait3A = arith.constant 0 : i32
        %dma_wait3A_307 = arith.constant 0 : i32
        %dma_wait3A_308 = tpu.memref_slice %arg2[%dma_wait3A, %dma_wait3A_307] : memref<40000x128xf32, #tpu.memory_space<hbm>> -> memref<40000x128xf32, #tpu.memory_space<hbm>>
        tpu.wait_indirect_dma semaphore(%arg21 : memref<!tpu.dma_semaphore, #tpu.memory_space<semaphore_mem>>) src(%dma_wait3A_308 : memref<40000x128xf32, #tpu.memory_space<hbm>>) dst(%arg18 : memref<128x128xf32, #tpu.memory_space<vmem>>)
        %dma_start3A = arith.constant 0 : i32
        %dma_start3A_309 = arith.constant 0 : i32
        %dma_start3A_310 = tpu.memref_slice %arg2[%dma_start3A, %dma_start3A_309] : memref<40000x128xf32, #tpu.memory_space<hbm>> -> memref<40000x128xf32, #tpu.memory_space<hbm>>
        tpu.enqueue_indirect_dma source(%dma_start3A_310 : memref<40000x128xf32, #tpu.memory_space<hbm>>) target(%arg18 : memref<128x128xf32, #tpu.memory_space<vmem>>) offsets(%arg12 : memref<128xi32, #tpu.memory_space<vmem>>) semaphore(%arg24 : memref<!tpu.dma_semaphore, #tpu.memory_space<semaphore_mem>>) {add = true}
      } else {
      }
      %sub3A_222 = arith.constant 2 : i32
      %sub3A_223 = arith.subi %add3A_197, %sub3A_222 : i32
      %ge3A_224 = arith.constant 0 : i32
      %ge3A_225 = arith.cmpi sge, %sub3A_223, %ge3A_224 : i32
      %lt3A_226 = arith.cmpi slt, %sub3A_223, %select_n3A : i32
      %and3A_227 = arith.andi %ge3A_225, %lt3A_226 : i1
      %convert_element_type3A_228 = arith.extui %and3A_227 : i1 to i32
      %cond3A_229 = arith.constant 0 : i32
      %cond3A_230 = arith.cmpi ne, %convert_element_type3A_228, %cond3A_229 : i32
      scf.if %cond3A_230 {
        %dma_wait3A = arith.constant 0 : i32
        %dma_wait3A_307 = arith.constant 0 : i32
        %dma_wait3A_308 = tpu.memref_slice %arg2[%dma_wait3A, %dma_wait3A_307] : memref<40000x128xf32, #tpu.memory_space<hbm>> -> memref<40000x128xf32, #tpu.memory_space<hbm>>
        tpu.wait_indirect_dma semaphore(%arg23 : memref<!tpu.dma_semaphore, #tpu.memory_space<semaphore_mem>>) src(%dma_wait3A_308 : memref<40000x128xf32, #tpu.memory_space<hbm>>) dst(%arg17 : memref<128x128xf32, #tpu.memory_space<vmem>>)
        %scan3A_309 = arith.constant 0 : i32
        %scan3A_310 = arith.constant 0 : i32
        %scan3A_311 = arith.constant 32 : i32
        %scan3A_312 = arith.addi %scan3A_310, %scan3A_311 : i32
        %scan3A_313 = arith.constant 1 : i32
        scf.for %scan3A_317 = %scan3A_310 to %scan3A_312 step %scan3A_313  : i32 {
          %mul3A_318 = arith.constant 4 : i32
          %mul3A_319 = arith.muli %scan3A_317, %mul3A_318 : i32
          %add3A_320 = arith.constant 0 : i32
          %add3A_321 = arith.addi %mul3A_319, %add3A_320 : i32
          %get3A = arith.index_cast %add3A_321 : i32 to index
          %get3A_322 = arith.constant 0 : index
          %get3A_323 = tpu.vector_load %arg17[%get3A, %get3A_322] {strides = array<i32>} : memref<128x128xf32, #tpu.memory_space<vmem>>, vector<1x16xf32>,
          %get3A_324 = vector.shape_cast %get3A_323 : vector<1x16xf32> to vector<16xf32>
          %max3A = arith.constant 0.000000e+00 : f32
          %max3A_325 = vector.broadcast %max3A : f32 to vector<16xf32>
          %max3A_326 = arith.maximumf %get3A_324, %max3A_325 : vector<16xf32>
          %swap3A = arith.index_cast %add3A_321 : i32 to index
          %swap3A_327 = arith.constant 0 : index
          %swap3A_328 = tpu.vector_load %arg17[%swap3A, %swap3A_327] {strides = array<i32>} : memref<128x128xf32, #tpu.memory_space<vmem>>, vector<1x16xf32>,
          %swap3A_329 = vector.shape_cast %swap3A_328 : vector<1x16xf32> to vector<16xf32>
          %swap3A_330 = vector.shape_cast %max3A_326 : vector<16xf32> to vector<1x16xf32>
          tpu.vector_store %arg17[%swap3A, %swap3A_327], %swap3A_330 {strides = array<i32>} : memref<128x128xf32, #tpu.memory_space<vmem>>, vector<1x16xf32>,
          %get3A_331 = arith.index_cast %add3A_321 : i32 to index
          %get3A_332 = arith.constant 16 : index
          %get3A_333 = tpu.vector_load %arg17[%get3A_331, %get3A_332] {strides = array<i32>} : memref<128x128xf32, #tpu.memory_space<vmem>>, vector<1x16xf32>,
          %get3A_334 = vector.shape_cast %get3A_333 : vector<1x16xf32> to vector<16xf32>
          %max3A_335 = arith.constant 0.000000e+00 : f32
          %max3A_336 = vector.broadcast %max3A_335 : f32 to vector<16xf32>
          %max3A_337 = arith.maximumf %get3A_334, %max3A_336 : vector<16xf32>
          %swap3A_338 = arith.index_cast %add3A_321 : i32 to index
          %swap3A_339 = arith.constant 16 : index
          %swap3A_340 = tpu.vector_load %arg17[%swap3A_338, %swap3A_339] {strides = array<i32>} : memref<128x128xf32, #tpu.memory_space<vmem>>, vector<1x16xf32>,
          %swap3A_341 = vector.shape_cast %swap3A_340 : vector<1x16xf32> to vector<16xf32>
          %swap3A_342 = vector.shape_cast %max3A_337 : vector<16xf32> to vector<1x16xf32>
          tpu.vector_store %arg17[%swap3A_338, %swap3A_339], %swap3A_342 {strides = array<i32>} : memref<128x128xf32, #tpu.memory_space<vmem>>, vector<1x16xf32>,
          %get3A_343 = arith.index_cast %add3A_321 : i32 to index
          %get3A_344 = arith.constant 32 : index
          %get3A_345 = tpu.vector_load %arg17[%get3A_343, %get3A_344] {strides = array<i32>} : memref<128x128xf32, #tpu.memory_space<vmem>>, vector<1x16xf32>,
          %get3A_346 = vector.shape_cast %get3A_345 : vector<1x16xf32> to vector<16xf32>
          %max3A_347 = arith.constant 0.000000e+00 : f32
          %max3A_348 = vector.broadcast %max3A_347 : f32 to vector<16xf32>
          %max3A_349 = arith.maximumf %get3A_346, %max3A_348 : vector<16xf32>
          %swap3A_350 = arith.index_cast %add3A_321 : i32 to index
          %swap3A_351 = arith.constant 32 : index
          %swap3A_352 = tpu.vector_load %arg17[%swap3A_350, %swap3A_351] {strides = array<i32>} : memref<128x128xf32, #tpu.memory_space<vmem>>, vector<1x16xf32>,
          %swap3A_353 = vector.shape_cast %swap3A_352 : vector<1x16xf32> to vector<16xf32>
          %swap3A_354 = vector.shape_cast %max3A_349 : vector<16xf32> to vector<1x16xf32>
          tpu.vector_store %arg17[%swap3A_350, %swap3A_351], %swap3A_354 {strides = array<i32>} : memref<128x128xf32, #tpu.memory_space<vmem>>, vector<1x16xf32>,
          %get3A_355 = arith.index_cast %add3A_321 : i32 to index
          %get3A_356 = arith.constant 48 : index
          %get3A_357 = tpu.vector_load %arg17[%get3A_355, %get3A_356] {strides = array<i32>} : memref<128x128xf32, #tpu.memory_space<vmem>>, vector<1x16xf32>,
          %get3A_358 = vector.shape_cast %get3A_357 : vector<1x16xf32> to vector<16xf32>
          %max3A_359 = arith.constant 0.000000e+00 : f32
          %max3A_360 = vector.broadcast %max3A_359 : f32 to vector<16xf32>
          %max3A_361 = arith.maximumf %get3A_358, %max3A_360 : vector<16xf32>
          %swap3A_362 = arith.index_cast %add3A_321 : i32 to index
          %swap3A_363 = arith.constant 48 : index
          %swap3A_364 = tpu.vector_load %arg17[%swap3A_362, %swap3A_363] {strides = array<i32>} : memref<128x128xf32, #tpu.memory_space<vmem>>, vector<1x16xf32>,
          %swap3A_365 = vector.shape_cast %swap3A_364 : vector<1x16xf32> to vector<16xf32>
          %swap3A_366 = vector.shape_cast %max3A_361 : vector<16xf32> to vector<1x16xf32>
          tpu.vector_store %arg17[%swap3A_362, %swap3A_363], %swap3A_366 {strides = array<i32>} : memref<128x128xf32, #tpu.memory_space<vmem>>, vector<1x16xf32>,
          %get3A_367 = arith.index_cast %add3A_321 : i32 to index
          %get3A_368 = arith.constant 64 : index
          %get3A_369 = tpu.vector_load %arg17[%get3A_367, %get3A_368] {strides = array<i32>} : memref<128x128xf32, #tpu.memory_space<vmem>>, vector<1x16xf32>,
          %get3A_370 = vector.shape_cast %get3A_369 : vector<1x16xf32> to vector<16xf32>
          %max3A_371 = arith.constant 0.000000e+00 : f32
          %max3A_372 = vector.broadcast %max3A_371 : f32 to vector<16xf32>
          %max3A_373 = arith.maximumf %get3A_370, %max3A_372 : vector<16xf32>
          %swap3A_374 = arith.index_cast %add3A_321 : i32 to index
          %swap3A_375 = arith.constant 64 : index
          %swap3A_376 = tpu.vector_load %arg17[%swap3A_374, %swap3A_375] {strides = array<i32>} : memref<128x128xf32, #tpu.memory_space<vmem>>, vector<1x16xf32>,
          %swap3A_377 = vector.shape_cast %swap3A_376 : vector<1x16xf32> to vector<16xf32>
          %swap3A_378 = vector.shape_cast %max3A_373 : vector<16xf32> to vector<1x16xf32>
          tpu.vector_store %arg17[%swap3A_374, %swap3A_375], %swap3A_378 {strides = array<i32>} : memref<128x128xf32, #tpu.memory_space<vmem>>, vector<1x16xf32>,
          %get3A_379 = arith.index_cast %add3A_321 : i32 to index
          %get3A_380 = arith.constant 80 : index
          %get3A_381 = tpu.vector_load %arg17[%get3A_379, %get3A_380] {strides = array<i32>} : memref<128x128xf32, #tpu.memory_space<vmem>>, vector<1x16xf32>,
          %get3A_382 = vector.shape_cast %get3A_381 : vector<1x16xf32> to vector<16xf32>
          %max3A_383 = arith.constant 0.000000e+00 : f32
          %max3A_384 = vector.broadcast %max3A_383 : f32 to vector<16xf32>
          %max3A_385 = arith.maximumf %get3A_382, %max3A_384 : vector<16xf32>
          %swap3A_386 = arith.index_cast %add3A_321 : i32 to index
          %swap3A_387 = arith.constant 80 : index
          %swap3A_388 = tpu.vector_load %arg17[%swap3A_386, %swap3A_387] {strides = array<i32>} : memref<128x128xf32, #tpu.memory_space<vmem>>, vector<1x16xf32>,
          %swap3A_389 = vector.shape_cast %swap3A_388 : vector<1x16xf32> to vector<16xf32>
          %swap3A_390 = vector.shape_cast %max3A_385 : vector<16xf32> to vector<1x16xf32>
          tpu.vector_store %arg17[%swap3A_386, %swap3A_387], %swap3A_390 {strides = array<i32>} : memref<128x128xf32, #tpu.memory_space<vmem>>, vector<1x16xf32>,
          %get3A_391 = arith.index_cast %add3A_321 : i32 to index
          %get3A_392 = arith.constant 96 : index
          %get3A_393 = tpu.vector_load %arg17[%get3A_391, %get3A_392] {strides = array<i32>} : memref<128x128xf32, #tpu.memory_space<vmem>>, vector<1x16xf32>,
          %get3A_394 = vector.shape_cast %get3A_393 : vector<1x16xf32> to vector<16xf32>
          %max3A_395 = arith.constant 0.000000e+00 : f32
          %max3A_396 = vector.broadcast %max3A_395 : f32 to vector<16xf32>
          %max3A_397 = arith.maximumf %get3A_394, %max3A_396 : vector<16xf32>
          %swap3A_398 = arith.index_cast %add3A_321 : i32 to index
          %swap3A_399 = arith.constant 96 : index
          %swap3A_400 = tpu.vector_load %arg17[%swap3A_398, %swap3A_399] {strides = array<i32>} : memref<128x128xf32, #tpu.memory_space<vmem>>, vector<1x16xf32>,
          %swap3A_401 = vector.shape_cast %swap3A_400 : vector<1x16xf32> to vector<16xf32>
          %swap3A_402 = vector.shape_cast %max3A_397 : vector<16xf32> to vector<1x16xf32>
          tpu.vector_store %arg17[%swap3A_398, %swap3A_399], %swap3A_402 {strides = array<i32>} : memref<128x128xf32, #tpu.memory_space<vmem>>, vector<1x16xf32>,
          %get3A_403 = arith.index_cast %add3A_321 : i32 to index
          %get3A_404 = arith.constant 112 : index
          %get3A_405 = tpu.vector_load %arg17[%get3A_403, %get3A_404] {strides = array<i32>} : memref<128x128xf32, #tpu.memory_space<vmem>>, vector<1x16xf32>,
          %get3A_406 = vector.shape_cast %get3A_405 : vector<1x16xf32> to vector<16xf32>
          %max3A_407 = arith.constant 0.000000e+00 : f32
          %max3A_408 = vector.broadcast %max3A_407 : f32 to vector<16xf32>
          %max3A_409 = arith.maximumf %get3A_406, %max3A_408 : vector<16xf32>
          %swap3A_410 = arith.index_cast %add3A_321 : i32 to index
          %swap3A_411 = arith.constant 112 : index
          %swap3A_412 = tpu.vector_load %arg17[%swap3A_410, %swap3A_411] {strides = array<i32>} : memref<128x128xf32, #tpu.memory_space<vmem>>, vector<1x16xf32>,
          %swap3A_413 = vector.shape_cast %swap3A_412 : vector<1x16xf32> to vector<16xf32>
          %swap3A_414 = vector.shape_cast %max3A_409 : vector<16xf32> to vector<1x16xf32>
          tpu.vector_store %arg17[%swap3A_410, %swap3A_411], %swap3A_414 {strides = array<i32>} : memref<128x128xf32, #tpu.memory_space<vmem>>, vector<1x16xf32>,
          %mul3A_415 = arith.constant 4 : i32
          %mul3A_416 = arith.muli %scan3A_317, %mul3A_415 : i32
          %add3A_417 = arith.constant 1 : i32
          %add3A_418 = arith.addi %mul3A_416, %add3A_417 : i32
          %get3A_419 = arith.index_cast %add3A_418 : i32 to index
          %get3A_420 = arith.constant 0 : index
          %get3A_421 = tpu.vector_load %arg17[%get3A_419, %get3A_420] {strides = array<i32>} : memref<128x128xf32, #tpu.memory_space<vmem>>, vector<1x16xf32>,
          %get3A_422 = vector.shape_cast %get3A_421 : vector<1x16xf32> to vector<16xf32>
          %max3A_423 = arith.constant 0.000000e+00 : f32
          %max3A_424 = vector.broadcast %max3A_423 : f32 to vector<16xf32>
          %max3A_425 = arith.maximumf %get3A_422, %max3A_424 : vector<16xf32>
          %swap3A_426 = arith.index_cast %add3A_418 : i32 to index
          %swap3A_427 = arith.constant 0 : index
          %swap3A_428 = tpu.vector_load %arg17[%swap3A_426, %swap3A_427] {strides = array<i32>} : memref<128x128xf32, #tpu.memory_space<vmem>>, vector<1x16xf32>,
          %swap3A_429 = vector.shape_cast %swap3A_428 : vector<1x16xf32> to vector<16xf32>
          %swap3A_430 = vector.shape_cast %max3A_425 : vector<16xf32> to vector<1x16xf32>
          tpu.vector_store %arg17[%swap3A_426, %swap3A_427], %swap3A_430 {strides = array<i32>} : memref<128x128xf32, #tpu.memory_space<vmem>>, vector<1x16xf32>,
          %get3A_431 = arith.index_cast %add3A_418 : i32 to index
          %get3A_432 = arith.constant 16 : index
          %get3A_433 = tpu.vector_load %arg17[%get3A_431, %get3A_432] {strides = array<i32>} : memref<128x128xf32, #tpu.memory_space<vmem>>, vector<1x16xf32>,
          %get3A_434 = vector.shape_cast %get3A_433 : vector<1x16xf32> to vector<16xf32>
          %max3A_435 = arith.constant 0.000000e+00 : f32
          %max3A_436 = vector.broadcast %max3A_435 : f32 to vector<16xf32>
          %max3A_437 = arith.maximumf %get3A_434, %max3A_436 : vector<16xf32>
          %swap3A_438 = arith.index_cast %add3A_418 : i32 to index
          %swap3A_439 = arith.constant 16 : index
          %swap3A_440 = tpu.vector_load %arg17[%swap3A_438, %swap3A_439] {strides = array<i32>} : memref<128x128xf32, #tpu.memory_space<vmem>>, vector<1x16xf32>,
          %swap3A_441 = vector.shape_cast %swap3A_440 : vector<1x16xf32> to vector<16xf32>
          %swap3A_442 = vector.shape_cast %max3A_437 : vector<16xf32> to vector<1x16xf32>
          tpu.vector_store %arg17[%swap3A_438, %swap3A_439], %swap3A_442 {strides = array<i32>} : memref<128x128xf32, #tpu.memory_space<vmem>>, vector<1x16xf32>,
          %get3A_443 = arith.index_cast %add3A_418 : i32 to index
          %get3A_444 = arith.constant 32 : index
          %get3A_445 = tpu.vector_load %arg17[%get3A_443, %get3A_444] {strides = array<i32>} : memref<128x128xf32, #tpu.memory_space<vmem>>, vector<1x16xf32>,
          %get3A_446 = vector.shape_cast %get3A_445 : vector<1x16xf32> to vector<16xf32>
          %max3A_447 = arith.constant 0.000000e+00 : f32
          %max3A_448 = vector.broadcast %max3A_447 : f32 to vector<16xf32>
          %max3A_449 = arith.maximumf %get3A_446, %max3A_448 : vector<16xf32>
          %swap3A_450 = arith.index_cast %add3A_418 : i32 to index
          %swap3A_451 = arith.constant 32 : index
          %swap3A_452 = tpu.vector_load %arg17[%swap3A_450, %swap3A_451] {strides = array<i32>} : memref<128x128xf32, #tpu.memory_space<vmem>>, vector<1x16xf32>,
          %swap3A_453 = vector.shape_cast %swap3A_452 : vector<1x16xf32> to vector<16xf32>
          %swap3A_454 = vector.shape_cast %max3A_449 : vector<16xf32> to vector<1x16xf32>
          tpu.vector_store %arg17[%swap3A_450, %swap3A_451], %swap3A_454 {strides = array<i32>} : memref<128x128xf32, #tpu.memory_space<vmem>>, vector<1x16xf32>,
          %get3A_455 = arith.index_cast %add3A_418 : i32 to index
          %get3A_456 = arith.constant 48 : index
          %get3A_457 = tpu.vector_load %arg17[%get3A_455, %get3A_456] {strides = array<i32>} : memref<128x128xf32, #tpu.memory_space<vmem>>, vector<1x16xf32>,
          %get3A_458 = vector.shape_cast %get3A_457 : vector<1x16xf32> to vector<16xf32>
          %max3A_459 = arith.constant 0.000000e+00 : f32
          %max3A_460 = vector.broadcast %max3A_459 : f32 to vector<16xf32>
          %max3A_461 = arith.maximumf %get3A_458, %max3A_460 : vector<16xf32>
          %swap3A_462 = arith.index_cast %add3A_418 : i32 to index
          %swap3A_463 = arith.constant 48 : index
          %swap3A_464 = tpu.vector_load %arg17[%swap3A_462, %swap3A_463] {strides = array<i32>} : memref<128x128xf32, #tpu.memory_space<vmem>>, vector<1x16xf32>,
          %swap3A_465 = vector.shape_cast %swap3A_464 : vector<1x16xf32> to vector<16xf32>
          %swap3A_466 = vector.shape_cast %max3A_461 : vector<16xf32> to vector<1x16xf32>
          tpu.vector_store %arg17[%swap3A_462, %swap3A_463], %swap3A_466 {strides = array<i32>} : memref<128x128xf32, #tpu.memory_space<vmem>>, vector<1x16xf32>,
          %get3A_467 = arith.index_cast %add3A_418 : i32 to index
          %get3A_468 = arith.constant 64 : index
          %get3A_469 = tpu.vector_load %arg17[%get3A_467, %get3A_468] {strides = array<i32>} : memref<128x128xf32, #tpu.memory_space<vmem>>, vector<1x16xf32>,
          %get3A_470 = vector.shape_cast %get3A_469 : vector<1x16xf32> to vector<16xf32>
          %max3A_471 = arith.constant 0.000000e+00 : f32
          %max3A_472 = vector.broadcast %max3A_471 : f32 to vector<16xf32>
          %max3A_473 = arith.maximumf %get3A_470, %max3A_472 : vector<16xf32>
          %swap3A_474 = arith.index_cast %add3A_418 : i32 to index
          %swap3A_475 = arith.constant 64 : index
          %swap3A_476 = tpu.vector_load %arg17[%swap3A_474, %swap3A_475] {strides = array<i32>} : memref<128x128xf32, #tpu.memory_space<vmem>>, vector<1x16xf32>,
          %swap3A_477 = vector.shape_cast %swap3A_476 : vector<1x16xf32> to vector<16xf32>
          %swap3A_478 = vector.shape_cast %max3A_473 : vector<16xf32> to vector<1x16xf32>
          tpu.vector_store %arg17[%swap3A_474, %swap3A_475], %swap3A_478 {strides = array<i32>} : memref<128x128xf32, #tpu.memory_space<vmem>>, vector<1x16xf32>,
          %get3A_479 = arith.index_cast %add3A_418 : i32 to index
          %get3A_480 = arith.constant 80 : index
          %get3A_481 = tpu.vector_load %arg17[%get3A_479, %get3A_480] {strides = array<i32>} : memref<128x128xf32, #tpu.memory_space<vmem>>, vector<1x16xf32>,
          %get3A_482 = vector.shape_cast %get3A_481 : vector<1x16xf32> to vector<16xf32>
          %max3A_483 = arith.constant 0.000000e+00 : f32
          %max3A_484 = vector.broadcast %max3A_483 : f32 to vector<16xf32>
          %max3A_485 = arith.maximumf %get3A_482, %max3A_484 : vector<16xf32>
          %swap3A_486 = arith.index_cast %add3A_418 : i32 to index
          %swap3A_487 = arith.constant 80 : index
          %swap3A_488 = tpu.vector_load %arg17[%swap3A_486, %swap3A_487] {strides = array<i32>} : memref<128x128xf32, #tpu.memory_space<vmem>>, vector<1x16xf32>,
          %swap3A_489 = vector.shape_cast %swap3A_488 : vector<1x16xf32> to vector<16xf32>
          %swap3A_490 = vector.shape_cast %max3A_485 : vector<16xf32> to vector<1x16xf32>
          tpu.vector_store %arg17[%swap3A_486, %swap3A_487], %swap3A_490 {strides = array<i32>} : memref<128x128xf32, #tpu.memory_space<vmem>>, vector<1x16xf32>,
          %get3A_491 = arith.index_cast %add3A_418 : i32 to index
          %get3A_492 = arith.constant 96 : index
          %get3A_493 = tpu.vector_load %arg17[%get3A_491, %get3A_492] {strides = array<i32>} : memref<128x128xf32, #tpu.memory_space<vmem>>, vector<1x16xf32>,
          %get3A_494 = vector.shape_cast %get3A_493 : vector<1x16xf32> to vector<16xf32>
          %max3A_495 = arith.constant 0.000000e+00 : f32
          %max3A_496 = vector.broadcast %max3A_495 : f32 to vector<16xf32>
          %max3A_497 = arith.maximumf %get3A_494, %max3A_496 : vector<16xf32>
          %swap3A_498 = arith.index_cast %add3A_418 : i32 to index
          %swap3A_499 = arith.constant 96 : index
          %swap3A_500 = tpu.vector_load %arg17[%swap3A_498, %swap3A_499] {strides = array<i32>} : memref<128x128xf32, #tpu.memory_space<vmem>>, vector<1x16xf32>,
          %swap3A_501 = vector.shape_cast %swap3A_500 : vector<1x16xf32> to vector<16xf32>
          %swap3A_502 = vector.shape_cast %max3A_497 : vector<16xf32> to vector<1x16xf32>
          tpu.vector_store %arg17[%swap3A_498, %swap3A_499], %swap3A_502 {strides = array<i32>} : memref<128x128xf32, #tpu.memory_space<vmem>>, vector<1x16xf32>,
          %get3A_503 = arith.index_cast %add3A_418 : i32 to index
          %get3A_504 = arith.constant 112 : index
          %get3A_505 = tpu.vector_load %arg17[%get3A_503, %get3A_504] {strides = array<i32>} : memref<128x128xf32, #tpu.memory_space<vmem>>, vector<1x16xf32>,
          %get3A_506 = vector.shape_cast %get3A_505 : vector<1x16xf32> to vector<16xf32>
          %max3A_507 = arith.constant 0.000000e+00 : f32
          %max3A_508 = vector.broadcast %max3A_507 : f32 to vector<16xf32>
          %max3A_509 = arith.maximumf %get3A_506, %max3A_508 : vector<16xf32>
          %swap3A_510 = arith.index_cast %add3A_418 : i32 to index
          %swap3A_511 = arith.constant 112 : index
          %swap3A_512 = tpu.vector_load %arg17[%swap3A_510, %swap3A_511] {strides = array<i32>} : memref<128x128xf32, #tpu.memory_space<vmem>>, vector<1x16xf32>,
          %swap3A_513 = vector.shape_cast %swap3A_512 : vector<1x16xf32> to vector<16xf32>
          %swap3A_514 = vector.shape_cast %max3A_509 : vector<16xf32> to vector<1x16xf32>
          tpu.vector_store %arg17[%swap3A_510, %swap3A_511], %swap3A_514 {strides = array<i32>} : memref<128x128xf32, #tpu.memory_space<vmem>>, vector<1x16xf32>,
          %mul3A_515 = arith.constant 4 : i32
          %mul3A_516 = arith.muli %scan3A_317, %mul3A_515 : i32
          %add3A_517 = arith.constant 2 : i32
          %add3A_518 = arith.addi %mul3A_516, %add3A_517 : i32
          %get3A_519 = arith.index_cast %add3A_518 : i32 to index
          %get3A_520 = arith.constant 0 : index
          %get3A_521 = tpu.vector_load %arg17[%get3A_519, %get3A_520] {strides = array<i32>} : memref<128x128xf32, #tpu.memory_space<vmem>>, vector<1x16xf32>,
          %get3A_522 = vector.shape_cast %get3A_521 : vector<1x16xf32> to vector<16xf32>
          %max3A_523 = arith.constant 0.000000e+00 : f32
          %max3A_524 = vector.broadcast %max3A_523 : f32 to vector<16xf32>
          %max3A_525 = arith.maximumf %get3A_522, %max3A_524 : vector<16xf32>
          %swap3A_526 = arith.index_cast %add3A_518 : i32 to index
          %swap3A_527 = arith.constant 0 : index
          %swap3A_528 = tpu.vector_load %arg17[%swap3A_526, %swap3A_527] {strides = array<i32>} : memref<128x128xf32, #tpu.memory_space<vmem>>, vector<1x16xf32>,
          %swap3A_529 = vector.shape_cast %swap3A_528 : vector<1x16xf32> to vector<16xf32>
          %swap3A_530 = vector.shape_cast %max3A_525 : vector<16xf32> to vector<1x16xf32>
          tpu.vector_store %arg17[%swap3A_526, %swap3A_527], %swap3A_530 {strides = array<i32>} : memref<128x128xf32, #tpu.memory_space<vmem>>, vector<1x16xf32>,
          %get3A_531 = arith.index_cast %add3A_518 : i32 to index
          %get3A_532 = arith.constant 16 : index
          %get3A_533 = tpu.vector_load %arg17[%get3A_531, %get3A_532] {strides = array<i32>} : memref<128x128xf32, #tpu.memory_space<vmem>>, vector<1x16xf32>,
          %get3A_534 = vector.shape_cast %get3A_533 : vector<1x16xf32> to vector<16xf32>
          %max3A_535 = arith.constant 0.000000e+00 : f32
          %max3A_536 = vector.broadcast %max3A_535 : f32 to vector<16xf32>
          %max3A_537 = arith.maximumf %get3A_534, %max3A_536 : vector<16xf32>
          %swap3A_538 = arith.index_cast %add3A_518 : i32 to index
          %swap3A_539 = arith.constant 16 : index
          %swap3A_540 = tpu.vector_load %arg17[%swap3A_538, %swap3A_539] {strides = array<i32>} : memref<128x128xf32, #tpu.memory_space<vmem>>, vector<1x16xf32>,
          %swap3A_541 = vector.shape_cast %swap3A_540 : vector<1x16xf32> to vector<16xf32>
          %swap3A_542 = vector.shape_cast %max3A_537 : vector<16xf32> to vector<1x16xf32>
          tpu.vector_store %arg17[%swap3A_538, %swap3A_539], %swap3A_542 {strides = array<i32>} : memref<128x128xf32, #tpu.memory_space<vmem>>, vector<1x16xf32>,
          %get3A_543 = arith.index_cast %add3A_518 : i32 to index
          %get3A_544 = arith.constant 32 : index
          %get3A_545 = tpu.vector_load %arg17[%get3A_543, %get3A_544] {strides = array<i32>} : memref<128x128xf32, #tpu.memory_space<vmem>>, vector<1x16xf32>,
          %get3A_546 = vector.shape_cast %get3A_545 : vector<1x16xf32> to vector<16xf32>
          %max3A_547 = arith.constant 0.000000e+00 : f32
          %max3A_548 = vector.broadcast %max3A_547 : f32 to vector<16xf32>
          %max3A_549 = arith.maximumf %get3A_546, %max3A_548 : vector<16xf32>
          %swap3A_550 = arith.index_cast %add3A_518 : i32 to index
          %swap3A_551 = arith.constant 32 : index
          %swap3A_552 = tpu.vector_load %arg17[%swap3A_550, %swap3A_551] {strides = array<i32>} : memref<128x128xf32, #tpu.memory_space<vmem>>, vector<1x16xf32>,
          %swap3A_553 = vector.shape_cast %swap3A_552 : vector<1x16xf32> to vector<16xf32>
          %swap3A_554 = vector.shape_cast %max3A_549 : vector<16xf32> to vector<1x16xf32>
          tpu.vector_store %arg17[%swap3A_550, %swap3A_551], %swap3A_554 {strides = array<i32>} : memref<128x128xf32, #tpu.memory_space<vmem>>, vector<1x16xf32>,
          %get3A_555 = arith.index_cast %add3A_518 : i32 to index
          %get3A_556 = arith.constant 48 : index
          %get3A_557 = tpu.vector_load %arg17[%get3A_555, %get3A_556] {strides = array<i32>} : memref<128x128xf32, #tpu.memory_space<vmem>>, vector<1x16xf32>,
          %get3A_558 = vector.shape_cast %get3A_557 : vector<1x16xf32> to vector<16xf32>
          %max3A_559 = arith.constant 0.000000e+00 : f32
          %max3A_560 = vector.broadcast %max3A_559 : f32 to vector<16xf32>
          %max3A_561 = arith.maximumf %get3A_558, %max3A_560 : vector<16xf32>
          %swap3A_562 = arith.index_cast %add3A_518 : i32 to index
          %swap3A_563 = arith.constant 48 : index
          %swap3A_564 = tpu.vector_load %arg17[%swap3A_562, %swap3A_563] {strides = array<i32>} : memref<128x128xf32, #tpu.memory_space<vmem>>, vector<1x16xf32>,
          %swap3A_565 = vector.shape_cast %swap3A_564 : vector<1x16xf32> to vector<16xf32>
          %swap3A_566 = vector.shape_cast %max3A_561 : vector<16xf32> to vector<1x16xf32>
          tpu.vector_store %arg17[%swap3A_562, %swap3A_563], %swap3A_566 {strides = array<i32>} : memref<128x128xf32, #tpu.memory_space<vmem>>, vector<1x16xf32>,
          %get3A_567 = arith.index_cast %add3A_518 : i32 to index
          %get3A_568 = arith.constant 64 : index
          %get3A_569 = tpu.vector_load %arg17[%get3A_567, %get3A_568] {strides = array<i32>} : memref<128x128xf32, #tpu.memory_space<vmem>>, vector<1x16xf32>,
          %get3A_570 = vector.shape_cast %get3A_569 : vector<1x16xf32> to vector<16xf32>
          %max3A_571 = arith.constant 0.000000e+00 : f32
          %max3A_572 = vector.broadcast %max3A_571 : f32 to vector<16xf32>
          %max3A_573 = arith.maximumf %get3A_570, %max3A_572 : vector<16xf32>
          %swap3A_574 = arith.index_cast %add3A_518 : i32 to index
          %swap3A_575 = arith.constant 64 : index
          %swap3A_576 = tpu.vector_load %arg17[%swap3A_574, %swap3A_575] {strides = array<i32>} : memref<128x128xf32, #tpu.memory_space<vmem>>, vector<1x16xf32>,
          %swap3A_577 = vector.shape_cast %swap3A_576 : vector<1x16xf32> to vector<16xf32>
          %swap3A_578 = vector.shape_cast %max3A_573 : vector<16xf32> to vector<1x16xf32>
          tpu.vector_store %arg17[%swap3A_574, %swap3A_575], %swap3A_578 {strides = array<i32>} : memref<128x128xf32, #tpu.memory_space<vmem>>, vector<1x16xf32>,
          %get3A_579 = arith.index_cast %add3A_518 : i32 to index
          %get3A_580 = arith.constant 80 : index
          %get3A_581 = tpu.vector_load %arg17[%get3A_579, %get3A_580] {strides = array<i32>} : memref<128x128xf32, #tpu.memory_space<vmem>>, vector<1x16xf32>,
          %get3A_582 = vector.shape_cast %get3A_581 : vector<1x16xf32> to vector<16xf32>
          %max3A_583 = arith.constant 0.000000e+00 : f32
          %max3A_584 = vector.broadcast %max3A_583 : f32 to vector<16xf32>
          %max3A_585 = arith.maximumf %get3A_582, %max3A_584 : vector<16xf32>
          %swap3A_586 = arith.index_cast %add3A_518 : i32 to index
          %swap3A_587 = arith.constant 80 : index
          %swap3A_588 = tpu.vector_load %arg17[%swap3A_586, %swap3A_587] {strides = array<i32>} : memref<128x128xf32, #tpu.memory_space<vmem>>, vector<1x16xf32>,
          %swap3A_589 = vector.shape_cast %swap3A_588 : vector<1x16xf32> to vector<16xf32>
          %swap3A_590 = vector.shape_cast %max3A_585 : vector<16xf32> to vector<1x16xf32>
          tpu.vector_store %arg17[%swap3A_586, %swap3A_587], %swap3A_590 {strides = array<i32>} : memref<128x128xf32, #tpu.memory_space<vmem>>, vector<1x16xf32>,
          %get3A_591 = arith.index_cast %add3A_518 : i32 to index
          %get3A_592 = arith.constant 96 : index
          %get3A_593 = tpu.vector_load %arg17[%get3A_591, %get3A_592] {strides = array<i32>} : memref<128x128xf32, #tpu.memory_space<vmem>>, vector<1x16xf32>,
          %get3A_594 = vector.shape_cast %get3A_593 : vector<1x16xf32> to vector<16xf32>
          %max3A_595 = arith.constant 0.000000e+00 : f32
          %max3A_596 = vector.broadcast %max3A_595 : f32 to vector<16xf32>
          %max3A_597 = arith.maximumf %get3A_594, %max3A_596 : vector<16xf32>
          %swap3A_598 = arith.index_cast %add3A_518 : i32 to index
          %swap3A_599 = arith.constant 96 : index
          %swap3A_600 = tpu.vector_load %arg17[%swap3A_598, %swap3A_599] {strides = array<i32>} : memref<128x128xf32, #tpu.memory_space<vmem>>, vector<1x16xf32>,
          %swap3A_601 = vector.shape_cast %swap3A_600 : vector<1x16xf32> to vector<16xf32>
          %swap3A_602 = vector.shape_cast %max3A_597 : vector<16xf32> to vector<1x16xf32>
          tpu.vector_store %arg17[%swap3A_598, %swap3A_599], %swap3A_602 {strides = array<i32>} : memref<128x128xf32, #tpu.memory_space<vmem>>, vector<1x16xf32>,
          %get3A_603 = arith.index_cast %add3A_518 : i32 to index
          %get3A_604 = arith.constant 112 : index
          %get3A_605 = tpu.vector_load %arg17[%get3A_603, %get3A_604] {strides = array<i32>} : memref<128x128xf32, #tpu.memory_space<vmem>>, vector<1x16xf32>,
          %get3A_606 = vector.shape_cast %get3A_605 : vector<1x16xf32> to vector<16xf32>
          %max3A_607 = arith.constant 0.000000e+00 : f32
          %max3A_608 = vector.broadcast %max3A_607 : f32 to vector<16xf32>
          %max3A_609 = arith.maximumf %get3A_606, %max3A_608 : vector<16xf32>
          %swap3A_610 = arith.index_cast %add3A_518 : i32 to index
          %swap3A_611 = arith.constant 112 : index
          %swap3A_612 = tpu.vector_load %arg17[%swap3A_610, %swap3A_611] {strides = array<i32>} : memref<128x128xf32, #tpu.memory_space<vmem>>, vector<1x16xf32>,
          %swap3A_613 = vector.shape_cast %swap3A_612 : vector<1x16xf32> to vector<16xf32>
          %swap3A_614 = vector.shape_cast %max3A_609 : vector<16xf32> to vector<1x16xf32>
          tpu.vector_store %arg17[%swap3A_610, %swap3A_611], %swap3A_614 {strides = array<i32>} : memref<128x128xf32, #tpu.memory_space<vmem>>, vector<1x16xf32>,
          %mul3A_615 = arith.constant 4 : i32
          %mul3A_616 = arith.muli %scan3A_317, %mul3A_615 : i32
          %add3A_617 = arith.constant 3 : i32
          %add3A_618 = arith.addi %mul3A_616, %add3A_617 : i32
          %get3A_619 = arith.index_cast %add3A_618 : i32 to index
          %get3A_620 = arith.constant 0 : index
          %get3A_621 = tpu.vector_load %arg17[%get3A_619, %get3A_620] {strides = array<i32>} : memref<128x128xf32, #tpu.memory_space<vmem>>, vector<1x16xf32>,
          %get3A_622 = vector.shape_cast %get3A_621 : vector<1x16xf32> to vector<16xf32>
          %max3A_623 = arith.constant 0.000000e+00 : f32
          %max3A_624 = vector.broadcast %max3A_623 : f32 to vector<16xf32>
          %max3A_625 = arith.maximumf %get3A_622, %max3A_624 : vector<16xf32>
          %swap3A_626 = arith.index_cast %add3A_618 : i32 to index
          %swap3A_627 = arith.constant 0 : index
          %swap3A_628 = tpu.vector_load %arg17[%swap3A_626, %swap3A_627] {strides = array<i32>} : memref<128x128xf32, #tpu.memory_space<vmem>>, vector<1x16xf32>,
          %swap3A_629 = vector.shape_cast %swap3A_628 : vector<1x16xf32> to vector<16xf32>
          %swap3A_630 = vector.shape_cast %max3A_625 : vector<16xf32> to vector<1x16xf32>
          tpu.vector_store %arg17[%swap3A_626, %swap3A_627], %swap3A_630 {strides = array<i32>} : memref<128x128xf32, #tpu.memory_space<vmem>>, vector<1x16xf32>,
          %get3A_631 = arith.index_cast %add3A_618 : i32 to index
          %get3A_632 = arith.constant 16 : index
          %get3A_633 = tpu.vector_load %arg17[%get3A_631, %get3A_632] {strides = array<i32>} : memref<128x128xf32, #tpu.memory_space<vmem>>, vector<1x16xf32>,
          %get3A_634 = vector.shape_cast %get3A_633 : vector<1x16xf32> to vector<16xf32>
          %max3A_635 = arith.constant 0.000000e+00 : f32
          %max3A_636 = vector.broadcast %max3A_635 : f32 to vector<16xf32>
          %max3A_637 = arith.maximumf %get3A_634, %max3A_636 : vector<16xf32>
          %swap3A_638 = arith.index_cast %add3A_618 : i32 to index
          %swap3A_639 = arith.constant 16 : index
          %swap3A_640 = tpu.vector_load %arg17[%swap3A_638, %swap3A_639] {strides = array<i32>} : memref<128x128xf32, #tpu.memory_space<vmem>>, vector<1x16xf32>,
          %swap3A_641 = vector.shape_cast %swap3A_640 : vector<1x16xf32> to vector<16xf32>
          %swap3A_642 = vector.shape_cast %max3A_637 : vector<16xf32> to vector<1x16xf32>
          tpu.vector_store %arg17[%swap3A_638, %swap3A_639], %swap3A_642 {strides = array<i32>} : memref<128x128xf32, #tpu.memory_space<vmem>>, vector<1x16xf32>,
          %get3A_643 = arith.index_cast %add3A_618 : i32 to index
          %get3A_644 = arith.constant 32 : index
          %get3A_645 = tpu.vector_load %arg17[%get3A_643, %get3A_644] {strides = array<i32>} : memref<128x128xf32, #tpu.memory_space<vmem>>, vector<1x16xf32>,
          %get3A_646 = vector.shape_cast %get3A_645 : vector<1x16xf32> to vector<16xf32>
          %max3A_647 = arith.constant 0.000000e+00 : f32
          %max3A_648 = vector.broadcast %max3A_647 : f32 to vector<16xf32>
          %max3A_649 = arith.maximumf %get3A_646, %max3A_648 : vector<16xf32>
          %swap3A_650 = arith.index_cast %add3A_618 : i32 to index
          %swap3A_651 = arith.constant 32 : index
          %swap3A_652 = tpu.vector_load %arg17[%swap3A_650, %swap3A_651] {strides = array<i32>} : memref<128x128xf32, #tpu.memory_space<vmem>>, vector<1x16xf32>,
          %swap3A_653 = vector.shape_cast %swap3A_652 : vector<1x16xf32> to vector<16xf32>
          %swap3A_654 = vector.shape_cast %max3A_649 : vector<16xf32> to vector<1x16xf32>
          tpu.vector_store %arg17[%swap3A_650, %swap3A_651], %swap3A_654 {strides = array<i32>} : memref<128x128xf32, #tpu.memory_space<vmem>>, vector<1x16xf32>,
          %get3A_655 = arith.index_cast %add3A_618 : i32 to index
          %get3A_656 = arith.constant 48 : index
          %get3A_657 = tpu.vector_load %arg17[%get3A_655, %get3A_656] {strides = array<i32>} : memref<128x128xf32, #tpu.memory_space<vmem>>, vector<1x16xf32>,
          %get3A_658 = vector.shape_cast %get3A_657 : vector<1x16xf32> to vector<16xf32>
          %max3A_659 = arith.constant 0.000000e+00 : f32
          %max3A_660 = vector.broadcast %max3A_659 : f32 to vector<16xf32>
          %max3A_661 = arith.maximumf %get3A_658, %max3A_660 : vector<16xf32>
          %swap3A_662 = arith.index_cast %add3A_618 : i32 to index
          %swap3A_663 = arith.constant 48 : index
          %swap3A_664 = tpu.vector_load %arg17[%swap3A_662, %swap3A_663] {strides = array<i32>} : memref<128x128xf32, #tpu.memory_space<vmem>>, vector<1x16xf32>,
          %swap3A_665 = vector.shape_cast %swap3A_664 : vector<1x16xf32> to vector<16xf32>
          %swap3A_666 = vector.shape_cast %max3A_661 : vector<16xf32> to vector<1x16xf32>
          tpu.vector_store %arg17[%swap3A_662, %swap3A_663], %swap3A_666 {strides = array<i32>} : memref<128x128xf32, #tpu.memory_space<vmem>>, vector<1x16xf32>,
          %get3A_667 = arith.index_cast %add3A_618 : i32 to index
          %get3A_668 = arith.constant 64 : index
          %get3A_669 = tpu.vector_load %arg17[%get3A_667, %get3A_668] {strides = array<i32>} : memref<128x128xf32, #tpu.memory_space<vmem>>, vector<1x16xf32>,
          %get3A_670 = vector.shape_cast %get3A_669 : vector<1x16xf32> to vector<16xf32>
          %max3A_671 = arith.constant 0.000000e+00 : f32
          %max3A_672 = vector.broadcast %max3A_671 : f32 to vector<16xf32>
          %max3A_673 = arith.maximumf %get3A_670, %max3A_672 : vector<16xf32>
          %swap3A_674 = arith.index_cast %add3A_618 : i32 to index
          %swap3A_675 = arith.constant 64 : index
          %swap3A_676 = tpu.vector_load %arg17[%swap3A_674, %swap3A_675] {strides = array<i32>} : memref<128x128xf32, #tpu.memory_space<vmem>>, vector<1x16xf32>,
          %swap3A_677 = vector.shape_cast %swap3A_676 : vector<1x16xf32> to vector<16xf32>
          %swap3A_678 = vector.shape_cast %max3A_673 : vector<16xf32> to vector<1x16xf32>
          tpu.vector_store %arg17[%swap3A_674, %swap3A_675], %swap3A_678 {strides = array<i32>} : memref<128x128xf32, #tpu.memory_space<vmem>>, vector<1x16xf32>,
          %get3A_679 = arith.index_cast %add3A_618 : i32 to index
          %get3A_680 = arith.constant 80 : index
          %get3A_681 = tpu.vector_load %arg17[%get3A_679, %get3A_680] {strides = array<i32>} : memref<128x128xf32, #tpu.memory_space<vmem>>, vector<1x16xf32>,
          %get3A_682 = vector.shape_cast %get3A_681 : vector<1x16xf32> to vector<16xf32>
          %max3A_683 = arith.constant 0.000000e+00 : f32
          %max3A_684 = vector.broadcast %max3A_683 : f32 to vector<16xf32>
          %max3A_685 = arith.maximumf %get3A_682, %max3A_684 : vector<16xf32>
          %swap3A_686 = arith.index_cast %add3A_618 : i32 to index
          %swap3A_687 = arith.constant 80 : index
          %swap3A_688 = tpu.vector_load %arg17[%swap3A_686, %swap3A_687] {strides = array<i32>} : memref<128x128xf32, #tpu.memory_space<vmem>>, vector<1x16xf32>,
          %swap3A_689 = vector.shape_cast %swap3A_688 : vector<1x16xf32> to vector<16xf32>
          %swap3A_690 = vector.shape_cast %max3A_685 : vector<16xf32> to vector<1x16xf32>
          tpu.vector_store %arg17[%swap3A_686, %swap3A_687], %swap3A_690 {strides = array<i32>} : memref<128x128xf32, #tpu.memory_space<vmem>>, vector<1x16xf32>,
          %get3A_691 = arith.index_cast %add3A_618 : i32 to index
          %get3A_692 = arith.constant 96 : index
          %get3A_693 = tpu.vector_load %arg17[%get3A_691, %get3A_692] {strides = array<i32>} : memref<128x128xf32, #tpu.memory_space<vmem>>, vector<1x16xf32>,
          %get3A_694 = vector.shape_cast %get3A_693 : vector<1x16xf32> to vector<16xf32>
          %max3A_695 = arith.constant 0.000000e+00 : f32
          %max3A_696 = vector.broadcast %max3A_695 : f32 to vector<16xf32>
          %max3A_697 = arith.maximumf %get3A_694, %max3A_696 : vector<16xf32>
          %swap3A_698 = arith.index_cast %add3A_618 : i32 to index
          %swap3A_699 = arith.constant 96 : index
          %swap3A_700 = tpu.vector_load %arg17[%swap3A_698, %swap3A_699] {strides = array<i32>} : memref<128x128xf32, #tpu.memory_space<vmem>>, vector<1x16xf32>,
          %swap3A_701 = vector.shape_cast %swap3A_700 : vector<1x16xf32> to vector<16xf32>
          %swap3A_702 = vector.shape_cast %max3A_697 : vector<16xf32> to vector<1x16xf32>
          tpu.vector_store %arg17[%swap3A_698, %swap3A_699], %swap3A_702 {strides = array<i32>} : memref<128x128xf32, #tpu.memory_space<vmem>>, vector<1x16xf32>,
          %get3A_703 = arith.index_cast %add3A_618 : i32 to index
          %get3A_704 = arith.constant 112 : index
          %get3A_705 = tpu.vector_load %arg17[%get3A_703, %get3A_704] {strides = array<i32>} : memref<128x128xf32, #tpu.memory_space<vmem>>, vector<1x16xf32>,
          %get3A_706 = vector.shape_cast %get3A_705 : vector<1x16xf32> to vector<16xf32>
          %max3A_707 = arith.constant 0.000000e+00 : f32
          %max3A_708 = vector.broadcast %max3A_707 : f32 to vector<16xf32>
          %max3A_709 = arith.maximumf %get3A_706, %max3A_708 : vector<16xf32>
          %swap3A_710 = arith.index_cast %add3A_618 : i32 to index
          %swap3A_711 = arith.constant 112 : index
          %swap3A_712 = tpu.vector_load %arg17[%swap3A_710, %swap3A_711] {strides = array<i32>} : memref<128x128xf32, #tpu.memory_space<vmem>>, vector<1x16xf32>,
          %swap3A_713 = vector.shape_cast %swap3A_712 : vector<1x16xf32> to vector<16xf32>
          %swap3A_714 = vector.shape_cast %max3A_709 : vector<16xf32> to vector<1x16xf32>
          tpu.vector_store %arg17[%swap3A_710, %swap3A_711], %swap3A_714 {strides = array<i32>} : memref<128x128xf32, #tpu.memory_space<vmem>>, vector<1x16xf32>,
        }
        %scan3A_314 = arith.constant 32 : i32
        %dma_start3A = arith.constant 0 : i32
        %dma_start3A_315 = arith.constant 0 : i32
        %dma_start3A_316 = tpu.memref_slice %arg28[%dma_start3A, %dma_start3A_315] : memref<10000x128xf32, #tpu.memory_space<vmem_shared>> -> memref<10000x128xf32, #tpu.memory_space<vmem_shared>>
        tpu.enqueue_indirect_dma source(%arg17 : memref<128x128xf32, #tpu.memory_space<vmem>>) target(%dma_start3A_316 : memref<10000x128xf32, #tpu.memory_space<vmem_shared>>) offsets(%arg14 : memref<128xi32, #tpu.memory_space<vmem>>) semaphore(%arg26 : memref<!tpu.dma_semaphore, #tpu.memory_space<semaphore_mem>>) {add = true}
      } else {
      }
      %mul3A_231 = arith.constant 3 : i32
      %mul3A_232 = arith.muli %scan3A_193, %mul3A_231 : i32
      %add3A_233 = arith.constant 1 : i32
      %add3A_234 = arith.addi %mul3A_232, %add3A_233 : i32
      %sub3A_235 = arith.constant 3 : i32
      %sub3A_236 = arith.subi %add3A_234, %sub3A_235 : i32
      %ge3A_237 = arith.constant 0 : i32
      %ge3A_238 = arith.cmpi sge, %sub3A_236, %ge3A_237 : i32
      %lt3A_239 = arith.cmpi slt, %sub3A_236, %select_n3A : i32
      %and3A_240 = arith.andi %ge3A_238, %lt3A_239 : i1
      %convert_element_type3A_241 = arith.extui %and3A_240 : i1 to i32
      %cond3A_242 = arith.constant 0 : i32
      %cond3A_243 = arith.cmpi ne, %convert_element_type3A_241, %cond3A_242 : i32
      scf.if %cond3A_243 {
        %dma_wait3A = arith.constant 0 : i32
        %dma_wait3A_307 = arith.constant 0 : i32
        %dma_wait3A_308 = tpu.memref_slice %arg28[%dma_wait3A, %dma_wait3A_307] : memref<10000x128xf32, #tpu.memory_space<vmem_shared>> -> memref<10000x128xf32, #tpu.memory_space<vmem_shared>>
        tpu.wait_indirect_dma semaphore(%arg26 : memref<!tpu.dma_semaphore, #tpu.memory_space<semaphore_mem>>) src(%arg17 : memref<128x128xf32, #tpu.memory_space<vmem>>) dst(%dma_wait3A_308 : memref<10000x128xf32, #tpu.memory_space<vmem_shared>>)
      } else {
      }
      %ge3A_244 = arith.constant 0 : i32
      %ge3A_245 = arith.cmpi sge, %add3A_234, %ge3A_244 : i32
      %lt3A_246 = arith.cmpi slt, %add3A_234, %select_n3A : i32
      %and3A_247 = arith.andi %ge3A_245, %lt3A_246 : i1
      %convert_element_type3A_248 = arith.extui %and3A_247 : i1 to i32
      %cond3A_249 = arith.constant 0 : i32
      %cond3A_250 = arith.cmpi ne, %convert_element_type3A_248, %cond3A_249 : i32
      scf.if %cond3A_250 {
        %mul3A_307 = arith.constant 16 : i32
        %mul3A_308 = arith.muli %add3A_234, %mul3A_307 : i32
        %add3A_309 = arith.addi %arg1, %mul3A_308 : i32
        %mul3A_310 = arith.constant 128 : i32
        %mul3A_311 = arith.muli %add3A_309, %mul3A_310 : i32
        "tpu.region"() ({
          %run_scoped3A = tpu.sem_alloc : memref<!tpu.dma_semaphore, #tpu.memory_space<semaphore_mem>>
          %dma_start3A_440 = tpu.memref_slice %arg3[%mul3A_311] : memref<160000xi32, #tpu.memory_space<hbm>> -> memref<128xi32, #tpu.memory_space<hbm>>
          %dma_start3A_441 = tpu.memref_slice %arg3[%mul3A_311] : memref<160000xi32, #tpu.memory_space<hbm>> -> memref<128xi32, #tpu.memory_space<hbm>>
          tpu.enqueue_dma source(%dma_start3A_441 : memref<128xi32, #tpu.memory_space<hbm>>) target(%arg8 : memref<128xi32, #tpu.memory_space<vmem>>) target_semaphore(%run_scoped3A : memref<!tpu.dma_semaphore, #tpu.memory_space<semaphore_mem>>)
          %dma_wait3A = tpu.memref_slice %arg3[%mul3A_311] : memref<160000xi32, #tpu.memory_space<hbm>> -> memref<128xi32, #tpu.memory_space<hbm>>
          %dma_wait3A_442 = tpu.memref_slice %arg3[%mul3A_311] : memref<160000xi32, #tpu.memory_space<hbm>> -> memref<128xi32, #tpu.memory_space<hbm>>
          tpu.wait_dma2 semaphore(%run_scoped3A : memref<!tpu.dma_semaphore, #tpu.memory_space<semaphore_mem>>) src(%dma_wait3A_442 : memref<128xi32, #tpu.memory_space<hbm>>) dst(%arg8 : memref<128xi32, #tpu.memory_space<vmem>>)
          tpu.yield
        }) : () -> ()
        "tpu.region"() ({
          %run_scoped3A = tpu.sem_alloc : memref<!tpu.dma_semaphore, #tpu.memory_space<semaphore_mem>>
          %dma_start3A_440 = tpu.memref_slice %arg4[%mul3A_311] : memref<160000xi32, #tpu.memory_space<hbm>> -> memref<128xi32, #tpu.memory_space<hbm>>
          %dma_start3A_441 = tpu.memref_slice %arg4[%mul3A_311] : memref<160000xi32, #tpu.memory_space<hbm>> -> memref<128xi32, #tpu.memory_space<hbm>>
          tpu.enqueue_dma source(%dma_start3A_441 : memref<128xi32, #tpu.memory_space<hbm>>) target(%arg14 : memref<128xi32, #tpu.memory_space<vmem>>) target_semaphore(%run_scoped3A : memref<!tpu.dma_semaphore, #tpu.memory_space<semaphore_mem>>)
          %dma_wait3A = tpu.memref_slice %arg4[%mul3A_311] : memref<160000xi32, #tpu.memory_space<hbm>> -> memref<128xi32, #tpu.memory_space<hbm>>
          %dma_wait3A_442 = tpu.memref_slice %arg4[%mul3A_311] : memref<160000xi32, #tpu.memory_space<hbm>> -> memref<128xi32, #tpu.memory_space<hbm>>
          tpu.wait_dma2 semaphore(%run_scoped3A : memref<!tpu.dma_semaphore, #tpu.memory_space<semaphore_mem>>) src(%dma_wait3A_442 : memref<128xi32, #tpu.memory_space<hbm>>) dst(%arg14 : memref<128xi32, #tpu.memory_space<vmem>>)
          tpu.yield
        }) : () -> ()
        %get3A = arith.constant 0 : index
        %get3A_312 = tpu.vector_load %arg8[%get3A] {strides = array<i32>} : memref<128xi32, #tpu.memory_space<vmem>>, vector<16xi32>,
        %get3A_313 = vector.shape_cast %get3A_312 : vector<16xi32> to vector<16xi32>
        %add3A_314 = arith.addi %get3A_313, %broadcast_in_dim3A_42 : vector<16xi32>
        %swap3A = arith.constant 0 : index
        %swap3A_315 = tpu.vector_load %arg8[%swap3A] {strides = array<i32>} : memref<128xi32, #tpu.memory_space<vmem>>, vector<16xi32>,
        %swap3A_316 = vector.shape_cast %swap3A_315 : vector<16xi32> to vector<16xi32>
        %swap3A_317 = vector.shape_cast %add3A_314 : vector<16xi32> to vector<16xi32>
        tpu.vector_store %arg8[%swap3A], %swap3A_317 {strides = array<i32>} : memref<128xi32, #tpu.memory_space<vmem>>, vector<16xi32>,
        %get3A_318 = arith.constant 0 : index
        %get3A_319 = tpu.vector_load %arg14[%get3A_318] {strides = array<i32>} : memref<128xi32, #tpu.memory_space<vmem>>, vector<16xi32>,
        %get3A_320 = vector.shape_cast %get3A_319 : vector<16xi32> to vector<16xi32>
        %add3A_321 = arith.addi %get3A_320, %broadcast_in_dim3A_47 : vector<16xi32>
        %swap3A_322 = arith.constant 0 : index
        %swap3A_323 = tpu.vector_load %arg11[%swap3A_322] {strides = array<i32>} : memref<128xi32, #tpu.memory_space<vmem>>, vector<16xi32>,
        %swap3A_324 = vector.shape_cast %swap3A_323 : vector<16xi32> to vector<16xi32>
        %swap3A_325 = vector.shape_cast %add3A_321 : vector<16xi32> to vector<16xi32>
        tpu.vector_store %arg11[%swap3A_322], %swap3A_325 {strides = array<i32>} : memref<128xi32, #tpu.memory_space<vmem>>, vector<16xi32>,
        %get3A_326 = arith.constant 16 : index
        %get3A_327 = tpu.vector_load %arg8[%get3A_326] {strides = array<i32>} : memref<128xi32, #tpu.memory_space<vmem>>, vector<16xi32>,
        %get3A_328 = vector.shape_cast %get3A_327 : vector<16xi32> to vector<16xi32>
        %add3A_329 = arith.addi %get3A_328, %broadcast_in_dim3A_42 : vector<16xi32>
        %swap3A_330 = arith.constant 16 : index
        %swap3A_331 = tpu.vector_load %arg8[%swap3A_330] {strides = array<i32>} : memref<128xi32, #tpu.memory_space<vmem>>, vector<16xi32>,
        %swap3A_332 = vector.shape_cast %swap3A_331 : vector<16xi32> to vector<16xi32>
        %swap3A_333 = vector.shape_cast %add3A_329 : vector<16xi32> to vector<16xi32>
        tpu.vector_store %arg8[%swap3A_330], %swap3A_333 {strides = array<i32>} : memref<128xi32, #tpu.memory_space<vmem>>, vector<16xi32>,
        %get3A_334 = arith.constant 16 : index
        %get3A_335 = tpu.vector_load %arg14[%get3A_334] {strides = array<i32>} : memref<128xi32, #tpu.memory_space<vmem>>, vector<16xi32>,
        %get3A_336 = vector.shape_cast %get3A_335 : vector<16xi32> to vector<16xi32>
        %add3A_337 = arith.addi %get3A_336, %broadcast_in_dim3A_47 : vector<16xi32>
        %swap3A_338 = arith.constant 16 : index
        %swap3A_339 = tpu.vector_load %arg11[%swap3A_338] {strides = array<i32>} : memref<128xi32, #tpu.memory_space<vmem>>, vector<16xi32>,
        %swap3A_340 = vector.shape_cast %swap3A_339 : vector<16xi32> to vector<16xi32>
        %swap3A_341 = vector.shape_cast %add3A_337 : vector<16xi32> to vector<16xi32>
        tpu.vector_store %arg11[%swap3A_338], %swap3A_341 {strides = array<i32>} : memref<128xi32, #tpu.memory_space<vmem>>, vector<16xi32>,
        %get3A_342 = arith.constant 32 : index
        %get3A_343 = tpu.vector_load %arg8[%get3A_342] {strides = array<i32>} : memref<128xi32, #tpu.memory_space<vmem>>, vector<16xi32>,
        %get3A_344 = vector.shape_cast %get3A_343 : vector<16xi32> to vector<16xi32>
        %add3A_345 = arith.addi %get3A_344, %broadcast_in_dim3A_42 : vector<16xi32>
        %swap3A_346 = arith.constant 32 : index
        %swap3A_347 = tpu.vector_load %arg8[%swap3A_346] {strides = array<i32>} : memref<128xi32, #tpu.memory_space<vmem>>, vector<16xi32>,
        %swap3A_348 = vector.shape_cast %swap3A_347 : vector<16xi32> to vector<16xi32>
        %swap3A_349 = vector.shape_cast %add3A_345 : vector<16xi32> to vector<16xi32>
        tpu.vector_store %arg8[%swap3A_346], %swap3A_349 {strides = array<i32>} : memref<128xi32, #tpu.memory_space<vmem>>, vector<16xi32>,
        %get3A_350 = arith.constant 32 : index
        %get3A_351 = tpu.vector_load %arg14[%get3A_350] {strides = array<i32>} : memref<128xi32, #tpu.memory_space<vmem>>, vector<16xi32>,
        %get3A_352 = vector.shape_cast %get3A_351 : vector<16xi32> to vector<16xi32>
        %add3A_353 = arith.addi %get3A_352, %broadcast_in_dim3A_47 : vector<16xi32>
        %swap3A_354 = arith.constant 32 : index
        %swap3A_355 = tpu.vector_load %arg11[%swap3A_354] {strides = array<i32>} : memref<128xi32, #tpu.memory_space<vmem>>, vector<16xi32>,
        %swap3A_356 = vector.shape_cast %swap3A_355 : vector<16xi32> to vector<16xi32>
        %swap3A_357 = vector.shape_cast %add3A_353 : vector<16xi32> to vector<16xi32>
        tpu.vector_store %arg11[%swap3A_354], %swap3A_357 {strides = array<i32>} : memref<128xi32, #tpu.memory_space<vmem>>, vector<16xi32>,
        %get3A_358 = arith.constant 48 : index
        %get3A_359 = tpu.vector_load %arg8[%get3A_358] {strides = array<i32>} : memref<128xi32, #tpu.memory_space<vmem>>, vector<16xi32>,
        %get3A_360 = vector.shape_cast %get3A_359 : vector<16xi32> to vector<16xi32>
        %add3A_361 = arith.addi %get3A_360, %broadcast_in_dim3A_42 : vector<16xi32>
        %swap3A_362 = arith.constant 48 : index
        %swap3A_363 = tpu.vector_load %arg8[%swap3A_362] {strides = array<i32>} : memref<128xi32, #tpu.memory_space<vmem>>, vector<16xi32>,
        %swap3A_364 = vector.shape_cast %swap3A_363 : vector<16xi32> to vector<16xi32>
        %swap3A_365 = vector.shape_cast %add3A_361 : vector<16xi32> to vector<16xi32>
        tpu.vector_store %arg8[%swap3A_362], %swap3A_365 {strides = array<i32>} : memref<128xi32, #tpu.memory_space<vmem>>, vector<16xi32>,
        %get3A_366 = arith.constant 48 : index
        %get3A_367 = tpu.vector_load %arg14[%get3A_366] {strides = array<i32>} : memref<128xi32, #tpu.memory_space<vmem>>, vector<16xi32>,
        %get3A_368 = vector.shape_cast %get3A_367 : vector<16xi32> to vector<16xi32>
        %add3A_369 = arith.addi %get3A_368, %broadcast_in_dim3A_47 : vector<16xi32>
        %swap3A_370 = arith.constant 48 : index
        %swap3A_371 = tpu.vector_load %arg11[%swap3A_370] {strides = array<i32>} : memref<128xi32, #tpu.memory_space<vmem>>, vector<16xi32>,
        %swap3A_372 = vector.shape_cast %swap3A_371 : vector<16xi32> to vector<16xi32>
        %swap3A_373 = vector.shape_cast %add3A_369 : vector<16xi32> to vector<16xi32>
        tpu.vector_store %arg11[%swap3A_370], %swap3A_373 {strides = array<i32>} : memref<128xi32, #tpu.memory_space<vmem>>, vector<16xi32>,
        %get3A_374 = arith.constant 64 : index
        %get3A_375 = tpu.vector_load %arg8[%get3A_374] {strides = array<i32>} : memref<128xi32, #tpu.memory_space<vmem>>, vector<16xi32>,
        %get3A_376 = vector.shape_cast %get3A_375 : vector<16xi32> to vector<16xi32>
        %add3A_377 = arith.addi %get3A_376, %broadcast_in_dim3A_42 : vector<16xi32>
        %swap3A_378 = arith.constant 64 : index
        %swap3A_379 = tpu.vector_load %arg8[%swap3A_378] {strides = array<i32>} : memref<128xi32, #tpu.memory_space<vmem>>, vector<16xi32>,
        %swap3A_380 = vector.shape_cast %swap3A_379 : vector<16xi32> to vector<16xi32>
        %swap3A_381 = vector.shape_cast %add3A_377 : vector<16xi32> to vector<16xi32>
        tpu.vector_store %arg8[%swap3A_378], %swap3A_381 {strides = array<i32>} : memref<128xi32, #tpu.memory_space<vmem>>, vector<16xi32>,
        %get3A_382 = arith.constant 64 : index
        %get3A_383 = tpu.vector_load %arg14[%get3A_382] {strides = array<i32>} : memref<128xi32, #tpu.memory_space<vmem>>, vector<16xi32>,
        %get3A_384 = vector.shape_cast %get3A_383 : vector<16xi32> to vector<16xi32>
        %add3A_385 = arith.addi %get3A_384, %broadcast_in_dim3A_47 : vector<16xi32>
        %swap3A_386 = arith.constant 64 : index
        %swap3A_387 = tpu.vector_load %arg11[%swap3A_386] {strides = array<i32>} : memref<128xi32, #tpu.memory_space<vmem>>, vector<16xi32>,
        %swap3A_388 = vector.shape_cast %swap3A_387 : vector<16xi32> to vector<16xi32>
        %swap3A_389 = vector.shape_cast %add3A_385 : vector<16xi32> to vector<16xi32>
        tpu.vector_store %arg11[%swap3A_386], %swap3A_389 {strides = array<i32>} : memref<128xi32, #tpu.memory_space<vmem>>, vector<16xi32>,
        %get3A_390 = arith.constant 80 : index
        %get3A_391 = tpu.vector_load %arg8[%get3A_390] {strides = array<i32>} : memref<128xi32, #tpu.memory_space<vmem>>, vector<16xi32>,
        %get3A_392 = vector.shape_cast %get3A_391 : vector<16xi32> to vector<16xi32>
        %add3A_393 = arith.addi %get3A_392, %broadcast_in_dim3A_42 : vector<16xi32>
        %swap3A_394 = arith.constant 80 : index
        %swap3A_395 = tpu.vector_load %arg8[%swap3A_394] {strides = array<i32>} : memref<128xi32, #tpu.memory_space<vmem>>, vector<16xi32>,
        %swap3A_396 = vector.shape_cast %swap3A_395 : vector<16xi32> to vector<16xi32>
        %swap3A_397 = vector.shape_cast %add3A_393 : vector<16xi32> to vector<16xi32>
        tpu.vector_store %arg8[%swap3A_394], %swap3A_397 {strides = array<i32>} : memref<128xi32, #tpu.memory_space<vmem>>, vector<16xi32>,
        %get3A_398 = arith.constant 80 : index
        %get3A_399 = tpu.vector_load %arg14[%get3A_398] {strides = array<i32>} : memref<128xi32, #tpu.memory_space<vmem>>, vector<16xi32>,
        %get3A_400 = vector.shape_cast %get3A_399 : vector<16xi32> to vector<16xi32>
        %add3A_401 = arith.addi %get3A_400, %broadcast_in_dim3A_47 : vector<16xi32>
        %swap3A_402 = arith.constant 80 : index
        %swap3A_403 = tpu.vector_load %arg11[%swap3A_402] {strides = array<i32>} : memref<128xi32, #tpu.memory_space<vmem>>, vector<16xi32>,
        %swap3A_404 = vector.shape_cast %swap3A_403 : vector<16xi32> to vector<16xi32>
        %swap3A_405 = vector.shape_cast %add3A_401 : vector<16xi32> to vector<16xi32>
        tpu.vector_store %arg11[%swap3A_402], %swap3A_405 {strides = array<i32>} : memref<128xi32, #tpu.memory_space<vmem>>, vector<16xi32>,
        %get3A_406 = arith.constant 96 : index
        %get3A_407 = tpu.vector_load %arg8[%get3A_406] {strides = array<i32>} : memref<128xi32, #tpu.memory_space<vmem>>, vector<16xi32>,
        %get3A_408 = vector.shape_cast %get3A_407 : vector<16xi32> to vector<16xi32>
        %add3A_409 = arith.addi %get3A_408, %broadcast_in_dim3A_42 : vector<16xi32>
        %swap3A_410 = arith.constant 96 : index
        %swap3A_411 = tpu.vector_load %arg8[%swap3A_410] {strides = array<i32>} : memref<128xi32, #tpu.memory_space<vmem>>, vector<16xi32>,
        %swap3A_412 = vector.shape_cast %swap3A_411 : vector<16xi32> to vector<16xi32>
        %swap3A_413 = vector.shape_cast %add3A_409 : vector<16xi32> to vector<16xi32>
        tpu.vector_store %arg8[%swap3A_410], %swap3A_413 {strides = array<i32>} : memref<128xi32, #tpu.memory_space<vmem>>, vector<16xi32>,
        %get3A_414 = arith.constant 96 : index
        %get3A_415 = tpu.vector_load %arg14[%get3A_414] {strides = array<i32>} : memref<128xi32, #tpu.memory_space<vmem>>, vector<16xi32>,
        %get3A_416 = vector.shape_cast %get3A_415 : vector<16xi32> to vector<16xi32>
        %add3A_417 = arith.addi %get3A_416, %broadcast_in_dim3A_47 : vector<16xi32>
        %swap3A_418 = arith.constant 96 : index
        %swap3A_419 = tpu.vector_load %arg11[%swap3A_418] {strides = array<i32>} : memref<128xi32, #tpu.memory_space<vmem>>, vector<16xi32>,
        %swap3A_420 = vector.shape_cast %swap3A_419 : vector<16xi32> to vector<16xi32>
        %swap3A_421 = vector.shape_cast %add3A_417 : vector<16xi32> to vector<16xi32>
        tpu.vector_store %arg11[%swap3A_418], %swap3A_421 {strides = array<i32>} : memref<128xi32, #tpu.memory_space<vmem>>, vector<16xi32>,
        %get3A_422 = arith.constant 112 : index
        %get3A_423 = tpu.vector_load %arg8[%get3A_422] {strides = array<i32>} : memref<128xi32, #tpu.memory_space<vmem>>, vector<16xi32>,
        %get3A_424 = vector.shape_cast %get3A_423 : vector<16xi32> to vector<16xi32>
        %add3A_425 = arith.addi %get3A_424, %broadcast_in_dim3A_42 : vector<16xi32>
        %swap3A_426 = arith.constant 112 : index
        %swap3A_427 = tpu.vector_load %arg8[%swap3A_426] {strides = array<i32>} : memref<128xi32, #tpu.memory_space<vmem>>, vector<16xi32>,
        %swap3A_428 = vector.shape_cast %swap3A_427 : vector<16xi32> to vector<16xi32>
        %swap3A_429 = vector.shape_cast %add3A_425 : vector<16xi32> to vector<16xi32>
        tpu.vector_store %arg8[%swap3A_426], %swap3A_429 {strides = array<i32>} : memref<128xi32, #tpu.memory_space<vmem>>, vector<16xi32>,
        %get3A_430 = arith.constant 112 : index
        %get3A_431 = tpu.vector_load %arg14[%get3A_430] {strides = array<i32>} : memref<128xi32, #tpu.memory_space<vmem>>, vector<16xi32>,
        %get3A_432 = vector.shape_cast %get3A_431 : vector<16xi32> to vector<16xi32>
        %add3A_433 = arith.addi %get3A_432, %broadcast_in_dim3A_47 : vector<16xi32>
        %swap3A_434 = arith.constant 112 : index
        %swap3A_435 = tpu.vector_load %arg11[%swap3A_434] {strides = array<i32>} : memref<128xi32, #tpu.memory_space<vmem>>, vector<16xi32>,
        %swap3A_436 = vector.shape_cast %swap3A_435 : vector<16xi32> to vector<16xi32>
        %swap3A_437 = vector.shape_cast %add3A_433 : vector<16xi32> to vector<16xi32>
        tpu.vector_store %arg11[%swap3A_434], %swap3A_437 {strides = array<i32>} : memref<128xi32, #tpu.memory_space<vmem>>, vector<16xi32>,
        %dma_start3A = arith.constant 0 : i32
        %dma_start3A_438 = arith.constant 0 : i32
        %dma_start3A_439 = tpu.memref_slice %arg2[%dma_start3A, %dma_start3A_438] : memref<40000x128xf32, #tpu.memory_space<hbm>> -> memref<40000x128xf32, #tpu.memory_space<hbm>>
        tpu.enqueue_indirect_dma source(%dma_start3A_439 : memref<40000x128xf32, #tpu.memory_space<hbm>>) target(%arg17 : memref<128x128xf32, #tpu.memory_space<vmem>>) offsets(%arg8 : memref<128xi32, #tpu.memory_space<vmem>>) semaphore(%arg20 : memref<!tpu.dma_semaphore, #tpu.memory_space<semaphore_mem>>)
      } else {
      }
      %sub3A_251 = arith.constant 1 : i32
      %sub3A_252 = arith.subi %add3A_234, %sub3A_251 : i32
      %ge3A_253 = arith.constant 0 : i32
      %ge3A_254 = arith.cmpi sge, %sub3A_252, %ge3A_253 : i32
      %lt3A_255 = arith.cmpi slt, %sub3A_252, %select_n3A : i32
      %and3A_256 = arith.andi %ge3A_254, %lt3A_255 : i1
      %convert_element_type3A_257 = arith.extui %and3A_256 : i1 to i32
      %cond3A_258 = arith.constant 0 : i32
      %cond3A_259 = arith.cmpi ne, %convert_element_type3A_257, %cond3A_258 : i32
      scf.if %cond3A_259 {
        %dma_wait3A = arith.constant 0 : i32
        %dma_wait3A_307 = arith.constant 0 : i32
        %dma_wait3A_308 = tpu.memref_slice %arg2[%dma_wait3A, %dma_wait3A_307] : memref<40000x128xf32, #tpu.memory_space<hbm>> -> memref<40000x128xf32, #tpu.memory_space<hbm>>
        tpu.wait_indirect_dma semaphore(%arg19 : memref<!tpu.dma_semaphore, #tpu.memory_space<semaphore_mem>>) src(%dma_wait3A_308 : memref<40000x128xf32, #tpu.memory_space<hbm>>) dst(%arg16 : memref<128x128xf32, #tpu.memory_space<vmem>>)
        %dma_start3A = arith.constant 0 : i32
        %dma_start3A_309 = arith.constant 0 : i32
        %dma_start3A_310 = tpu.memref_slice %arg2[%dma_start3A, %dma_start3A_309] : memref<40000x128xf32, #tpu.memory_space<hbm>> -> memref<40000x128xf32, #tpu.memory_space<hbm>>
        tpu.enqueue_indirect_dma source(%dma_start3A_310 : memref<40000x128xf32, #tpu.memory_space<hbm>>) target(%arg16 : memref<128x128xf32, #tpu.memory_space<vmem>>) offsets(%arg10 : memref<128xi32, #tpu.memory_space<vmem>>) semaphore(%arg22 : memref<!tpu.dma_semaphore, #tpu.memory_space<semaphore_mem>>) {add = true}
      } else {
      }
      %sub3A_260 = arith.constant 2 : i32
      %sub3A_261 = arith.subi %add3A_234, %sub3A_260 : i32
      %ge3A_262 = arith.constant 0 : i32
      %ge3A_263 = arith.cmpi sge, %sub3A_261, %ge3A_262 : i32
      %lt3A_264 = arith.cmpi slt, %sub3A_261, %select_n3A : i32
      %and3A_265 = arith.andi %ge3A_263, %lt3A_264 : i1
      %convert_element_type3A_266 = arith.extui %and3A_265 : i1 to i32
      %cond3A_267 = arith.constant 0 : i32
      %cond3A_268 = arith.cmpi ne, %convert_element_type3A_266, %cond3A_267 : i32
      scf.if %cond3A_268 {
        %dma_wait3A = arith.constant 0 : i32
        %dma_wait3A_307 = arith.constant 0 : i32
        %dma_wait3A_308 = tpu.memref_slice %arg2[%dma_wait3A, %dma_wait3A_307] : memref<40000x128xf32, #tpu.memory_space<hbm>> -> memref<40000x128xf32, #tpu.memory_space<hbm>>
        tpu.wait_indirect_dma semaphore(%arg24 : memref<!tpu.dma_semaphore, #tpu.memory_space<semaphore_mem>>) src(%dma_wait3A_308 : memref<40000x128xf32, #tpu.memory_space<hbm>>) dst(%arg18 : memref<128x128xf32, #tpu.memory_space<vmem>>)
        %scan3A_309 = arith.constant 0 : i32
        %scan3A_310 = arith.constant 0 : i32
        %scan3A_311 = arith.constant 32 : i32
        %scan3A_312 = arith.addi %scan3A_310, %scan3A_311 : i32
        %scan3A_313 = arith.constant 1 : i32
        scf.for %scan3A_317 = %scan3A_310 to %scan3A_312 step %scan3A_313  : i32 {
          %mul3A_318 = arith.constant 4 : i32
          %mul3A_319 = arith.muli %scan3A_317, %mul3A_318 : i32
          %add3A_320 = arith.constant 0 : i32
          %add3A_321 = arith.addi %mul3A_319, %add3A_320 : i32
          %get3A = arith.index_cast %add3A_321 : i32 to index
          %get3A_322 = arith.constant 0 : index
          %get3A_323 = tpu.vector_load %arg18[%get3A, %get3A_322] {strides = array<i32>} : memref<128x128xf32, #tpu.memory_space<vmem>>, vector<1x16xf32>,
          %get3A_324 = vector.shape_cast %get3A_323 : vector<1x16xf32> to vector<16xf32>
          %max3A = arith.constant 0.000000e+00 : f32
          %max3A_325 = vector.broadcast %max3A : f32 to vector<16xf32>
          %max3A_326 = arith.maximumf %get3A_324, %max3A_325 : vector<16xf32>
          %swap3A = arith.index_cast %add3A_321 : i32 to index
          %swap3A_327 = arith.constant 0 : index
          %swap3A_328 = tpu.vector_load %arg18[%swap3A, %swap3A_327] {strides = array<i32>} : memref<128x128xf32, #tpu.memory_space<vmem>>, vector<1x16xf32>,
          %swap3A_329 = vector.shape_cast %swap3A_328 : vector<1x16xf32> to vector<16xf32>
          %swap3A_330 = vector.shape_cast %max3A_326 : vector<16xf32> to vector<1x16xf32>
          tpu.vector_store %arg18[%swap3A, %swap3A_327], %swap3A_330 {strides = array<i32>} : memref<128x128xf32, #tpu.memory_space<vmem>>, vector<1x16xf32>,
          %get3A_331 = arith.index_cast %add3A_321 : i32 to index
          %get3A_332 = arith.constant 16 : index
          %get3A_333 = tpu.vector_load %arg18[%get3A_331, %get3A_332] {strides = array<i32>} : memref<128x128xf32, #tpu.memory_space<vmem>>, vector<1x16xf32>,
          %get3A_334 = vector.shape_cast %get3A_333 : vector<1x16xf32> to vector<16xf32>
          %max3A_335 = arith.constant 0.000000e+00 : f32
          %max3A_336 = vector.broadcast %max3A_335 : f32 to vector<16xf32>
          %max3A_337 = arith.maximumf %get3A_334, %max3A_336 : vector<16xf32>
          %swap3A_338 = arith.index_cast %add3A_321 : i32 to index
          %swap3A_339 = arith.constant 16 : index
          %swap3A_340 = tpu.vector_load %arg18[%swap3A_338, %swap3A_339] {strides = array<i32>} : memref<128x128xf32, #tpu.memory_space<vmem>>, vector<1x16xf32>,
          %swap3A_341 = vector.shape_cast %swap3A_340 : vector<1x16xf32> to vector<16xf32>
          %swap3A_342 = vector.shape_cast %max3A_337 : vector<16xf32> to vector<1x16xf32>
          tpu.vector_store %arg18[%swap3A_338, %swap3A_339], %swap3A_342 {strides = array<i32>} : memref<128x128xf32, #tpu.memory_space<vmem>>, vector<1x16xf32>,
          %get3A_343 = arith.index_cast %add3A_321 : i32 to index
          %get3A_344 = arith.constant 32 : index
          %get3A_345 = tpu.vector_load %arg18[%get3A_343, %get3A_344] {strides = array<i32>} : memref<128x128xf32, #tpu.memory_space<vmem>>, vector<1x16xf32>,
          %get3A_346 = vector.shape_cast %get3A_345 : vector<1x16xf32> to vector<16xf32>
          %max3A_347 = arith.constant 0.000000e+00 : f32
          %max3A_348 = vector.broadcast %max3A_347 : f32 to vector<16xf32>
          %max3A_349 = arith.maximumf %get3A_346, %max3A_348 : vector<16xf32>
          %swap3A_350 = arith.index_cast %add3A_321 : i32 to index
          %swap3A_351 = arith.constant 32 : index
          %swap3A_352 = tpu.vector_load %arg18[%swap3A_350, %swap3A_351] {strides = array<i32>} : memref<128x128xf32, #tpu.memory_space<vmem>>, vector<1x16xf32>,
          %swap3A_353 = vector.shape_cast %swap3A_352 : vector<1x16xf32> to vector<16xf32>
          %swap3A_354 = vector.shape_cast %max3A_349 : vector<16xf32> to vector<1x16xf32>
          tpu.vector_store %arg18[%swap3A_350, %swap3A_351], %swap3A_354 {strides = array<i32>} : memref<128x128xf32, #tpu.memory_space<vmem>>, vector<1x16xf32>,
          %get3A_355 = arith.index_cast %add3A_321 : i32 to index
          %get3A_356 = arith.constant 48 : index
          %get3A_357 = tpu.vector_load %arg18[%get3A_355, %get3A_356] {strides = array<i32>} : memref<128x128xf32, #tpu.memory_space<vmem>>, vector<1x16xf32>,
          %get3A_358 = vector.shape_cast %get3A_357 : vector<1x16xf32> to vector<16xf32>
          %max3A_359 = arith.constant 0.000000e+00 : f32
          %max3A_360 = vector.broadcast %max3A_359 : f32 to vector<16xf32>
          %max3A_361 = arith.maximumf %get3A_358, %max3A_360 : vector<16xf32>
          %swap3A_362 = arith.index_cast %add3A_321 : i32 to index
          %swap3A_363 = arith.constant 48 : index
          %swap3A_364 = tpu.vector_load %arg18[%swap3A_362, %swap3A_363] {strides = array<i32>} : memref<128x128xf32, #tpu.memory_space<vmem>>, vector<1x16xf32>,
          %swap3A_365 = vector.shape_cast %swap3A_364 : vector<1x16xf32> to vector<16xf32>
          %swap3A_366 = vector.shape_cast %max3A_361 : vector<16xf32> to vector<1x16xf32>
          tpu.vector_store %arg18[%swap3A_362, %swap3A_363], %swap3A_366 {strides = array<i32>} : memref<128x128xf32, #tpu.memory_space<vmem>>, vector<1x16xf32>,
          %get3A_367 = arith.index_cast %add3A_321 : i32 to index
          %get3A_368 = arith.constant 64 : index
          %get3A_369 = tpu.vector_load %arg18[%get3A_367, %get3A_368] {strides = array<i32>} : memref<128x128xf32, #tpu.memory_space<vmem>>, vector<1x16xf32>,
          %get3A_370 = vector.shape_cast %get3A_369 : vector<1x16xf32> to vector<16xf32>
          %max3A_371 = arith.constant 0.000000e+00 : f32
          %max3A_372 = vector.broadcast %max3A_371 : f32 to vector<16xf32>
          %max3A_373 = arith.maximumf %get3A_370, %max3A_372 : vector<16xf32>
          %swap3A_374 = arith.index_cast %add3A_321 : i32 to index
          %swap3A_375 = arith.constant 64 : index
          %swap3A_376 = tpu.vector_load %arg18[%swap3A_374, %swap3A_375] {strides = array<i32>} : memref<128x128xf32, #tpu.memory_space<vmem>>, vector<1x16xf32>,
          %swap3A_377 = vector.shape_cast %swap3A_376 : vector<1x16xf32> to vector<16xf32>
          %swap3A_378 = vector.shape_cast %max3A_373 : vector<16xf32> to vector<1x16xf32>
          tpu.vector_store %arg18[%swap3A_374, %swap3A_375], %swap3A_378 {strides = array<i32>} : memref<128x128xf32, #tpu.memory_space<vmem>>, vector<1x16xf32>,
          %get3A_379 = arith.index_cast %add3A_321 : i32 to index
          %get3A_380 = arith.constant 80 : index
          %get3A_381 = tpu.vector_load %arg18[%get3A_379, %get3A_380] {strides = array<i32>} : memref<128x128xf32, #tpu.memory_space<vmem>>, vector<1x16xf32>,
          %get3A_382 = vector.shape_cast %get3A_381 : vector<1x16xf32> to vector<16xf32>
          %max3A_383 = arith.constant 0.000000e+00 : f32
          %max3A_384 = vector.broadcast %max3A_383 : f32 to vector<16xf32>
          %max3A_385 = arith.maximumf %get3A_382, %max3A_384 : vector<16xf32>
          %swap3A_386 = arith.index_cast %add3A_321 : i32 to index
          %swap3A_387 = arith.constant 80 : index
          %swap3A_388 = tpu.vector_load %arg18[%swap3A_386, %swap3A_387] {strides = array<i32>} : memref<128x128xf32, #tpu.memory_space<vmem>>, vector<1x16xf32>,
          %swap3A_389 = vector.shape_cast %swap3A_388 : vector<1x16xf32> to vector<16xf32>
          %swap3A_390 = vector.shape_cast %max3A_385 : vector<16xf32> to vector<1x16xf32>
          tpu.vector_store %arg18[%swap3A_386, %swap3A_387], %swap3A_390 {strides = array<i32>} : memref<128x128xf32, #tpu.memory_space<vmem>>, vector<1x16xf32>,
          %get3A_391 = arith.index_cast %add3A_321 : i32 to index
          %get3A_392 = arith.constant 96 : index
          %get3A_393 = tpu.vector_load %arg18[%get3A_391, %get3A_392] {strides = array<i32>} : memref<128x128xf32, #tpu.memory_space<vmem>>, vector<1x16xf32>,
          %get3A_394 = vector.shape_cast %get3A_393 : vector<1x16xf32> to vector<16xf32>
          %max3A_395 = arith.constant 0.000000e+00 : f32
          %max3A_396 = vector.broadcast %max3A_395 : f32 to vector<16xf32>
          %max3A_397 = arith.maximumf %get3A_394, %max3A_396 : vector<16xf32>
          %swap3A_398 = arith.index_cast %add3A_321 : i32 to index
          %swap3A_399 = arith.constant 96 : index
          %swap3A_400 = tpu.vector_load %arg18[%swap3A_398, %swap3A_399] {strides = array<i32>} : memref<128x128xf32, #tpu.memory_space<vmem>>, vector<1x16xf32>,
          %swap3A_401 = vector.shape_cast %swap3A_400 : vector<1x16xf32> to vector<16xf32>
          %swap3A_402 = vector.shape_cast %max3A_397 : vector<16xf32> to vector<1x16xf32>
          tpu.vector_store %arg18[%swap3A_398, %swap3A_399], %swap3A_402 {strides = array<i32>} : memref<128x128xf32, #tpu.memory_space<vmem>>, vector<1x16xf32>,
          %get3A_403 = arith.index_cast %add3A_321 : i32 to index
          %get3A_404 = arith.constant 112 : index
          %get3A_405 = tpu.vector_load %arg18[%get3A_403, %get3A_404] {strides = array<i32>} : memref<128x128xf32, #tpu.memory_space<vmem>>, vector<1x16xf32>,
          %get3A_406 = vector.shape_cast %get3A_405 : vector<1x16xf32> to vector<16xf32>
          %max3A_407 = arith.constant 0.000000e+00 : f32
          %max3A_408 = vector.broadcast %max3A_407 : f32 to vector<16xf32>
          %max3A_409 = arith.maximumf %get3A_406, %max3A_408 : vector<16xf32>
          %swap3A_410 = arith.index_cast %add3A_321 : i32 to index
          %swap3A_411 = arith.constant 112 : index
          %swap3A_412 = tpu.vector_load %arg18[%swap3A_410, %swap3A_411] {strides = array<i32>} : memref<128x128xf32, #tpu.memory_space<vmem>>, vector<1x16xf32>,
          %swap3A_413 = vector.shape_cast %swap3A_412 : vector<1x16xf32> to vector<16xf32>
          %swap3A_414 = vector.shape_cast %max3A_409 : vector<16xf32> to vector<1x16xf32>
          tpu.vector_store %arg18[%swap3A_410, %swap3A_411], %swap3A_414 {strides = array<i32>} : memref<128x128xf32, #tpu.memory_space<vmem>>, vector<1x16xf32>,
          %mul3A_415 = arith.constant 4 : i32
          %mul3A_416 = arith.muli %scan3A_317, %mul3A_415 : i32
          %add3A_417 = arith.constant 1 : i32
          %add3A_418 = arith.addi %mul3A_416, %add3A_417 : i32
          %get3A_419 = arith.index_cast %add3A_418 : i32 to index
          %get3A_420 = arith.constant 0 : index
          %get3A_421 = tpu.vector_load %arg18[%get3A_419, %get3A_420] {strides = array<i32>} : memref<128x128xf32, #tpu.memory_space<vmem>>, vector<1x16xf32>,
          %get3A_422 = vector.shape_cast %get3A_421 : vector<1x16xf32> to vector<16xf32>
          %max3A_423 = arith.constant 0.000000e+00 : f32
          %max3A_424 = vector.broadcast %max3A_423 : f32 to vector<16xf32>
          %max3A_425 = arith.maximumf %get3A_422, %max3A_424 : vector<16xf32>
          %swap3A_426 = arith.index_cast %add3A_418 : i32 to index
          %swap3A_427 = arith.constant 0 : index
          %swap3A_428 = tpu.vector_load %arg18[%swap3A_426, %swap3A_427] {strides = array<i32>} : memref<128x128xf32, #tpu.memory_space<vmem>>, vector<1x16xf32>,
          %swap3A_429 = vector.shape_cast %swap3A_428 : vector<1x16xf32> to vector<16xf32>
          %swap3A_430 = vector.shape_cast %max3A_425 : vector<16xf32> to vector<1x16xf32>
          tpu.vector_store %arg18[%swap3A_426, %swap3A_427], %swap3A_430 {strides = array<i32>} : memref<128x128xf32, #tpu.memory_space<vmem>>, vector<1x16xf32>,
          %get3A_431 = arith.index_cast %add3A_418 : i32 to index
          %get3A_432 = arith.constant 16 : index
          %get3A_433 = tpu.vector_load %arg18[%get3A_431, %get3A_432] {strides = array<i32>} : memref<128x128xf32, #tpu.memory_space<vmem>>, vector<1x16xf32>,
          %get3A_434 = vector.shape_cast %get3A_433 : vector<1x16xf32> to vector<16xf32>
          %max3A_435 = arith.constant 0.000000e+00 : f32
          %max3A_436 = vector.broadcast %max3A_435 : f32 to vector<16xf32>
          %max3A_437 = arith.maximumf %get3A_434, %max3A_436 : vector<16xf32>
          %swap3A_438 = arith.index_cast %add3A_418 : i32 to index
          %swap3A_439 = arith.constant 16 : index
          %swap3A_440 = tpu.vector_load %arg18[%swap3A_438, %swap3A_439] {strides = array<i32>} : memref<128x128xf32, #tpu.memory_space<vmem>>, vector<1x16xf32>,
          %swap3A_441 = vector.shape_cast %swap3A_440 : vector<1x16xf32> to vector<16xf32>
          %swap3A_442 = vector.shape_cast %max3A_437 : vector<16xf32> to vector<1x16xf32>
          tpu.vector_store %arg18[%swap3A_438, %swap3A_439], %swap3A_442 {strides = array<i32>} : memref<128x128xf32, #tpu.memory_space<vmem>>, vector<1x16xf32>,
          %get3A_443 = arith.index_cast %add3A_418 : i32 to index
          %get3A_444 = arith.constant 32 : index
          %get3A_445 = tpu.vector_load %arg18[%get3A_443, %get3A_444] {strides = array<i32>} : memref<128x128xf32, #tpu.memory_space<vmem>>, vector<1x16xf32>,
          %get3A_446 = vector.shape_cast %get3A_445 : vector<1x16xf32> to vector<16xf32>
          %max3A_447 = arith.constant 0.000000e+00 : f32
          %max3A_448 = vector.broadcast %max3A_447 : f32 to vector<16xf32>
          %max3A_449 = arith.maximumf %get3A_446, %max3A_448 : vector<16xf32>
          %swap3A_450 = arith.index_cast %add3A_418 : i32 to index
          %swap3A_451 = arith.constant 32 : index
          %swap3A_452 = tpu.vector_load %arg18[%swap3A_450, %swap3A_451] {strides = array<i32>} : memref<128x128xf32, #tpu.memory_space<vmem>>, vector<1x16xf32>,
          %swap3A_453 = vector.shape_cast %swap3A_452 : vector<1x16xf32> to vector<16xf32>
          %swap3A_454 = vector.shape_cast %max3A_449 : vector<16xf32> to vector<1x16xf32>
          tpu.vector_store %arg18[%swap3A_450, %swap3A_451], %swap3A_454 {strides = array<i32>} : memref<128x128xf32, #tpu.memory_space<vmem>>, vector<1x16xf32>,
          %get3A_455 = arith.index_cast %add3A_418 : i32 to index
          %get3A_456 = arith.constant 48 : index
          %get3A_457 = tpu.vector_load %arg18[%get3A_455, %get3A_456] {strides = array<i32>} : memref<128x128xf32, #tpu.memory_space<vmem>>, vector<1x16xf32>,
          %get3A_458 = vector.shape_cast %get3A_457 : vector<1x16xf32> to vector<16xf32>
          %max3A_459 = arith.constant 0.000000e+00 : f32
          %max3A_460 = vector.broadcast %max3A_459 : f32 to vector<16xf32>
          %max3A_461 = arith.maximumf %get3A_458, %max3A_460 : vector<16xf32>
          %swap3A_462 = arith.index_cast %add3A_418 : i32 to index
          %swap3A_463 = arith.constant 48 : index
          %swap3A_464 = tpu.vector_load %arg18[%swap3A_462, %swap3A_463] {strides = array<i32>} : memref<128x128xf32, #tpu.memory_space<vmem>>, vector<1x16xf32>,
          %swap3A_465 = vector.shape_cast %swap3A_464 : vector<1x16xf32> to vector<16xf32>
          %swap3A_466 = vector.shape_cast %max3A_461 : vector<16xf32> to vector<1x16xf32>
          tpu.vector_store %arg18[%swap3A_462, %swap3A_463], %swap3A_466 {strides = array<i32>} : memref<128x128xf32, #tpu.memory_space<vmem>>, vector<1x16xf32>,
          %get3A_467 = arith.index_cast %add3A_418 : i32 to index
          %get3A_468 = arith.constant 64 : index
          %get3A_469 = tpu.vector_load %arg18[%get3A_467, %get3A_468] {strides = array<i32>} : memref<128x128xf32, #tpu.memory_space<vmem>>, vector<1x16xf32>,
          %get3A_470 = vector.shape_cast %get3A_469 : vector<1x16xf32> to vector<16xf32>
          %max3A_471 = arith.constant 0.000000e+00 : f32
          %max3A_472 = vector.broadcast %max3A_471 : f32 to vector<16xf32>
          %max3A_473 = arith.maximumf %get3A_470, %max3A_472 : vector<16xf32>
          %swap3A_474 = arith.index_cast %add3A_418 : i32 to index
          %swap3A_475 = arith.constant 64 : index
          %swap3A_476 = tpu.vector_load %arg18[%swap3A_474, %swap3A_475] {strides = array<i32>} : memref<128x128xf32, #tpu.memory_space<vmem>>, vector<1x16xf32>,
          %swap3A_477 = vector.shape_cast %swap3A_476 : vector<1x16xf32> to vector<16xf32>
          %swap3A_478 = vector.shape_cast %max3A_473 : vector<16xf32> to vector<1x16xf32>
          tpu.vector_store %arg18[%swap3A_474, %swap3A_475], %swap3A_478 {strides = array<i32>} : memref<128x128xf32, #tpu.memory_space<vmem>>, vector<1x16xf32>,
          %get3A_479 = arith.index_cast %add3A_418 : i32 to index
          %get3A_480 = arith.constant 80 : index
          %get3A_481 = tpu.vector_load %arg18[%get3A_479, %get3A_480] {strides = array<i32>} : memref<128x128xf32, #tpu.memory_space<vmem>>, vector<1x16xf32>,
          %get3A_482 = vector.shape_cast %get3A_481 : vector<1x16xf32> to vector<16xf32>
          %max3A_483 = arith.constant 0.000000e+00 : f32
          %max3A_484 = vector.broadcast %max3A_483 : f32 to vector<16xf32>
          %max3A_485 = arith.maximumf %get3A_482, %max3A_484 : vector<16xf32>
          %swap3A_486 = arith.index_cast %add3A_418 : i32 to index
          %swap3A_487 = arith.constant 80 : index
          %swap3A_488 = tpu.vector_load %arg18[%swap3A_486, %swap3A_487] {strides = array<i32>} : memref<128x128xf32, #tpu.memory_space<vmem>>, vector<1x16xf32>,
          %swap3A_489 = vector.shape_cast %swap3A_488 : vector<1x16xf32> to vector<16xf32>
          %swap3A_490 = vector.shape_cast %max3A_485 : vector<16xf32> to vector<1x16xf32>
          tpu.vector_store %arg18[%swap3A_486, %swap3A_487], %swap3A_490 {strides = array<i32>} : memref<128x128xf32, #tpu.memory_space<vmem>>, vector<1x16xf32>,
          %get3A_491 = arith.index_cast %add3A_418 : i32 to index
          %get3A_492 = arith.constant 96 : index
          %get3A_493 = tpu.vector_load %arg18[%get3A_491, %get3A_492] {strides = array<i32>} : memref<128x128xf32, #tpu.memory_space<vmem>>, vector<1x16xf32>,
          %get3A_494 = vector.shape_cast %get3A_493 : vector<1x16xf32> to vector<16xf32>
          %max3A_495 = arith.constant 0.000000e+00 : f32
          %max3A_496 = vector.broadcast %max3A_495 : f32 to vector<16xf32>
          %max3A_497 = arith.maximumf %get3A_494, %max3A_496 : vector<16xf32>
          %swap3A_498 = arith.index_cast %add3A_418 : i32 to index
          %swap3A_499 = arith.constant 96 : index
          %swap3A_500 = tpu.vector_load %arg18[%swap3A_498, %swap3A_499] {strides = array<i32>} : memref<128x128xf32, #tpu.memory_space<vmem>>, vector<1x16xf32>,
          %swap3A_501 = vector.shape_cast %swap3A_500 : vector<1x16xf32> to vector<16xf32>
          %swap3A_502 = vector.shape_cast %max3A_497 : vector<16xf32> to vector<1x16xf32>
          tpu.vector_store %arg18[%swap3A_498, %swap3A_499], %swap3A_502 {strides = array<i32>} : memref<128x128xf32, #tpu.memory_space<vmem>>, vector<1x16xf32>,
          %get3A_503 = arith.index_cast %add3A_418 : i32 to index
          %get3A_504 = arith.constant 112 : index
          %get3A_505 = tpu.vector_load %arg18[%get3A_503, %get3A_504] {strides = array<i32>} : memref<128x128xf32, #tpu.memory_space<vmem>>, vector<1x16xf32>,
          %get3A_506 = vector.shape_cast %get3A_505 : vector<1x16xf32> to vector<16xf32>
          %max3A_507 = arith.constant 0.000000e+00 : f32
          %max3A_508 = vector.broadcast %max3A_507 : f32 to vector<16xf32>
          %max3A_509 = arith.maximumf %get3A_506, %max3A_508 : vector<16xf32>
          %swap3A_510 = arith.index_cast %add3A_418 : i32 to index
          %swap3A_511 = arith.constant 112 : index
          %swap3A_512 = tpu.vector_load %arg18[%swap3A_510, %swap3A_511] {strides = array<i32>} : memref<128x128xf32, #tpu.memory_space<vmem>>, vector<1x16xf32>,
          %swap3A_513 = vector.shape_cast %swap3A_512 : vector<1x16xf32> to vector<16xf32>
          %swap3A_514 = vector.shape_cast %max3A_509 : vector<16xf32> to vector<1x16xf32>
          tpu.vector_store %arg18[%swap3A_510, %swap3A_511], %swap3A_514 {strides = array<i32>} : memref<128x128xf32, #tpu.memory_space<vmem>>, vector<1x16xf32>,
          %mul3A_515 = arith.constant 4 : i32
          %mul3A_516 = arith.muli %scan3A_317, %mul3A_515 : i32
          %add3A_517 = arith.constant 2 : i32
          %add3A_518 = arith.addi %mul3A_516, %add3A_517 : i32
          %get3A_519 = arith.index_cast %add3A_518 : i32 to index
          %get3A_520 = arith.constant 0 : index
          %get3A_521 = tpu.vector_load %arg18[%get3A_519, %get3A_520] {strides = array<i32>} : memref<128x128xf32, #tpu.memory_space<vmem>>, vector<1x16xf32>,
          %get3A_522 = vector.shape_cast %get3A_521 : vector<1x16xf32> to vector<16xf32>
          %max3A_523 = arith.constant 0.000000e+00 : f32
          %max3A_524 = vector.broadcast %max3A_523 : f32 to vector<16xf32>
          %max3A_525 = arith.maximumf %get3A_522, %max3A_524 : vector<16xf32>
          %swap3A_526 = arith.index_cast %add3A_518 : i32 to index
          %swap3A_527 = arith.constant 0 : index
          %swap3A_528 = tpu.vector_load %arg18[%swap3A_526, %swap3A_527] {strides = array<i32>} : memref<128x128xf32, #tpu.memory_space<vmem>>, vector<1x16xf32>,
          %swap3A_529 = vector.shape_cast %swap3A_528 : vector<1x16xf32> to vector<16xf32>
          %swap3A_530 = vector.shape_cast %max3A_525 : vector<16xf32> to vector<1x16xf32>
          tpu.vector_store %arg18[%swap3A_526, %swap3A_527], %swap3A_530 {strides = array<i32>} : memref<128x128xf32, #tpu.memory_space<vmem>>, vector<1x16xf32>,
          %get3A_531 = arith.index_cast %add3A_518 : i32 to index
          %get3A_532 = arith.constant 16 : index
          %get3A_533 = tpu.vector_load %arg18[%get3A_531, %get3A_532] {strides = array<i32>} : memref<128x128xf32, #tpu.memory_space<vmem>>, vector<1x16xf32>,
          %get3A_534 = vector.shape_cast %get3A_533 : vector<1x16xf32> to vector<16xf32>
          %max3A_535 = arith.constant 0.000000e+00 : f32
          %max3A_536 = vector.broadcast %max3A_535 : f32 to vector<16xf32>
          %max3A_537 = arith.maximumf %get3A_534, %max3A_536 : vector<16xf32>
          %swap3A_538 = arith.index_cast %add3A_518 : i32 to index
          %swap3A_539 = arith.constant 16 : index
          %swap3A_540 = tpu.vector_load %arg18[%swap3A_538, %swap3A_539] {strides = array<i32>} : memref<128x128xf32, #tpu.memory_space<vmem>>, vector<1x16xf32>,
          %swap3A_541 = vector.shape_cast %swap3A_540 : vector<1x16xf32> to vector<16xf32>
          %swap3A_542 = vector.shape_cast %max3A_537 : vector<16xf32> to vector<1x16xf32>
          tpu.vector_store %arg18[%swap3A_538, %swap3A_539], %swap3A_542 {strides = array<i32>} : memref<128x128xf32, #tpu.memory_space<vmem>>, vector<1x16xf32>,
          %get3A_543 = arith.index_cast %add3A_518 : i32 to index
          %get3A_544 = arith.constant 32 : index
          %get3A_545 = tpu.vector_load %arg18[%get3A_543, %get3A_544] {strides = array<i32>} : memref<128x128xf32, #tpu.memory_space<vmem>>, vector<1x16xf32>,
          %get3A_546 = vector.shape_cast %get3A_545 : vector<1x16xf32> to vector<16xf32>
          %max3A_547 = arith.constant 0.000000e+00 : f32
          %max3A_548 = vector.broadcast %max3A_547 : f32 to vector<16xf32>
          %max3A_549 = arith.maximumf %get3A_546, %max3A_548 : vector<16xf32>
          %swap3A_550 = arith.index_cast %add3A_518 : i32 to index
          %swap3A_551 = arith.constant 32 : index
          %swap3A_552 = tpu.vector_load %arg18[%swap3A_550, %swap3A_551] {strides = array<i32>} : memref<128x128xf32, #tpu.memory_space<vmem>>, vector<1x16xf32>,
          %swap3A_553 = vector.shape_cast %swap3A_552 : vector<1x16xf32> to vector<16xf32>
          %swap3A_554 = vector.shape_cast %max3A_549 : vector<16xf32> to vector<1x16xf32>
          tpu.vector_store %arg18[%swap3A_550, %swap3A_551], %swap3A_554 {strides = array<i32>} : memref<128x128xf32, #tpu.memory_space<vmem>>, vector<1x16xf32>,
          %get3A_555 = arith.index_cast %add3A_518 : i32 to index
          %get3A_556 = arith.constant 48 : index
          %get3A_557 = tpu.vector_load %arg18[%get3A_555, %get3A_556] {strides = array<i32>} : memref<128x128xf32, #tpu.memory_space<vmem>>, vector<1x16xf32>,
          %get3A_558 = vector.shape_cast %get3A_557 : vector<1x16xf32> to vector<16xf32>
          %max3A_559 = arith.constant 0.000000e+00 : f32
          %max3A_560 = vector.broadcast %max3A_559 : f32 to vector<16xf32>
          %max3A_561 = arith.maximumf %get3A_558, %max3A_560 : vector<16xf32>
          %swap3A_562 = arith.index_cast %add3A_518 : i32 to index
          %swap3A_563 = arith.constant 48 : index
          %swap3A_564 = tpu.vector_load %arg18[%swap3A_562, %swap3A_563] {strides = array<i32>} : memref<128x128xf32, #tpu.memory_space<vmem>>, vector<1x16xf32>,
          %swap3A_565 = vector.shape_cast %swap3A_564 : vector<1x16xf32> to vector<16xf32>
          %swap3A_566 = vector.shape_cast %max3A_561 : vector<16xf32> to vector<1x16xf32>
          tpu.vector_store %arg18[%swap3A_562, %swap3A_563], %swap3A_566 {strides = array<i32>} : memref<128x128xf32, #tpu.memory_space<vmem>>, vector<1x16xf32>,
          %get3A_567 = arith.index_cast %add3A_518 : i32 to index
          %get3A_568 = arith.constant 64 : index
          %get3A_569 = tpu.vector_load %arg18[%get3A_567, %get3A_568] {strides = array<i32>} : memref<128x128xf32, #tpu.memory_space<vmem>>, vector<1x16xf32>,
          %get3A_570 = vector.shape_cast %get3A_569 : vector<1x16xf32> to vector<16xf32>
          %max3A_571 = arith.constant 0.000000e+00 : f32
          %max3A_572 = vector.broadcast %max3A_571 : f32 to vector<16xf32>
          %max3A_573 = arith.maximumf %get3A_570, %max3A_572 : vector<16xf32>
          %swap3A_574 = arith.index_cast %add3A_518 : i32 to index
          %swap3A_575 = arith.constant 64 : index
          %swap3A_576 = tpu.vector_load %arg18[%swap3A_574, %swap3A_575] {strides = array<i32>} : memref<128x128xf32, #tpu.memory_space<vmem>>, vector<1x16xf32>,
          %swap3A_577 = vector.shape_cast %swap3A_576 : vector<1x16xf32> to vector<16xf32>
          %swap3A_578 = vector.shape_cast %max3A_573 : vector<16xf32> to vector<1x16xf32>
          tpu.vector_store %arg18[%swap3A_574, %swap3A_575], %swap3A_578 {strides = array<i32>} : memref<128x128xf32, #tpu.memory_space<vmem>>, vector<1x16xf32>,
          %get3A_579 = arith.index_cast %add3A_518 : i32 to index
          %get3A_580 = arith.constant 80 : index
          %get3A_581 = tpu.vector_load %arg18[%get3A_579, %get3A_580] {strides = array<i32>} : memref<128x128xf32, #tpu.memory_space<vmem>>, vector<1x16xf32>,
          %get3A_582 = vector.shape_cast %get3A_581 : vector<1x16xf32> to vector<16xf32>
          %max3A_583 = arith.constant 0.000000e+00 : f32
          %max3A_584 = vector.broadcast %max3A_583 : f32 to vector<16xf32>
          %max3A_585 = arith.maximumf %get3A_582, %max3A_584 : vector<16xf32>
          %swap3A_586 = arith.index_cast %add3A_518 : i32 to index
          %swap3A_587 = arith.constant 80 : index
          %swap3A_588 = tpu.vector_load %arg18[%swap3A_586, %swap3A_587] {strides = array<i32>} : memref<128x128xf32, #tpu.memory_space<vmem>>, vector<1x16xf32>,
          %swap3A_589 = vector.shape_cast %swap3A_588 : vector<1x16xf32> to vector<16xf32>
          %swap3A_590 = vector.shape_cast %max3A_585 : vector<16xf32> to vector<1x16xf32>
          tpu.vector_store %arg18[%swap3A_586, %swap3A_587], %swap3A_590 {strides = array<i32>} : memref<128x128xf32, #tpu.memory_space<vmem>>, vector<1x16xf32>,
          %get3A_591 = arith.index_cast %add3A_518 : i32 to index
          %get3A_592 = arith.constant 96 : index
          %get3A_593 = tpu.vector_load %arg18[%get3A_591, %get3A_592] {strides = array<i32>} : memref<128x128xf32, #tpu.memory_space<vmem>>, vector<1x16xf32>,
          %get3A_594 = vector.shape_cast %get3A_593 : vector<1x16xf32> to vector<16xf32>
          %max3A_595 = arith.constant 0.000000e+00 : f32
          %max3A_596 = vector.broadcast %max3A_595 : f32 to vector<16xf32>
          %max3A_597 = arith.maximumf %get3A_594, %max3A_596 : vector<16xf32>
          %swap3A_598 = arith.index_cast %add3A_518 : i32 to index
          %swap3A_599 = arith.constant 96 : index
          %swap3A_600 = tpu.vector_load %arg18[%swap3A_598, %swap3A_599] {strides = array<i32>} : memref<128x128xf32, #tpu.memory_space<vmem>>, vector<1x16xf32>,
          %swap3A_601 = vector.shape_cast %swap3A_600 : vector<1x16xf32> to vector<16xf32>
          %swap3A_602 = vector.shape_cast %max3A_597 : vector<16xf32> to vector<1x16xf32>
          tpu.vector_store %arg18[%swap3A_598, %swap3A_599], %swap3A_602 {strides = array<i32>} : memref<128x128xf32, #tpu.memory_space<vmem>>, vector<1x16xf32>,
          %get3A_603 = arith.index_cast %add3A_518 : i32 to index
          %get3A_604 = arith.constant 112 : index
          %get3A_605 = tpu.vector_load %arg18[%get3A_603, %get3A_604] {strides = array<i32>} : memref<128x128xf32, #tpu.memory_space<vmem>>, vector<1x16xf32>,
          %get3A_606 = vector.shape_cast %get3A_605 : vector<1x16xf32> to vector<16xf32>
          %max3A_607 = arith.constant 0.000000e+00 : f32
          %max3A_608 = vector.broadcast %max3A_607 : f32 to vector<16xf32>
          %max3A_609 = arith.maximumf %get3A_606, %max3A_608 : vector<16xf32>
          %swap3A_610 = arith.index_cast %add3A_518 : i32 to index
          %swap3A_611 = arith.constant 112 : index
          %swap3A_612 = tpu.vector_load %arg18[%swap3A_610, %swap3A_611] {strides = array<i32>} : memref<128x128xf32, #tpu.memory_space<vmem>>, vector<1x16xf32>,
          %swap3A_613 = vector.shape_cast %swap3A_612 : vector<1x16xf32> to vector<16xf32>
          %swap3A_614 = vector.shape_cast %max3A_609 : vector<16xf32> to vector<1x16xf32>
          tpu.vector_store %arg18[%swap3A_610, %swap3A_611], %swap3A_614 {strides = array<i32>} : memref<128x128xf32, #tpu.memory_space<vmem>>, vector<1x16xf32>,
          %mul3A_615 = arith.constant 4 : i32
          %mul3A_616 = arith.muli %scan3A_317, %mul3A_615 : i32
          %add3A_617 = arith.constant 3 : i32
          %add3A_618 = arith.addi %mul3A_616, %add3A_617 : i32
          %get3A_619 = arith.index_cast %add3A_618 : i32 to index
          %get3A_620 = arith.constant 0 : index
          %get3A_621 = tpu.vector_load %arg18[%get3A_619, %get3A_620] {strides = array<i32>} : memref<128x128xf32, #tpu.memory_space<vmem>>, vector<1x16xf32>,
          %get3A_622 = vector.shape_cast %get3A_621 : vector<1x16xf32> to vector<16xf32>
          %max3A_623 = arith.constant 0.000000e+00 : f32
          %max3A_624 = vector.broadcast %max3A_623 : f32 to vector<16xf32>
          %max3A_625 = arith.maximumf %get3A_622, %max3A_624 : vector<16xf32>
          %swap3A_626 = arith.index_cast %add3A_618 : i32 to index
          %swap3A_627 = arith.constant 0 : index
          %swap3A_628 = tpu.vector_load %arg18[%swap3A_626, %swap3A_627] {strides = array<i32>} : memref<128x128xf32, #tpu.memory_space<vmem>>, vector<1x16xf32>,
          %swap3A_629 = vector.shape_cast %swap3A_628 : vector<1x16xf32> to vector<16xf32>
          %swap3A_630 = vector.shape_cast %max3A_625 : vector<16xf32> to vector<1x16xf32>
          tpu.vector_store %arg18[%swap3A_626, %swap3A_627], %swap3A_630 {strides = array<i32>} : memref<128x128xf32, #tpu.memory_space<vmem>>, vector<1x16xf32>,
          %get3A_631 = arith.index_cast %add3A_618 : i32 to index
          %get3A_632 = arith.constant 16 : index
          %get3A_633 = tpu.vector_load %arg18[%get3A_631, %get3A_632] {strides = array<i32>} : memref<128x128xf32, #tpu.memory_space<vmem>>, vector<1x16xf32>,
          %get3A_634 = vector.shape_cast %get3A_633 : vector<1x16xf32> to vector<16xf32>
          %max3A_635 = arith.constant 0.000000e+00 : f32
          %max3A_636 = vector.broadcast %max3A_635 : f32 to vector<16xf32>
          %max3A_637 = arith.maximumf %get3A_634, %max3A_636 : vector<16xf32>
          %swap3A_638 = arith.index_cast %add3A_618 : i32 to index
          %swap3A_639 = arith.constant 16 : index
          %swap3A_640 = tpu.vector_load %arg18[%swap3A_638, %swap3A_639] {strides = array<i32>} : memref<128x128xf32, #tpu.memory_space<vmem>>, vector<1x16xf32>,
          %swap3A_641 = vector.shape_cast %swap3A_640 : vector<1x16xf32> to vector<16xf32>
          %swap3A_642 = vector.shape_cast %max3A_637 : vector<16xf32> to vector<1x16xf32>
          tpu.vector_store %arg18[%swap3A_638, %swap3A_639], %swap3A_642 {strides = array<i32>} : memref<128x128xf32, #tpu.memory_space<vmem>>, vector<1x16xf32>,
          %get3A_643 = arith.index_cast %add3A_618 : i32 to index
          %get3A_644 = arith.constant 32 : index
          %get3A_645 = tpu.vector_load %arg18[%get3A_643, %get3A_644] {strides = array<i32>} : memref<128x128xf32, #tpu.memory_space<vmem>>, vector<1x16xf32>,
          %get3A_646 = vector.shape_cast %get3A_645 : vector<1x16xf32> to vector<16xf32>
          %max3A_647 = arith.constant 0.000000e+00 : f32
          %max3A_648 = vector.broadcast %max3A_647 : f32 to vector<16xf32>
          %max3A_649 = arith.maximumf %get3A_646, %max3A_648 : vector<16xf32>
          %swap3A_650 = arith.index_cast %add3A_618 : i32 to index
          %swap3A_651 = arith.constant 32 : index
          %swap3A_652 = tpu.vector_load %arg18[%swap3A_650, %swap3A_651] {strides = array<i32>} : memref<128x128xf32, #tpu.memory_space<vmem>>, vector<1x16xf32>,
          %swap3A_653 = vector.shape_cast %swap3A_652 : vector<1x16xf32> to vector<16xf32>
          %swap3A_654 = vector.shape_cast %max3A_649 : vector<16xf32> to vector<1x16xf32>
          tpu.vector_store %arg18[%swap3A_650, %swap3A_651], %swap3A_654 {strides = array<i32>} : memref<128x128xf32, #tpu.memory_space<vmem>>, vector<1x16xf32>,
          %get3A_655 = arith.index_cast %add3A_618 : i32 to index
          %get3A_656 = arith.constant 48 : index
          %get3A_657 = tpu.vector_load %arg18[%get3A_655, %get3A_656] {strides = array<i32>} : memref<128x128xf32, #tpu.memory_space<vmem>>, vector<1x16xf32>,
          %get3A_658 = vector.shape_cast %get3A_657 : vector<1x16xf32> to vector<16xf32>
          %max3A_659 = arith.constant 0.000000e+00 : f32
          %max3A_660 = vector.broadcast %max3A_659 : f32 to vector<16xf32>
          %max3A_661 = arith.maximumf %get3A_658, %max3A_660 : vector<16xf32>
          %swap3A_662 = arith.index_cast %add3A_618 : i32 to index
          %swap3A_663 = arith.constant 48 : index
          %swap3A_664 = tpu.vector_load %arg18[%swap3A_662, %swap3A_663] {strides = array<i32>} : memref<128x128xf32, #tpu.memory_space<vmem>>, vector<1x16xf32>,
          %swap3A_665 = vector.shape_cast %swap3A_664 : vector<1x16xf32> to vector<16xf32>
          %swap3A_666 = vector.shape_cast %max3A_661 : vector<16xf32> to vector<1x16xf32>
          tpu.vector_store %arg18[%swap3A_662, %swap3A_663], %swap3A_666 {strides = array<i32>} : memref<128x128xf32, #tpu.memory_space<vmem>>, vector<1x16xf32>,
          %get3A_667 = arith.index_cast %add3A_618 : i32 to index
          %get3A_668 = arith.constant 64 : index
          %get3A_669 = tpu.vector_load %arg18[%get3A_667, %get3A_668] {strides = array<i32>} : memref<128x128xf32, #tpu.memory_space<vmem>>, vector<1x16xf32>,
          %get3A_670 = vector.shape_cast %get3A_669 : vector<1x16xf32> to vector<16xf32>
          %max3A_671 = arith.constant 0.000000e+00 : f32
          %max3A_672 = vector.broadcast %max3A_671 : f32 to vector<16xf32>
          %max3A_673 = arith.maximumf %get3A_670, %max3A_672 : vector<16xf32>
          %swap3A_674 = arith.index_cast %add3A_618 : i32 to index
          %swap3A_675 = arith.constant 64 : index
          %swap3A_676 = tpu.vector_load %arg18[%swap3A_674, %swap3A_675] {strides = array<i32>} : memref<128x128xf32, #tpu.memory_space<vmem>>, vector<1x16xf32>,
          %swap3A_677 = vector.shape_cast %swap3A_676 : vector<1x16xf32> to vector<16xf32>
          %swap3A_678 = vector.shape_cast %max3A_673 : vector<16xf32> to vector<1x16xf32>
          tpu.vector_store %arg18[%swap3A_674, %swap3A_675], %swap3A_678 {strides = array<i32>} : memref<128x128xf32, #tpu.memory_space<vmem>>, vector<1x16xf32>,
          %get3A_679 = arith.index_cast %add3A_618 : i32 to index
          %get3A_680 = arith.constant 80 : index
          %get3A_681 = tpu.vector_load %arg18[%get3A_679, %get3A_680] {strides = array<i32>} : memref<128x128xf32, #tpu.memory_space<vmem>>, vector<1x16xf32>,
          %get3A_682 = vector.shape_cast %get3A_681 : vector<1x16xf32> to vector<16xf32>
          %max3A_683 = arith.constant 0.000000e+00 : f32
          %max3A_684 = vector.broadcast %max3A_683 : f32 to vector<16xf32>
          %max3A_685 = arith.maximumf %get3A_682, %max3A_684 : vector<16xf32>
          %swap3A_686 = arith.index_cast %add3A_618 : i32 to index
          %swap3A_687 = arith.constant 80 : index
          %swap3A_688 = tpu.vector_load %arg18[%swap3A_686, %swap3A_687] {strides = array<i32>} : memref<128x128xf32, #tpu.memory_space<vmem>>, vector<1x16xf32>,
          %swap3A_689 = vector.shape_cast %swap3A_688 : vector<1x16xf32> to vector<16xf32>
          %swap3A_690 = vector.shape_cast %max3A_685 : vector<16xf32> to vector<1x16xf32>
          tpu.vector_store %arg18[%swap3A_686, %swap3A_687], %swap3A_690 {strides = array<i32>} : memref<128x128xf32, #tpu.memory_space<vmem>>, vector<1x16xf32>,
          %get3A_691 = arith.index_cast %add3A_618 : i32 to index
          %get3A_692 = arith.constant 96 : index
          %get3A_693 = tpu.vector_load %arg18[%get3A_691, %get3A_692] {strides = array<i32>} : memref<128x128xf32, #tpu.memory_space<vmem>>, vector<1x16xf32>,
          %get3A_694 = vector.shape_cast %get3A_693 : vector<1x16xf32> to vector<16xf32>
          %max3A_695 = arith.constant 0.000000e+00 : f32
          %max3A_696 = vector.broadcast %max3A_695 : f32 to vector<16xf32>
          %max3A_697 = arith.maximumf %get3A_694, %max3A_696 : vector<16xf32>
          %swap3A_698 = arith.index_cast %add3A_618 : i32 to index
          %swap3A_699 = arith.constant 96 : index
          %swap3A_700 = tpu.vector_load %arg18[%swap3A_698, %swap3A_699] {strides = array<i32>} : memref<128x128xf32, #tpu.memory_space<vmem>>, vector<1x16xf32>,
          %swap3A_701 = vector.shape_cast %swap3A_700 : vector<1x16xf32> to vector<16xf32>
          %swap3A_702 = vector.shape_cast %max3A_697 : vector<16xf32> to vector<1x16xf32>
          tpu.vector_store %arg18[%swap3A_698, %swap3A_699], %swap3A_702 {strides = array<i32>} : memref<128x128xf32, #tpu.memory_space<vmem>>, vector<1x16xf32>,
          %get3A_703 = arith.index_cast %add3A_618 : i32 to index
          %get3A_704 = arith.constant 112 : index
          %get3A_705 = tpu.vector_load %arg18[%get3A_703, %get3A_704] {strides = array<i32>} : memref<128x128xf32, #tpu.memory_space<vmem>>, vector<1x16xf32>,
          %get3A_706 = vector.shape_cast %get3A_705 : vector<1x16xf32> to vector<16xf32>
          %max3A_707 = arith.constant 0.000000e+00 : f32
          %max3A_708 = vector.broadcast %max3A_707 : f32 to vector<16xf32>
          %max3A_709 = arith.maximumf %get3A_706, %max3A_708 : vector<16xf32>
          %swap3A_710 = arith.index_cast %add3A_618 : i32 to index
          %swap3A_711 = arith.constant 112 : index
          %swap3A_712 = tpu.vector_load %arg18[%swap3A_710, %swap3A_711] {strides = array<i32>} : memref<128x128xf32, #tpu.memory_space<vmem>>, vector<1x16xf32>,
          %swap3A_713 = vector.shape_cast %swap3A_712 : vector<1x16xf32> to vector<16xf32>
          %swap3A_714 = vector.shape_cast %max3A_709 : vector<16xf32> to vector<1x16xf32>
          tpu.vector_store %arg18[%swap3A_710, %swap3A_711], %swap3A_714 {strides = array<i32>} : memref<128x128xf32, #tpu.memory_space<vmem>>, vector<1x16xf32>,
        }
        %scan3A_314 = arith.constant 32 : i32
        %dma_start3A = arith.constant 0 : i32
        %dma_start3A_315 = arith.constant 0 : i32
        %dma_start3A_316 = tpu.memref_slice %arg28[%dma_start3A, %dma_start3A_315] : memref<10000x128xf32, #tpu.memory_space<vmem_shared>> -> memref<10000x128xf32, #tpu.memory_space<vmem_shared>>
        tpu.enqueue_indirect_dma source(%arg18 : memref<128x128xf32, #tpu.memory_space<vmem>>) target(%dma_start3A_316 : memref<10000x128xf32, #tpu.memory_space<vmem_shared>>) offsets(%arg15 : memref<128xi32, #tpu.memory_space<vmem>>) semaphore(%arg27 : memref<!tpu.dma_semaphore, #tpu.memory_space<semaphore_mem>>) {add = true}
      } else {
      }
      %mul3A_269 = arith.constant 3 : i32
      %mul3A_270 = arith.muli %scan3A_193, %mul3A_269 : i32
      %add3A_271 = arith.constant 2 : i32
      %add3A_272 = arith.addi %mul3A_270, %add3A_271 : i32
      %sub3A_273 = arith.constant 3 : i32
      %sub3A_274 = arith.subi %add3A_272, %sub3A_273 : i32
      %ge3A_275 = arith.constant 0 : i32
      %ge3A_276 = arith.cmpi sge, %sub3A_274, %ge3A_275 : i32
      %lt3A_277 = arith.cmpi slt, %sub3A_274, %select_n3A : i32
      %and3A_278 = arith.andi %ge3A_276, %lt3A_277 : i1
      %convert_element_type3A_279 = arith.extui %and3A_278 : i1 to i32
      %cond3A_280 = arith.constant 0 : i32
      %cond3A_281 = arith.cmpi ne, %convert_element_type3A_279, %cond3A_280 : i32
      scf.if %cond3A_281 {
        %dma_wait3A = arith.constant 0 : i32
        %dma_wait3A_307 = arith.constant 0 : i32
        %dma_wait3A_308 = tpu.memref_slice %arg28[%dma_wait3A, %dma_wait3A_307] : memref<10000x128xf32, #tpu.memory_space<vmem_shared>> -> memref<10000x128xf32, #tpu.memory_space<vmem_shared>>
        tpu.wait_indirect_dma semaphore(%arg27 : memref<!tpu.dma_semaphore, #tpu.memory_space<semaphore_mem>>) src(%arg18 : memref<128x128xf32, #tpu.memory_space<vmem>>) dst(%dma_wait3A_308 : memref<10000x128xf32, #tpu.memory_space<vmem_shared>>)
      } else {
      }
      %ge3A_282 = arith.constant 0 : i32
      %ge3A_283 = arith.cmpi sge, %add3A_272, %ge3A_282 : i32
      %lt3A_284 = arith.cmpi slt, %add3A_272, %select_n3A : i32
      %and3A_285 = arith.andi %ge3A_283, %lt3A_284 : i1
      %convert_element_type3A_286 = arith.extui %and3A_285 : i1 to i32
      %cond3A_287 = arith.constant 0 : i32
      %cond3A_288 = arith.cmpi ne, %convert_element_type3A_286, %cond3A_287 : i32
      scf.if %cond3A_288 {
        %mul3A_307 = arith.constant 16 : i32
        %mul3A_308 = arith.muli %add3A_272, %mul3A_307 : i32
        %add3A_309 = arith.addi %arg1, %mul3A_308 : i32
        %mul3A_310 = arith.constant 128 : i32
        %mul3A_311 = arith.muli %add3A_309, %mul3A_310 : i32
        "tpu.region"() ({
          %run_scoped3A = tpu.sem_alloc : memref<!tpu.dma_semaphore, #tpu.memory_space<semaphore_mem>>
          %dma_start3A_440 = tpu.memref_slice %arg3[%mul3A_311] : memref<160000xi32, #tpu.memory_space<hbm>> -> memref<128xi32, #tpu.memory_space<hbm>>
          %dma_start3A_441 = tpu.memref_slice %arg3[%mul3A_311] : memref<160000xi32, #tpu.memory_space<hbm>> -> memref<128xi32, #tpu.memory_space<hbm>>
          tpu.enqueue_dma source(%dma_start3A_441 : memref<128xi32, #tpu.memory_space<hbm>>) target(%arg9 : memref<128xi32, #tpu.memory_space<vmem>>) target_semaphore(%run_scoped3A : memref<!tpu.dma_semaphore, #tpu.memory_space<semaphore_mem>>)
          %dma_wait3A = tpu.memref_slice %arg3[%mul3A_311] : memref<160000xi32, #tpu.memory_space<hbm>> -> memref<128xi32, #tpu.memory_space<hbm>>
          %dma_wait3A_442 = tpu.memref_slice %arg3[%mul3A_311] : memref<160000xi32, #tpu.memory_space<hbm>> -> memref<128xi32, #tpu.memory_space<hbm>>
          tpu.wait_dma2 semaphore(%run_scoped3A : memref<!tpu.dma_semaphore, #tpu.memory_space<semaphore_mem>>) src(%dma_wait3A_442 : memref<128xi32, #tpu.memory_space<hbm>>) dst(%arg9 : memref<128xi32, #tpu.memory_space<vmem>>)
          tpu.yield
        }) : () -> ()
        "tpu.region"() ({
          %run_scoped3A = tpu.sem_alloc : memref<!tpu.dma_semaphore, #tpu.memory_space<semaphore_mem>>
          %dma_start3A_440 = tpu.memref_slice %arg4[%mul3A_311] : memref<160000xi32, #tpu.memory_space<hbm>> -> memref<128xi32, #tpu.memory_space<hbm>>
          %dma_start3A_441 = tpu.memref_slice %arg4[%mul3A_311] : memref<160000xi32, #tpu.memory_space<hbm>> -> memref<128xi32, #tpu.memory_space<hbm>>
          tpu.enqueue_dma source(%dma_start3A_441 : memref<128xi32, #tpu.memory_space<hbm>>) target(%arg15 : memref<128xi32, #tpu.memory_space<vmem>>) target_semaphore(%run_scoped3A : memref<!tpu.dma_semaphore, #tpu.memory_space<semaphore_mem>>)
          %dma_wait3A = tpu.memref_slice %arg4[%mul3A_311] : memref<160000xi32, #tpu.memory_space<hbm>> -> memref<128xi32, #tpu.memory_space<hbm>>
          %dma_wait3A_442 = tpu.memref_slice %arg4[%mul3A_311] : memref<160000xi32, #tpu.memory_space<hbm>> -> memref<128xi32, #tpu.memory_space<hbm>>
          tpu.wait_dma2 semaphore(%run_scoped3A : memref<!tpu.dma_semaphore, #tpu.memory_space<semaphore_mem>>) src(%dma_wait3A_442 : memref<128xi32, #tpu.memory_space<hbm>>) dst(%arg15 : memref<128xi32, #tpu.memory_space<vmem>>)
          tpu.yield
        }) : () -> ()
        %get3A = arith.constant 0 : index
        %get3A_312 = tpu.vector_load %arg9[%get3A] {strides = array<i32>} : memref<128xi32, #tpu.memory_space<vmem>>, vector<16xi32>,
        %get3A_313 = vector.shape_cast %get3A_312 : vector<16xi32> to vector<16xi32>
        %add3A_314 = arith.addi %get3A_313, %broadcast_in_dim3A_42 : vector<16xi32>
        %swap3A = arith.constant 0 : index
        %swap3A_315 = tpu.vector_load %arg9[%swap3A] {strides = array<i32>} : memref<128xi32, #tpu.memory_space<vmem>>, vector<16xi32>,
        %swap3A_316 = vector.shape_cast %swap3A_315 : vector<16xi32> to vector<16xi32>
        %swap3A_317 = vector.shape_cast %add3A_314 : vector<16xi32> to vector<16xi32>
        tpu.vector_store %arg9[%swap3A], %swap3A_317 {strides = array<i32>} : memref<128xi32, #tpu.memory_space<vmem>>, vector<16xi32>,
        %get3A_318 = arith.constant 0 : index
        %get3A_319 = tpu.vector_load %arg15[%get3A_318] {strides = array<i32>} : memref<128xi32, #tpu.memory_space<vmem>>, vector<16xi32>,
        %get3A_320 = vector.shape_cast %get3A_319 : vector<16xi32> to vector<16xi32>
        %add3A_321 = arith.addi %get3A_320, %broadcast_in_dim3A_47 : vector<16xi32>
        %swap3A_322 = arith.constant 0 : index
        %swap3A_323 = tpu.vector_load %arg12[%swap3A_322] {strides = array<i32>} : memref<128xi32, #tpu.memory_space<vmem>>, vector<16xi32>,
        %swap3A_324 = vector.shape_cast %swap3A_323 : vector<16xi32> to vector<16xi32>
        %swap3A_325 = vector.shape_cast %add3A_321 : vector<16xi32> to vector<16xi32>
        tpu.vector_store %arg12[%swap3A_322], %swap3A_325 {strides = array<i32>} : memref<128xi32, #tpu.memory_space<vmem>>, vector<16xi32>,
        %get3A_326 = arith.constant 16 : index
        %get3A_327 = tpu.vector_load %arg9[%get3A_326] {strides = array<i32>} : memref<128xi32, #tpu.memory_space<vmem>>, vector<16xi32>,
        %get3A_328 = vector.shape_cast %get3A_327 : vector<16xi32> to vector<16xi32>
        %add3A_329 = arith.addi %get3A_328, %broadcast_in_dim3A_42 : vector<16xi32>
        %swap3A_330 = arith.constant 16 : index
        %swap3A_331 = tpu.vector_load %arg9[%swap3A_330] {strides = array<i32>} : memref<128xi32, #tpu.memory_space<vmem>>, vector<16xi32>,
        %swap3A_332 = vector.shape_cast %swap3A_331 : vector<16xi32> to vector<16xi32>
        %swap3A_333 = vector.shape_cast %add3A_329 : vector<16xi32> to vector<16xi32>
        tpu.vector_store %arg9[%swap3A_330], %swap3A_333 {strides = array<i32>} : memref<128xi32, #tpu.memory_space<vmem>>, vector<16xi32>,
        %get3A_334 = arith.constant 16 : index
        %get3A_335 = tpu.vector_load %arg15[%get3A_334] {strides = array<i32>} : memref<128xi32, #tpu.memory_space<vmem>>, vector<16xi32>,
        %get3A_336 = vector.shape_cast %get3A_335 : vector<16xi32> to vector<16xi32>
        %add3A_337 = arith.addi %get3A_336, %broadcast_in_dim3A_47 : vector<16xi32>
        %swap3A_338 = arith.constant 16 : index
        %swap3A_339 = tpu.vector_load %arg12[%swap3A_338] {strides = array<i32>} : memref<128xi32, #tpu.memory_space<vmem>>, vector<16xi32>,
        %swap3A_340 = vector.shape_cast %swap3A_339 : vector<16xi32> to vector<16xi32>
        %swap3A_341 = vector.shape_cast %add3A_337 : vector<16xi32> to vector<16xi32>
        tpu.vector_store %arg12[%swap3A_338], %swap3A_341 {strides = array<i32>} : memref<128xi32, #tpu.memory_space<vmem>>, vector<16xi32>,
        %get3A_342 = arith.constant 32 : index
        %get3A_343 = tpu.vector_load %arg9[%get3A_342] {strides = array<i32>} : memref<128xi32, #tpu.memory_space<vmem>>, vector<16xi32>,
        %get3A_344 = vector.shape_cast %get3A_343 : vector<16xi32> to vector<16xi32>
        %add3A_345 = arith.addi %get3A_344, %broadcast_in_dim3A_42 : vector<16xi32>
        %swap3A_346 = arith.constant 32 : index
        %swap3A_347 = tpu.vector_load %arg9[%swap3A_346] {strides = array<i32>} : memref<128xi32, #tpu.memory_space<vmem>>, vector<16xi32>,
        %swap3A_348 = vector.shape_cast %swap3A_347 : vector<16xi32> to vector<16xi32>
        %swap3A_349 = vector.shape_cast %add3A_345 : vector<16xi32> to vector<16xi32>
        tpu.vector_store %arg9[%swap3A_346], %swap3A_349 {strides = array<i32>} : memref<128xi32, #tpu.memory_space<vmem>>, vector<16xi32>,
        %get3A_350 = arith.constant 32 : index
        %get3A_351 = tpu.vector_load %arg15[%get3A_350] {strides = array<i32>} : memref<128xi32, #tpu.memory_space<vmem>>, vector<16xi32>,
        %get3A_352 = vector.shape_cast %get3A_351 : vector<16xi32> to vector<16xi32>
        %add3A_353 = arith.addi %get3A_352, %broadcast_in_dim3A_47 : vector<16xi32>
        %swap3A_354 = arith.constant 32 : index
        %swap3A_355 = tpu.vector_load %arg12[%swap3A_354] {strides = array<i32>} : memref<128xi32, #tpu.memory_space<vmem>>, vector<16xi32>,
        %swap3A_356 = vector.shape_cast %swap3A_355 : vector<16xi32> to vector<16xi32>
        %swap3A_357 = vector.shape_cast %add3A_353 : vector<16xi32> to vector<16xi32>
        tpu.vector_store %arg12[%swap3A_354], %swap3A_357 {strides = array<i32>} : memref<128xi32, #tpu.memory_space<vmem>>, vector<16xi32>,
        %get3A_358 = arith.constant 48 : index
        %get3A_359 = tpu.vector_load %arg9[%get3A_358] {strides = array<i32>} : memref<128xi32, #tpu.memory_space<vmem>>, vector<16xi32>,
        %get3A_360 = vector.shape_cast %get3A_359 : vector<16xi32> to vector<16xi32>
        %add3A_361 = arith.addi %get3A_360, %broadcast_in_dim3A_42 : vector<16xi32>
        %swap3A_362 = arith.constant 48 : index
        %swap3A_363 = tpu.vector_load %arg9[%swap3A_362] {strides = array<i32>} : memref<128xi32, #tpu.memory_space<vmem>>, vector<16xi32>,
        %swap3A_364 = vector.shape_cast %swap3A_363 : vector<16xi32> to vector<16xi32>
        %swap3A_365 = vector.shape_cast %add3A_361 : vector<16xi32> to vector<16xi32>
        tpu.vector_store %arg9[%swap3A_362], %swap3A_365 {strides = array<i32>} : memref<128xi32, #tpu.memory_space<vmem>>, vector<16xi32>,
        %get3A_366 = arith.constant 48 : index
        %get3A_367 = tpu.vector_load %arg15[%get3A_366] {strides = array<i32>} : memref<128xi32, #tpu.memory_space<vmem>>, vector<16xi32>,
        %get3A_368 = vector.shape_cast %get3A_367 : vector<16xi32> to vector<16xi32>
        %add3A_369 = arith.addi %get3A_368, %broadcast_in_dim3A_47 : vector<16xi32>
        %swap3A_370 = arith.constant 48 : index
        %swap3A_371 = tpu.vector_load %arg12[%swap3A_370] {strides = array<i32>} : memref<128xi32, #tpu.memory_space<vmem>>, vector<16xi32>,
        %swap3A_372 = vector.shape_cast %swap3A_371 : vector<16xi32> to vector<16xi32>
        %swap3A_373 = vector.shape_cast %add3A_369 : vector<16xi32> to vector<16xi32>
        tpu.vector_store %arg12[%swap3A_370], %swap3A_373 {strides = array<i32>} : memref<128xi32, #tpu.memory_space<vmem>>, vector<16xi32>,
        %get3A_374 = arith.constant 64 : index
        %get3A_375 = tpu.vector_load %arg9[%get3A_374] {strides = array<i32>} : memref<128xi32, #tpu.memory_space<vmem>>, vector<16xi32>,
        %get3A_376 = vector.shape_cast %get3A_375 : vector<16xi32> to vector<16xi32>
        %add3A_377 = arith.addi %get3A_376, %broadcast_in_dim3A_42 : vector<16xi32>
        %swap3A_378 = arith.constant 64 : index
        %swap3A_379 = tpu.vector_load %arg9[%swap3A_378] {strides = array<i32>} : memref<128xi32, #tpu.memory_space<vmem>>, vector<16xi32>,
        %swap3A_380 = vector.shape_cast %swap3A_379 : vector<16xi32> to vector<16xi32>
        %swap3A_381 = vector.shape_cast %add3A_377 : vector<16xi32> to vector<16xi32>
        tpu.vector_store %arg9[%swap3A_378], %swap3A_381 {strides = array<i32>} : memref<128xi32, #tpu.memory_space<vmem>>, vector<16xi32>,
        %get3A_382 = arith.constant 64 : index
        %get3A_383 = tpu.vector_load %arg15[%get3A_382] {strides = array<i32>} : memref<128xi32, #tpu.memory_space<vmem>>, vector<16xi32>,
        %get3A_384 = vector.shape_cast %get3A_383 : vector<16xi32> to vector<16xi32>
        %add3A_385 = arith.addi %get3A_384, %broadcast_in_dim3A_47 : vector<16xi32>
        %swap3A_386 = arith.constant 64 : index
        %swap3A_387 = tpu.vector_load %arg12[%swap3A_386] {strides = array<i32>} : memref<128xi32, #tpu.memory_space<vmem>>, vector<16xi32>,
        %swap3A_388 = vector.shape_cast %swap3A_387 : vector<16xi32> to vector<16xi32>
        %swap3A_389 = vector.shape_cast %add3A_385 : vector<16xi32> to vector<16xi32>
        tpu.vector_store %arg12[%swap3A_386], %swap3A_389 {strides = array<i32>} : memref<128xi32, #tpu.memory_space<vmem>>, vector<16xi32>,
        %get3A_390 = arith.constant 80 : index
        %get3A_391 = tpu.vector_load %arg9[%get3A_390] {strides = array<i32>} : memref<128xi32, #tpu.memory_space<vmem>>, vector<16xi32>,
        %get3A_392 = vector.shape_cast %get3A_391 : vector<16xi32> to vector<16xi32>
        %add3A_393 = arith.addi %get3A_392, %broadcast_in_dim3A_42 : vector<16xi32>
        %swap3A_394 = arith.constant 80 : index
        %swap3A_395 = tpu.vector_load %arg9[%swap3A_394] {strides = array<i32>} : memref<128xi32, #tpu.memory_space<vmem>>, vector<16xi32>,
        %swap3A_396 = vector.shape_cast %swap3A_395 : vector<16xi32> to vector<16xi32>
        %swap3A_397 = vector.shape_cast %add3A_393 : vector<16xi32> to vector<16xi32>
        tpu.vector_store %arg9[%swap3A_394], %swap3A_397 {strides = array<i32>} : memref<128xi32, #tpu.memory_space<vmem>>, vector<16xi32>,
        %get3A_398 = arith.constant 80 : index
        %get3A_399 = tpu.vector_load %arg15[%get3A_398] {strides = array<i32>} : memref<128xi32, #tpu.memory_space<vmem>>, vector<16xi32>,
        %get3A_400 = vector.shape_cast %get3A_399 : vector<16xi32> to vector<16xi32>
        %add3A_401 = arith.addi %get3A_400, %broadcast_in_dim3A_47 : vector<16xi32>
        %swap3A_402 = arith.constant 80 : index
        %swap3A_403 = tpu.vector_load %arg12[%swap3A_402] {strides = array<i32>} : memref<128xi32, #tpu.memory_space<vmem>>, vector<16xi32>,
        %swap3A_404 = vector.shape_cast %swap3A_403 : vector<16xi32> to vector<16xi32>
        %swap3A_405 = vector.shape_cast %add3A_401 : vector<16xi32> to vector<16xi32>
        tpu.vector_store %arg12[%swap3A_402], %swap3A_405 {strides = array<i32>} : memref<128xi32, #tpu.memory_space<vmem>>, vector<16xi32>,
        %get3A_406 = arith.constant 96 : index
        %get3A_407 = tpu.vector_load %arg9[%get3A_406] {strides = array<i32>} : memref<128xi32, #tpu.memory_space<vmem>>, vector<16xi32>,
        %get3A_408 = vector.shape_cast %get3A_407 : vector<16xi32> to vector<16xi32>
        %add3A_409 = arith.addi %get3A_408, %broadcast_in_dim3A_42 : vector<16xi32>
        %swap3A_410 = arith.constant 96 : index
        %swap3A_411 = tpu.vector_load %arg9[%swap3A_410] {strides = array<i32>} : memref<128xi32, #tpu.memory_space<vmem>>, vector<16xi32>,
        %swap3A_412 = vector.shape_cast %swap3A_411 : vector<16xi32> to vector<16xi32>
        %swap3A_413 = vector.shape_cast %add3A_409 : vector<16xi32> to vector<16xi32>
        tpu.vector_store %arg9[%swap3A_410], %swap3A_413 {strides = array<i32>} : memref<128xi32, #tpu.memory_space<vmem>>, vector<16xi32>,
        %get3A_414 = arith.constant 96 : index
        %get3A_415 = tpu.vector_load %arg15[%get3A_414] {strides = array<i32>} : memref<128xi32, #tpu.memory_space<vmem>>, vector<16xi32>,
        %get3A_416 = vector.shape_cast %get3A_415 : vector<16xi32> to vector<16xi32>
        %add3A_417 = arith.addi %get3A_416, %broadcast_in_dim3A_47 : vector<16xi32>
        %swap3A_418 = arith.constant 96 : index
        %swap3A_419 = tpu.vector_load %arg12[%swap3A_418] {strides = array<i32>} : memref<128xi32, #tpu.memory_space<vmem>>, vector<16xi32>,
        %swap3A_420 = vector.shape_cast %swap3A_419 : vector<16xi32> to vector<16xi32>
        %swap3A_421 = vector.shape_cast %add3A_417 : vector<16xi32> to vector<16xi32>
        tpu.vector_store %arg12[%swap3A_418], %swap3A_421 {strides = array<i32>} : memref<128xi32, #tpu.memory_space<vmem>>, vector<16xi32>,
        %get3A_422 = arith.constant 112 : index
        %get3A_423 = tpu.vector_load %arg9[%get3A_422] {strides = array<i32>} : memref<128xi32, #tpu.memory_space<vmem>>, vector<16xi32>,
        %get3A_424 = vector.shape_cast %get3A_423 : vector<16xi32> to vector<16xi32>
        %add3A_425 = arith.addi %get3A_424, %broadcast_in_dim3A_42 : vector<16xi32>
        %swap3A_426 = arith.constant 112 : index
        %swap3A_427 = tpu.vector_load %arg9[%swap3A_426] {strides = array<i32>} : memref<128xi32, #tpu.memory_space<vmem>>, vector<16xi32>,
        %swap3A_428 = vector.shape_cast %swap3A_427 : vector<16xi32> to vector<16xi32>
        %swap3A_429 = vector.shape_cast %add3A_425 : vector<16xi32> to vector<16xi32>
        tpu.vector_store %arg9[%swap3A_426], %swap3A_429 {strides = array<i32>} : memref<128xi32, #tpu.memory_space<vmem>>, vector<16xi32>,
        %get3A_430 = arith.constant 112 : index
        %get3A_431 = tpu.vector_load %arg15[%get3A_430] {strides = array<i32>} : memref<128xi32, #tpu.memory_space<vmem>>, vector<16xi32>,
        %get3A_432 = vector.shape_cast %get3A_431 : vector<16xi32> to vector<16xi32>
        %add3A_433 = arith.addi %get3A_432, %broadcast_in_dim3A_47 : vector<16xi32>
        %swap3A_434 = arith.constant 112 : index
        %swap3A_435 = tpu.vector_load %arg12[%swap3A_434] {strides = array<i32>} : memref<128xi32, #tpu.memory_space<vmem>>, vector<16xi32>,
        %swap3A_436 = vector.shape_cast %swap3A_435 : vector<16xi32> to vector<16xi32>
        %swap3A_437 = vector.shape_cast %add3A_433 : vector<16xi32> to vector<16xi32>
        tpu.vector_store %arg12[%swap3A_434], %swap3A_437 {strides = array<i32>} : memref<128xi32, #tpu.memory_space<vmem>>, vector<16xi32>,
        %dma_start3A = arith.constant 0 : i32
        %dma_start3A_438 = arith.constant 0 : i32
        %dma_start3A_439 = tpu.memref_slice %arg2[%dma_start3A, %dma_start3A_438] : memref<40000x128xf32, #tpu.memory_space<hbm>> -> memref<40000x128xf32, #tpu.memory_space<hbm>>
        tpu.enqueue_indirect_dma source(%dma_start3A_439 : memref<40000x128xf32, #tpu.memory_space<hbm>>) target(%arg18 : memref<128x128xf32, #tpu.memory_space<vmem>>) offsets(%arg9 : memref<128xi32, #tpu.memory_space<vmem>>) semaphore(%arg21 : memref<!tpu.dma_semaphore, #tpu.memory_space<semaphore_mem>>)
      } else {
      }
      %sub3A_289 = arith.constant 1 : i32
      %sub3A_290 = arith.subi %add3A_272, %sub3A_289 : i32
      %ge3A_291 = arith.constant 0 : i32
      %ge3A_292 = arith.cmpi sge, %sub3A_290, %ge3A_291 : i32
      %lt3A_293 = arith.cmpi slt, %sub3A_290, %select_n3A : i32
      %and3A_294 = arith.andi %ge3A_292, %lt3A_293 : i1
      %convert_element_type3A_295 = arith.extui %and3A_294 : i1 to i32
      %cond3A_296 = arith.constant 0 : i32
      %cond3A_297 = arith.cmpi ne, %convert_element_type3A_295, %cond3A_296 : i32
      scf.if %cond3A_297 {
        %dma_wait3A = arith.constant 0 : i32
        %dma_wait3A_307 = arith.constant 0 : i32
        %dma_wait3A_308 = tpu.memref_slice %arg2[%dma_wait3A, %dma_wait3A_307] : memref<40000x128xf32, #tpu.memory_space<hbm>> -> memref<40000x128xf32, #tpu.memory_space<hbm>>
        tpu.wait_indirect_dma semaphore(%arg20 : memref<!tpu.dma_semaphore, #tpu.memory_space<semaphore_mem>>) src(%dma_wait3A_308 : memref<40000x128xf32, #tpu.memory_space<hbm>>) dst(%arg17 : memref<128x128xf32, #tpu.memory_space<vmem>>)
        %dma_start3A = arith.constant 0 : i32
        %dma_start3A_309 = arith.constant 0 : i32
        %dma_start3A_310 = tpu.memref_slice %arg2[%dma_start3A, %dma_start3A_309] : memref<40000x128xf32, #tpu.memory_space<hbm>> -> memref<40000x128xf32, #tpu.memory_space<hbm>>
        tpu.enqueue_indirect_dma source(%dma_start3A_310 : memref<40000x128xf32, #tpu.memory_space<hbm>>) target(%arg17 : memref<128x128xf32, #tpu.memory_space<vmem>>) offsets(%arg11 : memref<128xi32, #tpu.memory_space<vmem>>) semaphore(%arg23 : memref<!tpu.dma_semaphore, #tpu.memory_space<semaphore_mem>>) {add = true}
      } else {
      }
      %sub3A_298 = arith.constant 2 : i32
      %sub3A_299 = arith.subi %add3A_272, %sub3A_298 : i32
      %ge3A_300 = arith.constant 0 : i32
      %ge3A_301 = arith.cmpi sge, %sub3A_299, %ge3A_300 : i32
      %lt3A_302 = arith.cmpi slt, %sub3A_299, %select_n3A : i32
      %and3A_303 = arith.andi %ge3A_301, %lt3A_302 : i1
      %convert_element_type3A_304 = arith.extui %and3A_303 : i1 to i32
      %cond3A_305 = arith.constant 0 : i32
      %cond3A_306 = arith.cmpi ne, %convert_element_type3A_304, %cond3A_305 : i32
      scf.if %cond3A_306 {
        %dma_wait3A = arith.constant 0 : i32
        %dma_wait3A_307 = arith.constant 0 : i32
        %dma_wait3A_308 = tpu.memref_slice %arg2[%dma_wait3A, %dma_wait3A_307] : memref<40000x128xf32, #tpu.memory_space<hbm>> -> memref<40000x128xf32, #tpu.memory_space<hbm>>
        tpu.wait_indirect_dma semaphore(%arg22 : memref<!tpu.dma_semaphore, #tpu.memory_space<semaphore_mem>>) src(%dma_wait3A_308 : memref<40000x128xf32, #tpu.memory_space<hbm>>) dst(%arg16 : memref<128x128xf32, #tpu.memory_space<vmem>>)
        %scan3A_309 = arith.constant 0 : i32
        %scan3A_310 = arith.constant 0 : i32
        %scan3A_311 = arith.constant 32 : i32
        %scan3A_312 = arith.addi %scan3A_310, %scan3A_311 : i32
        %scan3A_313 = arith.constant 1 : i32
        scf.for %scan3A_317 = %scan3A_310 to %scan3A_312 step %scan3A_313  : i32 {
          %mul3A_318 = arith.constant 4 : i32
          %mul3A_319 = arith.muli %scan3A_317, %mul3A_318 : i32
          %add3A_320 = arith.constant 0 : i32
          %add3A_321 = arith.addi %mul3A_319, %add3A_320 : i32
          %get3A = arith.index_cast %add3A_321 : i32 to index
          %get3A_322 = arith.constant 0 : index
          %get3A_323 = tpu.vector_load %arg16[%get3A, %get3A_322] {strides = array<i32>} : memref<128x128xf32, #tpu.memory_space<vmem>>, vector<1x16xf32>,
          %get3A_324 = vector.shape_cast %get3A_323 : vector<1x16xf32> to vector<16xf32>
          %max3A = arith.constant 0.000000e+00 : f32
          %max3A_325 = vector.broadcast %max3A : f32 to vector<16xf32>
          %max3A_326 = arith.maximumf %get3A_324, %max3A_325 : vector<16xf32>
          %swap3A = arith.index_cast %add3A_321 : i32 to index
          %swap3A_327 = arith.constant 0 : index
          %swap3A_328 = tpu.vector_load %arg16[%swap3A, %swap3A_327] {strides = array<i32>} : memref<128x128xf32, #tpu.memory_space<vmem>>, vector<1x16xf32>,
          %swap3A_329 = vector.shape_cast %swap3A_328 : vector<1x16xf32> to vector<16xf32>
          %swap3A_330 = vector.shape_cast %max3A_326 : vector<16xf32> to vector<1x16xf32>
          tpu.vector_store %arg16[%swap3A, %swap3A_327], %swap3A_330 {strides = array<i32>} : memref<128x128xf32, #tpu.memory_space<vmem>>, vector<1x16xf32>,
          %get3A_331 = arith.index_cast %add3A_321 : i32 to index
          %get3A_332 = arith.constant 16 : index
          %get3A_333 = tpu.vector_load %arg16[%get3A_331, %get3A_332] {strides = array<i32>} : memref<128x128xf32, #tpu.memory_space<vmem>>, vector<1x16xf32>,
          %get3A_334 = vector.shape_cast %get3A_333 : vector<1x16xf32> to vector<16xf32>
          %max3A_335 = arith.constant 0.000000e+00 : f32
          %max3A_336 = vector.broadcast %max3A_335 : f32 to vector<16xf32>
          %max3A_337 = arith.maximumf %get3A_334, %max3A_336 : vector<16xf32>
          %swap3A_338 = arith.index_cast %add3A_321 : i32 to index
          %swap3A_339 = arith.constant 16 : index
          %swap3A_340 = tpu.vector_load %arg16[%swap3A_338, %swap3A_339] {strides = array<i32>} : memref<128x128xf32, #tpu.memory_space<vmem>>, vector<1x16xf32>,
          %swap3A_341 = vector.shape_cast %swap3A_340 : vector<1x16xf32> to vector<16xf32>
          %swap3A_342 = vector.shape_cast %max3A_337 : vector<16xf32> to vector<1x16xf32>
          tpu.vector_store %arg16[%swap3A_338, %swap3A_339], %swap3A_342 {strides = array<i32>} : memref<128x128xf32, #tpu.memory_space<vmem>>, vector<1x16xf32>,
          %get3A_343 = arith.index_cast %add3A_321 : i32 to index
          %get3A_344 = arith.constant 32 : index
          %get3A_345 = tpu.vector_load %arg16[%get3A_343, %get3A_344] {strides = array<i32>} : memref<128x128xf32, #tpu.memory_space<vmem>>, vector<1x16xf32>,
          %get3A_346 = vector.shape_cast %get3A_345 : vector<1x16xf32> to vector<16xf32>
          %max3A_347 = arith.constant 0.000000e+00 : f32
          %max3A_348 = vector.broadcast %max3A_347 : f32 to vector<16xf32>
          %max3A_349 = arith.maximumf %get3A_346, %max3A_348 : vector<16xf32>
          %swap3A_350 = arith.index_cast %add3A_321 : i32 to index
          %swap3A_351 = arith.constant 32 : index
          %swap3A_352 = tpu.vector_load %arg16[%swap3A_350, %swap3A_351] {strides = array<i32>} : memref<128x128xf32, #tpu.memory_space<vmem>>, vector<1x16xf32>,
          %swap3A_353 = vector.shape_cast %swap3A_352 : vector<1x16xf32> to vector<16xf32>
          %swap3A_354 = vector.shape_cast %max3A_349 : vector<16xf32> to vector<1x16xf32>
          tpu.vector_store %arg16[%swap3A_350, %swap3A_351], %swap3A_354 {strides = array<i32>} : memref<128x128xf32, #tpu.memory_space<vmem>>, vector<1x16xf32>,
          %get3A_355 = arith.index_cast %add3A_321 : i32 to index
          %get3A_356 = arith.constant 48 : index
          %get3A_357 = tpu.vector_load %arg16[%get3A_355, %get3A_356] {strides = array<i32>} : memref<128x128xf32, #tpu.memory_space<vmem>>, vector<1x16xf32>,
          %get3A_358 = vector.shape_cast %get3A_357 : vector<1x16xf32> to vector<16xf32>
          %max3A_359 = arith.constant 0.000000e+00 : f32
          %max3A_360 = vector.broadcast %max3A_359 : f32 to vector<16xf32>
          %max3A_361 = arith.maximumf %get3A_358, %max3A_360 : vector<16xf32>
          %swap3A_362 = arith.index_cast %add3A_321 : i32 to index
          %swap3A_363 = arith.constant 48 : index
          %swap3A_364 = tpu.vector_load %arg16[%swap3A_362, %swap3A_363] {strides = array<i32>} : memref<128x128xf32, #tpu.memory_space<vmem>>, vector<1x16xf32>,
          %swap3A_365 = vector.shape_cast %swap3A_364 : vector<1x16xf32> to vector<16xf32>
          %swap3A_366 = vector.shape_cast %max3A_361 : vector<16xf32> to vector<1x16xf32>
          tpu.vector_store %arg16[%swap3A_362, %swap3A_363], %swap3A_366 {strides = array<i32>} : memref<128x128xf32, #tpu.memory_space<vmem>>, vector<1x16xf32>,
          %get3A_367 = arith.index_cast %add3A_321 : i32 to index
          %get3A_368 = arith.constant 64 : index
          %get3A_369 = tpu.vector_load %arg16[%get3A_367, %get3A_368] {strides = array<i32>} : memref<128x128xf32, #tpu.memory_space<vmem>>, vector<1x16xf32>,
          %get3A_370 = vector.shape_cast %get3A_369 : vector<1x16xf32> to vector<16xf32>
          %max3A_371 = arith.constant 0.000000e+00 : f32
          %max3A_372 = vector.broadcast %max3A_371 : f32 to vector<16xf32>
          %max3A_373 = arith.maximumf %get3A_370, %max3A_372 : vector<16xf32>
          %swap3A_374 = arith.index_cast %add3A_321 : i32 to index
          %swap3A_375 = arith.constant 64 : index
          %swap3A_376 = tpu.vector_load %arg16[%swap3A_374, %swap3A_375] {strides = array<i32>} : memref<128x128xf32, #tpu.memory_space<vmem>>, vector<1x16xf32>,
          %swap3A_377 = vector.shape_cast %swap3A_376 : vector<1x16xf32> to vector<16xf32>
          %swap3A_378 = vector.shape_cast %max3A_373 : vector<16xf32> to vector<1x16xf32>
          tpu.vector_store %arg16[%swap3A_374, %swap3A_375], %swap3A_378 {strides = array<i32>} : memref<128x128xf32, #tpu.memory_space<vmem>>, vector<1x16xf32>,
          %get3A_379 = arith.index_cast %add3A_321 : i32 to index
          %get3A_380 = arith.constant 80 : index
          %get3A_381 = tpu.vector_load %arg16[%get3A_379, %get3A_380] {strides = array<i32>} : memref<128x128xf32, #tpu.memory_space<vmem>>, vector<1x16xf32>,
          %get3A_382 = vector.shape_cast %get3A_381 : vector<1x16xf32> to vector<16xf32>
          %max3A_383 = arith.constant 0.000000e+00 : f32
          %max3A_384 = vector.broadcast %max3A_383 : f32 to vector<16xf32>
          %max3A_385 = arith.maximumf %get3A_382, %max3A_384 : vector<16xf32>
          %swap3A_386 = arith.index_cast %add3A_321 : i32 to index
          %swap3A_387 = arith.constant 80 : index
          %swap3A_388 = tpu.vector_load %arg16[%swap3A_386, %swap3A_387] {strides = array<i32>} : memref<128x128xf32, #tpu.memory_space<vmem>>, vector<1x16xf32>,
          %swap3A_389 = vector.shape_cast %swap3A_388 : vector<1x16xf32> to vector<16xf32>
          %swap3A_390 = vector.shape_cast %max3A_385 : vector<16xf32> to vector<1x16xf32>
          tpu.vector_store %arg16[%swap3A_386, %swap3A_387], %swap3A_390 {strides = array<i32>} : memref<128x128xf32, #tpu.memory_space<vmem>>, vector<1x16xf32>,
          %get3A_391 = arith.index_cast %add3A_321 : i32 to index
          %get3A_392 = arith.constant 96 : index
          %get3A_393 = tpu.vector_load %arg16[%get3A_391, %get3A_392] {strides = array<i32>} : memref<128x128xf32, #tpu.memory_space<vmem>>, vector<1x16xf32>,
          %get3A_394 = vector.shape_cast %get3A_393 : vector<1x16xf32> to vector<16xf32>
          %max3A_395 = arith.constant 0.000000e+00 : f32
          %max3A_396 = vector.broadcast %max3A_395 : f32 to vector<16xf32>
          %max3A_397 = arith.maximumf %get3A_394, %max3A_396 : vector<16xf32>
          %swap3A_398 = arith.index_cast %add3A_321 : i32 to index
          %swap3A_399 = arith.constant 96 : index
          %swap3A_400 = tpu.vector_load %arg16[%swap3A_398, %swap3A_399] {strides = array<i32>} : memref<128x128xf32, #tpu.memory_space<vmem>>, vector<1x16xf32>,
          %swap3A_401 = vector.shape_cast %swap3A_400 : vector<1x16xf32> to vector<16xf32>
          %swap3A_402 = vector.shape_cast %max3A_397 : vector<16xf32> to vector<1x16xf32>
          tpu.vector_store %arg16[%swap3A_398, %swap3A_399], %swap3A_402 {strides = array<i32>} : memref<128x128xf32, #tpu.memory_space<vmem>>, vector<1x16xf32>,
          %get3A_403 = arith.index_cast %add3A_321 : i32 to index
          %get3A_404 = arith.constant 112 : index
          %get3A_405 = tpu.vector_load %arg16[%get3A_403, %get3A_404] {strides = array<i32>} : memref<128x128xf32, #tpu.memory_space<vmem>>, vector<1x16xf32>,
          %get3A_406 = vector.shape_cast %get3A_405 : vector<1x16xf32> to vector<16xf32>
          %max3A_407 = arith.constant 0.000000e+00 : f32
          %max3A_408 = vector.broadcast %max3A_407 : f32 to vector<16xf32>
          %max3A_409 = arith.maximumf %get3A_406, %max3A_408 : vector<16xf32>
          %swap3A_410 = arith.index_cast %add3A_321 : i32 to index
          %swap3A_411 = arith.constant 112 : index
          %swap3A_412 = tpu.vector_load %arg16[%swap3A_410, %swap3A_411] {strides = array<i32>} : memref<128x128xf32, #tpu.memory_space<vmem>>, vector<1x16xf32>,
          %swap3A_413 = vector.shape_cast %swap3A_412 : vector<1x16xf32> to vector<16xf32>
          %swap3A_414 = vector.shape_cast %max3A_409 : vector<16xf32> to vector<1x16xf32>
          tpu.vector_store %arg16[%swap3A_410, %swap3A_411], %swap3A_414 {strides = array<i32>} : memref<128x128xf32, #tpu.memory_space<vmem>>, vector<1x16xf32>,
          %mul3A_415 = arith.constant 4 : i32
          %mul3A_416 = arith.muli %scan3A_317, %mul3A_415 : i32
          %add3A_417 = arith.constant 1 : i32
          %add3A_418 = arith.addi %mul3A_416, %add3A_417 : i32
          %get3A_419 = arith.index_cast %add3A_418 : i32 to index
          %get3A_420 = arith.constant 0 : index
          %get3A_421 = tpu.vector_load %arg16[%get3A_419, %get3A_420] {strides = array<i32>} : memref<128x128xf32, #tpu.memory_space<vmem>>, vector<1x16xf32>,
          %get3A_422 = vector.shape_cast %get3A_421 : vector<1x16xf32> to vector<16xf32>
          %max3A_423 = arith.constant 0.000000e+00 : f32
          %max3A_424 = vector.broadcast %max3A_423 : f32 to vector<16xf32>
          %max3A_425 = arith.maximumf %get3A_422, %max3A_424 : vector<16xf32>
          %swap3A_426 = arith.index_cast %add3A_418 : i32 to index
          %swap3A_427 = arith.constant 0 : index
          %swap3A_428 = tpu.vector_load %arg16[%swap3A_426, %swap3A_427] {strides = array<i32>} : memref<128x128xf32, #tpu.memory_space<vmem>>, vector<1x16xf32>,
          %swap3A_429 = vector.shape_cast %swap3A_428 : vector<1x16xf32> to vector<16xf32>
          %swap3A_430 = vector.shape_cast %max3A_425 : vector<16xf32> to vector<1x16xf32>
          tpu.vector_store %arg16[%swap3A_426, %swap3A_427], %swap3A_430 {strides = array<i32>} : memref<128x128xf32, #tpu.memory_space<vmem>>, vector<1x16xf32>,
          %get3A_431 = arith.index_cast %add3A_418 : i32 to index
          %get3A_432 = arith.constant 16 : index
          %get3A_433 = tpu.vector_load %arg16[%get3A_431, %get3A_432] {strides = array<i32>} : memref<128x128xf32, #tpu.memory_space<vmem>>, vector<1x16xf32>,
          %get3A_434 = vector.shape_cast %get3A_433 : vector<1x16xf32> to vector<16xf32>
          %max3A_435 = arith.constant 0.000000e+00 : f32
          %max3A_436 = vector.broadcast %max3A_435 : f32 to vector<16xf32>
          %max3A_437 = arith.maximumf %get3A_434, %max3A_436 : vector<16xf32>
          %swap3A_438 = arith.index_cast %add3A_418 : i32 to index
          %swap3A_439 = arith.constant 16 : index
          %swap3A_440 = tpu.vector_load %arg16[%swap3A_438, %swap3A_439] {strides = array<i32>} : memref<128x128xf32, #tpu.memory_space<vmem>>, vector<1x16xf32>,
          %swap3A_441 = vector.shape_cast %swap3A_440 : vector<1x16xf32> to vector<16xf32>
          %swap3A_442 = vector.shape_cast %max3A_437 : vector<16xf32> to vector<1x16xf32>
          tpu.vector_store %arg16[%swap3A_438, %swap3A_439], %swap3A_442 {strides = array<i32>} : memref<128x128xf32, #tpu.memory_space<vmem>>, vector<1x16xf32>,
          %get3A_443 = arith.index_cast %add3A_418 : i32 to index
          %get3A_444 = arith.constant 32 : index
          %get3A_445 = tpu.vector_load %arg16[%get3A_443, %get3A_444] {strides = array<i32>} : memref<128x128xf32, #tpu.memory_space<vmem>>, vector<1x16xf32>,
          %get3A_446 = vector.shape_cast %get3A_445 : vector<1x16xf32> to vector<16xf32>
          %max3A_447 = arith.constant 0.000000e+00 : f32
          %max3A_448 = vector.broadcast %max3A_447 : f32 to vector<16xf32>
          %max3A_449 = arith.maximumf %get3A_446, %max3A_448 : vector<16xf32>
          %swap3A_450 = arith.index_cast %add3A_418 : i32 to index
          %swap3A_451 = arith.constant 32 : index
          %swap3A_452 = tpu.vector_load %arg16[%swap3A_450, %swap3A_451] {strides = array<i32>} : memref<128x128xf32, #tpu.memory_space<vmem>>, vector<1x16xf32>,
          %swap3A_453 = vector.shape_cast %swap3A_452 : vector<1x16xf32> to vector<16xf32>
          %swap3A_454 = vector.shape_cast %max3A_449 : vector<16xf32> to vector<1x16xf32>
          tpu.vector_store %arg16[%swap3A_450, %swap3A_451], %swap3A_454 {strides = array<i32>} : memref<128x128xf32, #tpu.memory_space<vmem>>, vector<1x16xf32>,
          %get3A_455 = arith.index_cast %add3A_418 : i32 to index
          %get3A_456 = arith.constant 48 : index
          %get3A_457 = tpu.vector_load %arg16[%get3A_455, %get3A_456] {strides = array<i32>} : memref<128x128xf32, #tpu.memory_space<vmem>>, vector<1x16xf32>,
          %get3A_458 = vector.shape_cast %get3A_457 : vector<1x16xf32> to vector<16xf32>
          %max3A_459 = arith.constant 0.000000e+00 : f32
          %max3A_460 = vector.broadcast %max3A_459 : f32 to vector<16xf32>
          %max3A_461 = arith.maximumf %get3A_458, %max3A_460 : vector<16xf32>
          %swap3A_462 = arith.index_cast %add3A_418 : i32 to index
          %swap3A_463 = arith.constant 48 : index
          %swap3A_464 = tpu.vector_load %arg16[%swap3A_462, %swap3A_463] {strides = array<i32>} : memref<128x128xf32, #tpu.memory_space<vmem>>, vector<1x16xf32>,
          %swap3A_465 = vector.shape_cast %swap3A_464 : vector<1x16xf32> to vector<16xf32>
          %swap3A_466 = vector.shape_cast %max3A_461 : vector<16xf32> to vector<1x16xf32>
          tpu.vector_store %arg16[%swap3A_462, %swap3A_463], %swap3A_466 {strides = array<i32>} : memref<128x128xf32, #tpu.memory_space<vmem>>, vector<1x16xf32>,
          %get3A_467 = arith.index_cast %add3A_418 : i32 to index
          %get3A_468 = arith.constant 64 : index
          %get3A_469 = tpu.vector_load %arg16[%get3A_467, %get3A_468] {strides = array<i32>} : memref<128x128xf32, #tpu.memory_space<vmem>>, vector<1x16xf32>,
          %get3A_470 = vector.shape_cast %get3A_469 : vector<1x16xf32> to vector<16xf32>
          %max3A_471 = arith.constant 0.000000e+00 : f32
          %max3A_472 = vector.broadcast %max3A_471 : f32 to vector<16xf32>
          %max3A_473 = arith.maximumf %get3A_470, %max3A_472 : vector<16xf32>
          %swap3A_474 = arith.index_cast %add3A_418 : i32 to index
          %swap3A_475 = arith.constant 64 : index
          %swap3A_476 = tpu.vector_load %arg16[%swap3A_474, %swap3A_475] {strides = array<i32>} : memref<128x128xf32, #tpu.memory_space<vmem>>, vector<1x16xf32>,
          %swap3A_477 = vector.shape_cast %swap3A_476 : vector<1x16xf32> to vector<16xf32>
          %swap3A_478 = vector.shape_cast %max3A_473 : vector<16xf32> to vector<1x16xf32>
          tpu.vector_store %arg16[%swap3A_474, %swap3A_475], %swap3A_478 {strides = array<i32>} : memref<128x128xf32, #tpu.memory_space<vmem>>, vector<1x16xf32>,
          %get3A_479 = arith.index_cast %add3A_418 : i32 to index
          %get3A_480 = arith.constant 80 : index
          %get3A_481 = tpu.vector_load %arg16[%get3A_479, %get3A_480] {strides = array<i32>} : memref<128x128xf32, #tpu.memory_space<vmem>>, vector<1x16xf32>,
          %get3A_482 = vector.shape_cast %get3A_481 : vector<1x16xf32> to vector<16xf32>
          %max3A_483 = arith.constant 0.000000e+00 : f32
          %max3A_484 = vector.broadcast %max3A_483 : f32 to vector<16xf32>
          %max3A_485 = arith.maximumf %get3A_482, %max3A_484 : vector<16xf32>
          %swap3A_486 = arith.index_cast %add3A_418 : i32 to index
          %swap3A_487 = arith.constant 80 : index
          %swap3A_488 = tpu.vector_load %arg16[%swap3A_486, %swap3A_487] {strides = array<i32>} : memref<128x128xf32, #tpu.memory_space<vmem>>, vector<1x16xf32>,
          %swap3A_489 = vector.shape_cast %swap3A_488 : vector<1x16xf32> to vector<16xf32>
          %swap3A_490 = vector.shape_cast %max3A_485 : vector<16xf32> to vector<1x16xf32>
          tpu.vector_store %arg16[%swap3A_486, %swap3A_487], %swap3A_490 {strides = array<i32>} : memref<128x128xf32, #tpu.memory_space<vmem>>, vector<1x16xf32>,
          %get3A_491 = arith.index_cast %add3A_418 : i32 to index
          %get3A_492 = arith.constant 96 : index
          %get3A_493 = tpu.vector_load %arg16[%get3A_491, %get3A_492] {strides = array<i32>} : memref<128x128xf32, #tpu.memory_space<vmem>>, vector<1x16xf32>,
          %get3A_494 = vector.shape_cast %get3A_493 : vector<1x16xf32> to vector<16xf32>
          %max3A_495 = arith.constant 0.000000e+00 : f32
          %max3A_496 = vector.broadcast %max3A_495 : f32 to vector<16xf32>
          %max3A_497 = arith.maximumf %get3A_494, %max3A_496 : vector<16xf32>
          %swap3A_498 = arith.index_cast %add3A_418 : i32 to index
          %swap3A_499 = arith.constant 96 : index
          %swap3A_500 = tpu.vector_load %arg16[%swap3A_498, %swap3A_499] {strides = array<i32>} : memref<128x128xf32, #tpu.memory_space<vmem>>, vector<1x16xf32>,
          %swap3A_501 = vector.shape_cast %swap3A_500 : vector<1x16xf32> to vector<16xf32>
          %swap3A_502 = vector.shape_cast %max3A_497 : vector<16xf32> to vector<1x16xf32>
          tpu.vector_store %arg16[%swap3A_498, %swap3A_499], %swap3A_502 {strides = array<i32>} : memref<128x128xf32, #tpu.memory_space<vmem>>, vector<1x16xf32>,
          %get3A_503 = arith.index_cast %add3A_418 : i32 to index
          %get3A_504 = arith.constant 112 : index
          %get3A_505 = tpu.vector_load %arg16[%get3A_503, %get3A_504] {strides = array<i32>} : memref<128x128xf32, #tpu.memory_space<vmem>>, vector<1x16xf32>,
          %get3A_506 = vector.shape_cast %get3A_505 : vector<1x16xf32> to vector<16xf32>
          %max3A_507 = arith.constant 0.000000e+00 : f32
          %max3A_508 = vector.broadcast %max3A_507 : f32 to vector<16xf32>
          %max3A_509 = arith.maximumf %get3A_506, %max3A_508 : vector<16xf32>
          %swap3A_510 = arith.index_cast %add3A_418 : i32 to index
          %swap3A_511 = arith.constant 112 : index
          %swap3A_512 = tpu.vector_load %arg16[%swap3A_510, %swap3A_511] {strides = array<i32>} : memref<128x128xf32, #tpu.memory_space<vmem>>, vector<1x16xf32>,
          %swap3A_513 = vector.shape_cast %swap3A_512 : vector<1x16xf32> to vector<16xf32>
          %swap3A_514 = vector.shape_cast %max3A_509 : vector<16xf32> to vector<1x16xf32>
          tpu.vector_store %arg16[%swap3A_510, %swap3A_511], %swap3A_514 {strides = array<i32>} : memref<128x128xf32, #tpu.memory_space<vmem>>, vector<1x16xf32>,
          %mul3A_515 = arith.constant 4 : i32
          %mul3A_516 = arith.muli %scan3A_317, %mul3A_515 : i32
          %add3A_517 = arith.constant 2 : i32
          %add3A_518 = arith.addi %mul3A_516, %add3A_517 : i32
          %get3A_519 = arith.index_cast %add3A_518 : i32 to index
          %get3A_520 = arith.constant 0 : index
          %get3A_521 = tpu.vector_load %arg16[%get3A_519, %get3A_520] {strides = array<i32>} : memref<128x128xf32, #tpu.memory_space<vmem>>, vector<1x16xf32>,
          %get3A_522 = vector.shape_cast %get3A_521 : vector<1x16xf32> to vector<16xf32>
          %max3A_523 = arith.constant 0.000000e+00 : f32
          %max3A_524 = vector.broadcast %max3A_523 : f32 to vector<16xf32>
          %max3A_525 = arith.maximumf %get3A_522, %max3A_524 : vector<16xf32>
          %swap3A_526 = arith.index_cast %add3A_518 : i32 to index
          %swap3A_527 = arith.constant 0 : index
          %swap3A_528 = tpu.vector_load %arg16[%swap3A_526, %swap3A_527] {strides = array<i32>} : memref<128x128xf32, #tpu.memory_space<vmem>>, vector<1x16xf32>,
          %swap3A_529 = vector.shape_cast %swap3A_528 : vector<1x16xf32> to vector<16xf32>
          %swap3A_530 = vector.shape_cast %max3A_525 : vector<16xf32> to vector<1x16xf32>
          tpu.vector_store %arg16[%swap3A_526, %swap3A_527], %swap3A_530 {strides = array<i32>} : memref<128x128xf32, #tpu.memory_space<vmem>>, vector<1x16xf32>,
          %get3A_531 = arith.index_cast %add3A_518 : i32 to index
          %get3A_532 = arith.constant 16 : index
          %get3A_533 = tpu.vector_load %arg16[%get3A_531, %get3A_532] {strides = array<i32>} : memref<128x128xf32, #tpu.memory_space<vmem>>, vector<1x16xf32>,
          %get3A_534 = vector.shape_cast %get3A_533 : vector<1x16xf32> to vector<16xf32>
          %max3A_535 = arith.constant 0.000000e+00 : f32
          %max3A_536 = vector.broadcast %max3A_535 : f32 to vector<16xf32>
          %max3A_537 = arith.maximumf %get3A_534, %max3A_536 : vector<16xf32>
          %swap3A_538 = arith.index_cast %add3A_518 : i32 to index
          %swap3A_539 = arith.constant 16 : index
          %swap3A_540 = tpu.vector_load %arg16[%swap3A_538, %swap3A_539] {strides = array<i32>} : memref<128x128xf32, #tpu.memory_space<vmem>>, vector<1x16xf32>,
          %swap3A_541 = vector.shape_cast %swap3A_540 : vector<1x16xf32> to vector<16xf32>
          %swap3A_542 = vector.shape_cast %max3A_537 : vector<16xf32> to vector<1x16xf32>
          tpu.vector_store %arg16[%swap3A_538, %swap3A_539], %swap3A_542 {strides = array<i32>} : memref<128x128xf32, #tpu.memory_space<vmem>>, vector<1x16xf32>,
          %get3A_543 = arith.index_cast %add3A_518 : i32 to index
          %get3A_544 = arith.constant 32 : index
          %get3A_545 = tpu.vector_load %arg16[%get3A_543, %get3A_544] {strides = array<i32>} : memref<128x128xf32, #tpu.memory_space<vmem>>, vector<1x16xf32>,
          %get3A_546 = vector.shape_cast %get3A_545 : vector<1x16xf32> to vector<16xf32>
          %max3A_547 = arith.constant 0.000000e+00 : f32
          %max3A_548 = vector.broadcast %max3A_547 : f32 to vector<16xf32>
          %max3A_549 = arith.maximumf %get3A_546, %max3A_548 : vector<16xf32>
          %swap3A_550 = arith.index_cast %add3A_518 : i32 to index
          %swap3A_551 = arith.constant 32 : index
          %swap3A_552 = tpu.vector_load %arg16[%swap3A_550, %swap3A_551] {strides = array<i32>} : memref<128x128xf32, #tpu.memory_space<vmem>>, vector<1x16xf32>,
          %swap3A_553 = vector.shape_cast %swap3A_552 : vector<1x16xf32> to vector<16xf32>
          %swap3A_554 = vector.shape_cast %max3A_549 : vector<16xf32> to vector<1x16xf32>
          tpu.vector_store %arg16[%swap3A_550, %swap3A_551], %swap3A_554 {strides = array<i32>} : memref<128x128xf32, #tpu.memory_space<vmem>>, vector<1x16xf32>,
          %get3A_555 = arith.index_cast %add3A_518 : i32 to index
          %get3A_556 = arith.constant 48 : index
          %get3A_557 = tpu.vector_load %arg16[%get3A_555, %get3A_556] {strides = array<i32>} : memref<128x128xf32, #tpu.memory_space<vmem>>, vector<1x16xf32>,
          %get3A_558 = vector.shape_cast %get3A_557 : vector<1x16xf32> to vector<16xf32>
          %max3A_559 = arith.constant 0.000000e+00 : f32
          %max3A_560 = vector.broadcast %max3A_559 : f32 to vector<16xf32>
          %max3A_561 = arith.maximumf %get3A_558, %max3A_560 : vector<16xf32>
          %swap3A_562 = arith.index_cast %add3A_518 : i32 to index
          %swap3A_563 = arith.constant 48 : index
          %swap3A_564 = tpu.vector_load %arg16[%swap3A_562, %swap3A_563] {strides = array<i32>} : memref<128x128xf32, #tpu.memory_space<vmem>>, vector<1x16xf32>,
          %swap3A_565 = vector.shape_cast %swap3A_564 : vector<1x16xf32> to vector<16xf32>
          %swap3A_566 = vector.shape_cast %max3A_561 : vector<16xf32> to vector<1x16xf32>
          tpu.vector_store %arg16[%swap3A_562, %swap3A_563], %swap3A_566 {strides = array<i32>} : memref<128x128xf32, #tpu.memory_space<vmem>>, vector<1x16xf32>,
          %get3A_567 = arith.index_cast %add3A_518 : i32 to index
          %get3A_568 = arith.constant 64 : index
          %get3A_569 = tpu.vector_load %arg16[%get3A_567, %get3A_568] {strides = array<i32>} : memref<128x128xf32, #tpu.memory_space<vmem>>, vector<1x16xf32>,
          %get3A_570 = vector.shape_cast %get3A_569 : vector<1x16xf32> to vector<16xf32>
          %max3A_571 = arith.constant 0.000000e+00 : f32
          %max3A_572 = vector.broadcast %max3A_571 : f32 to vector<16xf32>
          %max3A_573 = arith.maximumf %get3A_570, %max3A_572 : vector<16xf32>
          %swap3A_574 = arith.index_cast %add3A_518 : i32 to index
          %swap3A_575 = arith.constant 64 : index
          %swap3A_576 = tpu.vector_load %arg16[%swap3A_574, %swap3A_575] {strides = array<i32>} : memref<128x128xf32, #tpu.memory_space<vmem>>, vector<1x16xf32>,
          %swap3A_577 = vector.shape_cast %swap3A_576 : vector<1x16xf32> to vector<16xf32>
          %swap3A_578 = vector.shape_cast %max3A_573 : vector<16xf32> to vector<1x16xf32>
          tpu.vector_store %arg16[%swap3A_574, %swap3A_575], %swap3A_578 {strides = array<i32>} : memref<128x128xf32, #tpu.memory_space<vmem>>, vector<1x16xf32>,
          %get3A_579 = arith.index_cast %add3A_518 : i32 to index
          %get3A_580 = arith.constant 80 : index
          %get3A_581 = tpu.vector_load %arg16[%get3A_579, %get3A_580] {strides = array<i32>} : memref<128x128xf32, #tpu.memory_space<vmem>>, vector<1x16xf32>,
          %get3A_582 = vector.shape_cast %get3A_581 : vector<1x16xf32> to vector<16xf32>
          %max3A_583 = arith.constant 0.000000e+00 : f32
          %max3A_584 = vector.broadcast %max3A_583 : f32 to vector<16xf32>
          %max3A_585 = arith.maximumf %get3A_582, %max3A_584 : vector<16xf32>
          %swap3A_586 = arith.index_cast %add3A_518 : i32 to index
          %swap3A_587 = arith.constant 80 : index
          %swap3A_588 = tpu.vector_load %arg16[%swap3A_586, %swap3A_587] {strides = array<i32>} : memref<128x128xf32, #tpu.memory_space<vmem>>, vector<1x16xf32>,
          %swap3A_589 = vector.shape_cast %swap3A_588 : vector<1x16xf32> to vector<16xf32>
          %swap3A_590 = vector.shape_cast %max3A_585 : vector<16xf32> to vector<1x16xf32>
          tpu.vector_store %arg16[%swap3A_586, %swap3A_587], %swap3A_590 {strides = array<i32>} : memref<128x128xf32, #tpu.memory_space<vmem>>, vector<1x16xf32>,
          %get3A_591 = arith.index_cast %add3A_518 : i32 to index
          %get3A_592 = arith.constant 96 : index
          %get3A_593 = tpu.vector_load %arg16[%get3A_591, %get3A_592] {strides = array<i32>} : memref<128x128xf32, #tpu.memory_space<vmem>>, vector<1x16xf32>,
          %get3A_594 = vector.shape_cast %get3A_593 : vector<1x16xf32> to vector<16xf32>
          %max3A_595 = arith.constant 0.000000e+00 : f32
          %max3A_596 = vector.broadcast %max3A_595 : f32 to vector<16xf32>
          %max3A_597 = arith.maximumf %get3A_594, %max3A_596 : vector<16xf32>
          %swap3A_598 = arith.index_cast %add3A_518 : i32 to index
          %swap3A_599 = arith.constant 96 : index
          %swap3A_600 = tpu.vector_load %arg16[%swap3A_598, %swap3A_599] {strides = array<i32>} : memref<128x128xf32, #tpu.memory_space<vmem>>, vector<1x16xf32>,
          %swap3A_601 = vector.shape_cast %swap3A_600 : vector<1x16xf32> to vector<16xf32>
          %swap3A_602 = vector.shape_cast %max3A_597 : vector<16xf32> to vector<1x16xf32>
          tpu.vector_store %arg16[%swap3A_598, %swap3A_599], %swap3A_602 {strides = array<i32>} : memref<128x128xf32, #tpu.memory_space<vmem>>, vector<1x16xf32>,
          %get3A_603 = arith.index_cast %add3A_518 : i32 to index
          %get3A_604 = arith.constant 112 : index
          %get3A_605 = tpu.vector_load %arg16[%get3A_603, %get3A_604] {strides = array<i32>} : memref<128x128xf32, #tpu.memory_space<vmem>>, vector<1x16xf32>,
          %get3A_606 = vector.shape_cast %get3A_605 : vector<1x16xf32> to vector<16xf32>
          %max3A_607 = arith.constant 0.000000e+00 : f32
          %max3A_608 = vector.broadcast %max3A_607 : f32 to vector<16xf32>
          %max3A_609 = arith.maximumf %get3A_606, %max3A_608 : vector<16xf32>
          %swap3A_610 = arith.index_cast %add3A_518 : i32 to index
          %swap3A_611 = arith.constant 112 : index
          %swap3A_612 = tpu.vector_load %arg16[%swap3A_610, %swap3A_611] {strides = array<i32>} : memref<128x128xf32, #tpu.memory_space<vmem>>, vector<1x16xf32>,
          %swap3A_613 = vector.shape_cast %swap3A_612 : vector<1x16xf32> to vector<16xf32>
          %swap3A_614 = vector.shape_cast %max3A_609 : vector<16xf32> to vector<1x16xf32>
          tpu.vector_store %arg16[%swap3A_610, %swap3A_611], %swap3A_614 {strides = array<i32>} : memref<128x128xf32, #tpu.memory_space<vmem>>, vector<1x16xf32>,
          %mul3A_615 = arith.constant 4 : i32
          %mul3A_616 = arith.muli %scan3A_317, %mul3A_615 : i32
          %add3A_617 = arith.constant 3 : i32
          %add3A_618 = arith.addi %mul3A_616, %add3A_617 : i32
          %get3A_619 = arith.index_cast %add3A_618 : i32 to index
          %get3A_620 = arith.constant 0 : index
          %get3A_621 = tpu.vector_load %arg16[%get3A_619, %get3A_620] {strides = array<i32>} : memref<128x128xf32, #tpu.memory_space<vmem>>, vector<1x16xf32>,
          %get3A_622 = vector.shape_cast %get3A_621 : vector<1x16xf32> to vector<16xf32>
          %max3A_623 = arith.constant 0.000000e+00 : f32
          %max3A_624 = vector.broadcast %max3A_623 : f32 to vector<16xf32>
          %max3A_625 = arith.maximumf %get3A_622, %max3A_624 : vector<16xf32>
          %swap3A_626 = arith.index_cast %add3A_618 : i32 to index
          %swap3A_627 = arith.constant 0 : index
          %swap3A_628 = tpu.vector_load %arg16[%swap3A_626, %swap3A_627] {strides = array<i32>} : memref<128x128xf32, #tpu.memory_space<vmem>>, vector<1x16xf32>,
          %swap3A_629 = vector.shape_cast %swap3A_628 : vector<1x16xf32> to vector<16xf32>
          %swap3A_630 = vector.shape_cast %max3A_625 : vector<16xf32> to vector<1x16xf32>
          tpu.vector_store %arg16[%swap3A_626, %swap3A_627], %swap3A_630 {strides = array<i32>} : memref<128x128xf32, #tpu.memory_space<vmem>>, vector<1x16xf32>,
          %get3A_631 = arith.index_cast %add3A_618 : i32 to index
          %get3A_632 = arith.constant 16 : index
          %get3A_633 = tpu.vector_load %arg16[%get3A_631, %get3A_632] {strides = array<i32>} : memref<128x128xf32, #tpu.memory_space<vmem>>, vector<1x16xf32>,
          %get3A_634 = vector.shape_cast %get3A_633 : vector<1x16xf32> to vector<16xf32>
          %max3A_635 = arith.constant 0.000000e+00 : f32
          %max3A_636 = vector.broadcast %max3A_635 : f32 to vector<16xf32>
          %max3A_637 = arith.maximumf %get3A_634, %max3A_636 : vector<16xf32>
          %swap3A_638 = arith.index_cast %add3A_618 : i32 to index
          %swap3A_639 = arith.constant 16 : index
          %swap3A_640 = tpu.vector_load %arg16[%swap3A_638, %swap3A_639] {strides = array<i32>} : memref<128x128xf32, #tpu.memory_space<vmem>>, vector<1x16xf32>,
          %swap3A_641 = vector.shape_cast %swap3A_640 : vector<1x16xf32> to vector<16xf32>
          %swap3A_642 = vector.shape_cast %max3A_637 : vector<16xf32> to vector<1x16xf32>
          tpu.vector_store %arg16[%swap3A_638, %swap3A_639], %swap3A_642 {strides = array<i32>} : memref<128x128xf32, #tpu.memory_space<vmem>>, vector<1x16xf32>,
          %get3A_643 = arith.index_cast %add3A_618 : i32 to index
          %get3A_644 = arith.constant 32 : index
          %get3A_645 = tpu.vector_load %arg16[%get3A_643, %get3A_644] {strides = array<i32>} : memref<128x128xf32, #tpu.memory_space<vmem>>, vector<1x16xf32>,
          %get3A_646 = vector.shape_cast %get3A_645 : vector<1x16xf32> to vector<16xf32>
          %max3A_647 = arith.constant 0.000000e+00 : f32
          %max3A_648 = vector.broadcast %max3A_647 : f32 to vector<16xf32>
          %max3A_649 = arith.maximumf %get3A_646, %max3A_648 : vector<16xf32>
          %swap3A_650 = arith.index_cast %add3A_618 : i32 to index
          %swap3A_651 = arith.constant 32 : index
          %swap3A_652 = tpu.vector_load %arg16[%swap3A_650, %swap3A_651] {strides = array<i32>} : memref<128x128xf32, #tpu.memory_space<vmem>>, vector<1x16xf32>,
          %swap3A_653 = vector.shape_cast %swap3A_652 : vector<1x16xf32> to vector<16xf32>
          %swap3A_654 = vector.shape_cast %max3A_649 : vector<16xf32> to vector<1x16xf32>
          tpu.vector_store %arg16[%swap3A_650, %swap3A_651], %swap3A_654 {strides = array<i32>} : memref<128x128xf32, #tpu.memory_space<vmem>>, vector<1x16xf32>,
          %get3A_655 = arith.index_cast %add3A_618 : i32 to index
          %get3A_656 = arith.constant 48 : index
          %get3A_657 = tpu.vector_load %arg16[%get3A_655, %get3A_656] {strides = array<i32>} : memref<128x128xf32, #tpu.memory_space<vmem>>, vector<1x16xf32>,
          %get3A_658 = vector.shape_cast %get3A_657 : vector<1x16xf32> to vector<16xf32>
          %max3A_659 = arith.constant 0.000000e+00 : f32
          %max3A_660 = vector.broadcast %max3A_659 : f32 to vector<16xf32>
          %max3A_661 = arith.maximumf %get3A_658, %max3A_660 : vector<16xf32>
          %swap3A_662 = arith.index_cast %add3A_618 : i32 to index
          %swap3A_663 = arith.constant 48 : index
          %swap3A_664 = tpu.vector_load %arg16[%swap3A_662, %swap3A_663] {strides = array<i32>} : memref<128x128xf32, #tpu.memory_space<vmem>>, vector<1x16xf32>,
          %swap3A_665 = vector.shape_cast %swap3A_664 : vector<1x16xf32> to vector<16xf32>
          %swap3A_666 = vector.shape_cast %max3A_661 : vector<16xf32> to vector<1x16xf32>
          tpu.vector_store %arg16[%swap3A_662, %swap3A_663], %swap3A_666 {strides = array<i32>} : memref<128x128xf32, #tpu.memory_space<vmem>>, vector<1x16xf32>,
          %get3A_667 = arith.index_cast %add3A_618 : i32 to index
          %get3A_668 = arith.constant 64 : index
          %get3A_669 = tpu.vector_load %arg16[%get3A_667, %get3A_668] {strides = array<i32>} : memref<128x128xf32, #tpu.memory_space<vmem>>, vector<1x16xf32>,
          %get3A_670 = vector.shape_cast %get3A_669 : vector<1x16xf32> to vector<16xf32>
          %max3A_671 = arith.constant 0.000000e+00 : f32
          %max3A_672 = vector.broadcast %max3A_671 : f32 to vector<16xf32>
          %max3A_673 = arith.maximumf %get3A_670, %max3A_672 : vector<16xf32>
          %swap3A_674 = arith.index_cast %add3A_618 : i32 to index
          %swap3A_675 = arith.constant 64 : index
          %swap3A_676 = tpu.vector_load %arg16[%swap3A_674, %swap3A_675] {strides = array<i32>} : memref<128x128xf32, #tpu.memory_space<vmem>>, vector<1x16xf32>,
          %swap3A_677 = vector.shape_cast %swap3A_676 : vector<1x16xf32> to vector<16xf32>
          %swap3A_678 = vector.shape_cast %max3A_673 : vector<16xf32> to vector<1x16xf32>
          tpu.vector_store %arg16[%swap3A_674, %swap3A_675], %swap3A_678 {strides = array<i32>} : memref<128x128xf32, #tpu.memory_space<vmem>>, vector<1x16xf32>,
          %get3A_679 = arith.index_cast %add3A_618 : i32 to index
          %get3A_680 = arith.constant 80 : index
          %get3A_681 = tpu.vector_load %arg16[%get3A_679, %get3A_680] {strides = array<i32>} : memref<128x128xf32, #tpu.memory_space<vmem>>, vector<1x16xf32>,
          %get3A_682 = vector.shape_cast %get3A_681 : vector<1x16xf32> to vector<16xf32>
          %max3A_683 = arith.constant 0.000000e+00 : f32
          %max3A_684 = vector.broadcast %max3A_683 : f32 to vector<16xf32>
          %max3A_685 = arith.maximumf %get3A_682, %max3A_684 : vector<16xf32>
          %swap3A_686 = arith.index_cast %add3A_618 : i32 to index
          %swap3A_687 = arith.constant 80 : index
          %swap3A_688 = tpu.vector_load %arg16[%swap3A_686, %swap3A_687] {strides = array<i32>} : memref<128x128xf32, #tpu.memory_space<vmem>>, vector<1x16xf32>,
          %swap3A_689 = vector.shape_cast %swap3A_688 : vector<1x16xf32> to vector<16xf32>
          %swap3A_690 = vector.shape_cast %max3A_685 : vector<16xf32> to vector<1x16xf32>
          tpu.vector_store %arg16[%swap3A_686, %swap3A_687], %swap3A_690 {strides = array<i32>} : memref<128x128xf32, #tpu.memory_space<vmem>>, vector<1x16xf32>,
          %get3A_691 = arith.index_cast %add3A_618 : i32 to index
          %get3A_692 = arith.constant 96 : index
          %get3A_693 = tpu.vector_load %arg16[%get3A_691, %get3A_692] {strides = array<i32>} : memref<128x128xf32, #tpu.memory_space<vmem>>, vector<1x16xf32>,
          %get3A_694 = vector.shape_cast %get3A_693 : vector<1x16xf32> to vector<16xf32>
          %max3A_695 = arith.constant 0.000000e+00 : f32
          %max3A_696 = vector.broadcast %max3A_695 : f32 to vector<16xf32>
          %max3A_697 = arith.maximumf %get3A_694, %max3A_696 : vector<16xf32>
          %swap3A_698 = arith.index_cast %add3A_618 : i32 to index
          %swap3A_699 = arith.constant 96 : index
          %swap3A_700 = tpu.vector_load %arg16[%swap3A_698, %swap3A_699] {strides = array<i32>} : memref<128x128xf32, #tpu.memory_space<vmem>>, vector<1x16xf32>,
          %swap3A_701 = vector.shape_cast %swap3A_700 : vector<1x16xf32> to vector<16xf32>
          %swap3A_702 = vector.shape_cast %max3A_697 : vector<16xf32> to vector<1x16xf32>
          tpu.vector_store %arg16[%swap3A_698, %swap3A_699], %swap3A_702 {strides = array<i32>} : memref<128x128xf32, #tpu.memory_space<vmem>>, vector<1x16xf32>,
          %get3A_703 = arith.index_cast %add3A_618 : i32 to index
          %get3A_704 = arith.constant 112 : index
          %get3A_705 = tpu.vector_load %arg16[%get3A_703, %get3A_704] {strides = array<i32>} : memref<128x128xf32, #tpu.memory_space<vmem>>, vector<1x16xf32>,
          %get3A_706 = vector.shape_cast %get3A_705 : vector<1x16xf32> to vector<16xf32>
          %max3A_707 = arith.constant 0.000000e+00 : f32
          %max3A_708 = vector.broadcast %max3A_707 : f32 to vector<16xf32>
          %max3A_709 = arith.maximumf %get3A_706, %max3A_708 : vector<16xf32>
          %swap3A_710 = arith.index_cast %add3A_618 : i32 to index
          %swap3A_711 = arith.constant 112 : index
          %swap3A_712 = tpu.vector_load %arg16[%swap3A_710, %swap3A_711] {strides = array<i32>} : memref<128x128xf32, #tpu.memory_space<vmem>>, vector<1x16xf32>,
          %swap3A_713 = vector.shape_cast %swap3A_712 : vector<1x16xf32> to vector<16xf32>
          %swap3A_714 = vector.shape_cast %max3A_709 : vector<16xf32> to vector<1x16xf32>
          tpu.vector_store %arg16[%swap3A_710, %swap3A_711], %swap3A_714 {strides = array<i32>} : memref<128x128xf32, #tpu.memory_space<vmem>>, vector<1x16xf32>,
        }
        %scan3A_314 = arith.constant 32 : i32
        %dma_start3A = arith.constant 0 : i32
        %dma_start3A_315 = arith.constant 0 : i32
        %dma_start3A_316 = tpu.memref_slice %arg28[%dma_start3A, %dma_start3A_315] : memref<10000x128xf32, #tpu.memory_space<vmem_shared>> -> memref<10000x128xf32, #tpu.memory_space<vmem_shared>>
        tpu.enqueue_indirect_dma source(%arg16 : memref<128x128xf32, #tpu.memory_space<vmem>>) target(%dma_start3A_316 : memref<10000x128xf32, #tpu.memory_space<vmem_shared>>) offsets(%arg13 : memref<128xi32, #tpu.memory_space<vmem>>) semaphore(%arg25 : memref<!tpu.dma_semaphore, #tpu.memory_space<semaphore_mem>>) {add = true}
      } else {
      }
    }
    %scan3A_75 = arith.constant 28 : i32
    %barrier3A_76 = arith.constant 0 : index
    tpu.barrier barrier_id(%barrier3A_76)
    %add3A_77 = arith.constant 0 : i32
    %add3A_78 = arith.addi %arg1, %add3A_77 : i32
    %mul3A_79 = arith.constant 128 : i32
    %mul3A_80 = arith.muli %add3A_78, %mul3A_79 : i32
    %lt3A_81 = arith.constant 78 : i32
    %lt3A_82 = arith.cmpi slt, %add3A_78, %lt3A_81 : i32
    %eq3A_83 = arith.constant 0 : i32
    %eq3A_84 = arith.cmpi eq, %arg0, %eq3A_83 : i32
    %and3A_85 = arith.andi %lt3A_82, %eq3A_84 : i1
    %convert_element_type3A_86 = arith.extui %and3A_85 : i1 to i32
    %cond3A_87 = arith.constant 0 : i32
    %cond3A_88 = arith.cmpi ne, %convert_element_type3A_86, %cond3A_87 : i32
    scf.if %cond3A_88 {
      "tpu.region"() ({
        %run_scoped3A = tpu.sem_alloc : memref<!tpu.dma_semaphore, #tpu.memory_space<semaphore_mem>>
        %dma_start3A = arith.constant 0 : i32
        %dma_start3A_193 = tpu.memref_slice %arg28[%mul3A_80, %dma_start3A] : memref<10000x128xf32, #tpu.memory_space<vmem_shared>> -> memref<128x128xf32, #tpu.memory_space<vmem_shared>>
        %dma_start3A_194 = arith.constant 0 : i32
        %dma_start3A_195 = tpu.memref_slice %arg28[%mul3A_80, %dma_start3A_194] : memref<10000x128xf32, #tpu.memory_space<vmem_shared>> -> memref<128x128xf32, #tpu.memory_space<vmem_shared>>
        tpu.enqueue_dma source(%dma_start3A_195 : memref<128x128xf32, #tpu.memory_space<vmem_shared>>) target(%arg16 : memref<128x128xf32, #tpu.memory_space<vmem>>) target_semaphore(%run_scoped3A : memref<!tpu.dma_semaphore, #tpu.memory_space<semaphore_mem>>)
        %dma_wait3A = arith.constant 0 : i32
        %dma_wait3A_196 = tpu.memref_slice %arg28[%mul3A_80, %dma_wait3A] : memref<10000x128xf32, #tpu.memory_space<vmem_shared>> -> memref<128x128xf32, #tpu.memory_space<vmem_shared>>
        %dma_wait3A_197 = arith.constant 0 : i32
        %dma_wait3A_198 = tpu.memref_slice %arg28[%mul3A_80, %dma_wait3A_197] : memref<10000x128xf32, #tpu.memory_space<vmem_shared>> -> memref<128x128xf32, #tpu.memory_space<vmem_shared>>
        tpu.wait_dma2 semaphore(%run_scoped3A : memref<!tpu.dma_semaphore, #tpu.memory_space<semaphore_mem>>) src(%dma_wait3A_198 : memref<128x128xf32, #tpu.memory_space<vmem_shared>>) dst(%arg16 : memref<128x128xf32, #tpu.memory_space<vmem>>)
        tpu.yield
      }) : () -> ()
      "tpu.region"() ({
        %run_scoped3A = tpu.sem_alloc : memref<!tpu.dma_semaphore, #tpu.memory_space<semaphore_mem>>
        %dma_start3A = arith.constant 0 : i32
        %dma_start3A_193 = tpu.memref_slice %arg5[%mul3A_80, %dma_start3A] : memref<10000x128xf32, #tpu.memory_space<hbm>> -> memref<128x128xf32, #tpu.memory_space<hbm>>
        %dma_start3A_194 = arith.constant 0 : i32
        %dma_start3A_195 = tpu.memref_slice %arg5[%mul3A_80, %dma_start3A_194] : memref<10000x128xf32, #tpu.memory_space<hbm>> -> memref<128x128xf32, #tpu.memory_space<hbm>>
        tpu.enqueue_dma source(%arg16 : memref<128x128xf32, #tpu.memory_space<vmem>>) target(%dma_start3A_195 : memref<128x128xf32, #tpu.memory_space<hbm>>) target_semaphore(%run_scoped3A : memref<!tpu.dma_semaphore, #tpu.memory_space<semaphore_mem>>)
        %dma_wait3A = arith.constant 0 : i32
        %dma_wait3A_196 = tpu.memref_slice %arg5[%mul3A_80, %dma_wait3A] : memref<10000x128xf32, #tpu.memory_space<hbm>> -> memref<128x128xf32, #tpu.memory_space<hbm>>
        %dma_wait3A_197 = arith.constant 0 : i32
        %dma_wait3A_198 = tpu.memref_slice %arg5[%mul3A_80, %dma_wait3A_197] : memref<10000x128xf32, #tpu.memory_space<hbm>> -> memref<128x128xf32, #tpu.memory_space<hbm>>
        tpu.wait_dma2 semaphore(%run_scoped3A : memref<!tpu.dma_semaphore, #tpu.memory_space<semaphore_mem>>) src(%arg16 : memref<128x128xf32, #tpu.memory_space<vmem>>) dst(%dma_wait3A_198 : memref<128x128xf32, #tpu.memory_space<hbm>>)
        tpu.yield
      }) : () -> ()
    } else {
    }
    %lt3A_89 = arith.constant 78 : i32
    %lt3A_90 = arith.cmpi slt, %add3A_78, %lt3A_89 : i32
    %eq3A_91 = arith.constant 1 : i32
    %eq3A_92 = arith.cmpi eq, %arg0, %eq3A_91 : i32
    %and3A_93 = arith.andi %lt3A_90, %eq3A_92 : i1
    %convert_element_type3A_94 = arith.extui %and3A_93 : i1 to i32
    %cond3A_95 = arith.constant 0 : i32
    %cond3A_96 = arith.cmpi ne, %convert_element_type3A_94, %cond3A_95 : i32
    scf.if %cond3A_96 {
      "tpu.region"() ({
        %run_scoped3A = tpu.sem_alloc : memref<!tpu.dma_semaphore, #tpu.memory_space<semaphore_mem>>
        %dma_start3A = arith.constant 0 : i32
        %dma_start3A_193 = tpu.memref_slice %arg28[%mul3A_80, %dma_start3A] : memref<10000x128xf32, #tpu.memory_space<vmem_shared>> -> memref<128x128xf32, #tpu.memory_space<vmem_shared>>
        %dma_start3A_194 = arith.constant 0 : i32
        %dma_start3A_195 = tpu.memref_slice %arg28[%mul3A_80, %dma_start3A_194] : memref<10000x128xf32, #tpu.memory_space<vmem_shared>> -> memref<128x128xf32, #tpu.memory_space<vmem_shared>>
        tpu.enqueue_dma source(%dma_start3A_195 : memref<128x128xf32, #tpu.memory_space<vmem_shared>>) target(%arg16 : memref<128x128xf32, #tpu.memory_space<vmem>>) target_semaphore(%run_scoped3A : memref<!tpu.dma_semaphore, #tpu.memory_space<semaphore_mem>>)
        %dma_wait3A = arith.constant 0 : i32
        %dma_wait3A_196 = tpu.memref_slice %arg28[%mul3A_80, %dma_wait3A] : memref<10000x128xf32, #tpu.memory_space<vmem_shared>> -> memref<128x128xf32, #tpu.memory_space<vmem_shared>>
        %dma_wait3A_197 = arith.constant 0 : i32
        %dma_wait3A_198 = tpu.memref_slice %arg28[%mul3A_80, %dma_wait3A_197] : memref<10000x128xf32, #tpu.memory_space<vmem_shared>> -> memref<128x128xf32, #tpu.memory_space<vmem_shared>>
        tpu.wait_dma2 semaphore(%run_scoped3A : memref<!tpu.dma_semaphore, #tpu.memory_space<semaphore_mem>>) src(%dma_wait3A_198 : memref<128x128xf32, #tpu.memory_space<vmem_shared>>) dst(%arg16 : memref<128x128xf32, #tpu.memory_space<vmem>>)
        tpu.yield
      }) : () -> ()
      "tpu.region"() ({
        %run_scoped3A = tpu.sem_alloc : memref<!tpu.dma_semaphore, #tpu.memory_space<semaphore_mem>>
        %dma_start3A = arith.constant 0 : i32
        %dma_start3A_193 = tpu.memref_slice %arg6[%mul3A_80, %dma_start3A] : memref<10000x128xf32, #tpu.memory_space<hbm>> -> memref<128x128xf32, #tpu.memory_space<hbm>>
        %dma_start3A_194 = arith.constant 0 : i32
        %dma_start3A_195 = tpu.memref_slice %arg6[%mul3A_80, %dma_start3A_194] : memref<10000x128xf32, #tpu.memory_space<hbm>> -> memref<128x128xf32, #tpu.memory_space<hbm>>
        tpu.enqueue_dma source(%arg16 : memref<128x128xf32, #tpu.memory_space<vmem>>) target(%dma_start3A_195 : memref<128x128xf32, #tpu.memory_space<hbm>>) target_semaphore(%run_scoped3A : memref<!tpu.dma_semaphore, #tpu.memory_space<semaphore_mem>>)
        %dma_wait3A = arith.constant 0 : i32
        %dma_wait3A_196 = tpu.memref_slice %arg6[%mul3A_80, %dma_wait3A] : memref<10000x128xf32, #tpu.memory_space<hbm>> -> memref<128x128xf32, #tpu.memory_space<hbm>>
        %dma_wait3A_197 = arith.constant 0 : i32
        %dma_wait3A_198 = tpu.memref_slice %arg6[%mul3A_80, %dma_wait3A_197] : memref<10000x128xf32, #tpu.memory_space<hbm>> -> memref<128x128xf32, #tpu.memory_space<hbm>>
        tpu.wait_dma2 semaphore(%run_scoped3A : memref<!tpu.dma_semaphore, #tpu.memory_space<semaphore_mem>>) src(%arg16 : memref<128x128xf32, #tpu.memory_space<vmem>>) dst(%dma_wait3A_198 : memref<128x128xf32, #tpu.memory_space<hbm>>)
        tpu.yield
      }) : () -> ()
    } else {
    }
    %add3A_97 = arith.constant 16 : i32
    %add3A_98 = arith.addi %arg1, %add3A_97 : i32
    %mul3A_99 = arith.constant 128 : i32
    %mul3A_100 = arith.muli %add3A_98, %mul3A_99 : i32
    %lt3A_101 = arith.constant 78 : i32
    %lt3A_102 = arith.cmpi slt, %add3A_98, %lt3A_101 : i32
    %eq3A_103 = arith.constant 0 : i32
    %eq3A_104 = arith.cmpi eq, %arg0, %eq3A_103 : i32
    %and3A_105 = arith.andi %lt3A_102, %eq3A_104 : i1
    %convert_element_type3A_106 = arith.extui %and3A_105 : i1 to i32
    %cond3A_107 = arith.constant 0 : i32
    %cond3A_108 = arith.cmpi ne, %convert_element_type3A_106, %cond3A_107 : i32
    scf.if %cond3A_108 {
      "tpu.region"() ({
        %run_scoped3A = tpu.sem_alloc : memref<!tpu.dma_semaphore, #tpu.memory_space<semaphore_mem>>
        %dma_start3A = arith.constant 0 : i32
        %dma_start3A_193 = tpu.memref_slice %arg28[%mul3A_100, %dma_start3A] : memref<10000x128xf32, #tpu.memory_space<vmem_shared>> -> memref<128x128xf32, #tpu.memory_space<vmem_shared>>
        %dma_start3A_194 = arith.constant 0 : i32
        %dma_start3A_195 = tpu.memref_slice %arg28[%mul3A_100, %dma_start3A_194] : memref<10000x128xf32, #tpu.memory_space<vmem_shared>> -> memref<128x128xf32, #tpu.memory_space<vmem_shared>>
        tpu.enqueue_dma source(%dma_start3A_195 : memref<128x128xf32, #tpu.memory_space<vmem_shared>>) target(%arg16 : memref<128x128xf32, #tpu.memory_space<vmem>>) target_semaphore(%run_scoped3A : memref<!tpu.dma_semaphore, #tpu.memory_space<semaphore_mem>>)
        %dma_wait3A = arith.constant 0 : i32
        %dma_wait3A_196 = tpu.memref_slice %arg28[%mul3A_100, %dma_wait3A] : memref<10000x128xf32, #tpu.memory_space<vmem_shared>> -> memref<128x128xf32, #tpu.memory_space<vmem_shared>>
        %dma_wait3A_197 = arith.constant 0 : i32
        %dma_wait3A_198 = tpu.memref_slice %arg28[%mul3A_100, %dma_wait3A_197] : memref<10000x128xf32, #tpu.memory_space<vmem_shared>> -> memref<128x128xf32, #tpu.memory_space<vmem_shared>>
        tpu.wait_dma2 semaphore(%run_scoped3A : memref<!tpu.dma_semaphore, #tpu.memory_space<semaphore_mem>>) src(%dma_wait3A_198 : memref<128x128xf32, #tpu.memory_space<vmem_shared>>) dst(%arg16 : memref<128x128xf32, #tpu.memory_space<vmem>>)
        tpu.yield
      }) : () -> ()
      "tpu.region"() ({
        %run_scoped3A = tpu.sem_alloc : memref<!tpu.dma_semaphore, #tpu.memory_space<semaphore_mem>>
        %dma_start3A = arith.constant 0 : i32
        %dma_start3A_193 = tpu.memref_slice %arg5[%mul3A_100, %dma_start3A] : memref<10000x128xf32, #tpu.memory_space<hbm>> -> memref<128x128xf32, #tpu.memory_space<hbm>>
        %dma_start3A_194 = arith.constant 0 : i32
        %dma_start3A_195 = tpu.memref_slice %arg5[%mul3A_100, %dma_start3A_194] : memref<10000x128xf32, #tpu.memory_space<hbm>> -> memref<128x128xf32, #tpu.memory_space<hbm>>
        tpu.enqueue_dma source(%arg16 : memref<128x128xf32, #tpu.memory_space<vmem>>) target(%dma_start3A_195 : memref<128x128xf32, #tpu.memory_space<hbm>>) target_semaphore(%run_scoped3A : memref<!tpu.dma_semaphore, #tpu.memory_space<semaphore_mem>>)
        %dma_wait3A = arith.constant 0 : i32
        %dma_wait3A_196 = tpu.memref_slice %arg5[%mul3A_100, %dma_wait3A] : memref<10000x128xf32, #tpu.memory_space<hbm>> -> memref<128x128xf32, #tpu.memory_space<hbm>>
        %dma_wait3A_197 = arith.constant 0 : i32
        %dma_wait3A_198 = tpu.memref_slice %arg5[%mul3A_100, %dma_wait3A_197] : memref<10000x128xf32, #tpu.memory_space<hbm>> -> memref<128x128xf32, #tpu.memory_space<hbm>>
        tpu.wait_dma2 semaphore(%run_scoped3A : memref<!tpu.dma_semaphore, #tpu.memory_space<semaphore_mem>>) src(%arg16 : memref<128x128xf32, #tpu.memory_space<vmem>>) dst(%dma_wait3A_198 : memref<128x128xf32, #tpu.memory_space<hbm>>)
        tpu.yield
      }) : () -> ()
    } else {
    }
    %lt3A_109 = arith.constant 78 : i32
    %lt3A_110 = arith.cmpi slt, %add3A_98, %lt3A_109 : i32
    %eq3A_111 = arith.constant 1 : i32
    %eq3A_112 = arith.cmpi eq, %arg0, %eq3A_111 : i32
    %and3A_113 = arith.andi %lt3A_110, %eq3A_112 : i1
    %convert_element_type3A_114 = arith.extui %and3A_113 : i1 to i32
    %cond3A_115 = arith.constant 0 : i32
    %cond3A_116 = arith.cmpi ne, %convert_element_type3A_114, %cond3A_115 : i32
    scf.if %cond3A_116 {
      "tpu.region"() ({
        %run_scoped3A = tpu.sem_alloc : memref<!tpu.dma_semaphore, #tpu.memory_space<semaphore_mem>>
        %dma_start3A = arith.constant 0 : i32
        %dma_start3A_193 = tpu.memref_slice %arg28[%mul3A_100, %dma_start3A] : memref<10000x128xf32, #tpu.memory_space<vmem_shared>> -> memref<128x128xf32, #tpu.memory_space<vmem_shared>>
        %dma_start3A_194 = arith.constant 0 : i32
        %dma_start3A_195 = tpu.memref_slice %arg28[%mul3A_100, %dma_start3A_194] : memref<10000x128xf32, #tpu.memory_space<vmem_shared>> -> memref<128x128xf32, #tpu.memory_space<vmem_shared>>
        tpu.enqueue_dma source(%dma_start3A_195 : memref<128x128xf32, #tpu.memory_space<vmem_shared>>) target(%arg16 : memref<128x128xf32, #tpu.memory_space<vmem>>) target_semaphore(%run_scoped3A : memref<!tpu.dma_semaphore, #tpu.memory_space<semaphore_mem>>)
        %dma_wait3A = arith.constant 0 : i32
        %dma_wait3A_196 = tpu.memref_slice %arg28[%mul3A_100, %dma_wait3A] : memref<10000x128xf32, #tpu.memory_space<vmem_shared>> -> memref<128x128xf32, #tpu.memory_space<vmem_shared>>
        %dma_wait3A_197 = arith.constant 0 : i32
        %dma_wait3A_198 = tpu.memref_slice %arg28[%mul3A_100, %dma_wait3A_197] : memref<10000x128xf32, #tpu.memory_space<vmem_shared>> -> memref<128x128xf32, #tpu.memory_space<vmem_shared>>
        tpu.wait_dma2 semaphore(%run_scoped3A : memref<!tpu.dma_semaphore, #tpu.memory_space<semaphore_mem>>) src(%dma_wait3A_198 : memref<128x128xf32, #tpu.memory_space<vmem_shared>>) dst(%arg16 : memref<128x128xf32, #tpu.memory_space<vmem>>)
        tpu.yield
      }) : () -> ()
      "tpu.region"() ({
        %run_scoped3A = tpu.sem_alloc : memref<!tpu.dma_semaphore, #tpu.memory_space<semaphore_mem>>
        %dma_start3A = arith.constant 0 : i32
        %dma_start3A_193 = tpu.memref_slice %arg6[%mul3A_100, %dma_start3A] : memref<10000x128xf32, #tpu.memory_space<hbm>> -> memref<128x128xf32, #tpu.memory_space<hbm>>
        %dma_start3A_194 = arith.constant 0 : i32
        %dma_start3A_195 = tpu.memref_slice %arg6[%mul3A_100, %dma_start3A_194] : memref<10000x128xf32, #tpu.memory_space<hbm>> -> memref<128x128xf32, #tpu.memory_space<hbm>>
        tpu.enqueue_dma source(%arg16 : memref<128x128xf32, #tpu.memory_space<vmem>>) target(%dma_start3A_195 : memref<128x128xf32, #tpu.memory_space<hbm>>) target_semaphore(%run_scoped3A : memref<!tpu.dma_semaphore, #tpu.memory_space<semaphore_mem>>)
        %dma_wait3A = arith.constant 0 : i32
        %dma_wait3A_196 = tpu.memref_slice %arg6[%mul3A_100, %dma_wait3A] : memref<10000x128xf32, #tpu.memory_space<hbm>> -> memref<128x128xf32, #tpu.memory_space<hbm>>
        %dma_wait3A_197 = arith.constant 0 : i32
        %dma_wait3A_198 = tpu.memref_slice %arg6[%mul3A_100, %dma_wait3A_197] : memref<10000x128xf32, #tpu.memory_space<hbm>> -> memref<128x128xf32, #tpu.memory_space<hbm>>
        tpu.wait_dma2 semaphore(%run_scoped3A : memref<!tpu.dma_semaphore, #tpu.memory_space<semaphore_mem>>) src(%arg16 : memref<128x128xf32, #tpu.memory_space<vmem>>) dst(%dma_wait3A_198 : memref<128x128xf32, #tpu.memory_space<hbm>>)
        tpu.yield
      }) : () -> ()
    } else {
    }
    %add3A_117 = arith.constant 32 : i32
    %add3A_118 = arith.addi %arg1, %add3A_117 : i32
    %mul3A_119 = arith.constant 128 : i32
    %mul3A_120 = arith.muli %add3A_118, %mul3A_119 : i32
    %lt3A_121 = arith.constant 78 : i32
    %lt3A_122 = arith.cmpi slt, %add3A_118, %lt3A_121 : i32
    %eq3A_123 = arith.constant 0 : i32
    %eq3A_124 = arith.cmpi eq, %arg0, %eq3A_123 : i32
    %and3A_125 = arith.andi %lt3A_122, %eq3A_124 : i1
    %convert_element_type3A_126 = arith.extui %and3A_125 : i1 to i32
    %cond3A_127 = arith.constant 0 : i32
    %cond3A_128 = arith.cmpi ne, %convert_element_type3A_126, %cond3A_127 : i32
    scf.if %cond3A_128 {
      "tpu.region"() ({
        %run_scoped3A = tpu.sem_alloc : memref<!tpu.dma_semaphore, #tpu.memory_space<semaphore_mem>>
        %dma_start3A = arith.constant 0 : i32
        %dma_start3A_193 = tpu.memref_slice %arg28[%mul3A_120, %dma_start3A] : memref<10000x128xf32, #tpu.memory_space<vmem_shared>> -> memref<128x128xf32, #tpu.memory_space<vmem_shared>>
        %dma_start3A_194 = arith.constant 0 : i32
        %dma_start3A_195 = tpu.memref_slice %arg28[%mul3A_120, %dma_start3A_194] : memref<10000x128xf32, #tpu.memory_space<vmem_shared>> -> memref<128x128xf32, #tpu.memory_space<vmem_shared>>
        tpu.enqueue_dma source(%dma_start3A_195 : memref<128x128xf32, #tpu.memory_space<vmem_shared>>) target(%arg16 : memref<128x128xf32, #tpu.memory_space<vmem>>) target_semaphore(%run_scoped3A : memref<!tpu.dma_semaphore, #tpu.memory_space<semaphore_mem>>)
        %dma_wait3A = arith.constant 0 : i32
        %dma_wait3A_196 = tpu.memref_slice %arg28[%mul3A_120, %dma_wait3A] : memref<10000x128xf32, #tpu.memory_space<vmem_shared>> -> memref<128x128xf32, #tpu.memory_space<vmem_shared>>
        %dma_wait3A_197 = arith.constant 0 : i32
        %dma_wait3A_198 = tpu.memref_slice %arg28[%mul3A_120, %dma_wait3A_197] : memref<10000x128xf32, #tpu.memory_space<vmem_shared>> -> memref<128x128xf32, #tpu.memory_space<vmem_shared>>
        tpu.wait_dma2 semaphore(%run_scoped3A : memref<!tpu.dma_semaphore, #tpu.memory_space<semaphore_mem>>) src(%dma_wait3A_198 : memref<128x128xf32, #tpu.memory_space<vmem_shared>>) dst(%arg16 : memref<128x128xf32, #tpu.memory_space<vmem>>)
        tpu.yield
      }) : () -> ()
      "tpu.region"() ({
        %run_scoped3A = tpu.sem_alloc : memref<!tpu.dma_semaphore, #tpu.memory_space<semaphore_mem>>
        %dma_start3A = arith.constant 0 : i32
        %dma_start3A_193 = tpu.memref_slice %arg5[%mul3A_120, %dma_start3A] : memref<10000x128xf32, #tpu.memory_space<hbm>> -> memref<128x128xf32, #tpu.memory_space<hbm>>
        %dma_start3A_194 = arith.constant 0 : i32
        %dma_start3A_195 = tpu.memref_slice %arg5[%mul3A_120, %dma_start3A_194] : memref<10000x128xf32, #tpu.memory_space<hbm>> -> memref<128x128xf32, #tpu.memory_space<hbm>>
        tpu.enqueue_dma source(%arg16 : memref<128x128xf32, #tpu.memory_space<vmem>>) target(%dma_start3A_195 : memref<128x128xf32, #tpu.memory_space<hbm>>) target_semaphore(%run_scoped3A : memref<!tpu.dma_semaphore, #tpu.memory_space<semaphore_mem>>)
        %dma_wait3A = arith.constant 0 : i32
        %dma_wait3A_196 = tpu.memref_slice %arg5[%mul3A_120, %dma_wait3A] : memref<10000x128xf32, #tpu.memory_space<hbm>> -> memref<128x128xf32, #tpu.memory_space<hbm>>
        %dma_wait3A_197 = arith.constant 0 : i32
        %dma_wait3A_198 = tpu.memref_slice %arg5[%mul3A_120, %dma_wait3A_197] : memref<10000x128xf32, #tpu.memory_space<hbm>> -> memref<128x128xf32, #tpu.memory_space<hbm>>
        tpu.wait_dma2 semaphore(%run_scoped3A : memref<!tpu.dma_semaphore, #tpu.memory_space<semaphore_mem>>) src(%arg16 : memref<128x128xf32, #tpu.memory_space<vmem>>) dst(%dma_wait3A_198 : memref<128x128xf32, #tpu.memory_space<hbm>>)
        tpu.yield
      }) : () -> ()
    } else {
    }
    %lt3A_129 = arith.constant 78 : i32
    %lt3A_130 = arith.cmpi slt, %add3A_118, %lt3A_129 : i32
    %eq3A_131 = arith.constant 1 : i32
    %eq3A_132 = arith.cmpi eq, %arg0, %eq3A_131 : i32
    %and3A_133 = arith.andi %lt3A_130, %eq3A_132 : i1
    %convert_element_type3A_134 = arith.extui %and3A_133 : i1 to i32
    %cond3A_135 = arith.constant 0 : i32
    %cond3A_136 = arith.cmpi ne, %convert_element_type3A_134, %cond3A_135 : i32
    scf.if %cond3A_136 {
      "tpu.region"() ({
        %run_scoped3A = tpu.sem_alloc : memref<!tpu.dma_semaphore, #tpu.memory_space<semaphore_mem>>
        %dma_start3A = arith.constant 0 : i32
        %dma_start3A_193 = tpu.memref_slice %arg28[%mul3A_120, %dma_start3A] : memref<10000x128xf32, #tpu.memory_space<vmem_shared>> -> memref<128x128xf32, #tpu.memory_space<vmem_shared>>
        %dma_start3A_194 = arith.constant 0 : i32
        %dma_start3A_195 = tpu.memref_slice %arg28[%mul3A_120, %dma_start3A_194] : memref<10000x128xf32, #tpu.memory_space<vmem_shared>> -> memref<128x128xf32, #tpu.memory_space<vmem_shared>>
        tpu.enqueue_dma source(%dma_start3A_195 : memref<128x128xf32, #tpu.memory_space<vmem_shared>>) target(%arg16 : memref<128x128xf32, #tpu.memory_space<vmem>>) target_semaphore(%run_scoped3A : memref<!tpu.dma_semaphore, #tpu.memory_space<semaphore_mem>>)
        %dma_wait3A = arith.constant 0 : i32
        %dma_wait3A_196 = tpu.memref_slice %arg28[%mul3A_120, %dma_wait3A] : memref<10000x128xf32, #tpu.memory_space<vmem_shared>> -> memref<128x128xf32, #tpu.memory_space<vmem_shared>>
        %dma_wait3A_197 = arith.constant 0 : i32
        %dma_wait3A_198 = tpu.memref_slice %arg28[%mul3A_120, %dma_wait3A_197] : memref<10000x128xf32, #tpu.memory_space<vmem_shared>> -> memref<128x128xf32, #tpu.memory_space<vmem_shared>>
        tpu.wait_dma2 semaphore(%run_scoped3A : memref<!tpu.dma_semaphore, #tpu.memory_space<semaphore_mem>>) src(%dma_wait3A_198 : memref<128x128xf32, #tpu.memory_space<vmem_shared>>) dst(%arg16 : memref<128x128xf32, #tpu.memory_space<vmem>>)
        tpu.yield
      }) : () -> ()
      "tpu.region"() ({
        %run_scoped3A = tpu.sem_alloc : memref<!tpu.dma_semaphore, #tpu.memory_space<semaphore_mem>>
        %dma_start3A = arith.constant 0 : i32
        %dma_start3A_193 = tpu.memref_slice %arg6[%mul3A_120, %dma_start3A] : memref<10000x128xf32, #tpu.memory_space<hbm>> -> memref<128x128xf32, #tpu.memory_space<hbm>>
        %dma_start3A_194 = arith.constant 0 : i32
        %dma_start3A_195 = tpu.memref_slice %arg6[%mul3A_120, %dma_start3A_194] : memref<10000x128xf32, #tpu.memory_space<hbm>> -> memref<128x128xf32, #tpu.memory_space<hbm>>
        tpu.enqueue_dma source(%arg16 : memref<128x128xf32, #tpu.memory_space<vmem>>) target(%dma_start3A_195 : memref<128x128xf32, #tpu.memory_space<hbm>>) target_semaphore(%run_scoped3A : memref<!tpu.dma_semaphore, #tpu.memory_space<semaphore_mem>>)
        %dma_wait3A = arith.constant 0 : i32
        %dma_wait3A_196 = tpu.memref_slice %arg6[%mul3A_120, %dma_wait3A] : memref<10000x128xf32, #tpu.memory_space<hbm>> -> memref<128x128xf32, #tpu.memory_space<hbm>>
        %dma_wait3A_197 = arith.constant 0 : i32
        %dma_wait3A_198 = tpu.memref_slice %arg6[%mul3A_120, %dma_wait3A_197] : memref<10000x128xf32, #tpu.memory_space<hbm>> -> memref<128x128xf32, #tpu.memory_space<hbm>>
        tpu.wait_dma2 semaphore(%run_scoped3A : memref<!tpu.dma_semaphore, #tpu.memory_space<semaphore_mem>>) src(%arg16 : memref<128x128xf32, #tpu.memory_space<vmem>>) dst(%dma_wait3A_198 : memref<128x128xf32, #tpu.memory_space<hbm>>)
        tpu.yield
      }) : () -> ()
    } else {
    }
    %add3A_137 = arith.constant 48 : i32
    %add3A_138 = arith.addi %arg1, %add3A_137 : i32
    %mul3A_139 = arith.constant 128 : i32
    %mul3A_140 = arith.muli %add3A_138, %mul3A_139 : i32
    %lt3A_141 = arith.constant 78 : i32
    %lt3A_142 = arith.cmpi slt, %add3A_138, %lt3A_141 : i32
    %eq3A_143 = arith.constant 0 : i32
    %eq3A_144 = arith.cmpi eq, %arg0, %eq3A_143 : i32
    %and3A_145 = arith.andi %lt3A_142, %eq3A_144 : i1
    %convert_element_type3A_146 = arith.extui %and3A_145 : i1 to i32
    %cond3A_147 = arith.constant 0 : i32
    %cond3A_148 = arith.cmpi ne, %convert_element_type3A_146, %cond3A_147 : i32
    scf.if %cond3A_148 {
      "tpu.region"() ({
        %run_scoped3A = tpu.sem_alloc : memref<!tpu.dma_semaphore, #tpu.memory_space<semaphore_mem>>
        %dma_start3A = arith.constant 0 : i32
        %dma_start3A_193 = tpu.memref_slice %arg28[%mul3A_140, %dma_start3A] : memref<10000x128xf32, #tpu.memory_space<vmem_shared>> -> memref<128x128xf32, #tpu.memory_space<vmem_shared>>
        %dma_start3A_194 = arith.constant 0 : i32
        %dma_start3A_195 = tpu.memref_slice %arg28[%mul3A_140, %dma_start3A_194] : memref<10000x128xf32, #tpu.memory_space<vmem_shared>> -> memref<128x128xf32, #tpu.memory_space<vmem_shared>>
        tpu.enqueue_dma source(%dma_start3A_195 : memref<128x128xf32, #tpu.memory_space<vmem_shared>>) target(%arg16 : memref<128x128xf32, #tpu.memory_space<vmem>>) target_semaphore(%run_scoped3A : memref<!tpu.dma_semaphore, #tpu.memory_space<semaphore_mem>>)
        %dma_wait3A = arith.constant 0 : i32
        %dma_wait3A_196 = tpu.memref_slice %arg28[%mul3A_140, %dma_wait3A] : memref<10000x128xf32, #tpu.memory_space<vmem_shared>> -> memref<128x128xf32, #tpu.memory_space<vmem_shared>>
        %dma_wait3A_197 = arith.constant 0 : i32
        %dma_wait3A_198 = tpu.memref_slice %arg28[%mul3A_140, %dma_wait3A_197] : memref<10000x128xf32, #tpu.memory_space<vmem_shared>> -> memref<128x128xf32, #tpu.memory_space<vmem_shared>>
        tpu.wait_dma2 semaphore(%run_scoped3A : memref<!tpu.dma_semaphore, #tpu.memory_space<semaphore_mem>>) src(%dma_wait3A_198 : memref<128x128xf32, #tpu.memory_space<vmem_shared>>) dst(%arg16 : memref<128x128xf32, #tpu.memory_space<vmem>>)
        tpu.yield
      }) : () -> ()
      "tpu.region"() ({
        %run_scoped3A = tpu.sem_alloc : memref<!tpu.dma_semaphore, #tpu.memory_space<semaphore_mem>>
        %dma_start3A = arith.constant 0 : i32
        %dma_start3A_193 = tpu.memref_slice %arg5[%mul3A_140, %dma_start3A] : memref<10000x128xf32, #tpu.memory_space<hbm>> -> memref<128x128xf32, #tpu.memory_space<hbm>>
        %dma_start3A_194 = arith.constant 0 : i32
        %dma_start3A_195 = tpu.memref_slice %arg5[%mul3A_140, %dma_start3A_194] : memref<10000x128xf32, #tpu.memory_space<hbm>> -> memref<128x128xf32, #tpu.memory_space<hbm>>
        tpu.enqueue_dma source(%arg16 : memref<128x128xf32, #tpu.memory_space<vmem>>) target(%dma_start3A_195 : memref<128x128xf32, #tpu.memory_space<hbm>>) target_semaphore(%run_scoped3A : memref<!tpu.dma_semaphore, #tpu.memory_space<semaphore_mem>>)
        %dma_wait3A = arith.constant 0 : i32
        %dma_wait3A_196 = tpu.memref_slice %arg5[%mul3A_140, %dma_wait3A] : memref<10000x128xf32, #tpu.memory_space<hbm>> -> memref<128x128xf32, #tpu.memory_space<hbm>>
        %dma_wait3A_197 = arith.constant 0 : i32
        %dma_wait3A_198 = tpu.memref_slice %arg5[%mul3A_140, %dma_wait3A_197] : memref<10000x128xf32, #tpu.memory_space<hbm>> -> memref<128x128xf32, #tpu.memory_space<hbm>>
        tpu.wait_dma2 semaphore(%run_scoped3A : memref<!tpu.dma_semaphore, #tpu.memory_space<semaphore_mem>>) src(%arg16 : memref<128x128xf32, #tpu.memory_space<vmem>>) dst(%dma_wait3A_198 : memref<128x128xf32, #tpu.memory_space<hbm>>)
        tpu.yield
      }) : () -> ()
    } else {
    }
    %lt3A_149 = arith.constant 78 : i32
    %lt3A_150 = arith.cmpi slt, %add3A_138, %lt3A_149 : i32
    %eq3A_151 = arith.constant 1 : i32
    %eq3A_152 = arith.cmpi eq, %arg0, %eq3A_151 : i32
    %and3A_153 = arith.andi %lt3A_150, %eq3A_152 : i1
    %convert_element_type3A_154 = arith.extui %and3A_153 : i1 to i32
    %cond3A_155 = arith.constant 0 : i32
    %cond3A_156 = arith.cmpi ne, %convert_element_type3A_154, %cond3A_155 : i32
    scf.if %cond3A_156 {
      "tpu.region"() ({
        %run_scoped3A = tpu.sem_alloc : memref<!tpu.dma_semaphore, #tpu.memory_space<semaphore_mem>>
        %dma_start3A = arith.constant 0 : i32
        %dma_start3A_193 = tpu.memref_slice %arg28[%mul3A_140, %dma_start3A] : memref<10000x128xf32, #tpu.memory_space<vmem_shared>> -> memref<128x128xf32, #tpu.memory_space<vmem_shared>>
        %dma_start3A_194 = arith.constant 0 : i32
        %dma_start3A_195 = tpu.memref_slice %arg28[%mul3A_140, %dma_start3A_194] : memref<10000x128xf32, #tpu.memory_space<vmem_shared>> -> memref<128x128xf32, #tpu.memory_space<vmem_shared>>
        tpu.enqueue_dma source(%dma_start3A_195 : memref<128x128xf32, #tpu.memory_space<vmem_shared>>) target(%arg16 : memref<128x128xf32, #tpu.memory_space<vmem>>) target_semaphore(%run_scoped3A : memref<!tpu.dma_semaphore, #tpu.memory_space<semaphore_mem>>)
        %dma_wait3A = arith.constant 0 : i32
        %dma_wait3A_196 = tpu.memref_slice %arg28[%mul3A_140, %dma_wait3A] : memref<10000x128xf32, #tpu.memory_space<vmem_shared>> -> memref<128x128xf32, #tpu.memory_space<vmem_shared>>
        %dma_wait3A_197 = arith.constant 0 : i32
        %dma_wait3A_198 = tpu.memref_slice %arg28[%mul3A_140, %dma_wait3A_197] : memref<10000x128xf32, #tpu.memory_space<vmem_shared>> -> memref<128x128xf32, #tpu.memory_space<vmem_shared>>
        tpu.wait_dma2 semaphore(%run_scoped3A : memref<!tpu.dma_semaphore, #tpu.memory_space<semaphore_mem>>) src(%dma_wait3A_198 : memref<128x128xf32, #tpu.memory_space<vmem_shared>>) dst(%arg16 : memref<128x128xf32, #tpu.memory_space<vmem>>)
        tpu.yield
      }) : () -> ()
      "tpu.region"() ({
        %run_scoped3A = tpu.sem_alloc : memref<!tpu.dma_semaphore, #tpu.memory_space<semaphore_mem>>
        %dma_start3A = arith.constant 0 : i32
        %dma_start3A_193 = tpu.memref_slice %arg6[%mul3A_140, %dma_start3A] : memref<10000x128xf32, #tpu.memory_space<hbm>> -> memref<128x128xf32, #tpu.memory_space<hbm>>
        %dma_start3A_194 = arith.constant 0 : i32
        %dma_start3A_195 = tpu.memref_slice %arg6[%mul3A_140, %dma_start3A_194] : memref<10000x128xf32, #tpu.memory_space<hbm>> -> memref<128x128xf32, #tpu.memory_space<hbm>>
        tpu.enqueue_dma source(%arg16 : memref<128x128xf32, #tpu.memory_space<vmem>>) target(%dma_start3A_195 : memref<128x128xf32, #tpu.memory_space<hbm>>) target_semaphore(%run_scoped3A : memref<!tpu.dma_semaphore, #tpu.memory_space<semaphore_mem>>)
        %dma_wait3A = arith.constant 0 : i32
        %dma_wait3A_196 = tpu.memref_slice %arg6[%mul3A_140, %dma_wait3A] : memref<10000x128xf32, #tpu.memory_space<hbm>> -> memref<128x128xf32, #tpu.memory_space<hbm>>
        %dma_wait3A_197 = arith.constant 0 : i32
        %dma_wait3A_198 = tpu.memref_slice %arg6[%mul3A_140, %dma_wait3A_197] : memref<10000x128xf32, #tpu.memory_space<hbm>> -> memref<128x128xf32, #tpu.memory_space<hbm>>
        tpu.wait_dma2 semaphore(%run_scoped3A : memref<!tpu.dma_semaphore, #tpu.memory_space<semaphore_mem>>) src(%arg16 : memref<128x128xf32, #tpu.memory_space<vmem>>) dst(%dma_wait3A_198 : memref<128x128xf32, #tpu.memory_space<hbm>>)
        tpu.yield
      }) : () -> ()
    } else {
    }
    %add3A_157 = arith.constant 64 : i32
    %add3A_158 = arith.addi %arg1, %add3A_157 : i32
    %mul3A_159 = arith.constant 128 : i32
    %mul3A_160 = arith.muli %add3A_158, %mul3A_159 : i32
    %lt3A_161 = arith.constant 78 : i32
    %lt3A_162 = arith.cmpi slt, %add3A_158, %lt3A_161 : i32
    %eq3A_163 = arith.constant 0 : i32
    %eq3A_164 = arith.cmpi eq, %arg0, %eq3A_163 : i32
    %and3A_165 = arith.andi %lt3A_162, %eq3A_164 : i1
    %convert_element_type3A_166 = arith.extui %and3A_165 : i1 to i32
    %cond3A_167 = arith.constant 0 : i32
    %cond3A_168 = arith.cmpi ne, %convert_element_type3A_166, %cond3A_167 : i32
    scf.if %cond3A_168 {
      "tpu.region"() ({
        %run_scoped3A = tpu.sem_alloc : memref<!tpu.dma_semaphore, #tpu.memory_space<semaphore_mem>>
        %dma_start3A = arith.constant 0 : i32
        %dma_start3A_193 = tpu.memref_slice %arg28[%mul3A_160, %dma_start3A] : memref<10000x128xf32, #tpu.memory_space<vmem_shared>> -> memref<128x128xf32, #tpu.memory_space<vmem_shared>>
        %dma_start3A_194 = arith.constant 0 : i32
        %dma_start3A_195 = tpu.memref_slice %arg28[%mul3A_160, %dma_start3A_194] : memref<10000x128xf32, #tpu.memory_space<vmem_shared>> -> memref<128x128xf32, #tpu.memory_space<vmem_shared>>
        tpu.enqueue_dma source(%dma_start3A_195 : memref<128x128xf32, #tpu.memory_space<vmem_shared>>) target(%arg16 : memref<128x128xf32, #tpu.memory_space<vmem>>) target_semaphore(%run_scoped3A : memref<!tpu.dma_semaphore, #tpu.memory_space<semaphore_mem>>)
        %dma_wait3A = arith.constant 0 : i32
        %dma_wait3A_196 = tpu.memref_slice %arg28[%mul3A_160, %dma_wait3A] : memref<10000x128xf32, #tpu.memory_space<vmem_shared>> -> memref<128x128xf32, #tpu.memory_space<vmem_shared>>
        %dma_wait3A_197 = arith.constant 0 : i32
        %dma_wait3A_198 = tpu.memref_slice %arg28[%mul3A_160, %dma_wait3A_197] : memref<10000x128xf32, #tpu.memory_space<vmem_shared>> -> memref<128x128xf32, #tpu.memory_space<vmem_shared>>
        tpu.wait_dma2 semaphore(%run_scoped3A : memref<!tpu.dma_semaphore, #tpu.memory_space<semaphore_mem>>) src(%dma_wait3A_198 : memref<128x128xf32, #tpu.memory_space<vmem_shared>>) dst(%arg16 : memref<128x128xf32, #tpu.memory_space<vmem>>)
        tpu.yield
      }) : () -> ()
      "tpu.region"() ({
        %run_scoped3A = tpu.sem_alloc : memref<!tpu.dma_semaphore, #tpu.memory_space<semaphore_mem>>
        %dma_start3A = arith.constant 0 : i32
        %dma_start3A_193 = tpu.memref_slice %arg5[%mul3A_160, %dma_start3A] : memref<10000x128xf32, #tpu.memory_space<hbm>> -> memref<128x128xf32, #tpu.memory_space<hbm>>
        %dma_start3A_194 = arith.constant 0 : i32
        %dma_start3A_195 = tpu.memref_slice %arg5[%mul3A_160, %dma_start3A_194] : memref<10000x128xf32, #tpu.memory_space<hbm>> -> memref<128x128xf32, #tpu.memory_space<hbm>>
        tpu.enqueue_dma source(%arg16 : memref<128x128xf32, #tpu.memory_space<vmem>>) target(%dma_start3A_195 : memref<128x128xf32, #tpu.memory_space<hbm>>) target_semaphore(%run_scoped3A : memref<!tpu.dma_semaphore, #tpu.memory_space<semaphore_mem>>)
        %dma_wait3A = arith.constant 0 : i32
        %dma_wait3A_196 = tpu.memref_slice %arg5[%mul3A_160, %dma_wait3A] : memref<10000x128xf32, #tpu.memory_space<hbm>> -> memref<128x128xf32, #tpu.memory_space<hbm>>
        %dma_wait3A_197 = arith.constant 0 : i32
        %dma_wait3A_198 = tpu.memref_slice %arg5[%mul3A_160, %dma_wait3A_197] : memref<10000x128xf32, #tpu.memory_space<hbm>> -> memref<128x128xf32, #tpu.memory_space<hbm>>
        tpu.wait_dma2 semaphore(%run_scoped3A : memref<!tpu.dma_semaphore, #tpu.memory_space<semaphore_mem>>) src(%arg16 : memref<128x128xf32, #tpu.memory_space<vmem>>) dst(%dma_wait3A_198 : memref<128x128xf32, #tpu.memory_space<hbm>>)
        tpu.yield
      }) : () -> ()
    } else {
    }
    %lt3A_169 = arith.constant 78 : i32
    %lt3A_170 = arith.cmpi slt, %add3A_158, %lt3A_169 : i32
    %eq3A_171 = arith.constant 1 : i32
    %eq3A_172 = arith.cmpi eq, %arg0, %eq3A_171 : i32
    %and3A_173 = arith.andi %lt3A_170, %eq3A_172 : i1
    %convert_element_type3A_174 = arith.extui %and3A_173 : i1 to i32
    %cond3A_175 = arith.constant 0 : i32
    %cond3A_176 = arith.cmpi ne, %convert_element_type3A_174, %cond3A_175 : i32
    scf.if %cond3A_176 {
      "tpu.region"() ({
        %run_scoped3A = tpu.sem_alloc : memref<!tpu.dma_semaphore, #tpu.memory_space<semaphore_mem>>
        %dma_start3A = arith.constant 0 : i32
        %dma_start3A_193 = tpu.memref_slice %arg28[%mul3A_160, %dma_start3A] : memref<10000x128xf32, #tpu.memory_space<vmem_shared>> -> memref<128x128xf32, #tpu.memory_space<vmem_shared>>
        %dma_start3A_194 = arith.constant 0 : i32
        %dma_start3A_195 = tpu.memref_slice %arg28[%mul3A_160, %dma_start3A_194] : memref<10000x128xf32, #tpu.memory_space<vmem_shared>> -> memref<128x128xf32, #tpu.memory_space<vmem_shared>>
        tpu.enqueue_dma source(%dma_start3A_195 : memref<128x128xf32, #tpu.memory_space<vmem_shared>>) target(%arg16 : memref<128x128xf32, #tpu.memory_space<vmem>>) target_semaphore(%run_scoped3A : memref<!tpu.dma_semaphore, #tpu.memory_space<semaphore_mem>>)
        %dma_wait3A = arith.constant 0 : i32
        %dma_wait3A_196 = tpu.memref_slice %arg28[%mul3A_160, %dma_wait3A] : memref<10000x128xf32, #tpu.memory_space<vmem_shared>> -> memref<128x128xf32, #tpu.memory_space<vmem_shared>>
        %dma_wait3A_197 = arith.constant 0 : i32
        %dma_wait3A_198 = tpu.memref_slice %arg28[%mul3A_160, %dma_wait3A_197] : memref<10000x128xf32, #tpu.memory_space<vmem_shared>> -> memref<128x128xf32, #tpu.memory_space<vmem_shared>>
        tpu.wait_dma2 semaphore(%run_scoped3A : memref<!tpu.dma_semaphore, #tpu.memory_space<semaphore_mem>>) src(%dma_wait3A_198 : memref<128x128xf32, #tpu.memory_space<vmem_shared>>) dst(%arg16 : memref<128x128xf32, #tpu.memory_space<vmem>>)
        tpu.yield
      }) : () -> ()
      "tpu.region"() ({
        %run_scoped3A = tpu.sem_alloc : memref<!tpu.dma_semaphore, #tpu.memory_space<semaphore_mem>>
        %dma_start3A = arith.constant 0 : i32
        %dma_start3A_193 = tpu.memref_slice %arg6[%mul3A_160, %dma_start3A] : memref<10000x128xf32, #tpu.memory_space<hbm>> -> memref<128x128xf32, #tpu.memory_space<hbm>>
        %dma_start3A_194 = arith.constant 0 : i32
        %dma_start3A_195 = tpu.memref_slice %arg6[%mul3A_160, %dma_start3A_194] : memref<10000x128xf32, #tpu.memory_space<hbm>> -> memref<128x128xf32, #tpu.memory_space<hbm>>
        tpu.enqueue_dma source(%arg16 : memref<128x128xf32, #tpu.memory_space<vmem>>) target(%dma_start3A_195 : memref<128x128xf32, #tpu.memory_space<hbm>>) target_semaphore(%run_scoped3A : memref<!tpu.dma_semaphore, #tpu.memory_space<semaphore_mem>>)
        %dma_wait3A = arith.constant 0 : i32
        %dma_wait3A_196 = tpu.memref_slice %arg6[%mul3A_160, %dma_wait3A] : memref<10000x128xf32, #tpu.memory_space<hbm>> -> memref<128x128xf32, #tpu.memory_space<hbm>>
        %dma_wait3A_197 = arith.constant 0 : i32
        %dma_wait3A_198 = tpu.memref_slice %arg6[%mul3A_160, %dma_wait3A_197] : memref<10000x128xf32, #tpu.memory_space<hbm>> -> memref<128x128xf32, #tpu.memory_space<hbm>>
        tpu.wait_dma2 semaphore(%run_scoped3A : memref<!tpu.dma_semaphore, #tpu.memory_space<semaphore_mem>>) src(%arg16 : memref<128x128xf32, #tpu.memory_space<vmem>>) dst(%dma_wait3A_198 : memref<128x128xf32, #tpu.memory_space<hbm>>)
        tpu.yield
      }) : () -> ()
    } else {
    }
    %eq3A_177 = arith.constant 15 : i32
    %eq3A_178 = arith.cmpi eq, %arg1, %eq3A_177 : i32
    %eq3A_179 = arith.constant 0 : i32
    %eq3A_180 = arith.cmpi eq, %arg0, %eq3A_179 : i32
    %and3A_181 = arith.andi %eq3A_178, %eq3A_180 : i1
    %convert_element_type3A_182 = arith.extui %and3A_181 : i1 to i32
    %cond3A_183 = arith.constant 0 : i32
    %cond3A_184 = arith.cmpi ne, %convert_element_type3A_182, %cond3A_183 : i32
    scf.if %cond3A_184 {
      "tpu.region"() ({
        %run_scoped3A = tpu.sem_alloc : memref<!tpu.dma_semaphore, #tpu.memory_space<semaphore_mem>>
        %dma_start3A = arith.constant 0 : i32
        %dma_start3A_193 = arith.constant 0 : i32
        %dma_start3A_194 = tpu.memref_slice %arg16[%dma_start3A, %dma_start3A_193] : memref<128x128xf32, #tpu.memory_space<vmem>> -> memref<16x128xf32, #tpu.memory_space<vmem>>
        %dma_start3A_195 = arith.constant 9984 : i32
        %dma_start3A_196 = arith.constant 0 : i32
        %dma_start3A_197 = tpu.memref_slice %arg28[%dma_start3A_195, %dma_start3A_196] : memref<10000x128xf32, #tpu.memory_space<vmem_shared>> -> memref<16x128xf32, #tpu.memory_space<vmem_shared>>
        %dma_start3A_198 = arith.constant 0 : i32
        %dma_start3A_199 = arith.constant 0 : i32
        %dma_start3A_200 = tpu.memref_slice %arg16[%dma_start3A_198, %dma_start3A_199] : memref<128x128xf32, #tpu.memory_space<vmem>> -> memref<16x128xf32, #tpu.memory_space<vmem>>
        %dma_start3A_201 = arith.constant 9984 : i32
        %dma_start3A_202 = arith.constant 0 : i32
        %dma_start3A_203 = tpu.memref_slice %arg28[%dma_start3A_201, %dma_start3A_202] : memref<10000x128xf32, #tpu.memory_space<vmem_shared>> -> memref<16x128xf32, #tpu.memory_space<vmem_shared>>
        tpu.enqueue_dma source(%dma_start3A_203 : memref<16x128xf32, #tpu.memory_space<vmem_shared>>) target(%dma_start3A_200 : memref<16x128xf32, #tpu.memory_space<vmem>>) target_semaphore(%run_scoped3A : memref<!tpu.dma_semaphore, #tpu.memory_space<semaphore_mem>>)
        %dma_wait3A = arith.constant 0 : i32
        %dma_wait3A_204 = arith.constant 0 : i32
        %dma_wait3A_205 = tpu.memref_slice %arg16[%dma_wait3A, %dma_wait3A_204] : memref<128x128xf32, #tpu.memory_space<vmem>> -> memref<16x128xf32, #tpu.memory_space<vmem>>
        %dma_wait3A_206 = arith.constant 9984 : i32
        %dma_wait3A_207 = arith.constant 0 : i32
        %dma_wait3A_208 = tpu.memref_slice %arg28[%dma_wait3A_206, %dma_wait3A_207] : memref<10000x128xf32, #tpu.memory_space<vmem_shared>> -> memref<16x128xf32, #tpu.memory_space<vmem_shared>>
        %dma_wait3A_209 = arith.constant 0 : i32
        %dma_wait3A_210 = arith.constant 0 : i32
        %dma_wait3A_211 = tpu.memref_slice %arg16[%dma_wait3A_209, %dma_wait3A_210] : memref<128x128xf32, #tpu.memory_space<vmem>> -> memref<16x128xf32, #tpu.memory_space<vmem>>
        %dma_wait3A_212 = arith.constant 9984 : i32
        %dma_wait3A_213 = arith.constant 0 : i32
        %dma_wait3A_214 = tpu.memref_slice %arg28[%dma_wait3A_212, %dma_wait3A_213] : memref<10000x128xf32, #tpu.memory_space<vmem_shared>> -> memref<16x128xf32, #tpu.memory_space<vmem_shared>>
        tpu.wait_dma2 semaphore(%run_scoped3A : memref<!tpu.dma_semaphore, #tpu.memory_space<semaphore_mem>>) src(%dma_wait3A_214 : memref<16x128xf32, #tpu.memory_space<vmem_shared>>) dst(%dma_wait3A_211 : memref<16x128xf32, #tpu.memory_space<vmem>>)
        tpu.yield
      }) : () -> ()
      "tpu.region"() ({
        %run_scoped3A = tpu.sem_alloc : memref<!tpu.dma_semaphore, #tpu.memory_space<semaphore_mem>>
        %dma_start3A = arith.constant 0 : i32
        %dma_start3A_193 = arith.constant 0 : i32
        %dma_start3A_194 = tpu.memref_slice %arg16[%dma_start3A, %dma_start3A_193] : memref<128x128xf32, #tpu.memory_space<vmem>> -> memref<16x128xf32, #tpu.memory_space<vmem>>
        %dma_start3A_195 = arith.constant 9984 : i32
        %dma_start3A_196 = arith.constant 0 : i32
        %dma_start3A_197 = tpu.memref_slice %arg5[%dma_start3A_195, %dma_start3A_196] : memref<10000x128xf32, #tpu.memory_space<hbm>> -> memref<16x128xf32, #tpu.memory_space<hbm>>
        %dma_start3A_198 = arith.constant 9984 : i32
        %dma_start3A_199 = arith.constant 0 : i32
        %dma_start3A_200 = tpu.memref_slice %arg5[%dma_start3A_198, %dma_start3A_199] : memref<10000x128xf32, #tpu.memory_space<hbm>> -> memref<16x128xf32, #tpu.memory_space<hbm>>
        %dma_start3A_201 = arith.constant 0 : i32
        %dma_start3A_202 = arith.constant 0 : i32
        %dma_start3A_203 = tpu.memref_slice %arg16[%dma_start3A_201, %dma_start3A_202] : memref<128x128xf32, #tpu.memory_space<vmem>> -> memref<16x128xf32, #tpu.memory_space<vmem>>
        tpu.enqueue_dma source(%dma_start3A_203 : memref<16x128xf32, #tpu.memory_space<vmem>>) target(%dma_start3A_200 : memref<16x128xf32, #tpu.memory_space<hbm>>) target_semaphore(%run_scoped3A : memref<!tpu.dma_semaphore, #tpu.memory_space<semaphore_mem>>)
        %dma_wait3A = arith.constant 0 : i32
        %dma_wait3A_204 = arith.constant 0 : i32
        %dma_wait3A_205 = tpu.memref_slice %arg16[%dma_wait3A, %dma_wait3A_204] : memref<128x128xf32, #tpu.memory_space<vmem>> -> memref<16x128xf32, #tpu.memory_space<vmem>>
        %dma_wait3A_206 = arith.constant 9984 : i32
        %dma_wait3A_207 = arith.constant 0 : i32
        %dma_wait3A_208 = tpu.memref_slice %arg5[%dma_wait3A_206, %dma_wait3A_207] : memref<10000x128xf32, #tpu.memory_space<hbm>> -> memref<16x128xf32, #tpu.memory_space<hbm>>
        %dma_wait3A_209 = arith.constant 9984 : i32
        %dma_wait3A_210 = arith.constant 0 : i32
        %dma_wait3A_211 = tpu.memref_slice %arg5[%dma_wait3A_209, %dma_wait3A_210] : memref<10000x128xf32, #tpu.memory_space<hbm>> -> memref<16x128xf32, #tpu.memory_space<hbm>>
        %dma_wait3A_212 = arith.constant 0 : i32
        %dma_wait3A_213 = arith.constant 0 : i32
        %dma_wait3A_214 = tpu.memref_slice %arg16[%dma_wait3A_212, %dma_wait3A_213] : memref<128x128xf32, #tpu.memory_space<vmem>> -> memref<16x128xf32, #tpu.memory_space<vmem>>
        tpu.wait_dma2 semaphore(%run_scoped3A : memref<!tpu.dma_semaphore, #tpu.memory_space<semaphore_mem>>) src(%dma_wait3A_214 : memref<16x128xf32, #tpu.memory_space<vmem>>) dst(%dma_wait3A_211 : memref<16x128xf32, #tpu.memory_space<hbm>>)
        tpu.yield
      }) : () -> ()
    } else {
    }
    %eq3A_185 = arith.constant 15 : i32
    %eq3A_186 = arith.cmpi eq, %arg1, %eq3A_185 : i32
    %eq3A_187 = arith.constant 1 : i32
    %eq3A_188 = arith.cmpi eq, %arg0, %eq3A_187 : i32
    %and3A_189 = arith.andi %eq3A_186, %eq3A_188 : i1
    %convert_element_type3A_190 = arith.extui %and3A_189 : i1 to i32
    %cond3A_191 = arith.constant 0 : i32
    %cond3A_192 = arith.cmpi ne, %convert_element_type3A_190, %cond3A_191 : i32
    scf.if %cond3A_192 {
      "tpu.region"() ({
        %run_scoped3A = tpu.sem_alloc : memref<!tpu.dma_semaphore, #tpu.memory_space<semaphore_mem>>
        %dma_start3A = arith.constant 0 : i32
        %dma_start3A_193 = arith.constant 0 : i32
        %dma_start3A_194 = tpu.memref_slice %arg16[%dma_start3A, %dma_start3A_193] : memref<128x128xf32, #tpu.memory_space<vmem>> -> memref<16x128xf32, #tpu.memory_space<vmem>>
        %dma_start3A_195 = arith.constant 9984 : i32
        %dma_start3A_196 = arith.constant 0 : i32
        %dma_start3A_197 = tpu.memref_slice %arg28[%dma_start3A_195, %dma_start3A_196] : memref<10000x128xf32, #tpu.memory_space<vmem_shared>> -> memref<16x128xf32, #tpu.memory_space<vmem_shared>>
        %dma_start3A_198 = arith.constant 0 : i32
        %dma_start3A_199 = arith.constant 0 : i32
        %dma_start3A_200 = tpu.memref_slice %arg16[%dma_start3A_198, %dma_start3A_199] : memref<128x128xf32, #tpu.memory_space<vmem>> -> memref<16x128xf32, #tpu.memory_space<vmem>>
        %dma_start3A_201 = arith.constant 9984 : i32
        %dma_start3A_202 = arith.constant 0 : i32
        %dma_start3A_203 = tpu.memref_slice %arg28[%dma_start3A_201, %dma_start3A_202] : memref<10000x128xf32, #tpu.memory_space<vmem_shared>> -> memref<16x128xf32, #tpu.memory_space<vmem_shared>>
        tpu.enqueue_dma source(%dma_start3A_203 : memref<16x128xf32, #tpu.memory_space<vmem_shared>>) target(%dma_start3A_200 : memref<16x128xf32, #tpu.memory_space<vmem>>) target_semaphore(%run_scoped3A : memref<!tpu.dma_semaphore, #tpu.memory_space<semaphore_mem>>)
        %dma_wait3A = arith.constant 0 : i32
        %dma_wait3A_204 = arith.constant 0 : i32
        %dma_wait3A_205 = tpu.memref_slice %arg16[%dma_wait3A, %dma_wait3A_204] : memref<128x128xf32, #tpu.memory_space<vmem>> -> memref<16x128xf32, #tpu.memory_space<vmem>>
        %dma_wait3A_206 = arith.constant 9984 : i32
        %dma_wait3A_207 = arith.constant 0 : i32
        %dma_wait3A_208 = tpu.memref_slice %arg28[%dma_wait3A_206, %dma_wait3A_207] : memref<10000x128xf32, #tpu.memory_space<vmem_shared>> -> memref<16x128xf32, #tpu.memory_space<vmem_shared>>
        %dma_wait3A_209 = arith.constant 0 : i32
        %dma_wait3A_210 = arith.constant 0 : i32
        %dma_wait3A_211 = tpu.memref_slice %arg16[%dma_wait3A_209, %dma_wait3A_210] : memref<128x128xf32, #tpu.memory_space<vmem>> -> memref<16x128xf32, #tpu.memory_space<vmem>>
        %dma_wait3A_212 = arith.constant 9984 : i32
        %dma_wait3A_213 = arith.constant 0 : i32
        %dma_wait3A_214 = tpu.memref_slice %arg28[%dma_wait3A_212, %dma_wait3A_213] : memref<10000x128xf32, #tpu.memory_space<vmem_shared>> -> memref<16x128xf32, #tpu.memory_space<vmem_shared>>
        tpu.wait_dma2 semaphore(%run_scoped3A : memref<!tpu.dma_semaphore, #tpu.memory_space<semaphore_mem>>) src(%dma_wait3A_214 : memref<16x128xf32, #tpu.memory_space<vmem_shared>>) dst(%dma_wait3A_211 : memref<16x128xf32, #tpu.memory_space<vmem>>)
        tpu.yield
      }) : () -> ()
      "tpu.region"() ({
        %run_scoped3A = tpu.sem_alloc : memref<!tpu.dma_semaphore, #tpu.memory_space<semaphore_mem>>
        %dma_start3A = arith.constant 0 : i32
        %dma_start3A_193 = arith.constant 0 : i32
        %dma_start3A_194 = tpu.memref_slice %arg16[%dma_start3A, %dma_start3A_193] : memref<128x128xf32, #tpu.memory_space<vmem>> -> memref<16x128xf32, #tpu.memory_space<vmem>>
        %dma_start3A_195 = arith.constant 9984 : i32
        %dma_start3A_196 = arith.constant 0 : i32
        %dma_start3A_197 = tpu.memref_slice %arg6[%dma_start3A_195, %dma_start3A_196] : memref<10000x128xf32, #tpu.memory_space<hbm>> -> memref<16x128xf32, #tpu.memory_space<hbm>>
        %dma_start3A_198 = arith.constant 9984 : i32
        %dma_start3A_199 = arith.constant 0 : i32
        %dma_start3A_200 = tpu.memref_slice %arg6[%dma_start3A_198, %dma_start3A_199] : memref<10000x128xf32, #tpu.memory_space<hbm>> -> memref<16x128xf32, #tpu.memory_space<hbm>>
        %dma_start3A_201 = arith.constant 0 : i32
        %dma_start3A_202 = arith.constant 0 : i32
        %dma_start3A_203 = tpu.memref_slice %arg16[%dma_start3A_201, %dma_start3A_202] : memref<128x128xf32, #tpu.memory_space<vmem>> -> memref<16x128xf32, #tpu.memory_space<vmem>>
        tpu.enqueue_dma source(%dma_start3A_203 : memref<16x128xf32, #tpu.memory_space<vmem>>) target(%dma_start3A_200 : memref<16x128xf32, #tpu.memory_space<hbm>>) target_semaphore(%run_scoped3A : memref<!tpu.dma_semaphore, #tpu.memory_space<semaphore_mem>>)
        %dma_wait3A = arith.constant 0 : i32
        %dma_wait3A_204 = arith.constant 0 : i32
        %dma_wait3A_205 = tpu.memref_slice %arg16[%dma_wait3A, %dma_wait3A_204] : memref<128x128xf32, #tpu.memory_space<vmem>> -> memref<16x128xf32, #tpu.memory_space<vmem>>
        %dma_wait3A_206 = arith.constant 9984 : i32
        %dma_wait3A_207 = arith.constant 0 : i32
        %dma_wait3A_208 = tpu.memref_slice %arg6[%dma_wait3A_206, %dma_wait3A_207] : memref<10000x128xf32, #tpu.memory_space<hbm>> -> memref<16x128xf32, #tpu.memory_space<hbm>>
        %dma_wait3A_209 = arith.constant 9984 : i32
        %dma_wait3A_210 = arith.constant 0 : i32
        %dma_wait3A_211 = tpu.memref_slice %arg6[%dma_wait3A_209, %dma_wait3A_210] : memref<10000x128xf32, #tpu.memory_space<hbm>> -> memref<16x128xf32, #tpu.memory_space<hbm>>
        %dma_wait3A_212 = arith.constant 0 : i32
        %dma_wait3A_213 = arith.constant 0 : i32
        %dma_wait3A_214 = tpu.memref_slice %arg16[%dma_wait3A_212, %dma_wait3A_213] : memref<128x128xf32, #tpu.memory_space<vmem>> -> memref<16x128xf32, #tpu.memory_space<vmem>>
        tpu.wait_dma2 semaphore(%run_scoped3A : memref<!tpu.dma_semaphore, #tpu.memory_space<semaphore_mem>>) src(%dma_wait3A_214 : memref<16x128xf32, #tpu.memory_space<vmem>>) dst(%dma_wait3A_211 : memref<16x128xf32, #tpu.memory_space<hbm>>)
        tpu.yield
      }) : () -> ()
    } else {
    }
    return
  }
}

module attributes {stable_mosaic.version = 14 : i64} {
  func.func @_mlp1_body(%arg0: i32, %arg1: memref<1000x256xf32, #tpu.memory_space<vmem>>, %arg2: memref<512x256xf32, #tpu.memory_space<vmem>>, %arg3: memref<1x256xf32, #tpu.memory_space<vmem>>, %arg4: memref<4x1000x128xf32, #tpu.memory_space<vmem>>) attributes {dimension_semantics = [#tpu.dimension_semantics<arbitrary>], iteration_bounds = array<i64: 10>, scalar_prefetch = 0 : i64, scratch_operands = 0 : i64, tpu.core_type = #tpu.core_type<tc>, window_params = [{transform_indices = @transform_0, window_bounds = array<i64: 1000, 256>}, {pipeline_mode = #tpu.pipeline_mode<synchronous>, transform_indices = @transform_1, window_bounds = array<i64: 512, 256>}, {pipeline_mode = #tpu.pipeline_mode<synchronous>, transform_indices = @transform_2, window_bounds = array<i64: 1, 256>}, {transform_indices = @transform_3, window_bounds = array<i64: 4, 1000, 128>}]} {
    %get3A = arith.constant 0 : index
    %get3A_0 = arith.constant 0 : index
    %get3A_1 = vector.load %arg1[%get3A, %get3A_0] : memref<1000x256xf32, #tpu.memory_space<vmem>>, vector<1000x256xf32>
    %get3A_2 = arith.constant 0 : index
    %get3A_3 = arith.constant 0 : index
    %get3A_4 = vector.load %arg2[%get3A_2, %get3A_3] : memref<512x256xf32, #tpu.memory_space<vmem>>, vector<256x256xf32>
    %dot_general3A = arith.constant dense<0.000000e+00> : vector<1000x256xf32>
    %dot_general3A_5 = tpu.matmul %get3A_1, %get3A_4, %dot_general3A {dimension_numbers = #tpu.dot_dimension_numbers<[1], [0], [0], [1], [0, 0, 1, 1], [], []>, transpose_lhs_hint = false} : vector<1000x256xf32>, vector<256x256xf32>, vector<1000x256xf32> -> vector<1000x256xf32>
    %get3A_6 = arith.constant 0 : index
    %get3A_7 = arith.constant 0 : index
    %get3A_8 = vector.load %arg3[%get3A_6, %get3A_7] : memref<1x256xf32, #tpu.memory_space<vmem>>, vector<1x256xf32>
    %add3A = vector.broadcast %get3A_8 : vector<1x256xf32> to vector<1000x256xf32>
    %add3A_9 = arith.addf %dot_general3A_5, %add3A : vector<1000x256xf32>
    %get3A_10 = arith.constant 256 : index
    %get3A_11 = arith.constant 0 : index
    %get3A_12 = vector.load %arg2[%get3A_10, %get3A_11] : memref<512x256xf32, #tpu.memory_space<vmem>>, vector<256x256xf32>
    %dot_general3A_13 = arith.constant dense<0.000000e+00> : vector<1000x256xf32>
    %dot_general3A_14 = tpu.matmul %get3A_1, %get3A_12, %dot_general3A_13 {dimension_numbers = #tpu.dot_dimension_numbers<[1], [0], [0], [1], [0, 0, 1, 1], [], []>, transpose_lhs_hint = false} : vector<1000x256xf32>, vector<256x256xf32>, vector<1000x256xf32> -> vector<1000x256xf32>
    %slice3A = vector.extract_strided_slice %add3A_9 {offsets = [0, 0], sizes = [1000, 128], strides = [1, 1]} : vector<1000x256xf32> to vector<1000x128xf32>
    %swap3A = arith.constant 0 : index
    %swap3A_15 = arith.constant 0 : index
    %swap3A_16 = arith.constant 0 : index
    %swap3A_17 = vector.load %arg4[%swap3A, %swap3A_15, %swap3A_16] : memref<4x1000x128xf32, #tpu.memory_space<vmem>>, vector<1x1000x128xf32>
    %swap3A_18 = vector.shape_cast %swap3A_17 : vector<1x1000x128xf32> to vector<1000x128xf32>
    %swap3A_19 = vector.shape_cast %slice3A : vector<1000x128xf32> to vector<1x1000x128xf32>
    tpu.vector_store %arg4[%swap3A, %swap3A_15, %swap3A_16], %swap3A_19 {strides = array<i32>} : memref<4x1000x128xf32, #tpu.memory_space<vmem>>, vector<1x1000x128xf32>,
    %slice3A_20 = vector.extract_strided_slice %add3A_9 {offsets = [0, 128], sizes = [1000, 128], strides = [1, 1]} : vector<1000x256xf32> to vector<1000x128xf32>
    %swap3A_21 = arith.constant 1 : index
    %swap3A_22 = arith.constant 0 : index
    %swap3A_23 = arith.constant 0 : index
    %swap3A_24 = vector.load %arg4[%swap3A_21, %swap3A_22, %swap3A_23] : memref<4x1000x128xf32, #tpu.memory_space<vmem>>, vector<1x1000x128xf32>
    %swap3A_25 = vector.shape_cast %swap3A_24 : vector<1x1000x128xf32> to vector<1000x128xf32>
    %swap3A_26 = vector.shape_cast %slice3A_20 : vector<1000x128xf32> to vector<1x1000x128xf32>
    tpu.vector_store %arg4[%swap3A_21, %swap3A_22, %swap3A_23], %swap3A_26 {strides = array<i32>} : memref<4x1000x128xf32, #tpu.memory_space<vmem>>, vector<1x1000x128xf32>,
    %slice3A_27 = vector.extract_strided_slice %dot_general3A_14 {offsets = [0, 0], sizes = [1000, 128], strides = [1, 1]} : vector<1000x256xf32> to vector<1000x128xf32>
    %swap3A_28 = arith.constant 2 : index
    %swap3A_29 = arith.constant 0 : index
    %swap3A_30 = arith.constant 0 : index
    %swap3A_31 = vector.load %arg4[%swap3A_28, %swap3A_29, %swap3A_30] : memref<4x1000x128xf32, #tpu.memory_space<vmem>>, vector<1x1000x128xf32>
    %swap3A_32 = vector.shape_cast %swap3A_31 : vector<1x1000x128xf32> to vector<1000x128xf32>
    %swap3A_33 = vector.shape_cast %slice3A_27 : vector<1000x128xf32> to vector<1x1000x128xf32>
    tpu.vector_store %arg4[%swap3A_28, %swap3A_29, %swap3A_30], %swap3A_33 {strides = array<i32>} : memref<4x1000x128xf32, #tpu.memory_space<vmem>>, vector<1x1000x128xf32>,
    %slice3A_34 = vector.extract_strided_slice %dot_general3A_14 {offsets = [0, 128], sizes = [1000, 128], strides = [1, 1]} : vector<1000x256xf32> to vector<1000x128xf32>
    %swap3A_35 = arith.constant 3 : index
    %swap3A_36 = arith.constant 0 : index
    %swap3A_37 = arith.constant 0 : index
    %swap3A_38 = vector.load %arg4[%swap3A_35, %swap3A_36, %swap3A_37] : memref<4x1000x128xf32, #tpu.memory_space<vmem>>, vector<1x1000x128xf32>
    %swap3A_39 = vector.shape_cast %swap3A_38 : vector<1x1000x128xf32> to vector<1000x128xf32>
    %swap3A_40 = vector.shape_cast %slice3A_34 : vector<1000x128xf32> to vector<1x1000x128xf32>
    tpu.vector_store %arg4[%swap3A_35, %swap3A_36, %swap3A_37], %swap3A_40 {strides = array<i32>} : memref<4x1000x128xf32, #tpu.memory_space<vmem>>, vector<1x1000x128xf32>,
    return
  }
  func.func @transform_0(%arg0: i32) -> (i32, i32) {
    %c0_i32 = arith.constant 0 : i32
    %c0_i32_0 = arith.constant 0 : i32
    return %arg0, %c0_i32 : i32, i32
  }
  func.func @transform_1(%arg0: i32) -> (i32, i32) {
    %c0_i32 = arith.constant 0 : i32
    %c0_i32_0 = arith.constant 0 : i32
    %c0_i32_1 = arith.constant 0 : i32
    return %c0_i32, %c0_i32_0 : i32, i32
  }
  func.func @transform_2(%arg0: i32) -> (i32, i32) {
    %c0_i32 = arith.constant 0 : i32
    %c0_i32_0 = arith.constant 0 : i32
    %c0_i32_1 = arith.constant 0 : i32
    return %c0_i32, %c0_i32_0 : i32, i32
  }
  func.func @transform_3(%arg0: i32) -> (i32, i32, i32) {
    %c0_i32 = arith.constant 0 : i32
    %c0_i32_0 = arith.constant 0 : i32
    %c0_i32_1 = arith.constant 0 : i32
    return %c0_i32, %arg0, %c0_i32_0 : i32, i32, i32
  }
}

module attributes {stable_mosaic.version = 14 : i64} {
  func.func @_mlp2_body(%arg0: i32, %arg1: memref<4x1000x128xf32, #tpu.memory_space<vmem>>, %arg2: memref<1000x128xf32, #tpu.memory_space<vmem>>, %arg3: memref<1000x128xf32, #tpu.memory_space<vmem>>, %arg4: memref<1000x128xf32, #tpu.memory_space<vmem>>, %arg5: memref<1000x128xf32, #tpu.memory_space<vmem>>, %arg6: memref<256x256xf32, #tpu.memory_space<vmem>>, %arg7: memref<1x256xf32, #tpu.memory_space<vmem>>, %arg8: memref<1000x256xf32, #tpu.memory_space<vmem>>) attributes {dimension_semantics = [#tpu.dimension_semantics<arbitrary>], iteration_bounds = array<i64: 10>, scalar_prefetch = 0 : i64, scratch_operands = 0 : i64, tpu.core_type = #tpu.core_type<tc>, window_params = [{transform_indices = @transform_0, window_bounds = array<i64: 4, 1000, 128>}, {transform_indices = @transform_1, window_bounds = array<i64: 1000, 128>}, {transform_indices = @transform_2, window_bounds = array<i64: 1000, 128>}, {transform_indices = @transform_3, window_bounds = array<i64: 1000, 128>}, {transform_indices = @transform_4, window_bounds = array<i64: 1000, 128>}, {pipeline_mode = #tpu.pipeline_mode<synchronous>, transform_indices = @transform_5, window_bounds = array<i64: 256, 256>}, {pipeline_mode = #tpu.pipeline_mode<synchronous>, transform_indices = @transform_6, window_bounds = array<i64: 1, 256>}, {transform_indices = @transform_7, window_bounds = array<i64: 1000, 256>}]} {
    %get3A = arith.constant 0 : index
    %get3A_0 = arith.constant 0 : index
    %get3A_1 = arith.constant 0 : index
    %get3A_2 = vector.load %arg1[%get3A, %get3A_0, %get3A_1] : memref<4x1000x128xf32, #tpu.memory_space<vmem>>, vector<1x1000x128xf32>
    %get3A_3 = vector.shape_cast %get3A_2 : vector<1x1000x128xf32> to vector<1000x128xf32>
    %get3A_4 = arith.constant 2 : index
    %get3A_5 = arith.constant 0 : index
    %get3A_6 = arith.constant 0 : index
    %get3A_7 = vector.load %arg1[%get3A_4, %get3A_5, %get3A_6] : memref<4x1000x128xf32, #tpu.memory_space<vmem>>, vector<1x1000x128xf32>
    %get3A_8 = vector.shape_cast %get3A_7 : vector<1x1000x128xf32> to vector<1000x128xf32>
    %add3A = arith.addf %get3A_3, %get3A_8 : vector<1000x128xf32>
    %max3A = arith.constant 0.000000e+00 : f32
    %max3A_9 = vector.broadcast %max3A : f32 to vector<1000x128xf32>
    %max3A_10 = arith.maximumf %add3A, %max3A_9 : vector<1000x128xf32>
    %get3A_11 = arith.constant 1 : index
    %get3A_12 = arith.constant 0 : index
    %get3A_13 = arith.constant 0 : index
    %get3A_14 = vector.load %arg1[%get3A_11, %get3A_12, %get3A_13] : memref<4x1000x128xf32, #tpu.memory_space<vmem>>, vector<1x1000x128xf32>
    %get3A_15 = vector.shape_cast %get3A_14 : vector<1x1000x128xf32> to vector<1000x128xf32>
    %get3A_16 = arith.constant 3 : index
    %get3A_17 = arith.constant 0 : index
    %get3A_18 = arith.constant 0 : index
    %get3A_19 = vector.load %arg1[%get3A_16, %get3A_17, %get3A_18] : memref<4x1000x128xf32, #tpu.memory_space<vmem>>, vector<1x1000x128xf32>
    %get3A_20 = vector.shape_cast %get3A_19 : vector<1x1000x128xf32> to vector<1000x128xf32>
    %add3A_21 = arith.addf %get3A_15, %get3A_20 : vector<1000x128xf32>
    %max3A_22 = arith.constant 0.000000e+00 : f32
    %max3A_23 = vector.broadcast %max3A_22 : f32 to vector<1000x128xf32>
    %max3A_24 = arith.maximumf %add3A_21, %max3A_23 : vector<1000x128xf32>
    %get3A_25 = arith.constant 0 : index
    %get3A_26 = arith.constant 0 : index
    %get3A_27 = vector.load %arg2[%get3A_25, %get3A_26] : memref<1000x128xf32, #tpu.memory_space<vmem>>, vector<1000x128xf32>
    %add3A_28 = arith.addf %get3A_27, %max3A_10 : vector<1000x128xf32>
    %get3A_29 = arith.constant 0 : index
    %get3A_30 = arith.constant 0 : index
    %get3A_31 = vector.load %arg3[%get3A_29, %get3A_30] : memref<1000x128xf32, #tpu.memory_space<vmem>>, vector<1000x128xf32>
    %add3A_32 = arith.addf %get3A_31, %max3A_24 : vector<1000x128xf32>
    %get3A_33 = arith.constant 0 : index
    %get3A_34 = arith.constant 0 : index
    %get3A_35 = vector.load %arg6[%get3A_33, %get3A_34] : memref<256x256xf32, #tpu.memory_space<vmem>>, vector<128x256xf32>
    %dot_general3A = arith.constant dense<0.000000e+00> : vector<1000x256xf32>
    %dot_general3A_36 = tpu.matmul %add3A_28, %get3A_35, %dot_general3A {dimension_numbers = #tpu.dot_dimension_numbers<[1], [0], [0], [1], [0, 0, 1, 1], [], []>, transpose_lhs_hint = false} : vector<1000x128xf32>, vector<128x256xf32>, vector<1000x256xf32> -> vector<1000x256xf32>
    %get3A_37 = arith.constant 128 : index
    %get3A_38 = arith.constant 0 : index
    %get3A_39 = vector.load %arg6[%get3A_37, %get3A_38] : memref<256x256xf32, #tpu.memory_space<vmem>>, vector<128x256xf32>
    %dot_general3A_40 = arith.constant dense<0.000000e+00> : vector<1000x256xf32>
    %dot_general3A_41 = tpu.matmul %add3A_32, %get3A_39, %dot_general3A_40 {dimension_numbers = #tpu.dot_dimension_numbers<[1], [0], [0], [1], [0, 0, 1, 1], [], []>, transpose_lhs_hint = false} : vector<1000x128xf32>, vector<128x256xf32>, vector<1000x256xf32> -> vector<1000x256xf32>
    %add3A_42 = arith.addf %dot_general3A_36, %dot_general3A_41 : vector<1000x256xf32>
    %get3A_43 = arith.constant 0 : index
    %get3A_44 = arith.constant 0 : index
    %get3A_45 = vector.load %arg4[%get3A_43, %get3A_44] : memref<1000x128xf32, #tpu.memory_space<vmem>>, vector<1000x1xf32>
    %get3A_46 = arith.constant 0 : index
    %get3A_47 = arith.constant 0 : index
    %get3A_48 = vector.load %arg5[%get3A_46, %get3A_47] : memref<1000x128xf32, #tpu.memory_space<vmem>>, vector<1000x1xf32>
    %add3A_49 = arith.addf %get3A_45, %get3A_48 : vector<1000x1xf32>
    %add3A_50 = arith.constant 1.000000e+00 : f32
    %add3A_51 = vector.broadcast %add3A_50 : f32 to vector<1000x1xf32>
    %add3A_52 = arith.addf %add3A_49, %add3A_51 : vector<1000x1xf32>
    %div3A = vector.broadcast %add3A_52 : vector<1000x1xf32> to vector<1000x256xf32>
    %div3A_53 = arith.divf %add3A_42, %div3A : vector<1000x256xf32>
    %get3A_54 = arith.constant 0 : index
    %get3A_55 = arith.constant 0 : index
    %get3A_56 = vector.load %arg7[%get3A_54, %get3A_55] : memref<1x256xf32, #tpu.memory_space<vmem>>, vector<1x256xf32>
    %add3A_57 = vector.broadcast %get3A_56 : vector<1x256xf32> to vector<1000x256xf32>
    %add3A_58 = arith.addf %div3A_53, %add3A_57 : vector<1000x256xf32>
    %swap3A = arith.constant 0 : index
    %swap3A_59 = arith.constant 0 : index
    %swap3A_60 = vector.load %arg8[%swap3A, %swap3A_59] : memref<1000x256xf32, #tpu.memory_space<vmem>>, vector<1000x256xf32>
    tpu.vector_store %arg8[%swap3A, %swap3A_59], %add3A_58 {strides = array<i32>} : memref<1000x256xf32, #tpu.memory_space<vmem>>, vector<1000x256xf32>,
    return
  }
  func.func @transform_0(%arg0: i32) -> (i32, i32, i32) {
    %c0_i32 = arith.constant 0 : i32
    %c0_i32_0 = arith.constant 0 : i32
    %c0_i32_1 = arith.constant 0 : i32
    return %c0_i32, %arg0, %c0_i32_0 : i32, i32, i32
  }
  func.func @transform_1(%arg0: i32) -> (i32, i32) {
    %c0_i32 = arith.constant 0 : i32
    %c0_i32_0 = arith.constant 0 : i32
    return %arg0, %c0_i32 : i32, i32
  }
  func.func @transform_2(%arg0: i32) -> (i32, i32) {
    %c0_i32 = arith.constant 0 : i32
    %c0_i32_0 = arith.constant 0 : i32
    return %arg0, %c0_i32 : i32, i32
  }
  func.func @transform_3(%arg0: i32) -> (i32, i32) {
    %c0_i32 = arith.constant 0 : i32
    %c0_i32_0 = arith.constant 0 : i32
    return %arg0, %c0_i32 : i32, i32
  }
  func.func @transform_4(%arg0: i32) -> (i32, i32) {
    %c0_i32 = arith.constant 0 : i32
    %c0_i32_0 = arith.constant 0 : i32
    return %arg0, %c0_i32 : i32, i32
  }
  func.func @transform_5(%arg0: i32) -> (i32, i32) {
    %c0_i32 = arith.constant 0 : i32
    %c0_i32_0 = arith.constant 0 : i32
    %c0_i32_1 = arith.constant 0 : i32
    return %c0_i32, %c0_i32_0 : i32, i32
  }
  func.func @transform_6(%arg0: i32) -> (i32, i32) {
    %c0_i32 = arith.constant 0 : i32
    %c0_i32_0 = arith.constant 0 : i32
    %c0_i32_1 = arith.constant 0 : i32
    return %c0_i32, %c0_i32_0 : i32, i32
  }
  func.func @transform_7(%arg0: i32) -> (i32, i32) {
    %c0_i32 = arith.constant 0 : i32
    %c0_i32_0 = arith.constant 0 : i32
    return %arg0, %c0_i32 : i32, i32
  }
}

</mosaic_0001>

<sc_bundles>
// kernel: kernel.6.cloned.1.call-start
scs
__scs_entry_jumppad:
0x0: {  	(pc) =	sbr.rel $0x88, $3  }
0x1: {  	(tag) =	ssettag $0x0;
	lr =	simm.s32 $0x1  }
0x2: {  	[smem:$0x3F9B] =	sst lr;
	_ =	strace $0xD0000000  }
0x3: {  	_ = 	snop  }
0x4: {  	_ = 	snop  }
0x5: {  	_ = 	snop  }
0x6: {  	_ = 	snop  }
0x7: {  	_ = 	snop  }
__scs_overlays_trampoline_lowered:
0x8: {  	[smem:$0x3FAA] =	sst s0  }
0x9: {  	[smem:$0x3FAB] =	sst s1  }
0xa: {  	[smem:$0x3FAC] =	sst s2  }
0xb: {  	[smem:$0x3FAD] =	sst s3  }
0xc: {  	[smem:$0x3FAE] =	sst s4  }
0xd: {  	[smem:$0x3FAF] =	sst s5  }
0xe: {  	[smem:$0x3FB0] =	sst s6  }
0xf: {  	[smem:$0x3FB1] =	sst s7  }
0x10: {  	[smem:$0x3FB2] =	sst s8  }
0x11: {  	[smem:$0x3FB3] =	sst s9;
	s0 =	simm.s32 @!p0 $0x0  }
0x12: {  	s1 =	sld [smem:$0x3F99];
	s0 =	simm.s32 @p0 $0x1  }
0x13: {  	[smem:$0x3FB4] =	sst s0;
	s0 =	simm.s32 @!p1 $0x0  }
0x14: {  	s2 =	sld [smem:$0x3F98];
	s0 =	simm.s32 @p1 $0x1  }
0x15: {  	[smem:$0x3FB5] =	sst s0;
	s0 =	simm.s32 @!p2 $0x0  }
0x16: {  	s3 =	sld [smem:$0x3FDB];
	s0 =	simm.s32 @p2 $0x1  }
0x17: {  	s4 =	simm.s32 $0x1BF5;
	[smem:$0x3FB7] =	sst s0  }
0x18: {  	s0 =	sld [smem:$0x3F9A];
	_ =	swait.ge [sflag:s4], $0x0  }
0x19: {  	s7 =	sld [smem:$0x3F9B]  }
0x1a: {  	s8 =	sadd.s32 $0xFFFFE003, lr  }
0x1b: {  	s9 =	sadd.s32 $0xFFFFFEF7, lr;
	s5 =	simm.s32 $0xFFFFFFFF;
	p2 =	slt.u32 s8, $0xFFFFF086  }
0x1c: {  	p1 =	slt.u32 s9, $0xF7A;
	s5 =	simm.s32 @!p2 $0x0  }
0x1d: {  	s5 =	simm.s32 @p1 $0x1;
	p0 =	seq.s32 s7, s2  }
0x1e: {  	s7 =	smul.u32 @!p0 $0xF7A, s2;
	p2 =	seq.s32 @!p0 s5, $0x0  }
0x1f: {  	s9 =	smul.u32 $0xF7A, s1;
	s8 =	simm.s32 @!p0 $0x1BF5;
	p2 =	por !p2, p0  }
0x20: {  	[sflag:s8] =	ssyncset.s32 @!p0 $0xFFFFF086;
	s6 =	sadd.s32 @!p0 s3, s7;
	s7 =	simm.s32 @!p0 $0x108  }
0x21: {  	s3 =	sadd.s32 s3, s9;
	s6 =	sadd.s32 @!p0 $0x88, s6;
	s7 =	simm.s32 @p2 $0x1082  }
0x22: {  	[simem:s7], [sflag:s8] =	dma.local @!p0 [hbm:s6], $0xF7A  }
0x23: {  	s9 =	sor.u32 $0xD0000000, s2;
	s6 =	simm.s32 $0x108;
	_ =	swait.ge @!p0 [sflag:s8], $0x0  }
0x24: {  	s3 =	sadd.s32 $0x88, s3;
	s6 =	simm.s32 @!p1 $0x1082;
	[sflag:s4] =	ssyncset.s32 $0xFFFFF086  }
0x25: {  	[simem:s6], [sflag:s4] =	dma.local [hbm:s3], $0xF7A  }
0x26: {  	[smem:$0x3F9B] =	sst s1;
	(tag) =	ssettag s2;
	_ =	strace s9  }
0x27: {  	s1 =	sld [smem:$0x3FAB]  }
0x28: {  	s2 =	sld [smem:$0x3FAC]  }
0x29: {  	s4 =	sld [smem:$0x3FAE]  }
0x2a: {  	p0 =	seq.s32 s5, $0x0;
	s5 =	sld [smem:$0x3FAF]  }
0x2b: {  	s6 =	sld [smem:$0x3FB0]  }
0x2c: {  	s7 =	sld [smem:$0x3FB1]  }
0x2d: {  	s3 =	simm.s32 $0x108;
	s8 =	sld [smem:$0x3FB2]  }
0x2e: {  	s3 =	simm.s32 @!p0 $0x1082;
	s9 =	sld [smem:$0x3FB3]  }
0x2f: {  	lr =	sadd.s32 s0, s3;
	s0 =	sld [smem:$0x3FAA]  }
0x30: {  	s3 =	sld [smem:$0x3FAD]  }
0x31: {  	[smem:$0x3FB6] =	sst s10  }
0x32: {  	s10 =	sld [smem:$0x3FB4];
	_ =	sdelay $0x3  }
0x33: {  	p0 =	seq.s32 s10, $0x1;
	s10 =	sld [smem:$0x3FB6];
	_ =	sdelay $0x3  }
0x34: {  	[smem:$0x3FB6] =	sst s10  }
0x35: {  	s10 =	sld [smem:$0x3FB5];
	_ =	sdelay $0x3  }
0x36: {  	p1 =	seq.s32 s10, $0x1;
	s10 =	sld [smem:$0x3FB6];
	_ =	sdelay $0x3  }
0x37: {  	[smem:$0x3FB6] =	sst s10  }
0x38: {  	s10 =	sld [smem:$0x3FB7]  }
0x39: {  	_ = 	snop;
	(pc) =	sbr.ind lr, $3  }
0x3a: {  	_ = 	snop  }
0x3b: {  	_ = 	snop  }
0x3c: {  	p2 =	seq.s32 s10, $0x1;
	s10 =	sld [smem:$0x3FB6]  }
0x3d: {  	_ =	shalt  }
0x3e: {  	_ =	shalt  }
0x3f: {  	_ =	shalt  }
0x40: {  	_ =	shalt  }
0x41: {  	_ =	shalt  }
0x42: {  	_ =	shalt  }
0x43: {  	_ =	shalt  }
0x44: {  	_ =	shalt  }
0x45: {  	_ =	shalt  }
0x46: {  	_ =	shalt  }
0x47: {  	_ =	shalt  }
0x48: {  	_ =	shalt  }
0x49: {  	_ =	shalt  }
0x4a: {  	_ =	shalt  }
0x4b: {  	_ =	shalt  }
0x4c: {  	_ =	shalt  }
0x4d: {  	_ =	shalt  }
0x4e: {  	_ =	shalt  }
0x4f: {  	_ =	shalt  }
0x50: {  	_ =	shalt  }
0x51: {  	_ =	shalt  }
0x52: {  	_ =	shalt  }
0x53: {  	_ =	shalt  }
0x54: {  	_ =	shalt  }
0x55: {  	_ =	shalt  }
0x56: {  	_ =	shalt  }
0x57: {  	_ =	shalt  }
0x58: {  	_ =	shalt  }
0x59: {  	_ =	shalt  }
0x5a: {  	_ =	shalt  }
0x5b: {  	_ =	shalt  }
0x5c: {  	_ =	shalt  }
0x5d: {  	_ =	shalt  }
0x5e: {  	_ =	shalt  }
0x5f: {  	_ =	shalt  }
0x60: {  	_ =	shalt  }
0x61: {  	_ =	shalt  }
0x62: {  	_ =	shalt  }
0x63: {  	_ =	shalt  }
0x64: {  	_ =	shalt  }
0x65: {  	_ =	shalt  }
0x66: {  	_ =	shalt  }
0x67: {  	_ =	shalt  }
0x68: {  	_ =	shalt  }
0x69: {  	_ =	shalt  }
0x6a: {  	_ =	shalt  }
0x6b: {  	_ =	shalt  }
0x6c: {  	_ =	shalt  }
0x6d: {  	_ =	shalt  }
0x6e: {  	_ =	shalt  }
0x6f: {  	_ =	shalt  }
0x70: {  	_ =	shalt  }
0x71: {  	_ =	shalt  }
0x72: {  	_ =	shalt  }
0x73: {  	_ =	shalt  }
0x74: {  	_ =	shalt  }
0x75: {  	_ =	shalt  }
0x76: {  	_ =	shalt  }
0x77: {  	_ =	shalt  }
0x78: {  	_ =	shalt  }
0x79: {  	_ =	shalt  }
0x7a: {  	_ =	shalt  }
0x7b: {  	_ =	shalt  }
0x7c: {  	_ =	shalt  }
0x7d: {  	_ =	shalt  }
0x7e: {  	_ =	shalt  }
0x7f: {  	_ =	shalt  }
0x80: {  	_ =	shalt  }
0x81: {  	_ =	shalt  }
0x82: {  	_ =	shalt  }
0x83: {  	_ =	shalt  }
0x84: {  	_ =	shalt  }
0x85: {  	_ =	shalt  }
0x86: {  	_ =	shalt  }
0x87: {  	_ =	shalt  }
.Lfunc_end0:
.L_simem_size_0:
called_computation_lowered:
.L_overlay_start_0:
0x88: {  	s2 =	sld [smem:$0x3FD9]  }
0x89: {  	s3 =	sld [smem:$0x3FFE];
	_ =	sdelay $0x1  }
0x8a: {  	s1 =	srdreg.scid  }
0x8b: {  	s0 =	sand.u32 $0x1, s1  }
0x8c: {  	s16 =	sshll.u32 s0, $0xA;
	s2 =	sadd.s32 s3, s2  }
0x8d: {  	s2 =	sadd.s32 s2, s16  }
0x8e: {  	[smem:$0x3FC2] =	sst s2  }
0x8f: {  	_ = 	snop  }
0x90: {  	(tm) =	ssettm $0x1  }
0x91: {  	s17 =	sld [smem:$0x3FFB];
	_ =	sdelay $0x3  }
0x92: {  	_ =	strace s17  }
0x93: {  	s2 =	sld [smem:$0x3FFC];
	_ =	sdelay $0x3  }
0x94: {  	_ =	strace s2  }
0x95: {  	s2 =	sld [smem:$0x3FFD];
	_ =	sdelay $0x3  }
0x96: {  	_ =	strace s2  }
0x97: {  	_ =	strace $0x8FFFFFFF  }
0x98: {  	s18 =	sld [smem:$0x3FDB];
	_ =	sdelay $0x1  }
0x99: {  	s19 =	simm.s32 $_scs_section_size  }
0x9a: {  	s4 =	simm.s32 $_size__tile_overlayer_lowered;
	s5 =	simm.s32 $_tile_overlayer_lowered  }
0x9b: {  	s22 =	simm.s32 $0x1BFF;
	s21 =	sshll.u32 s5, $0x1;
	s2 =	sadd.s32 s19, s18  }
0x9c: {  	s6 =	simm.s32 $0x0;
	s20 =	sshll.u32 s4, $0x1;
	s4 =	sadd.s32 s21, s2  }
0x9d: {  	[timem:s6], [sflag:s22] =	dma.local [hbm:s4], s20  }
0x9e: {  	_ =	swait.ge [sflag:s22], s20  }
0x9f: {  	s3 =	ssub.s32 $0x0, s20;
	[sflag:s22] =	ssyncset.done $0x0  }
0xa0: {  	[sflag:s22] =	ssyncadd.s32 s3;
	_ =	sdelay $0x1  }
0xa1: {  	s23 =	simm.s32 $0x1B8B  }
0xa2: {  	_ =	swait.ge [sflag:s23], $0x1  }
0xa3: {  	[sflag:s23] =	ssyncset.done $0x0  }
0xa4: {  	s25 =	simm.s32 $0x1B8E;
	s24 =	sld [smem:$0x3FFE];
	[sflag:s23] =	ssyncadd.s32 $0xFFFFFFFF  }
0xa5: {  	s26 =	simm.s32 $execute0_lowered;
	[smem:$0x3FD2] =	sst s25  }
0xa6: {  	s4 =	sshll.u32 s26, $0x1;
	_ =	strace $0x80000046;
	[dreg:$0x1] =	wrdreg $0xFFFFFFFF  }
0xa7: {  	s28 =	simm.s32 $_size_execute0_lowered;
	s2 =	sadd.s32 s2, s4;
	[dreg:$0x0] =	wrdreg $0x0  }
0xa8: {  	s4 =	sshll.u32 s28, $0x1;
	[dreg:$0x2] =	wrdreg s2  }
0xa9: {  	[dreg:$0x3] =	wrdreg s4  }
0xaa: {  	[dreg:$0x4] =	wrdreg $0xC0  }
0xab: {  	_ =	task [dreg:s6], $0x5FFFF  }
0xac: {  	[dreg:$0x1] =	wrdreg $0xFFFFFFFF  }
0xad: {  	[dreg:$0x0] =	wrdreg $0x60  }
0xae: {  	[dreg:$0x2] =	wrdreg s24  }
0xaf: {  	[dreg:$0x3] =	wrdreg $0x41000  }
0xb0: {  	[dreg:$0x4] =	wrdreg $0x9  }
0xb1: {  	_ =	task.clear_ibuf [dreg:s6], $0x5FFFF;
	_ =	strace $0x90000046  }
0xb2: {  	s29 =	simm.s32 $0x9;
	_ =	strace $0x80000048  }
0xb3: {  	_ =	swait.ge [sflag:s29], $0x1  }
0xb4: {  	[sflag:s29] =	ssyncadd.s32 $0xFFFFFFFF  }
0xb5: {  	_ =	strace $0x90000048  }
0xb6: {  	_ =	sfence  }
0xb7: {  	s30 =	sld [smem:$0x0];
	_ =	sdelay $0x2  }
0xb8: {  	s31 =	sshll.u32 s1, $0xD;
	s1 =	sshrl.u32 s1, $0x2  }
0xb9: {  	s3 =	sand.u32 $0x4000, s31;
	s1 =	sadd.s32 s1, s30  }
0xba: {  	s0 =	sor.u32 s3, s0;
	s1 =	sshll.u32 s1, $0x11  }
0xbb: {  	s0 =	sor.u32 s1, s0  }
0xbc: {  	s0 =	sadd.s32 $0x8F2B, s0  }
0xbd: {  	[sflag:s0] =	ssyncadd.remote.s32 $0x1  }
0xbe: {  	_ =	sfence.sel $0xFFFF  }
0xbf: {  	[dreg:$0x0] =	wrdreg $0xFFFFFFFF;
	(pc) =	sbr.abs _section_cstart, $3  }
0xc0: {  	[dreg:$0x1] =	wrdreg $0xFFFFFFFF  }
0xc1: {  	_ =	task.clear_ibuf [dreg:s6], $0x2FFFF;
	_ =	strace $0x9FFFFFFF  }
0xc2: {  	(tm) =	ssettm $0x7FFFFFFF  }
0xc3: {  	_ =	shalt  }
tec
execute0_lowered:
.L_overlay_start_1:
0x0: {  	(tag) =	ssettag $0x1  }
0x1: {  	s0 =	rddreg [dreg:$0x0]  }
0x2: {  	s1 =	rddreg [dreg:$0x1];
	s2 =	simm.s32 $0x0;
	s3 =	srdreg.scid  }
0x3: {  	s25 =	stileid.u32;
	s28 =	simm.s32 $0x100;
	s29 =	simm.s32 $0x3  }
0x4: {  	s30 =	simm.s32 $0x80;
	s31 =	simm.s32 $0x1;
	[smem:$0x7FF] =	sst s2  }
0x5: {  	s3 =	sand.u32 $0x1, s3;
	s8 =	sadd.s32 $0x1A00, s0;
	s9 =	sadd.s32 $0xBA00, s0  }
0x6: {  	s10 =	sadd.s32 $0x32C00, s0;
	s22 =	sshll.u32 s25, $0xE;
	s12 =	sor.u32 $0x10, s25  }
0x7: {  	s13 =	sor.u32 $0x20, s25;
	s14 =	sor.u32 $0x30, s25;
	s15 =	sshll.u32 s25, $0x1  }
0x8: {  	s20 =	sor.u32 $0x40, s25;
	p1 =	slt.u32 s25, $0xE;
	s24 =	sshll.u32 s25, $0xB  }
0x9: {  	p5 =	sgt.u32 s25, $0xD;
	_ =	strace $0x80000047;
	s4 =	ssub.s32 $0x2, s3  }
0xa: {  	s23 =	sshll.u32 s12, $0xE;
	s6 =	sshll.u32 s13, $0xE;
	s7 =	sshll.u32 s14, $0xE  }
0xb: {  	s21 =	sor.u32 s3, s15;
	s16 =	sadd.s32 s9, s24;
	s15 =	sadd.s32 s10, s24  }
0xc: {  	s12 =	sshll.u32 s12, $0xB;
	s13 =	sshll.u32 s13, $0xB;
	s19 =	sshll.u32 s14, $0xB  }
0xd: {  	s24 =	sshll.u32 s20, $0xE;
	p2 =	seq.s32 s3, $0x0;
	p0 =	seq.s32 s3, $0x1  }
0xe: {  	p4 =	sne.s32 @p5 s25, $0xF;
	s5 =	sshrl.u32 s4, $0x1;
	s6 =	sadd.s32 s6, s1  }
0xf: {  	s7 =	sadd.s32 s7, s1;
	s18 =	sshll.u32 s21, $0x4;
	[dreg:$0x3] =	wrdreg s16  }
0x10: {  	[dreg:$0x4] =	wrdreg s15;
	s26 =	sadd.s32 s9, s12;
	s12 =	sadd.s32 s10, s12  }
0x11: {  	s16 =	sadd.s32 s9, s13;
	s17 =	sadd.s32 s10, s13;
	s14 =	sadd.s32 s9, s19  }
0x12: {  	s15 =	sadd.s32 s10, s19;
	s19 =	sadd.s32 $0x138000, s1;
	p2 =	por !p1, !p2  }
0x13: {  	p3 =	por !p1, !p0;
	p6 =	por p4, !p5;
	[dreg:$0x5] =	wrdreg s26  }
0x14: {  	p4 =	por !p4, !p5;
	s11 =	ssub.s32 s4, s5;
	[dreg:$0x6] =	wrdreg s12  }
0x15: {  	s4 =	sadd.s32 s22, s1;
	s5 =	sadd.s32 s23, s1;
	[dreg:$0x7] =	wrdreg s16  }
0x16: {  	[dreg:$0x8] =	wrdreg s17;
	s17 =	sshll.u32 s20, $0xB;
	s22 =	sshll.u32 s25, $0x5  }
0x17: {  	s18 =	sadd.s32 s8, s18;
	s23 =	sshll.u32 s3, $0x4;
	s20 =	sadd.s32 s24, s1  }
0x18: {  	s26 =	ssub.s32 $0x501, s21;
	p1 =	por !p2, !p2;
	p2 =	por !p3, !p3  }
0x19: {  	p3 =	sne.s32 s3, $0x0;
	s8 =	sadd.s32 s22, s8;
	s22 =	sadd.s32 $0x32A00, s0  }
0x1a: {  	s8 =	sadd.s32 s23, s8;
	s23 =	sadd.s32 $0x59C00, s0;
	s0 =	simm.s32 @!p6 $0x0  }
0x1b: {  	s16 =	sadd.s32 s9, s17;
	s17 =	sadd.s32 s10, s17;
	s0 =	simm.s32 @p6 $0x1  }
0x1c: {  	s21 =	sshrl.u32 s26, $0x5;
	[smem:$0x7FB] =	sst s0;
	s0 =	simm.s32 @!p5 $0x0  }
0x1d: {  	s9 =	simm.s32 @!p1 $0x0;
	s24 =	smax.u32 s11, $0x1;
	s0 =	simm.s32 @p5 $0x1  }
0x1e: {  	s9 =	simm.s32 @p1 $0x1;
	[smem:$0x7FC] =	sst s0;
	s0 =	simm.s32 @!p4 $0x0  }
0x1f: {  	s26 =	sadd.s32 $0x200, s18;
	[smem:$0x7FA] =	sst s9;
	s0 =	simm.s32 @p4 $0x1  }
0x20: {  	v0 =	vimm.f32 $0.0e+00;
	v1 =	vimm.f32 $1.000000000e+00;
	s8 =	sadd.s32 $0x400, s8;
	[smem:$0x7FD] =	sst s0;
	s0 =	simm.s32 $0x0  }
.LBB2_1:
0x21: {  	s3 =	simm.s32 $0x0;
	s9 =	simm.s32 $0x200  }
.LBB2_2:
0x22: {  	p4 =	sne.s32 s9, $0xFE00;
	[tilespmem:s3+$0x170] =	vst v0  }
0x23: {  	[tilespmem:s3+$0x100] =	vst v0  }
0x24: {  	[tilespmem:s3+$0x110] =	vst v0  }
.Ltmp0:
0x25: {  	[tilespmem:s3+$0x120] =	vst v0;
	(pc) =	sbr.rel @p4 .LBB2_2-.Ltmp0, $4  }
0x26: {  	[tilespmem:s3+$0x130] =	vst v0  }
0x27: {  	[tilespmem:s3+$0x140] =	vst v0  }
0x28: {  	[tilespmem:s3+$0x150] =	vst v0  }
0x29: {  	[tilespmem:s3+$0x160] =	vst v0;
	s3 =	sshra.s32 s9, $0x2;
	s9 =	sadd.s32 $0x200, s9  }
0x2a: {  	[tilespmem:s3+$0x170] =	vst v0  }
0x2b: {  	[tilespmem:s3+$0x100] =	vst v0  }
0x2c: {  	[tilespmem:s3+$0x110] =	vst v0  }
0x2d: {  	[tilespmem:s3+$0x120] =	vst v0  }
0x2e: {  	[tilespmem:s3+$0x130] =	vst v0  }
0x2f: {  	[tilespmem:s3+$0x140] =	vst v0  }
0x30: {  	[tilespmem:s3+$0x150] =	vst v0  }
0x31: {  	[tilespmem:s3+$0x160] =	vst v0  }
0x32: {  	[spmem:s4] =	stream.linear.scatter [tilespmem:s28], [sflag:$0x3], $0x4000, $0x38;
	[tilespmem:$0x17980] =	vst v63  }
0x33: {  	_ =	swait.ge [sflag:s29], $0x4000  }
0x34: {  	[sflag:s29] =	ssyncset.done $0x0  }
0x35: {  	[sflag:s29] =	ssyncadd.s32 $0xFFFFC000  }
0x36: {  	[spmem:s5] =	stream.linear.scatter [tilespmem:s28], [sflag:$0x3], $0x4000, $0x38;
	[tilespmem:$0x17980] =	vst v63  }
0x37: {  	_ =	swait.ge [sflag:s29], $0x4000  }
0x38: {  	[sflag:s29] =	ssyncset.done $0x0  }
0x39: {  	[sflag:s29] =	ssyncadd.s32 $0xFFFFC000  }
0x3a: {  	[spmem:s6] =	stream.linear.scatter [tilespmem:s28], [sflag:$0x3], $0x4000, $0x38;
	[tilespmem:$0x17980] =	vst v63  }
0x3b: {  	_ =	swait.ge [sflag:s29], $0x4000  }
0x3c: {  	[sflag:s29] =	ssyncset.done $0x0  }
0x3d: {  	[sflag:s29] =	ssyncadd.s32 $0xFFFFC000  }
0x3e: {  	[spmem:s7] =	stream.linear.scatter [tilespmem:s28], [sflag:$0x3], $0x4000, $0x38;
	[tilespmem:$0x17980] =	vst v63  }
0x3f: {  	_ =	swait.ge [sflag:s29], $0x4000  }
0x40: {  	s13 =	sld [smem:$0x7FB];
	_ =	sdelay $0x2  }
0x41: {  	[sflag:s29] =	ssyncset.done $0x0;
	p6 =	seq.s32 s13, $0x1  }
0x42: {  	[sflag:s29] =	ssyncadd.s32 $0xFFFFC000;
	s3 =	simm.s32 @!p6 $0x100  }
0x43: {  	[spmem:s19] =	stream.linear.scatter @!p6 [tilespmem:s3], [sflag:$0x3], $0x800, $0x38;
	[tilespmem:$0x17980] =	vst v63  }
0x44: {  	s3 =	simm.s32 @!p6 $0x3  }
0x45: {  	_ =	swait.ge @!p6 [sflag:s3], $0x800  }
0x46: {  	s25 =	sld [smem:$0x7FC];
	_ =	sdelay $0x2  }
0x47: {  	[sflag:s3] =	ssyncset.done @!p6 $0x0;
	p5 =	seq.s32 s25, $0x1  }
0x48: {  	[sflag:s3] =	ssyncadd.s32 @!p6 $0xFFFFF800;
	s3 =	simm.s32 @!p5 $0x100  }
0x49: {  	[spmem:s20] =	stream.linear.scatter @!p5 [tilespmem:s3], [sflag:$0x3], $0x4000, $0x38;
	[tilespmem:$0x17980] =	vst v63  }
0x4a: {  	s3 =	simm.s32 @!p5 $0x3  }
0x4b: {  	_ =	swait.ge @!p5 [sflag:s3], $0x4000  }
0x4c: {  	s9 =	sld [smem:$0x7FD];
	_ =	sdelay $0x2  }
0x4d: {  	p1 =	por @!p6 $0x1, $0x1;
	p4 =	por @p5 $0x0, $0x0;
	p6 =	seq.s32 s9, $0x1  }
0x4e: {  	p1 =	por @!p6 p4, p4;
	p4 =	por @!p5 $0x0, $0x0  }
0x4f: {  	[sflag:s3] =	ssyncset.done @!p5 $0x0;
	p1 =	por @!p5 p4, p4  }
0x50: {  	[sflag:s3] =	ssyncadd.s32 @!p5 $0xFFFFC000;
	s3 =	simm.s32 @!p1 $0x0  }
0x51: {  	s3 =	simm.s32 @p1 $0x1  }
0x52: {  	s9 =	simm.s32 $0x200;
	[smem:$0x7F9] =	sst s3;
	s3 =	simm.s32 $0x0  }
.LBB2_4:
0x53: {  	p4 =	sne.s32 s9, $0xFE00;
	[tilespmem:s3+$0x170] =	vst v1  }
0x54: {  	[tilespmem:s3+$0x100] =	vst v1  }
0x55: {  	[tilespmem:s3+$0x110] =	vst v1  }
.Ltmp1:
0x56: {  	[tilespmem:s3+$0x120] =	vst v1;
	(pc) =	sbr.rel @p4 .LBB2_4-.Ltmp1, $4  }
0x57: {  	[tilespmem:s3+$0x130] =	vst v1  }
0x58: {  	[tilespmem:s3+$0x140] =	vst v1  }
0x59: {  	[tilespmem:s3+$0x150] =	vst v1  }
0x5a: {  	[tilespmem:s3+$0x160] =	vst v1;
	s3 =	sshra.s32 s9, $0x2;
	s9 =	sadd.s32 $0x200, s9  }
0x5b: {  	[tilespmem:s3+$0x170] =	vst v1  }
0x5c: {  	[tilespmem:s3+$0x100] =	vst v1  }
0x5d: {  	[tilespmem:s3+$0x110] =	vst v1  }
0x5e: {  	[tilespmem:s3+$0x120] =	vst v1  }
0x5f: {  	[tilespmem:s3+$0x130] =	vst v1  }
0x60: {  	[tilespmem:s3+$0x140] =	vst v1  }
0x61: {  	[tilespmem:s3+$0x150] =	vst v1  }
0x62: {  	[tilespmem:s3+$0x160] =	vst v1  }
0x63: {  	s25 =	simm.s32 $0x3;
	[bflag:$0x0] =	sbarrier.arrive $0xFFFF  }
0x64: {  	[tilespmem:s2], [sflag:$0x3] =	stream.linear.gather [hbm4b:s18+s2], $0x80, $0x38;
	[tilespmem:$0x17980] =	vst v63  }
0x65: {  	_ =	swait.ge [sflag:s25], $0x80  }
0x66: {  	[sflag:s25] =	ssyncset.done $0x0  }
0x67: {  	[sflag:s25] =	ssyncadd.s32 $0xFFFFFF80  }
0x68: {  	[spmem:s1] =	stream.indirect.scatter.add.f32 [tilespmem:s28], [sflag:$0x1], $0x80, s2, s30, $0xb8;
	[tilespmem:$0x17980] =	vst v63  }
0x69: {  	_ = 	snop  }
0x6a: {  	[tilespmem:s30], [sflag:$0x3] =	stream.linear.gather [hbm4b:s26+s2], $0x80, $0x38;
	[tilespmem:$0x17980] =	vst v63  }
0x6b: {  	_ =	swait.ge [sflag:s25], $0x80  }
0x6c: {  	[sflag:s25] =	ssyncset.done $0x0  }
0x6d: {  	[sflag:s25] =	ssyncadd.s32 $0xFFFFFF80  }
0x6e: {  	[spmem:s1] =	stream.indirect.scatter.add.f32 [tilespmem:s28], [sflag:$0x2], $0x80, s30, s30, $0xb8;
	[tilespmem:$0x17980] =	vst v63  }
0x6f: {  	_ =	swait.ge [sflag:s31], $0x4000  }
0x70: {  	p4 =	sle.u32 s21, $0x2;
	[sflag:s31] =	ssyncset.done $0x0  }
0x71: {  	s3 =	simm.s32 @!p4 $0x0;
	s9 =	simm.s32 @!p4 $0x3;
	[sflag:s31] =	ssyncadd.s32 $0xFFFFC000  }
0x72: {  	[tilespmem:s3], [sflag:$0x3] =	stream.linear.gather @!p4 [hbm4b:s8+s3], $0x80, $0x38;
	[tilespmem:$0x17980] =	vst v63  }
0x73: {  	_ =	swait.ge @!p4 [sflag:s9], $0x80  }
0x74: {  	p5 =	slt.u32 s21, $0x2;
	s10 =	simm.s32 @!p4 $0x100;
	[sflag:s9] =	ssyncset.done @!p4 $0x0  }
0x75: {  	s11 =	simm.s32 @!p5 $0x2;
	[sflag:s9] =	ssyncadd.s32 @!p4 $0xFFFFFF80;
	s9 =	simm.s32 @!p4 $0x80  }
0x76: {  	[spmem:s1] =	stream.indirect.scatter.add.f32 @!p4 [tilespmem:s10], [sflag:$0x1], $0x80, s3, s9, $0xb8;
	[tilespmem:$0x17980] =	vst v63  }
0x77: {  	p4 =	sle.u32 s21, $0x3;
	_ =	swait.ge @!p5 [sflag:s11], $0x4000  }
0x78: {  	s3 =	sadd.s32 @!p4 $0x200, s8;
	s9 =	simm.s32 @!p4 $0x80;
	[sflag:s11] =	ssyncset.done @!p5 $0x0  }
0x79: {  	s10 =	simm.s32 @!p4 $0x3;
	[sflag:s11] =	ssyncadd.s32 @!p5 $0xFFFFC000;
	s11 =	simm.s32 @!p4 $0x0  }
0x7a: {  	[tilespmem:s9], [sflag:$0x3] =	stream.linear.gather @!p4 [hbm4b:s3+s11], $0x80, $0x38;
	[tilespmem:$0x17980] =	vst v63  }
0x7b: {  	s25 =	smov.u32 s8;
	_ =	swait.ge @!p4 [sflag:s10], $0x80  }
0x7c: {  	s3 =	simm.s32 $0x5;
	s11 =	simm.s32 @!p4 $0x100;
	[sflag:s10] =	ssyncset.done @!p4 $0x0  }
.LBB2_6:
0x7d: {  	[sflag:s10] =	ssyncadd.s32 @!p4 $0xFFFFFF80  }
0x7e: {  	s25 =	sadd.s32 $0x400, s25;
	s10 =	smov.u32 s3;
	s3 =	sadd.s32 $0x2, s3  }
0x7f: {  	[spmem:s1] =	stream.indirect.scatter.add.f32 @!p4 [tilespmem:s11], [sflag:$0x2], $0x80, s9, s9, $0xb8;
	[tilespmem:$0x17980] =	vst v63  }
0x80: {  	s9 =	sadd.s32 $0xFFFFFFFF, s10;
	p5 =	sne.s32 s3, $0x2B;
	_ =	swait.ge [sflag:s31], $0x4000  }
0x81: {  	p4 =	sge.u32 s9, s21;
	[sflag:s31] =	ssyncset.done $0x0  }
0x82: {  	s11 =	simm.s32 @!p4 $0x0;
	s12 =	simm.s32 @!p4 $0x3;
	[sflag:s31] =	ssyncadd.s32 $0xFFFFC000  }
0x83: {  	[tilespmem:s11], [sflag:$0x3] =	stream.linear.gather @!p4 [hbm4b:s25+s11], $0x80, $0x38;
	[tilespmem:$0x17980] =	vst v63  }
0x84: {  	_ =	swait.ge @!p4 [sflag:s12], $0x80  }
0x85: {  	p6 =	sgt.u32 s9, s21;
	s13 =	simm.s32 @!p4 $0x100;
	[sflag:s12] =	ssyncset.done @!p4 $0x0  }
0x86: {  	s9 =	simm.s32 @!p4 $0x80;
	[sflag:s12] =	ssyncadd.s32 @!p4 $0xFFFFFF80;
	s12 =	simm.s32 @!p6 $0x2  }
0x87: {  	[spmem:s1] =	stream.indirect.scatter.add.f32 @!p4 [tilespmem:s13], [sflag:$0x1], $0x80, s11, s9, $0xb8;
	[tilespmem:$0x17980] =	vst v63  }
0x88: {  	p4 =	sge.u32 s10, s21;
	_ =	swait.ge @!p6 [sflag:s12], $0x4000  }
0x89: {  	s11 =	sadd.s32 @!p4 $0x200, s25;
	[sflag:s12] =	ssyncset.done @!p6 $0x0  }
.Ltmp2:
0x8a: {  	[sflag:s12] =	ssyncadd.s32 @!p6 $0xFFFFC000;
	s12 =	simm.s32 @!p4 $0x0;
	(pc) =	sbr.rel @p5 .LBB2_6-.Ltmp2, $4  }
0x8b: {  	s9 =	simm.s32 @!p4 $0x80;
	s10 =	simm.s32 @!p4 $0x3  }
0x8c: {  	[tilespmem:s9], [sflag:$0x3] =	stream.linear.gather @!p4 [hbm4b:s11+s12], $0x80, $0x38;
	[tilespmem:$0x17980] =	vst v63  }
0x8d: {  	_ =	swait.ge @!p4 [sflag:s10], $0x80  }
0x8e: {  	s11 =	simm.s32 @!p4 $0x100;
	[sflag:s10] =	ssyncset.done @!p4 $0x0  }
0x8f: {  	[sflag:s10] =	ssyncadd.s32 @!p4 $0xFFFFFF80  }
0x90: {  	[spmem:s1] =	stream.indirect.scatter.add.f32 @!p4 [tilespmem:s11], [sflag:$0x2], $0x80, s9, s9, $0xb8;
	[tilespmem:$0x17980] =	vst v63  }
0x91: {  	s3 =	simm.s32 @!p3 $0x100;
	s9 =	simm.s32 @!p3 $0x3;
	[bflag:$0x0] =	sbarrier.arrive $0xFFFF  }
0x92: {  	[tilespmem:s3], [sflag:$0x3] =	stream.linear.gather @!p3 [spmem:s4], $0x4000, $0x38;
	[tilespmem:$0x17980] =	vst v63  }
0x93: {  	_ =	swait.ge @!p3 [sflag:s9], $0x4000  }
0x94: {  	[sflag:s9] =	ssyncset.done @!p3 $0x0  }
0x95: {  	s10 =	simm.s32 @!p3 $0x0;
	s11 =	rddreg [dreg:$0x3];
	[sflag:s9] =	ssyncadd.s32 @!p3 $0xFFFFC000  }
0x96: {  	[hbm4b:s11+s10] =	stream.linear.scatter @!p3 [tilespmem:s3], [sflag:$0x3], $0x4000, $0x38;
	[tilespmem:$0x17980] =	vst v63  }
0x97: {  	_ =	swait.ge @!p3 [sflag:s9], $0x4000  }
0x98: {  	[sflag:s9] =	ssyncset.done @!p3 $0x0  }
0x99: {  	s12 =	simm.s32 @p0 $0x3;
	s11 =	simm.s32 @p0 $0x100;
	[sflag:s9] =	ssyncadd.s32 @!p3 $0xFFFFC000  }
0x9a: {  	[tilespmem:s11], [sflag:$0x3] =	stream.linear.gather @p0 [spmem:s4], $0x4000, $0x38;
	[tilespmem:$0x17980] =	vst v63  }
0x9b: {  	_ =	swait.ge @p0 [sflag:s12], $0x4000  }
0x9c: {  	[sflag:s12] =	ssyncset.done @p0 $0x0  }
0x9d: {  	s13 =	simm.s32 @p0 $0x0;
	s25 =	rddreg [dreg:$0x4];
	[sflag:s12] =	ssyncadd.s32 @p0 $0xFFFFC000  }
0x9e: {  	[hbm4b:s25+s13] =	stream.linear.scatter @p0 [tilespmem:s11], [sflag:$0x3], $0x4000, $0x38;
	[tilespmem:$0x17980] =	vst v63  }
0x9f: {  	_ =	swait.ge @p0 [sflag:s12], $0x4000  }
0xa0: {  	[sflag:s12] =	ssyncset.done @p0 $0x0  }
0xa1: {  	[sflag:s12] =	ssyncadd.s32 @p0 $0xFFFFC000  }
0xa2: {  	[tilespmem:s3], [sflag:$0x3] =	stream.linear.gather @!p3 [spmem:s5], $0x4000, $0x38;
	[tilespmem:$0x17980] =	vst v63  }
0xa3: {  	_ =	swait.ge @!p3 [sflag:s9], $0x4000  }
0xa4: {  	[sflag:s9] =	ssyncset.done @!p3 $0x0  }
0xa5: {  	s25 =	rddreg [dreg:$0x5];
	[sflag:s9] =	ssyncadd.s32 @!p3 $0xFFFFC000  }
0xa6: {  	[hbm4b:s25+s10] =	stream.linear.scatter @!p3 [tilespmem:s3], [sflag:$0x3], $0x4000, $0x38;
	[tilespmem:$0x17980] =	vst v63  }
0xa7: {  	_ =	swait.ge @!p3 [sflag:s9], $0x4000  }
0xa8: {  	[sflag:s9] =	ssyncset.done @!p3 $0x0  }
0xa9: {  	[sflag:s9] =	ssyncadd.s32 @!p3 $0xFFFFC000  }
0xaa: {  	[tilespmem:s11], [sflag:$0x3] =	stream.linear.gather @p0 [spmem:s5], $0x4000, $0x38;
	[tilespmem:$0x17980] =	vst v63  }
0xab: {  	_ =	swait.ge @p0 [sflag:s12], $0x4000  }
0xac: {  	[sflag:s12] =	ssyncset.done @p0 $0x0  }
0xad: {  	s25 =	rddreg [dreg:$0x6];
	[sflag:s12] =	ssyncadd.s32 @p0 $0xFFFFC000  }
0xae: {  	[hbm4b:s25+s13] =	stream.linear.scatter @p0 [tilespmem:s11], [sflag:$0x3], $0x4000, $0x38;
	[tilespmem:$0x17980] =	vst v63  }
0xaf: {  	_ =	swait.ge @p0 [sflag:s12], $0x4000  }
0xb0: {  	[sflag:s12] =	ssyncset.done @p0 $0x0  }
0xb1: {  	[sflag:s12] =	ssyncadd.s32 @p0 $0xFFFFC000  }
0xb2: {  	[tilespmem:s3], [sflag:$0x3] =	stream.linear.gather @!p3 [spmem:s6], $0x4000, $0x38;
	[tilespmem:$0x17980] =	vst v63  }
0xb3: {  	_ =	swait.ge @!p3 [sflag:s9], $0x4000  }
0xb4: {  	[sflag:s9] =	ssyncset.done @!p3 $0x0  }
0xb5: {  	s25 =	rddreg [dreg:$0x7];
	[sflag:s9] =	ssyncadd.s32 @!p3 $0xFFFFC000  }
0xb6: {  	[hbm4b:s25+s10] =	stream.linear.scatter @!p3 [tilespmem:s3], [sflag:$0x3], $0x4000, $0x38;
	[tilespmem:$0x17980] =	vst v63  }
0xb7: {  	_ =	swait.ge @!p3 [sflag:s9], $0x4000  }
0xb8: {  	[sflag:s9] =	ssyncset.done @!p3 $0x0  }
0xb9: {  	[sflag:s9] =	ssyncadd.s32 @!p3 $0xFFFFC000  }
0xba: {  	[tilespmem:s11], [sflag:$0x3] =	stream.linear.gather @p0 [spmem:s6], $0x4000, $0x38;
	[tilespmem:$0x17980] =	vst v63  }
0xbb: {  	_ =	swait.ge @p0 [sflag:s12], $0x4000  }
0xbc: {  	[sflag:s12] =	ssyncset.done @p0 $0x0  }
0xbd: {  	s25 =	rddreg [dreg:$0x8];
	[sflag:s12] =	ssyncadd.s32 @p0 $0xFFFFC000  }
0xbe: {  	[hbm4b:s25+s13] =	stream.linear.scatter @p0 [tilespmem:s11], [sflag:$0x3], $0x4000, $0x38;
	[tilespmem:$0x17980] =	vst v63  }
0xbf: {  	_ =	swait.ge @p0 [sflag:s12], $0x4000  }
0xc0: {  	[sflag:s12] =	ssyncset.done @p0 $0x0  }
0xc1: {  	[sflag:s12] =	ssyncadd.s32 @p0 $0xFFFFC000  }
0xc2: {  	[tilespmem:s3], [sflag:$0x3] =	stream.linear.gather @!p3 [spmem:s7], $0x4000, $0x38;
	[tilespmem:$0x17980] =	vst v63  }
0xc3: {  	_ =	swait.ge @!p3 [sflag:s9], $0x4000  }
0xc4: {  	[sflag:s9] =	ssyncset.done @!p3 $0x0  }
0xc5: {  	[sflag:s9] =	ssyncadd.s32 @!p3 $0xFFFFC000  }
0xc6: {  	[hbm4b:s14+s10] =	stream.linear.scatter @!p3 [tilespmem:s3], [sflag:$0x3], $0x4000, $0x38;
	[tilespmem:$0x17980] =	vst v63  }
0xc7: {  	_ =	swait.ge @!p3 [sflag:s9], $0x4000  }
0xc8: {  	[sflag:s9] =	ssyncset.done @!p3 $0x0  }
0xc9: {  	[sflag:s9] =	ssyncadd.s32 @!p3 $0xFFFFC000  }
0xca: {  	[tilespmem:s11], [sflag:$0x3] =	stream.linear.gather @p0 [spmem:s7], $0x4000, $0x38;
	[tilespmem:$0x17980] =	vst v63  }
0xcb: {  	_ =	swait.ge @p0 [sflag:s12], $0x4000  }
0xcc: {  	[sflag:s12] =	ssyncset.done @p0 $0x0  }
0xcd: {  	[sflag:s12] =	ssyncadd.s32 @p0 $0xFFFFC000  }
0xce: {  	[hbm4b:s15+s13] =	stream.linear.scatter @p0 [tilespmem:s11], [sflag:$0x3], $0x4000, $0x38;
	[tilespmem:$0x17980] =	vst v63  }
0xcf: {  	_ =	swait.ge @p0 [sflag:s12], $0x4000  }
0xd0: {  	s13 =	sld [smem:$0x7FA];
	_ =	sdelay $0x2  }
0xd1: {  	[sflag:s12] =	ssyncset.done @p0 $0x0;
	p1 =	seq.s32 s13, $0x1  }
0xd2: {  	[sflag:s12] =	ssyncadd.s32 @p0 $0xFFFFC000;
	s3 =	simm.s32 @p1 $0x100;
	s9 =	simm.s32 @p1 $0x3  }
0xd3: {  	[tilespmem:s3], [sflag:$0x3] =	stream.linear.gather @p1 [spmem:s20], $0x4000, $0x38;
	[tilespmem:$0x17980] =	vst v63  }
0xd4: {  	_ =	swait.ge @p1 [sflag:s9], $0x4000  }
0xd5: {  	[sflag:s9] =	ssyncset.done @p1 $0x0  }
0xd6: {  	s10 =	simm.s32 @p1 $0x0;
	[sflag:s9] =	ssyncadd.s32 @p1 $0xFFFFC000  }
0xd7: {  	[hbm4b:s16+s10] =	stream.linear.scatter @p1 [tilespmem:s3], [sflag:$0x3], $0x4000, $0x38;
	[tilespmem:$0x17980] =	vst v63  }
0xd8: {  	_ =	swait.ge @p1 [sflag:s9], $0x4000  }
0xd9: {  	[sflag:s9] =	ssyncset.done @p1 $0x0  }
0xda: {  	s3 =	simm.s32 @p2 $0x100;
	[sflag:s9] =	ssyncadd.s32 @p1 $0xFFFFC000;
	s9 =	simm.s32 @p2 $0x3  }
0xdb: {  	[tilespmem:s3], [sflag:$0x3] =	stream.linear.gather @p2 [spmem:s20], $0x4000, $0x38;
	[tilespmem:$0x17980] =	vst v63  }
0xdc: {  	_ =	swait.ge @p2 [sflag:s9], $0x4000  }
0xdd: {  	[sflag:s9] =	ssyncset.done @p2 $0x0  }
0xde: {  	s10 =	simm.s32 @p2 $0x0;
	[sflag:s9] =	ssyncadd.s32 @p2 $0xFFFFC000  }
0xdf: {  	[hbm4b:s17+s10] =	stream.linear.scatter @p2 [tilespmem:s3], [sflag:$0x3], $0x4000, $0x38;
	[tilespmem:$0x17980] =	vst v63  }
0xe0: {  	_ =	swait.ge @p2 [sflag:s9], $0x4000  }
0xe1: {  	s25 =	sld [smem:$0x7F9];
	_ =	sdelay $0x2  }
0xe2: {  	p5 =	seq.s32 s25, $0x1  }
0xe3: {  	p6 =	por !p5, !p5  }
0xe4: {  	[sflag:s9] =	ssyncset.done @p2 $0x0;
	p4 =	por p3, p6  }
0xe5: {  	[sflag:s9] =	ssyncadd.s32 @p2 $0xFFFFC000;
	s3 =	simm.s32 @!p4 $0x100;
	s9 =	simm.s32 @!p4 $0x3  }
0xe6: {  	[tilespmem:s3], [sflag:$0x3] =	stream.linear.gather @!p4 [spmem:s19], $0x800, $0x38;
	[tilespmem:$0x17980] =	vst v63  }
0xe7: {  	_ =	swait.ge @!p4 [sflag:s9], $0x800  }
0xe8: {  	[sflag:s9] =	ssyncset.done @!p4 $0x0  }
0xe9: {  	s10 =	simm.s32 @!p4 $0x0;
	[sflag:s9] =	ssyncadd.s32 @!p4 $0xFFFFF800  }
0xea: {  	[hbm4b:s22+s10] =	stream.linear.scatter @!p4 [tilespmem:s3], [sflag:$0x3], $0x800, $0x38;
	[tilespmem:$0x17980] =	vst v63  }
0xeb: {  	p5 =	por !p5, !p0;
	_ =	swait.ge @!p4 [sflag:s9], $0x800  }
0xec: {  	p5 =	por !p5, !p5;
	[sflag:s9] =	ssyncset.done @!p4 $0x0  }
0xed: {  	s3 =	simm.s32 @p5 $0x100;
	[sflag:s9] =	ssyncadd.s32 @!p4 $0xFFFFF800;
	s9 =	simm.s32 @p5 $0x3  }
0xee: {  	[tilespmem:s3], [sflag:$0x3] =	stream.linear.gather @p5 [spmem:s19], $0x800, $0x38;
	[tilespmem:$0x17980] =	vst v63  }
0xef: {  	s0 =	sadd.s32 $0x1, s0;
	_ =	swait.ge @p5 [sflag:s9], $0x800  }
0xf0: {  	p4 =	sne.s32 s0, s24;
	[sflag:s9] =	ssyncset.done @p5 $0x0  }
.Ltmp3:
0xf1: {  	s10 =	simm.s32 @p5 $0x0;
	[sflag:s9] =	ssyncadd.s32 @p5 $0xFFFFF800;
	(pc) =	sbr.rel @p4 .LBB2_1-.Ltmp3, $4  }
0xf2: {  	[hbm4b:s23+s10] =	stream.linear.scatter @p5 [tilespmem:s3], [sflag:$0x3], $0x800, $0x38;
	[tilespmem:$0x17980] =	vst v63  }
0xf3: {  	_ =	swait.ge @p5 [sflag:s9], $0x800  }
0xf4: {  	[sflag:s9] =	ssyncset.done @p5 $0x0  }
0xf5: {  	[sflag:s9] =	ssyncadd.s32 @p5 $0xFFFFF800  }
0xf6: {  	_ =	sfence.sel $0x180000  }
0xf7: {  	[bflag:$0x0] =	sbarrier.arrive $0xFFFF  }
0xf8: {  	_ =	strace $0x90000047  }
0xf9: {  	s0 =	stileid.u32;
	[bflag:$0x2] =	sbarrier.arrive $0xFFFF  }
0xfa: {  	p0 =	sne.s32 s0, $0x0;
	s0 =	rddreg [dreg:$0x2]  }
0xfb: {  	s0 =	sadd.s32 @!p0 $0x100000, s0  }
0xfc: {  	[sflag:s0] =	ssyncadd.tile.s32 @!p0 $0x1;
	_ =	shalt  }
.Lfunc_end2:
_tile_overlayer_lowered:
.L_overlay_start_2:
0xfd: {  	(tag) =	ssettag $0x2  }
0xfe: {  	s0 =	rddreg [dreg:$0x0];
	s2 =	stileid.u32  }
0xff: {  	s1 =	rddreg [dreg:$0x1];
	p0 =	sne.s32 s2, $0x0  }
0x100: {  	s3 =	rddreg [dreg:$0x2];
	[bflag:$0x3] =	sbarrier.arrive $0xFFFF;
	s2 =	simm.s32 @!p0 $0x1C03  }
0x101: {  	[timem:s3], [sflag:s2] =	dma.local @!p0 [hbm:s0], s1  }
0x102: {  	s0 =	simm.s32 @!p0 $0x3  }
0x103: {  	_ =	swait.ge @!p0 [sflag:s0], s1  }
0x104: {  	s1 =	ssub.s32 @!p0 $0x0, s1;
	[sflag:s0] =	ssyncset.done @!p0 $0x0  }
0x105: {  	[sflag:s0] =	ssyncadd.s32 @!p0 s1  }
0x106: {  	[bflag:$0x3] =	sbarrier.arrive $0xFFFF  }
0x107: {  	_ =	shalt  }

// kernel: kernel.9.cloned.1.call-start
scs
__scs_entry_jumppad:
0x0: {  	(pc) =	sbr.rel $0x88, $3  }
0x1: {  	(tag) =	ssettag $0x0;
	lr =	simm.s32 $0x1  }
0x2: {  	[smem:$0x3F9B] =	sst lr;
	_ =	strace $0xD0000000  }
0x3: {  	_ = 	snop  }
0x4: {  	_ = 	snop  }
0x5: {  	_ = 	snop  }
0x6: {  	_ = 	snop  }
0x7: {  	_ = 	snop  }
__scs_overlays_trampoline_lowered:
0x8: {  	[smem:$0x3FAA] =	sst s0  }
0x9: {  	[smem:$0x3FAB] =	sst s1  }
0xa: {  	[smem:$0x3FAC] =	sst s2  }
0xb: {  	[smem:$0x3FAD] =	sst s3  }
0xc: {  	[smem:$0x3FAE] =	sst s4  }
0xd: {  	[smem:$0x3FAF] =	sst s5  }
0xe: {  	[smem:$0x3FB0] =	sst s6  }
0xf: {  	[smem:$0x3FB1] =	sst s7  }
0x10: {  	[smem:$0x3FB2] =	sst s8  }
0x11: {  	[smem:$0x3FB3] =	sst s9;
	s0 =	simm.s32 @!p0 $0x0  }
0x12: {  	s1 =	sld [smem:$0x3F99];
	s0 =	simm.s32 @p0 $0x1  }
0x13: {  	[smem:$0x3FB4] =	sst s0;
	s0 =	simm.s32 @!p1 $0x0  }
0x14: {  	s2 =	sld [smem:$0x3F98];
	s0 =	simm.s32 @p1 $0x1  }
0x15: {  	[smem:$0x3FB5] =	sst s0;
	s0 =	simm.s32 @!p2 $0x0  }
0x16: {  	s3 =	sld [smem:$0x3FDB];
	s0 =	simm.s32 @p2 $0x1  }
0x17: {  	s4 =	simm.s32 $0x1BF5;
	[smem:$0x3FB7] =	sst s0  }
0x18: {  	s0 =	sld [smem:$0x3F9A];
	_ =	swait.ge [sflag:s4], $0x0  }
0x19: {  	s7 =	sld [smem:$0x3F9B]  }
0x1a: {  	s8 =	sadd.s32 $0xFFFFE003, lr  }
0x1b: {  	s9 =	sadd.s32 $0xFFFFFEF7, lr;
	s5 =	simm.s32 $0xFFFFFFFF;
	p2 =	slt.u32 s8, $0xFFFFF086  }
0x1c: {  	p1 =	slt.u32 s9, $0xF7A;
	s5 =	simm.s32 @!p2 $0x0  }
0x1d: {  	s5 =	simm.s32 @p1 $0x1;
	p0 =	seq.s32 s7, s2  }
0x1e: {  	s7 =	smul.u32 @!p0 $0xF7A, s2;
	p2 =	seq.s32 @!p0 s5, $0x0  }
0x1f: {  	s9 =	smul.u32 $0xF7A, s1;
	s8 =	simm.s32 @!p0 $0x1BF5;
	p2 =	por !p2, p0  }
0x20: {  	[sflag:s8] =	ssyncset.s32 @!p0 $0xFFFFF086;
	s6 =	sadd.s32 @!p0 s3, s7;
	s7 =	simm.s32 @!p0 $0x108  }
0x21: {  	s3 =	sadd.s32 s3, s9;
	s6 =	sadd.s32 @!p0 $0x88, s6;
	s7 =	simm.s32 @p2 $0x1082  }
0x22: {  	[simem:s7], [sflag:s8] =	dma.local @!p0 [hbm:s6], $0xF7A  }
0x23: {  	s9 =	sor.u32 $0xD0000000, s2;
	s6 =	simm.s32 $0x108;
	_ =	swait.ge @!p0 [sflag:s8], $0x0  }
0x24: {  	s3 =	sadd.s32 $0x88, s3;
	s6 =	simm.s32 @!p1 $0x1082;
	[sflag:s4] =	ssyncset.s32 $0xFFFFF086  }
0x25: {  	[simem:s6], [sflag:s4] =	dma.local [hbm:s3], $0xF7A  }
0x26: {  	[smem:$0x3F9B] =	sst s1;
	(tag) =	ssettag s2;
	_ =	strace s9  }
0x27: {  	s1 =	sld [smem:$0x3FAB]  }
0x28: {  	s2 =	sld [smem:$0x3FAC]  }
0x29: {  	s4 =	sld [smem:$0x3FAE]  }
0x2a: {  	p0 =	seq.s32 s5, $0x0;
	s5 =	sld [smem:$0x3FAF]  }
0x2b: {  	s6 =	sld [smem:$0x3FB0]  }
0x2c: {  	s7 =	sld [smem:$0x3FB1]  }
0x2d: {  	s3 =	simm.s32 $0x108;
	s8 =	sld [smem:$0x3FB2]  }
0x2e: {  	s3 =	simm.s32 @!p0 $0x1082;
	s9 =	sld [smem:$0x3FB3]  }
0x2f: {  	lr =	sadd.s32 s0, s3;
	s0 =	sld [smem:$0x3FAA]  }
0x30: {  	s3 =	sld [smem:$0x3FAD]  }
0x31: {  	[smem:$0x3FB6] =	sst s10  }
0x32: {  	s10 =	sld [smem:$0x3FB4];
	_ =	sdelay $0x3  }
0x33: {  	p0 =	seq.s32 s10, $0x1;
	s10 =	sld [smem:$0x3FB6];
	_ =	sdelay $0x3  }
0x34: {  	[smem:$0x3FB6] =	sst s10  }
0x35: {  	s10 =	sld [smem:$0x3FB5];
	_ =	sdelay $0x3  }
0x36: {  	p1 =	seq.s32 s10, $0x1;
	s10 =	sld [smem:$0x3FB6];
	_ =	sdelay $0x3  }
0x37: {  	[smem:$0x3FB6] =	sst s10  }
0x38: {  	s10 =	sld [smem:$0x3FB7]  }
0x39: {  	_ = 	snop;
	(pc) =	sbr.ind lr, $3  }
0x3a: {  	_ = 	snop  }
0x3b: {  	_ = 	snop  }
0x3c: {  	p2 =	seq.s32 s10, $0x1;
	s10 =	sld [smem:$0x3FB6]  }
0x3d: {  	_ =	shalt  }
0x3e: {  	_ =	shalt  }
0x3f: {  	_ =	shalt  }
0x40: {  	_ =	shalt  }
0x41: {  	_ =	shalt  }
0x42: {  	_ =	shalt  }
0x43: {  	_ =	shalt  }
0x44: {  	_ =	shalt  }
0x45: {  	_ =	shalt  }
0x46: {  	_ =	shalt  }
0x47: {  	_ =	shalt  }
0x48: {  	_ =	shalt  }
0x49: {  	_ =	shalt  }
0x4a: {  	_ =	shalt  }
0x4b: {  	_ =	shalt  }
0x4c: {  	_ =	shalt  }
0x4d: {  	_ =	shalt  }
0x4e: {  	_ =	shalt  }
0x4f: {  	_ =	shalt  }
0x50: {  	_ =	shalt  }
0x51: {  	_ =	shalt  }
0x52: {  	_ =	shalt  }
0x53: {  	_ =	shalt  }
0x54: {  	_ =	shalt  }
0x55: {  	_ =	shalt  }
0x56: {  	_ =	shalt  }
0x57: {  	_ =	shalt  }
0x58: {  	_ =	shalt  }
0x59: {  	_ =	shalt  }
0x5a: {  	_ =	shalt  }
0x5b: {  	_ =	shalt  }
0x5c: {  	_ =	shalt  }
0x5d: {  	_ =	shalt  }
0x5e: {  	_ =	shalt  }
0x5f: {  	_ =	shalt  }
0x60: {  	_ =	shalt  }
0x61: {  	_ =	shalt  }
0x62: {  	_ =	shalt  }
0x63: {  	_ =	shalt  }
0x64: {  	_ =	shalt  }
0x65: {  	_ =	shalt  }
0x66: {  	_ =	shalt  }
0x67: {  	_ =	shalt  }
0x68: {  	_ =	shalt  }
0x69: {  	_ =	shalt  }
0x6a: {  	_ =	shalt  }
0x6b: {  	_ =	shalt  }
0x6c: {  	_ =	shalt  }
0x6d: {  	_ =	shalt  }
0x6e: {  	_ =	shalt  }
0x6f: {  	_ =	shalt  }
0x70: {  	_ =	shalt  }
0x71: {  	_ =	shalt  }
0x72: {  	_ =	shalt  }
0x73: {  	_ =	shalt  }
0x74: {  	_ =	shalt  }
0x75: {  	_ =	shalt  }
0x76: {  	_ =	shalt  }
0x77: {  	_ =	shalt  }
0x78: {  	_ =	shalt  }
0x79: {  	_ =	shalt  }
0x7a: {  	_ =	shalt  }
0x7b: {  	_ =	shalt  }
0x7c: {  	_ =	shalt  }
0x7d: {  	_ =	shalt  }
0x7e: {  	_ =	shalt  }
0x7f: {  	_ =	shalt  }
0x80: {  	_ =	shalt  }
0x81: {  	_ =	shalt  }
0x82: {  	_ =	shalt  }
0x83: {  	_ =	shalt  }
0x84: {  	_ =	shalt  }
0x85: {  	_ =	shalt  }
0x86: {  	_ =	shalt  }
0x87: {  	_ =	shalt  }
.Lfunc_end0:
.L_simem_size_0:
called_computation.1_lowered:
.L_overlay_start_0:
0x88: {  	s2 =	sld [smem:$0x3FD9]  }
0x89: {  	s3 =	sld [smem:$0x3FFE];
	_ =	sdelay $0x1  }
0x8a: {  	s1 =	srdreg.scid  }
0x8b: {  	s0 =	sand.u32 $0x1, s1  }
0x8c: {  	s17 =	sshll.u32 s0, $0xA;
	s2 =	sadd.s32 s3, s2  }
0x8d: {  	s2 =	sadd.s32 s2, s17  }
0x8e: {  	[smem:$0x3FC2] =	sst s2  }
0x8f: {  	_ = 	snop  }
0x90: {  	s18 =	sld [smem:$0x3FD0];
	(tm) =	ssettm $0x1  }
0x91: {  	s19 =	sld [smem:$0x3FFB];
	_ =	sdelay $0x3  }
0x92: {  	_ =	strace s19  }
0x93: {  	s2 =	sld [smem:$0x3FFC];
	_ =	sdelay $0x3  }
0x94: {  	_ =	strace s2  }
0x95: {  	s2 =	sld [smem:$0x3FFD];
	_ =	sdelay $0x3  }
0x96: {  	_ =	strace s2  }
0x97: {  	_ =	strace $0x8FFFFFFF  }
0x98: {  	s20 =	sld [smem:$0x3FDB];
	_ =	sdelay $0x1  }
0x99: {  	s4 =	simm.s32 $_scs_section_size  }
0x9a: {  	s5 =	simm.s32 $_size__tile_overlayer_lowered;
	s6 =	simm.s32 $_tile_overlayer_lowered  }
0x9b: {  	s7 =	simm.s32 $0x1BFF;
	s21 =	sshll.u32 s6, $0x1;
	s4 =	sadd.s32 s4, s20  }
0x9c: {  	s22 =	simm.s32 $0x0;
	s5 =	sshll.u32 s5, $0x1;
	s6 =	sadd.s32 s21, s4  }
0x9d: {  	[timem:s22], [sflag:s7] =	dma.local [hbm:s6], s5  }
0x9e: {  	_ =	swait.ge [sflag:s7], s5  }
0x9f: {  	s5 =	ssub.s32 $0x0, s5;
	[sflag:s7] =	ssyncset.done $0x0  }
0xa0: {  	[sflag:s7] =	ssyncadd.s32 s5;
	_ =	sdelay $0x1  }
0xa1: {  	s23 =	simm.s32 $0x1B8B  }
0xa2: {  	_ =	swait.ge [sflag:s23], $0x1  }
0xa3: {  	[sflag:s23] =	ssyncset.done $0x0  }
0xa4: {  	[sflag:s23] =	ssyncadd.s32 $0xFFFFFFFF  }
0xa5: {  	s5 =	sld [smem:$0x0]  }
0xa6: {  	s6 =	sand.u32 $0xFFFFFFFE, s1  }
0xa7: {  	p0 =	sne.s32 s1, s6  }
0xa8: {  	s6 =	sshll.u32 @p0 s6, $0xE  }
0xa9: {  	s6 =	sadd.s32 @p0 $0x11B8D, s6;
	s7 =	sshll.u32 @p0 s5, $0x11  }
0xaa: {  	s6 =	sor.u32 @p0 s7, s6  }
0xab: {  	[sflag:s6] =	ssyncadd.remote.s32 @p0 $0x1;
	_ =	sdelay $0x1  }
0xac: {  	s6 =	simm.s32 @p0 $0x1B8D  }
0xad: {  	_ =	swait.eq @p0 [sflag:s6], $0x1  }
0xae: {  	[sflag:s6] =	ssyncadd.s32 @p0 $0xFFFFFFFF  }
0xaf: {  	s7 =	sshll.u32 @!p0 s1, $0xE  }
0xb0: {  	s7 =	sor.u32 @!p0 $0x4000, s7;
	s6 =	simm.s32 @!p0 $0x1B8D  }
0xb1: {  	s5 =	sshll.u32 @!p0 s5, $0x11;
	s7 =	sadd.s32 @!p0 $0x11B8D, s7;
	_ =	swait.eq @!p0 [sflag:s6], $0x1  }
0xb2: {  	s5 =	sor.u32 @!p0 s5, s7;
	[sflag:s6] =	ssyncadd.s32 @!p0 $0xFFFFFFFF  }
0xb3: {  	s25 =	simm.s32 $0x1B8E;
	s24 =	sld [smem:$0x3FFE];
	[sflag:s5] =	ssyncadd.remote.s32 @!p0 $0x1  }
0xb4: {  	s26 =	simm.s32 $execute0_lowered;
	[smem:$0x3FD2] =	sst s25  }
0xb5: {  	s6 =	sshll.u32 s26, $0x1;
	_ =	strace $0x80000049;
	[dreg:$0x1] =	wrdreg $0xFFFFFFFF  }
0xb6: {  	s28 =	simm.s32 $_size_execute0_lowered;
	s4 =	sadd.s32 s4, s6;
	[dreg:$0x0] =	wrdreg $0x0  }
0xb7: {  	s6 =	sshll.u32 s28, $0x1;
	[dreg:$0x2] =	wrdreg s4  }
0xb8: {  	[dreg:$0x3] =	wrdreg s6  }
0xb9: {  	[dreg:$0x4] =	wrdreg $0xC0  }
0xba: {  	_ =	task [dreg:s22], $0x5FFFF  }
0xbb: {  	[dreg:$0x1] =	wrdreg $0xFFFFFFFF  }
0xbc: {  	[dreg:$0x0] =	wrdreg $0x60  }
0xbd: {  	[dreg:$0x2] =	wrdreg s24  }
0xbe: {  	[dreg:$0x3] =	wrdreg s18  }
0xbf: {  	[dreg:$0x4] =	wrdreg $0xC4800  }
0xc0: {  	[dreg:$0x5] =	wrdreg $0xA  }
0xc1: {  	_ =	task.clear_ibuf [dreg:s22], $0x6FFFF;
	_ =	strace $0x90000049  }
0xc2: {  	s29 =	simm.s32 $0xA;
	_ =	strace $0x8000004B  }
0xc3: {  	_ =	swait.ge [sflag:s29], $0x1  }
0xc4: {  	[sflag:s29] =	ssyncadd.s32 $0xFFFFFFFF  }
0xc5: {  	_ =	strace $0x9000004B  }
0xc6: {  	_ =	sfence  }
0xc7: {  	s30 =	sld [smem:$0x0];
	_ =	sdelay $0x2  }
0xc8: {  	s31 =	sshll.u32 s1, $0xD;
	s1 =	sshrl.u32 s1, $0x2  }
0xc9: {  	s4 =	sand.u32 $0x4000, s31;
	s1 =	sadd.s32 s1, s30  }
0xca: {  	s0 =	sor.u32 s4, s0;
	s1 =	sshll.u32 s1, $0x11  }
0xcb: {  	s0 =	sor.u32 s1, s0  }
0xcc: {  	s0 =	sadd.s32 $0x8F2B, s0  }
0xcd: {  	[sflag:s0] =	ssyncadd.remote.s32 $0x1  }
0xce: {  	_ =	sfence.sel $0xFFFF  }
0xcf: {  	[dreg:$0x0] =	wrdreg $0xFFFFFFFF;
	(pc) =	sbr.abs _section_cstart, $3  }
0xd0: {  	[dreg:$0x1] =	wrdreg $0xFFFFFFFF  }
0xd1: {  	_ =	task.clear_ibuf [dreg:s22], $0x2FFFF;
	_ =	strace $0x9FFFFFFF  }
0xd2: {  	(tm) =	ssettm $0x7FFFFFFF  }
0xd3: {  	_ =	shalt  }
tec
execute0_lowered:
.L_overlay_start_1:
0x0: {  	(tag) =	ssettag $0x1  }
0x1: {  	s0 =	rddreg [dreg:$0x0]  }
0x2: {  	s6 =	rddreg [dreg:$0x1]  }
0x3: {  	s1 =	rddreg [dreg:$0x2];
	s2 =	simm.s32 $0x0  }
0x4: {  	s3 =	srdreg.scid;
	s31 =	simm.s32 $0x480;
	[smem:$0x7FF] =	sst s2  }
0x5: {  	s7 =	sand.u32 $0x1, s3;
	s4 =	sadd.s32 $0x59E00, s0;
	s5 =	sadd.s32 $0x6A00, s0  }
0x6: {  	s9 =	sadd.s32 $0xF6200, s0;
	s3 =	stileid.u32;
	_ =	strace $0x8000004A  }
0x7: {  	s8 =	ssub.s32 $0x2, s7;
	s20 =	sshll.u32 s3, $0xE;
	s12 =	sor.u32 $0x10, s3  }
0x8: {  	s13 =	sor.u32 $0x20, s3;
	s14 =	sor.u32 $0x30, s3;
	s15 =	sor.u32 $0x40, s3  }
0x9: {  	p3 =	slt.u32 s3, $0xE;
	s11 =	ssub.s32 $0x4F1, s3;
	p2 =	seq.s32 s7, $0x0  }
0xa: {  	s16 =	sshll.u32 s3, $0xB;
	p0 =	seq.s32 s7, $0x1;
	p1 =	sne.s32 s7, $0x0  }
0xb: {  	s30 =	sshll.u32 s3, $0x4;
	s10 =	sshrl.u32 s8, $0x1;
	s21 =	sshll.u32 s12, $0xE  }
0xc: {  	s22 =	sshll.u32 s13, $0xE;
	s23 =	sshll.u32 s14, $0xE;
	s24 =	sshll.u32 s15, $0xE  }
0xd: {  	s11 =	sshrl.u32 s11, $0x4;
	s17 =	sadd.s32 s6, s16;
	s12 =	sshll.u32 s12, $0xB  }
0xe: {  	s16 =	sadd.s32 s9, s16;
	s13 =	sshll.u32 s13, $0xB;
	p2 =	por !p3, !p2  }
0xf: {  	p3 =	por !p3, !p0;
	s8 =	ssub.s32 s8, s10;
	s10 =	sadd.s32 s20, s1  }
0x10: {  	s25 =	sadd.s32 s22, s1;
	s22 =	smul.u32 $0x2710, s7;
	[dreg:$0x9] =	wrdreg s17  }
0x11: {  	[dreg:$0xa] =	wrdreg s16;
	s26 =	sadd.s32 s6, s12;
	s12 =	sadd.s32 s9, s12  }
0x12: {  	s16 =	sadd.s32 s6, s13;
	s17 =	sshll.u32 s14, $0xB;
	s13 =	sadd.s32 s9, s13  }
0x13: {  	s20 =	sshll.u32 s15, $0xB;
	p2 =	por !p2, !p2;
	[dreg:$0x4] =	wrdreg s10  }
0x14: {  	p3 =	por !p3, !p3;
	s28 =	sadd.s32 $0x3, s11;
	[dreg:$0xb] =	wrdreg s26  }
0x15: {  	s29 =	sadd.s32 $0x2, s11;
	s14 =	simm.s32 $0x5;
	[dreg:$0xc] =	wrdreg s12  }
0x16: {  	s15 =	simm.s32 $0x380;
	s10 =	sadd.s32 s21, s1;
	[dreg:$0xd] =	wrdreg s16  }
0x17: {  	[dreg:$0xe] =	wrdreg s13;
	s18 =	sadd.s32 s6, s17;
	s19 =	sadd.s32 s9, s17  }
0x18: {  	s12 =	simm.s32 @!p2 $0x0;
	s9 =	sadd.s32 s9, s20;
	[dreg:$0x6] =	wrdreg s25  }
0x19: {  	s7 =	sadd.s32 s6, s20;
	s6 =	sadd.s32 $0x27000, s6;
	[dreg:$0x5] =	wrdreg s10  }
0x1a: {  	s21 =	smax.u32 s8, $0x1;
	s26 =	simm.s32 $0x300;
	[dreg:$0xf] =	wrdreg s18  }
0x1b: {  	s13 =	simm.s32 $0x80;
	s16 =	simm.s32 $0x4480;
	[dreg:$0x10] =	wrdreg s19  }
0x1c: {  	s17 =	simm.s32 $0x8;
	s20 =	simm.s32 $0x8480;
	[dreg:$0x11] =	wrdreg s9  }
0x1d: {  	s8 =	simm.s32 $0x0;
	s10 =	sadd.s32 s23, s1;
	[dreg:$0x12] =	wrdreg s7  }
0x1e: {  	s12 =	simm.s32 @p2 $0x1;
	p2 =	sgt.u32 s3, $0xD;
	[dreg:$0x13] =	wrdreg s6  }
0x1f: {  	s23 =	sadd.s32 $0x1A00, s0;
	s0 =	sadd.s32 $0x11D200, s0;
	[dreg:$0x15] =	wrdreg s21  }
0x20: {  	s18 =	simm.s32 $0x6;
	s19 =	simm.s32 $0x400;
	p4 =	sne.s32 @p2 s3, $0xF  }
0x21: {  	s21 =	simm.s32 $0x9;
	[dreg:$0x7] =	wrdreg s10;
	p5 =	por p4, !p2  }
0x22: {  	s10 =	sadd.s32 s24, s1;
	[dreg:$0x14] =	wrdreg s0;
	s0 =	simm.s32 @!p5 $0x0  }
0x23: {  	[smem:$0x7FA] =	sst s12;
	s12 =	sadd.s32 $0x138000, s1;
	s0 =	simm.s32 @p5 $0x1  }
.Ltmp0:
0x24: {  	[smem:$0x7FB] =	sst s0;
	s0 =	simm.s32 @!p2 $0x0;
	(pc) =	sbr.rel .LBB2_1-.Ltmp0, $4  }
0x25: {  	[dreg:$0x8] =	wrdreg s10;
	s0 =	simm.s32 @p2 $0x1;
	p2 =	por !p4, !p2  }
0x26: {  	s24 =	sadd.s32 $0x4E20, s22;
	[smem:$0x7FC] =	sst s0;
	s0 =	simm.s32 @!p2 $0x0  }
0x27: {  	v0 =	vmov s22;
	s22 =	simm.s32 $0x100;
	[dreg:$0x16] =	wrdreg s12;
	s0 =	simm.s32 @p2 $0x1  }
0x28: {  	v2 =	vimm.f32 $0.0e+00;
	v1 =	vmov s24;
	s24 =	simm.s32 $0x4;
	[smem:$0x7FD] =	sst s0;
	s0 =	simm.s32 $0xA  }
.LBB2_23:
0x29: {  	[bflag:$0x0] =	sbarrier.arrive $0xFFFF  }
0x2a: {  	s6 =	simm.s32 @!p1 $0x480;
	s7 =	simm.s32 @!p1 $0xA;
	s10 =	rddreg [dreg:$0x4]  }
0x2b: {  	[tilespmem:s6], [sflag:$0xA] =	stream.linear.gather @!p1 [spmem:s10], $0x4000, $0x38;
	[tilespmem:$0x1FD00] =	vst v63  }
0x2c: {  	_ =	swait.ge @!p1 [sflag:s7], $0x4000  }
0x2d: {  	[sflag:s7] =	ssyncset.done @!p1 $0x0  }
0x2e: {  	s8 =	simm.s32 @!p1 $0x0;
	s3 =	rddreg [dreg:$0x9];
	[sflag:s7] =	ssyncadd.s32 @!p1 $0xFFFFC000  }
0x2f: {  	[hbm4b:s3+s8] =	stream.linear.scatter @!p1 [tilespmem:s6], [sflag:$0xA], $0x4000, $0x38;
	[tilespmem:$0x1FD00] =	vst v63  }
0x30: {  	_ =	swait.ge @!p1 [sflag:s7], $0x4000  }
0x31: {  	[sflag:s7] =	ssyncset.done @!p1 $0x0  }
0x32: {  	s9 =	simm.s32 @p0 $0x480;
	[sflag:s7] =	ssyncadd.s32 @!p1 $0xFFFFC000  }
0x33: {  	[tilespmem:s9], [sflag:$0xA] =	stream.linear.gather @p0 [spmem:s10], $0x4000, $0x38;
	[tilespmem:$0x1FD00] =	vst v63  }
0x34: {  	s10 =	simm.s32 @p0 $0xA  }
0x35: {  	_ =	swait.ge @p0 [sflag:s10], $0x4000  }
0x36: {  	[sflag:s10] =	ssyncset.done @p0 $0x0  }
0x37: {  	s26 =	simm.s32 @p0 $0x0;
	s3 =	rddreg [dreg:$0xa];
	[sflag:s10] =	ssyncadd.s32 @p0 $0xFFFFC000  }
0x38: {  	[hbm4b:s3+s26] =	stream.linear.scatter @p0 [tilespmem:s9], [sflag:$0xA], $0x4000, $0x38;
	[tilespmem:$0x1FD00] =	vst v63  }
0x39: {  	_ =	swait.ge @p0 [sflag:s10], $0x4000  }
0x3a: {  	[sflag:s10] =	ssyncset.done @p0 $0x0  }
0x3b: {  	s25 =	rddreg [dreg:$0x5];
	[sflag:s10] =	ssyncadd.s32 @p0 $0xFFFFC000  }
0x3c: {  	[tilespmem:s6], [sflag:$0xA] =	stream.linear.gather @!p1 [spmem:s25], $0x4000, $0x38;
	[tilespmem:$0x1FD00] =	vst v63  }
0x3d: {  	_ =	swait.ge @!p1 [sflag:s7], $0x4000  }
0x3e: {  	[sflag:s7] =	ssyncset.done @!p1 $0x0  }
0x3f: {  	s3 =	rddreg [dreg:$0xb];
	[sflag:s7] =	ssyncadd.s32 @!p1 $0xFFFFC000  }
0x40: {  	[hbm4b:s3+s8] =	stream.linear.scatter @!p1 [tilespmem:s6], [sflag:$0xA], $0x4000, $0x38;
	[tilespmem:$0x1FD00] =	vst v63  }
0x41: {  	_ =	swait.ge @!p1 [sflag:s7], $0x4000  }
0x42: {  	[sflag:s7] =	ssyncset.done @!p1 $0x0  }
0x43: {  	[sflag:s7] =	ssyncadd.s32 @!p1 $0xFFFFC000  }
0x44: {  	[tilespmem:s9], [sflag:$0xA] =	stream.linear.gather @p0 [spmem:s25], $0x4000, $0x38;
	[tilespmem:$0x1FD00] =	vst v63  }
0x45: {  	_ =	swait.ge @p0 [sflag:s10], $0x4000  }
0x46: {  	[sflag:s10] =	ssyncset.done @p0 $0x0  }
0x47: {  	s3 =	rddreg [dreg:$0xc];
	[sflag:s10] =	ssyncadd.s32 @p0 $0xFFFFC000  }
0x48: {  	[hbm4b:s3+s26] =	stream.linear.scatter @p0 [tilespmem:s9], [sflag:$0xA], $0x4000, $0x38;
	[tilespmem:$0x1FD00] =	vst v63  }
0x49: {  	_ =	swait.ge @p0 [sflag:s10], $0x4000  }
0x4a: {  	[sflag:s10] =	ssyncset.done @p0 $0x0  }
0x4b: {  	s25 =	rddreg [dreg:$0x6];
	[sflag:s10] =	ssyncadd.s32 @p0 $0xFFFFC000  }
0x4c: {  	[tilespmem:s6], [sflag:$0xA] =	stream.linear.gather @!p1 [spmem:s25], $0x4000, $0x38;
	[tilespmem:$0x1FD00] =	vst v63  }
0x4d: {  	_ =	swait.ge @!p1 [sflag:s7], $0x4000  }
0x4e: {  	[sflag:s7] =	ssyncset.done @!p1 $0x0  }
0x4f: {  	s3 =	rddreg [dreg:$0xd];
	[sflag:s7] =	ssyncadd.s32 @!p1 $0xFFFFC000  }
0x50: {  	[hbm4b:s3+s8] =	stream.linear.scatter @!p1 [tilespmem:s6], [sflag:$0xA], $0x4000, $0x38;
	[tilespmem:$0x1FD00] =	vst v63  }
0x51: {  	_ =	swait.ge @!p1 [sflag:s7], $0x4000  }
0x52: {  	[sflag:s7] =	ssyncset.done @!p1 $0x0  }
0x53: {  	[sflag:s7] =	ssyncadd.s32 @!p1 $0xFFFFC000  }
0x54: {  	[tilespmem:s9], [sflag:$0xA] =	stream.linear.gather @p0 [spmem:s25], $0x4000, $0x38;
	[tilespmem:$0x1FD00] =	vst v63  }
0x55: {  	_ =	swait.ge @p0 [sflag:s10], $0x4000  }
0x56: {  	[sflag:s10] =	ssyncset.done @p0 $0x0  }
0x57: {  	s3 =	rddreg [dreg:$0xe];
	[sflag:s10] =	ssyncadd.s32 @p0 $0xFFFFC000  }
0x58: {  	[hbm4b:s3+s26] =	stream.linear.scatter @p0 [tilespmem:s9], [sflag:$0xA], $0x4000, $0x38;
	[tilespmem:$0x1FD00] =	vst v63  }
0x59: {  	_ =	swait.ge @p0 [sflag:s10], $0x4000  }
0x5a: {  	[sflag:s10] =	ssyncset.done @p0 $0x0  }
0x5b: {  	s3 =	rddreg [dreg:$0x7];
	[sflag:s10] =	ssyncadd.s32 @p0 $0xFFFFC000  }
0x5c: {  	[tilespmem:s6], [sflag:$0xA] =	stream.linear.gather @!p1 [spmem:s3], $0x4000, $0x38;
	[tilespmem:$0x1FD00] =	vst v63  }
0x5d: {  	_ =	swait.ge @!p1 [sflag:s7], $0x4000  }
0x5e: {  	[sflag:s7] =	ssyncset.done @!p1 $0x0  }
0x5f: {  	s12 =	rddreg [dreg:$0xf];
	[sflag:s7] =	ssyncadd.s32 @!p1 $0xFFFFC000  }
0x60: {  	[hbm4b:s12+s8] =	stream.linear.scatter @!p1 [tilespmem:s6], [sflag:$0xA], $0x4000, $0x38;
	[tilespmem:$0x1FD00] =	vst v63  }
0x61: {  	_ =	swait.ge @!p1 [sflag:s7], $0x4000  }
0x62: {  	[sflag:s7] =	ssyncset.done @!p1 $0x0  }
0x63: {  	[sflag:s7] =	ssyncadd.s32 @!p1 $0xFFFFC000  }
0x64: {  	[tilespmem:s9], [sflag:$0xA] =	stream.linear.gather @p0 [spmem:s3], $0x4000, $0x38;
	[tilespmem:$0x1FD00] =	vst v63  }
0x65: {  	_ =	swait.ge @p0 [sflag:s10], $0x4000  }
0x66: {  	[sflag:s10] =	ssyncset.done @p0 $0x0  }
0x67: {  	s6 =	rddreg [dreg:$0x10];
	[sflag:s10] =	ssyncadd.s32 @p0 $0xFFFFC000  }
0x68: {  	[hbm4b:s6+s26] =	stream.linear.scatter @p0 [tilespmem:s9], [sflag:$0xA], $0x4000, $0x38;
	[tilespmem:$0x1FD00] =	vst v63  }
0x69: {  	_ =	swait.ge @p0 [sflag:s10], $0x4000  }
0x6a: {  	[sflag:s10] =	ssyncset.done @p0 $0x0  }
0x6b: {  	[sflag:s10] =	ssyncadd.s32 @p0 $0xFFFFC000;
	s10 =	sld [smem:$0x7FA];
	_ =	sdelay $0x2  }
0x6c: {  	p2 =	seq.s32 s10, $0x1  }
0x6d: {  	s10 =	rddreg [dreg:$0x8];
	s6 =	simm.s32 @p2 $0x480;
	s7 =	simm.s32 @p2 $0xA  }
0x6e: {  	[tilespmem:s6], [sflag:$0xA] =	stream.linear.gather @p2 [spmem:s10], $0x4000, $0x38;
	[tilespmem:$0x1FD00] =	vst v63  }
0x6f: {  	_ =	swait.ge @p2 [sflag:s7], $0x4000  }
0x70: {  	[sflag:s7] =	ssyncset.done @p2 $0x0  }
0x71: {  	s8 =	simm.s32 @p2 $0x0;
	s9 =	rddreg [dreg:$0x12];
	[sflag:s7] =	ssyncadd.s32 @p2 $0xFFFFC000  }
0x72: {  	[hbm4b:s9+s8] =	stream.linear.scatter @p2 [tilespmem:s6], [sflag:$0xA], $0x4000, $0x38;
	[tilespmem:$0x1FD00] =	vst v63  }
0x73: {  	_ =	swait.ge @p2 [sflag:s7], $0x4000  }
0x74: {  	[sflag:s7] =	ssyncset.done @p2 $0x0  }
0x75: {  	s6 =	simm.s32 @p3 $0x480;
	[sflag:s7] =	ssyncadd.s32 @p2 $0xFFFFC000;
	s7 =	simm.s32 @p3 $0xA  }
0x76: {  	[tilespmem:s6], [sflag:$0xA] =	stream.linear.gather @p3 [spmem:s10], $0x4000, $0x38;
	[tilespmem:$0x1FD00] =	vst v63  }
0x77: {  	_ =	swait.ge @p3 [sflag:s7], $0x4000  }
0x78: {  	[sflag:s7] =	ssyncset.done @p3 $0x0  }
0x79: {  	s8 =	simm.s32 @p3 $0x0;
	s9 =	rddreg [dreg:$0x11];
	[sflag:s7] =	ssyncadd.s32 @p3 $0xFFFFC000  }
0x7a: {  	[hbm4b:s9+s8] =	stream.linear.scatter @p3 [tilespmem:s6], [sflag:$0xA], $0x4000, $0x38;
	[tilespmem:$0x1FD00] =	vst v63  }
0x7b: {  	_ =	swait.ge @p3 [sflag:s7], $0x4000  }
0x7c: {  	s12 =	sld [smem:$0x7F9];
	_ =	sdelay $0x2  }
0x7d: {  	p4 =	seq.s32 s12, $0x1  }
0x7e: {  	[sflag:s7] =	ssyncset.done @p3 $0x0;
	p6 =	por !p4, !p4  }
0x7f: {  	[sflag:s7] =	ssyncadd.s32 @p3 $0xFFFFC000;
	p2 =	por p1, p6  }
0x80: {  	s12 =	rddreg [dreg:$0x16];
	s6 =	simm.s32 @!p2 $0x480;
	s7 =	simm.s32 @!p2 $0xA  }
0x81: {  	[tilespmem:s6], [sflag:$0xA] =	stream.linear.gather @!p2 [spmem:s12], $0x800, $0x38;
	[tilespmem:$0x1FD00] =	vst v63  }
0x82: {  	_ =	swait.ge @!p2 [sflag:s7], $0x800  }
0x83: {  	[sflag:s7] =	ssyncset.done @!p2 $0x0  }
0x84: {  	s8 =	simm.s32 @!p2 $0x0;
	s9 =	rddreg [dreg:$0x13];
	[sflag:s7] =	ssyncadd.s32 @!p2 $0xFFFFF800  }
0x85: {  	[hbm4b:s9+s8] =	stream.linear.scatter @!p2 [tilespmem:s6], [sflag:$0xA], $0x800, $0x38;
	[tilespmem:$0x1FD00] =	vst v63  }
0x86: {  	p4 =	por !p4, !p0;
	_ =	swait.ge @!p2 [sflag:s7], $0x800  }
0x87: {  	p4 =	por !p4, !p4;
	[sflag:s7] =	ssyncset.done @!p2 $0x0  }
0x88: {  	s6 =	simm.s32 @p4 $0x480;
	[sflag:s7] =	ssyncadd.s32 @!p2 $0xFFFFF800;
	s7 =	simm.s32 @p4 $0xA  }
0x89: {  	[tilespmem:s6], [sflag:$0xA] =	stream.linear.gather @p4 [spmem:s12], $0x800, $0x38;
	[tilespmem:$0x1FD00] =	vst v63  }
0x8a: {  	_ =	swait.ge @p4 [sflag:s7], $0x800  }
0x8b: {  	[sflag:s7] =	ssyncset.done @p4 $0x0  }
0x8c: {  	s8 =	simm.s32 @p4 $0x0;
	s9 =	rddreg [dreg:$0x14];
	[sflag:s7] =	ssyncadd.s32 @p4 $0xFFFFF800  }
0x8d: {  	[hbm4b:s9+s8] =	stream.linear.scatter @p4 [tilespmem:s6], [sflag:$0xA], $0x800, $0x38;
	[tilespmem:$0x1FD00] =	vst v63  }
0x8e: {  	_ =	swait.ge @p4 [sflag:s7], $0x800  }
0x8f: {  	s6 =	rddreg [dreg:$0x17]  }
0x90: {  	s9 =	rddreg [dreg:$0x15];
	s8 =	sadd.s32 $0x1, s6  }
0x91: {  	p2 =	sne.s32 s8, s9  }
.Ltmp1:
0x92: {  	_ = 	snop;
	(pc) =	sbr.rel @!p2 .LBB2_24-.Ltmp1, $3  }
0x93: {  	_ =	sdelay $0x1  }
0x94: {  	[sflag:s7] =	ssyncset.done @p4 $0x0  }
0x95: {  	s3 =	stileid.u32;
	s26 =	simm.s32 $0x300;
	[sflag:s7] =	ssyncadd.s32 @p4 $0xFFFFF800  }
.LBB2_1:
0x96: {  	s6 =	simm.s32 $0x0;
	s7 =	simm.s32 $0x200  }
.LBB2_2:
0x97: {  	p4 =	sne.s32 s7, $0xFE00;
	[tilespmem:s6+$0x4F0] =	vst v2  }
0x98: {  	[tilespmem:s6+$0x480] =	vst v2  }
0x99: {  	[tilespmem:s6+$0x490] =	vst v2  }
.Ltmp2:
0x9a: {  	[tilespmem:s6+$0x4A0] =	vst v2;
	(pc) =	sbr.rel @p4 .LBB2_2-.Ltmp2, $4  }
0x9b: {  	[tilespmem:s6+$0x4B0] =	vst v2  }
0x9c: {  	[tilespmem:s6+$0x4C0] =	vst v2  }
0x9d: {  	[tilespmem:s6+$0x4D0] =	vst v2  }
0x9e: {  	[tilespmem:s6+$0x4E0] =	vst v2;
	s6 =	sshra.s32 s7, $0x2;
	s7 =	sadd.s32 $0x200, s7  }
0x9f: {  	[tilespmem:s6+$0x4F0] =	vst v2  }
0xa0: {  	[tilespmem:s6+$0x480] =	vst v2  }
0xa1: {  	[tilespmem:s6+$0x490] =	vst v2  }
0xa2: {  	[tilespmem:s6+$0x4A0] =	vst v2  }
0xa3: {  	[tilespmem:s6+$0x4B0] =	vst v2  }
0xa4: {  	[tilespmem:s6+$0x4C0] =	vst v2  }
0xa5: {  	[dreg:$0x17] =	wrdreg s8;
	[tilespmem:s6+$0x4D0] =	vst v2  }
0xa6: {  	[tilespmem:s6+$0x4E0] =	vst v2;
	s9 =	rddreg [dreg:$0x4]  }
0xa7: {  	[spmem:s9] =	stream.linear.scatter [tilespmem:s31], [sflag:$0xA], $0x4000, $0x38;
	[tilespmem:$0x1FD00] =	vst v63  }
0xa8: {  	_ =	swait.ge [sflag:s0], $0x4000  }
0xa9: {  	[sflag:s0] =	ssyncset.done $0x0  }
0xaa: {  	s7 =	rddreg [dreg:$0x5];
	[sflag:s0] =	ssyncadd.s32 $0xFFFFC000  }
0xab: {  	[spmem:s7] =	stream.linear.scatter [tilespmem:s31], [sflag:$0xA], $0x4000, $0x38;
	[tilespmem:$0x1FD00] =	vst v63  }
0xac: {  	_ =	swait.ge [sflag:s0], $0x4000  }
0xad: {  	[sflag:s0] =	ssyncset.done $0x0  }
0xae: {  	[sflag:s0] =	ssyncadd.s32 $0xFFFFC000  }
0xaf: {  	[spmem:s25] =	stream.linear.scatter [tilespmem:s31], [sflag:$0xA], $0x4000, $0x38;
	[tilespmem:$0x1FD00] =	vst v63  }
0xb0: {  	_ =	swait.ge [sflag:s0], $0x4000  }
0xb1: {  	[sflag:s0] =	ssyncset.done $0x0  }
0xb2: {  	s8 =	rddreg [dreg:$0x7];
	[sflag:s0] =	ssyncadd.s32 $0xFFFFC000  }
0xb3: {  	[spmem:s8] =	stream.linear.scatter [tilespmem:s31], [sflag:$0xA], $0x4000, $0x38;
	[tilespmem:$0x1FD00] =	vst v63  }
0xb4: {  	_ =	swait.ge [sflag:s0], $0x4000  }
0xb5: {  	s9 =	sld [smem:$0x7FB];
	_ =	sdelay $0x2  }
0xb6: {  	[sflag:s0] =	ssyncset.done $0x0;
	p5 =	seq.s32 s9, $0x1  }
0xb7: {  	[sflag:s0] =	ssyncadd.s32 $0xFFFFC000;
	s6 =	simm.s32 @!p5 $0x480  }
0xb8: {  	[spmem:s12] =	stream.linear.scatter @!p5 [tilespmem:s6], [sflag:$0xA], $0x800, $0x38;
	[tilespmem:$0x1FD00] =	vst v63  }
0xb9: {  	s6 =	simm.s32 @!p5 $0xA  }
0xba: {  	_ =	swait.ge @!p5 [sflag:s6], $0x800  }
0xbb: {  	s25 =	sld [smem:$0x7FC];
	_ =	sdelay $0x2  }
0xbc: {  	[sflag:s6] =	ssyncset.done @!p5 $0x0;
	p2 =	seq.s32 s25, $0x1  }
0xbd: {  	[sflag:s6] =	ssyncadd.s32 @!p5 $0xFFFFF800;
	s6 =	simm.s32 @!p2 $0x480  }
0xbe: {  	[spmem:s10] =	stream.linear.scatter @!p2 [tilespmem:s6], [sflag:$0xA], $0x4000, $0x38;
	[tilespmem:$0x1FD00] =	vst v63  }
0xbf: {  	s6 =	simm.s32 @!p2 $0xA  }
0xc0: {  	_ =	swait.ge @!p2 [sflag:s6], $0x4000  }
0xc1: {  	s7 =	sld [smem:$0x7FD];
	_ =	sdelay $0x2  }
0xc2: {  	p6 =	por @!p5 $0x1, $0x1;
	p4 =	por @p2 $0x0, $0x0;
	p5 =	seq.s32 s7, $0x1  }
0xc3: {  	p6 =	por @!p5 p4, p4;
	p4 =	por @!p2 $0x0, $0x0  }
0xc4: {  	[sflag:s6] =	ssyncset.done @!p2 $0x0;
	p6 =	por @!p2 p4, p4  }
.Ltmp3:
0xc5: {  	[sflag:s6] =	ssyncadd.s32 @!p2 $0xFFFFC000;
	s6 =	simm.s32 @!p6 $0x0;
	(pc) =	sbr.rel .LBB2_4-.Ltmp3, $4  }
0xc6: {  	s6 =	simm.s32 @p6 $0x1  }
0xc7: {  	[smem:$0x7F9] =	sst s6  }
0xc8: {  	[bflag:$0x0] =	sbarrier.arrive $0xFFFF  }
0xc9: {  	s6 =	simm.s32 $0x0  }
.LBB2_22:
0xca: {  	s6 =	sadd.s32 $0x1, s6  }
0xcb: {  	p2 =	sne.s32 s6, $0x1C  }
.Ltmp4:
0xcc: {  	_ = 	snop;
	(pc) =	sbr.rel @!p2 .LBB2_23-.Ltmp4, $1  }
0xcd: {  	_ =	sdelay $0x3  }
.LBB2_4:
0xce: {  	s7 =	smul.u32 $0x3, s6  }
0xcf: {  	p6 =	seq.s32 s6, $0x0  }
0xd0: {  	p4 =	sge.u32 @!p6 s7, s28;
	p5 =	sge.u32 s7, s11  }
.Ltmp5:
0xd1: {  	p4 =	por p4, p6;
	(pc) =	sbr.rel @p5 .LBB2_6-.Ltmp5, $4  }
0xd2: {  	s8 =	simm.s32 @!p4 $0x7  }
0xd3: {  	_ =	swait.ge @!p4 [sflag:s8], $0x4000  }
0xd4: {  	[sflag:s8] =	ssyncset.done @!p4 $0x0  }
0xd5: {  	[sflag:s8] =	ssyncadd.s32 @!p4 $0xFFFFC000  }
0xd6: {  	s8 =	smul.u32 $0x30, s6;
	_ =	sdelay $0x1  }
0xd7: {  	s8 =	sor.u32 s3, s8  }
0xd8: {  	s8 =	sshll.u32 s8, $0x4  }
0xd9: {  	s9 =	sadd.s32 s5, s8  }
0xda: {  	[tilespmem:s2], [sflag:$0xA] =	stream.linear.gather [hbm4b:s9+s2], $0x80, $0x38;
	[tilespmem:$0x1FD00] =	vst v63  }
0xdb: {  	_ =	swait.ge [sflag:s0], $0x80  }
0xdc: {  	[sflag:s0] =	ssyncset.done $0x0  }
0xdd: {  	s8 =	sadd.s32 s23, s8;
	[sflag:s0] =	ssyncadd.s32 $0xFFFFFF80  }
0xde: {  	[tilespmem:s26], [sflag:$0xA] =	stream.linear.gather [hbm4b:s8+s2], $0x80, $0x38;
	[tilespmem:$0x1FD00] =	vst v63  }
0xdf: {  	_ =	swait.ge [sflag:s0], $0x80  }
0xe0: {  	[sflag:s0] =	ssyncset.done $0x0  }
0xe1: {  	[sflag:s0] =	ssyncadd.s32 $0xFFFFFF80  }
0xe2: {  	v3 =	vld [tilespmem:$0x0]  }
0xe3: {  	v4 =	vld [tilespmem:$0x300]  }
0xe4: {  	v5 =	vld [tilespmem:$0x10]  }
0xe5: {  	v6 =	vld [tilespmem:$0x310]  }
0xe6: {  	v7 =	vld [tilespmem:$0x20]  }
0xe7: {  	v8 =	vld [tilespmem:$0x320];
	v3 =	vadd.s32 v0, v3  }
0xe8: {  	v54 =	vld [tilespmem:$0x30];
	[tilespmem:$0x0] =	vst v3;
	v3 =	vadd.s32 v1, v4  }
0xe9: {  	v55 =	vld [tilespmem:$0x330];
	[tilespmem:$0x180] =	vst v3;
	v3 =	vadd.s32 v0, v5  }
0xea: {  	v56 =	vld [tilespmem:$0x40];
	[tilespmem:$0x10] =	vst v3;
	v3 =	vadd.s32 v1, v6  }
0xeb: {  	v57 =	vld [tilespmem:$0x340];
	[tilespmem:$0x190] =	vst v3;
	v3 =	vadd.s32 v0, v7  }
0xec: {  	v58 =	vld [tilespmem:$0x50];
	[tilespmem:$0x20] =	vst v3;
	v3 =	vadd.s32 v1, v8  }
0xed: {  	v59 =	vld [tilespmem:$0x350];
	[tilespmem:$0x1A0] =	vst v3;
	v3 =	vadd.s32 v0, v54  }
0xee: {  	v60 =	vld [tilespmem:$0x60];
	[tilespmem:$0x30] =	vst v3;
	v3 =	vadd.s32 v1, v55  }
0xef: {  	v61 =	vld [tilespmem:$0x360];
	[tilespmem:$0x1B0] =	vst v3;
	v3 =	vadd.s32 v0, v56  }
0xf0: {  	v62 =	vld [tilespmem:$0x70];
	[tilespmem:$0x40] =	vst v3;
	v3 =	vadd.s32 v1, v57  }
0xf1: {  	v63 =	vld [tilespmem:$0x370];
	[tilespmem:$0x1C0] =	vst v3;
	v3 =	vadd.s32 v0, v58  }
0xf2: {  	[tilespmem:$0x50] =	vst v3;
	v3 =	vadd.s32 v1, v59  }
0xf3: {  	[tilespmem:$0x1D0] =	vst v3;
	v3 =	vadd.s32 v0, v60  }
0xf4: {  	[tilespmem:$0x60] =	vst v3;
	v3 =	vadd.s32 v1, v61  }
0xf5: {  	[tilespmem:$0x1E0] =	vst v3;
	v3 =	vadd.s32 v0, v62  }
0xf6: {  	[tilespmem:$0x70] =	vst v3;
	v3 =	vadd.s32 v1, v63  }
0xf7: {  	[tilespmem:$0x1F0] =	vst v3  }
0xf8: {  	[tilespmem:s31], [sflag:$0x1] =	stream.indirect.gather [hbm4b:s4+s13], $0x80, s2, s13, $0xb8;
	[tilespmem:$0x1FD00] =	vst v63  }
.LBB2_6:
0xf9: {  	p4 =	sne.s32 s6, $0x0;
	p2 =	sle.u32 s7, s11  }
0xfa: {  	p2 =	por !p4, !p2  }
0xfb: {  	p4 =	por !p2, !p2;
	p2 =	sge.u32 @!p6 s7, s29  }
0xfc: {  	p2 =	por p6, p2  }
.Ltmp6:
0xfd: {  	s8 =	simm.s32 @p4 $0x3;
	(pc) =	sbr.rel @p2 .LBB2_10-.Ltmp6, $4  }
0xfe: {  	_ =	swait.ge @p4 [sflag:s8], $0x4000  }
0xff: {  	s9 =	simm.s32 @p4 $0x280;
	[sflag:s8] =	ssyncset.done @p4 $0x0  }
0x100: {  	s10 =	simm.s32 @p4 $0x8480;
	[sflag:s8] =	ssyncadd.s32 @p4 $0xFFFFC000;
	s8 =	simm.s32 @p4 $0x80  }
0x101: {  	[tilespmem:s10], [sflag:$0x6] =	stream.indirect.gather.add.f32 @p4 [hbm:s4], $0x80, s9, s8, $0xb8;
	[tilespmem:$0x1FD00] =	vst v63  }
0x102: {  	_ =	swait.ge [sflag:s14], $0x4000  }
0x103: {  	[sflag:s14] =	ssyncset.done $0x0  }
0x104: {  	s8 =	simm.s32 $0x0;
	[sflag:s14] =	ssyncadd.s32 $0xFFFFC000  }
0x105: {  	v3 =	vld [tilespmem:s8+$0x4480]  }
0x106: {  	v4 =	vld [tilespmem:s8+$0x4490]  }
0x107: {  	v5 =	vld [tilespmem:s8+$0x44A0]  }
0x108: {  	v6 =	vld [tilespmem:s8+$0x44B0]  }
0x109: {  	v7 =	vld [tilespmem:s8+$0x44C0]  }
0x10a: {  	v8 =	vld [tilespmem:s8+$0x44D0];
	v3 =	vmax.f32 v3, $0.0e+00  }
0x10b: {  	[tilespmem:s8+$0x4480] =	vst v3;
	v3 =	vmax.f32 v4, $0.0e+00;
	v4 =	vld [tilespmem:s8+$0x44E0]  }
0x10c: {  	[tilespmem:s8+$0x4490] =	vst v3;
	v3 =	vmax.f32 v5, $0.0e+00;
	v5 =	vld [tilespmem:s8+$0x44F0]  }
0x10d: {  	[tilespmem:s8+$0x44A0] =	vst v3;
	v3 =	vmax.f32 v6, $0.0e+00;
	v6 =	vld [tilespmem:s8+$0x4500]  }
0x10e: {  	[tilespmem:s8+$0x44B0] =	vst v3;
	v3 =	vmax.f32 v7, $0.0e+00;
	v7 =	vld [tilespmem:s8+$0x4510]  }
0x10f: {  	[tilespmem:s8+$0x44C0] =	vst v3;
	v3 =	vmax.f32 v8, $0.0e+00;
	v8 =	vld [tilespmem:s8+$0x4520]  }
0x110: {  	[tilespmem:s8+$0x44D0] =	vst v3;
	v3 =	vmax.f32 v4, $0.0e+00;
	v4 =	vld [tilespmem:s8+$0x4530]  }
0x111: {  	[tilespmem:s8+$0x44E0] =	vst v3;
	v3 =	vmax.f32 v5, $0.0e+00;
	v5 =	vld [tilespmem:s8+$0x4540]  }
0x112: {  	[tilespmem:s8+$0x44F0] =	vst v3;
	v3 =	vmax.f32 v6, $0.0e+00;
	v6 =	vld [tilespmem:s8+$0x4550]  }
0x113: {  	[tilespmem:s8+$0x4500] =	vst v3;
	v3 =	vmax.f32 v7, $0.0e+00;
	v7 =	vld [tilespmem:s8+$0x4560]  }
0x114: {  	[tilespmem:s8+$0x4510] =	vst v3;
	v3 =	vmax.f32 v8, $0.0e+00;
	v8 =	vld [tilespmem:s8+$0x4570]  }
0x115: {  	[tilespmem:s8+$0x4520] =	vst v3;
	v3 =	vmax.f32 v4, $0.0e+00;
	v4 =	vld [tilespmem:s8+$0x4580]  }
0x116: {  	[tilespmem:s8+$0x4530] =	vst v3;
	v3 =	vmax.f32 v5, $0.0e+00;
	v5 =	vld [tilespmem:s8+$0x4590]  }
0x117: {  	[tilespmem:s8+$0x4540] =	vst v3;
	v3 =	vmax.f32 v6, $0.0e+00;
	v6 =	vld [tilespmem:s8+$0x45A0]  }
0x118: {  	[tilespmem:s8+$0x4550] =	vst v3;
	v3 =	vmax.f32 v7, $0.0e+00;
	v7 =	vld [tilespmem:s8+$0x45B0]  }
0x119: {  	[tilespmem:s8+$0x4560] =	vst v3;
	v3 =	vmax.f32 v8, $0.0e+00;
	v8 =	vld [tilespmem:s8+$0x45C0]  }
0x11a: {  	[tilespmem:s8+$0x4570] =	vst v3;
	v3 =	vmax.f32 v4, $0.0e+00;
	v4 =	vld [tilespmem:s8+$0x45D0]  }
0x11b: {  	[tilespmem:s8+$0x4580] =	vst v3;
	v3 =	vmax.f32 v5, $0.0e+00;
	v5 =	vld [tilespmem:s8+$0x45E0]  }
0x11c: {  	[tilespmem:s8+$0x4590] =	vst v3;
	v3 =	vmax.f32 v6, $0.0e+00;
	v6 =	vld [tilespmem:s8+$0x45F0]  }
0x11d: {  	[tilespmem:s8+$0x45A0] =	vst v3;
	v3 =	vmax.f32 v7, $0.0e+00;
	v7 =	vld [tilespmem:s8+$0x4600]  }
0x11e: {  	[tilespmem:s8+$0x45B0] =	vst v3;
	v3 =	vmax.f32 v8, $0.0e+00;
	v8 =	vld [tilespmem:s8+$0x4610]  }
0x11f: {  	[tilespmem:s8+$0x45C0] =	vst v3;
	v3 =	vmax.f32 v4, $0.0e+00;
	v4 =	vld [tilespmem:s8+$0x4620]  }
0x120: {  	[tilespmem:s8+$0x45D0] =	vst v3;
	v5 =	vmax.f32 v5, $0.0e+00;
	v3 =	vld [tilespmem:s8+$0x4630]  }
0x121: {  	[tilespmem:s8+$0x45E0] =	vst v5;
	v6 =	vmax.f32 v6, $0.0e+00;
	v5 =	vld [tilespmem:s8+$0x4640]  }
0x122: {  	[tilespmem:s8+$0x45F0] =	vst v6;
	v7 =	vmax.f32 v7, $0.0e+00;
	v6 =	vld [tilespmem:s8+$0x4650]  }
0x123: {  	s9 =	simm.s32 $0x800;
	[tilespmem:s8+$0x4600] =	vst v7;
	v8 =	vmax.f32 v8, $0.0e+00;
	v7 =	vld [tilespmem:s8+$0x4660]  }
.LBB2_8:
0x124: {  	s10 =	sshra.s32 s9, $0x2;
	p6 =	sne.s32 s9, $0xF800;
	[tilespmem:s8+$0x4610] =	vst v8;
	v4 =	vmax.f32 v4, $0.0e+00;
	v8 =	vld [tilespmem:s8+$0x4670]  }
0x125: {  	v9 =	vld [tilespmem:s10+$0x4480];
	[tilespmem:s8+$0x4620] =	vst v4;
	v3 =	vmax.f32 v3, $0.0e+00  }
0x126: {  	v4 =	vld [tilespmem:s10+$0x4490];
	[tilespmem:s8+$0x4630] =	vst v3;
	v3 =	vmax.f32 v5, $0.0e+00  }
0x127: {  	v5 =	vld [tilespmem:s10+$0x44A0];
	[tilespmem:s8+$0x4640] =	vst v3;
	v3 =	vmax.f32 v6, $0.0e+00  }
0x128: {  	v6 =	vld [tilespmem:s10+$0x44B0];
	[tilespmem:s8+$0x4650] =	vst v3;
	v3 =	vmax.f32 v7, $0.0e+00  }
0x129: {  	v7 =	vld [tilespmem:s10+$0x44C0];
	[tilespmem:s8+$0x4660] =	vst v3;
	v3 =	vmax.f32 v8, $0.0e+00  }
0x12a: {  	v8 =	vmax.f32 v9, $0.0e+00;
	v9 =	vld [tilespmem:s10+$0x44D0];
	[tilespmem:s8+$0x4670] =	vst v3;
	s8 =	smov.u32 s10  }
0x12b: {  	[tilespmem:s8+$0x4480] =	vst v8;
	v3 =	vmax.f32 v4, $0.0e+00;
	v4 =	vld [tilespmem:s8+$0x44E0]  }
0x12c: {  	[tilespmem:s8+$0x4490] =	vst v3;
	v3 =	vmax.f32 v5, $0.0e+00;
	v5 =	vld [tilespmem:s8+$0x44F0]  }
0x12d: {  	[tilespmem:s8+$0x44A0] =	vst v3;
	v3 =	vmax.f32 v6, $0.0e+00;
	v6 =	vld [tilespmem:s8+$0x4500]  }
0x12e: {  	[tilespmem:s8+$0x44B0] =	vst v3;
	v3 =	vmax.f32 v7, $0.0e+00;
	v7 =	vld [tilespmem:s8+$0x4510]  }
0x12f: {  	[tilespmem:s8+$0x44C0] =	vst v3;
	v3 =	vmax.f32 v9, $0.0e+00;
	v8 =	vld [tilespmem:s8+$0x4520]  }
0x130: {  	[tilespmem:s8+$0x44D0] =	vst v3;
	v3 =	vmax.f32 v4, $0.0e+00;
	v4 =	vld [tilespmem:s8+$0x4530]  }
0x131: {  	[tilespmem:s8+$0x44E0] =	vst v3;
	v3 =	vmax.f32 v5, $0.0e+00;
	v5 =	vld [tilespmem:s8+$0x4540]  }
0x132: {  	[tilespmem:s8+$0x44F0] =	vst v3;
	v3 =	vmax.f32 v6, $0.0e+00;
	v6 =	vld [tilespmem:s8+$0x4550]  }
0x133: {  	[tilespmem:s8+$0x4500] =	vst v3;
	v3 =	vmax.f32 v7, $0.0e+00;
	v7 =	vld [tilespmem:s8+$0x4560]  }
0x134: {  	[tilespmem:s8+$0x4510] =	vst v3;
	v3 =	vmax.f32 v8, $0.0e+00;
	v8 =	vld [tilespmem:s8+$0x4570]  }
0x135: {  	[tilespmem:s8+$0x4520] =	vst v3;
	v3 =	vmax.f32 v4, $0.0e+00;
	v4 =	vld [tilespmem:s8+$0x4580]  }
0x136: {  	[tilespmem:s8+$0x4530] =	vst v3;
	v3 =	vmax.f32 v5, $0.0e+00;
	v5 =	vld [tilespmem:s8+$0x4590]  }
0x137: {  	[tilespmem:s8+$0x4540] =	vst v3;
	v3 =	vmax.f32 v6, $0.0e+00;
	v6 =	vld [tilespmem:s8+$0x45A0]  }
0x138: {  	[tilespmem:s8+$0x4550] =	vst v3;
	v3 =	vmax.f32 v7, $0.0e+00;
	v7 =	vld [tilespmem:s8+$0x45B0]  }
0x139: {  	[tilespmem:s8+$0x4560] =	vst v3;
	v3 =	vmax.f32 v8, $0.0e+00;
	v8 =	vld [tilespmem:s8+$0x45C0]  }
0x13a: {  	[tilespmem:s8+$0x4570] =	vst v3;
	v3 =	vmax.f32 v4, $0.0e+00;
	v4 =	vld [tilespmem:s8+$0x45D0]  }
0x13b: {  	[tilespmem:s8+$0x4580] =	vst v3;
	v3 =	vmax.f32 v5, $0.0e+00;
	v5 =	vld [tilespmem:s8+$0x45E0]  }
0x13c: {  	[tilespmem:s8+$0x4590] =	vst v3;
	v3 =	vmax.f32 v6, $0.0e+00;
	v6 =	vld [tilespmem:s8+$0x45F0]  }
0x13d: {  	[tilespmem:s8+$0x45A0] =	vst v3;
	v3 =	vmax.f32 v7, $0.0e+00;
	v7 =	vld [tilespmem:s8+$0x4600]  }
0x13e: {  	[tilespmem:s8+$0x45B0] =	vst v3;
	v3 =	vmax.f32 v8, $0.0e+00;
	v8 =	vld [tilespmem:s8+$0x4610]  }
.Ltmp7:
0x13f: {  	[tilespmem:s8+$0x45C0] =	vst v3;
	v3 =	vmax.f32 v4, $0.0e+00;
	v4 =	vld [tilespmem:s8+$0x4620];
	(pc) =	sbr.rel @p6 .LBB2_8-.Ltmp7, $4  }
0x140: {  	[tilespmem:s8+$0x45D0] =	vst v3;
	v5 =	vmax.f32 v5, $0.0e+00;
	v3 =	vld [tilespmem:s8+$0x4630]  }
0x141: {  	[tilespmem:s8+$0x45E0] =	vst v5;
	v6 =	vmax.f32 v6, $0.0e+00;
	v5 =	vld [tilespmem:s8+$0x4640]  }
0x142: {  	[tilespmem:s8+$0x45F0] =	vst v6;
	v7 =	vmax.f32 v7, $0.0e+00;
	v6 =	vld [tilespmem:s8+$0x4650]  }
0x143: {  	s9 =	sadd.s32 $0x800, s9;
	[tilespmem:s8+$0x4600] =	vst v7;
	v8 =	vmax.f32 v8, $0.0e+00;
	v7 =	vld [tilespmem:s8+$0x4660]  }
0x144: {  	[tilespmem:s8+$0x4610] =	vst v8;
	v4 =	vmax.f32 v4, $0.0e+00;
	v63 =	vld [tilespmem:s8+$0x4670]  }
0x145: {  	[tilespmem:s8+$0x4620] =	vst v4;
	v3 =	vmax.f32 v3, $0.0e+00  }
0x146: {  	[tilespmem:s8+$0x4630] =	vst v3;
	v3 =	vmax.f32 v5, $0.0e+00  }
0x147: {  	[tilespmem:s8+$0x4640] =	vst v3;
	v3 =	vmax.f32 v6, $0.0e+00  }
0x148: {  	[tilespmem:s8+$0x4650] =	vst v3;
	v3 =	vmax.f32 v7, $0.0e+00  }
0x149: {  	[tilespmem:s8+$0x4660] =	vst v3;
	v3 =	vmax.f32 v63, $0.0e+00  }
0x14a: {  	[tilespmem:s8+$0x4670] =	vst v3  }
0x14b: {  	[spmem:s1] =	stream.indirect.scatter.add.f32 [tilespmem:s16], [sflag:$0x8], $0x80, s15, s13, $0xb8;
	[tilespmem:$0x1FD00] =	vst v63  }
0x14c: {  	_ =	swait.ge [sflag:s17], $0x4000  }
0x14d: {  	[sflag:s17] =	ssyncset.done $0x0  }
0x14e: {  	[sflag:s17] =	ssyncadd.s32 $0xFFFFC000  }
.LBB2_10:
0x14f: {  	s8 =	sadd.s32 $0x1, s7  }
0x150: {  	p6 =	sge.u32 s8, s11  }
.Ltmp8:
0x151: {  	_ = 	snop;
	(pc) =	sbr.rel @p6 .LBB2_12-.Ltmp8, $1  }
0x152: {  	_ =	sdelay $0x3  }
0x153: {  	s8 =	sshll.u32 s8, $0x8  }
0x154: {  	s8 =	sor.u32 s30, s8  }
0x155: {  	s9 =	sadd.s32 s5, s8  }
0x156: {  	[tilespmem:s13], [sflag:$0xA] =	stream.linear.gather [hbm4b:s9+s2], $0x80, $0x38;
	[tilespmem:$0x1FD00] =	vst v63  }
0x157: {  	_ =	swait.ge [sflag:s0], $0x80  }
0x158: {  	[sflag:s0] =	ssyncset.done $0x0  }
0x159: {  	s8 =	sadd.s32 s23, s8;
	[sflag:s0] =	ssyncadd.s32 $0xFFFFFF80  }
0x15a: {  	[tilespmem:s15], [sflag:$0xA] =	stream.linear.gather [hbm4b:s8+s2], $0x80, $0x38;
	[tilespmem:$0x1FD00] =	vst v63  }
0x15b: {  	_ =	swait.ge [sflag:s0], $0x80  }
0x15c: {  	[sflag:s0] =	ssyncset.done $0x0  }
0x15d: {  	[sflag:s0] =	ssyncadd.s32 $0xFFFFFF80  }
0x15e: {  	v3 =	vld [tilespmem:$0x80]  }
0x15f: {  	v4 =	vld [tilespmem:$0x380]  }
0x160: {  	v5 =	vld [tilespmem:$0x90]  }
0x161: {  	v6 =	vld [tilespmem:$0x390]  }
0x162: {  	v7 =	vld [tilespmem:$0xA0]  }
0x163: {  	v8 =	vld [tilespmem:$0x3A0];
	v3 =	vadd.s32 v0, v3  }
0x164: {  	v54 =	vld [tilespmem:$0xB0];
	[tilespmem:$0x80] =	vst v3;
	v3 =	vadd.s32 v1, v4  }
0x165: {  	v55 =	vld [tilespmem:$0x3B0];
	[tilespmem:$0x200] =	vst v3;
	v3 =	vadd.s32 v0, v5  }
0x166: {  	v56 =	vld [tilespmem:$0xC0];
	[tilespmem:$0x90] =	vst v3;
	v3 =	vadd.s32 v1, v6  }
0x167: {  	v57 =	vld [tilespmem:$0x3C0];
	[tilespmem:$0x210] =	vst v3;
	v3 =	vadd.s32 v0, v7  }
0x168: {  	v58 =	vld [tilespmem:$0xD0];
	[tilespmem:$0xA0] =	vst v3;
	v3 =	vadd.s32 v1, v8  }
0x169: {  	v59 =	vld [tilespmem:$0x3D0];
	[tilespmem:$0x220] =	vst v3;
	v3 =	vadd.s32 v0, v54  }
0x16a: {  	v60 =	vld [tilespmem:$0xE0];
	[tilespmem:$0xB0] =	vst v3;
	v3 =	vadd.s32 v1, v55  }
0x16b: {  	v61 =	vld [tilespmem:$0x3E0];
	[tilespmem:$0x230] =	vst v3;
	v3 =	vadd.s32 v0, v56  }
0x16c: {  	v62 =	vld [tilespmem:$0xF0];
	[tilespmem:$0xC0] =	vst v3;
	v3 =	vadd.s32 v1, v57  }
0x16d: {  	v63 =	vld [tilespmem:$0x3F0];
	[tilespmem:$0x240] =	vst v3;
	v3 =	vadd.s32 v0, v58  }
0x16e: {  	[tilespmem:$0xD0] =	vst v3;
	v3 =	vadd.s32 v1, v59  }
0x16f: {  	[tilespmem:$0x250] =	vst v3;
	v3 =	vadd.s32 v0, v60  }
0x170: {  	[tilespmem:$0xE0] =	vst v3;
	v3 =	vadd.s32 v1, v61  }
0x171: {  	[tilespmem:$0x260] =	vst v3;
	v3 =	vadd.s32 v0, v62  }
0x172: {  	[tilespmem:$0xF0] =	vst v3;
	v3 =	vadd.s32 v1, v63  }
0x173: {  	[tilespmem:$0x270] =	vst v3  }
0x174: {  	[tilespmem:s16], [sflag:$0x2] =	stream.indirect.gather [hbm4b:s4+s13], $0x80, s13, s13, $0xb8;
	[tilespmem:$0x1FD00] =	vst v63  }
.LBB2_12:
.Ltmp9:
0x175: {  	s8 =	simm.s32 @!p5 $0x1;
	(pc) =	sbr.rel @!p4 .LBB2_16-.Ltmp9, $4  }
0x176: {  	_ =	swait.ge @!p5 [sflag:s8], $0x4000  }
0x177: {  	s9 =	simm.s32 @!p5 $0x180;
	[sflag:s8] =	ssyncset.done @!p5 $0x0  }
0x178: {  	s10 =	simm.s32 @!p5 $0x480;
	[sflag:s8] =	ssyncadd.s32 @!p5 $0xFFFFC000;
	s8 =	simm.s32 @!p5 $0x80  }
0x179: {  	[tilespmem:s10], [sflag:$0x4] =	stream.indirect.gather.add.f32 @!p5 [hbm:s4], $0x80, s9, s8, $0xb8;
	[tilespmem:$0x1FD00] =	vst v63  }
0x17a: {  	_ =	swait.ge [sflag:s18], $0x4000  }
0x17b: {  	[sflag:s18] =	ssyncset.done $0x0  }
0x17c: {  	s8 =	simm.s32 $0x0;
	[sflag:s18] =	ssyncadd.s32 $0xFFFFC000  }
0x17d: {  	v3 =	vld [tilespmem:s8+$0x8480]  }
0x17e: {  	v4 =	vld [tilespmem:s8+$0x8490]  }
0x17f: {  	v5 =	vld [tilespmem:s8+$0x84A0]  }
0x180: {  	v6 =	vld [tilespmem:s8+$0x84B0]  }
0x181: {  	v7 =	vld [tilespmem:s8+$0x84C0]  }
0x182: {  	v8 =	vld [tilespmem:s8+$0x84D0];
	v3 =	vmax.f32 v3, $0.0e+00  }
0x183: {  	[tilespmem:s8+$0x8480] =	vst v3;
	v3 =	vmax.f32 v4, $0.0e+00;
	v4 =	vld [tilespmem:s8+$0x84E0]  }
0x184: {  	[tilespmem:s8+$0x8490] =	vst v3;
	v3 =	vmax.f32 v5, $0.0e+00;
	v5 =	vld [tilespmem:s8+$0x84F0]  }
0x185: {  	[tilespmem:s8+$0x84A0] =	vst v3;
	v3 =	vmax.f32 v6, $0.0e+00;
	v6 =	vld [tilespmem:s8+$0x8500]  }
0x186: {  	[tilespmem:s8+$0x84B0] =	vst v3;
	v3 =	vmax.f32 v7, $0.0e+00;
	v7 =	vld [tilespmem:s8+$0x8510]  }
0x187: {  	[tilespmem:s8+$0x84C0] =	vst v3;
	v3 =	vmax.f32 v8, $0.0e+00;
	v8 =	vld [tilespmem:s8+$0x8520]  }
0x188: {  	[tilespmem:s8+$0x84D0] =	vst v3;
	v3 =	vmax.f32 v4, $0.0e+00;
	v4 =	vld [tilespmem:s8+$0x8530]  }
0x189: {  	[tilespmem:s8+$0x84E0] =	vst v3;
	v3 =	vmax.f32 v5, $0.0e+00;
	v5 =	vld [tilespmem:s8+$0x8540]  }
0x18a: {  	[tilespmem:s8+$0x84F0] =	vst v3;
	v3 =	vmax.f32 v6, $0.0e+00;
	v6 =	vld [tilespmem:s8+$0x8550]  }
0x18b: {  	[tilespmem:s8+$0x8500] =	vst v3;
	v3 =	vmax.f32 v7, $0.0e+00;
	v7 =	vld [tilespmem:s8+$0x8560]  }
0x18c: {  	[tilespmem:s8+$0x8510] =	vst v3;
	v3 =	vmax.f32 v8, $0.0e+00;
	v8 =	vld [tilespmem:s8+$0x8570]  }
0x18d: {  	[tilespmem:s8+$0x8520] =	vst v3;
	v3 =	vmax.f32 v4, $0.0e+00;
	v4 =	vld [tilespmem:s8+$0x8580]  }
0x18e: {  	[tilespmem:s8+$0x8530] =	vst v3;
	v3 =	vmax.f32 v5, $0.0e+00;
	v5 =	vld [tilespmem:s8+$0x8590]  }
0x18f: {  	[tilespmem:s8+$0x8540] =	vst v3;
	v3 =	vmax.f32 v6, $0.0e+00;
	v6 =	vld [tilespmem:s8+$0x85A0]  }
0x190: {  	[tilespmem:s8+$0x8550] =	vst v3;
	v3 =	vmax.f32 v7, $0.0e+00;
	v7 =	vld [tilespmem:s8+$0x85B0]  }
0x191: {  	[tilespmem:s8+$0x8560] =	vst v3;
	v3 =	vmax.f32 v8, $0.0e+00;
	v8 =	vld [tilespmem:s8+$0x85C0]  }
0x192: {  	[tilespmem:s8+$0x8570] =	vst v3;
	v3 =	vmax.f32 v4, $0.0e+00;
	v4 =	vld [tilespmem:s8+$0x85D0]  }
0x193: {  	[tilespmem:s8+$0x8580] =	vst v3;
	v3 =	vmax.f32 v5, $0.0e+00;
	v5 =	vld [tilespmem:s8+$0x85E0]  }
0x194: {  	[tilespmem:s8+$0x8590] =	vst v3;
	v3 =	vmax.f32 v6, $0.0e+00;
	v6 =	vld [tilespmem:s8+$0x85F0]  }
0x195: {  	[tilespmem:s8+$0x85A0] =	vst v3;
	v3 =	vmax.f32 v7, $0.0e+00;
	v7 =	vld [tilespmem:s8+$0x8600]  }
0x196: {  	[tilespmem:s8+$0x85B0] =	vst v3;
	v3 =	vmax.f32 v8, $0.0e+00;
	v8 =	vld [tilespmem:s8+$0x8610]  }
0x197: {  	[tilespmem:s8+$0x85C0] =	vst v3;
	v3 =	vmax.f32 v4, $0.0e+00;
	v4 =	vld [tilespmem:s8+$0x8620]  }
0x198: {  	[tilespmem:s8+$0x85D0] =	vst v3;
	v5 =	vmax.f32 v5, $0.0e+00;
	v3 =	vld [tilespmem:s8+$0x8630]  }
0x199: {  	[tilespmem:s8+$0x85E0] =	vst v5;
	v6 =	vmax.f32 v6, $0.0e+00;
	v5 =	vld [tilespmem:s8+$0x8640]  }
0x19a: {  	[tilespmem:s8+$0x85F0] =	vst v6;
	v7 =	vmax.f32 v7, $0.0e+00;
	v6 =	vld [tilespmem:s8+$0x8650]  }
0x19b: {  	s9 =	simm.s32 $0x800;
	[tilespmem:s8+$0x8600] =	vst v7;
	v8 =	vmax.f32 v8, $0.0e+00;
	v7 =	vld [tilespmem:s8+$0x8660]  }
.LBB2_14:
0x19c: {  	s10 =	sshra.s32 s9, $0x2;
	p4 =	sne.s32 s9, $0xF800;
	[tilespmem:s8+$0x8610] =	vst v8;
	v4 =	vmax.f32 v4, $0.0e+00;
	v8 =	vld [tilespmem:s8+$0x8670]  }
0x19d: {  	v9 =	vld [tilespmem:s10+$0x8480];
	[tilespmem:s8+$0x8620] =	vst v4;
	v3 =	vmax.f32 v3, $0.0e+00  }
0x19e: {  	v4 =	vld [tilespmem:s10+$0x8490];
	[tilespmem:s8+$0x8630] =	vst v3;
	v3 =	vmax.f32 v5, $0.0e+00  }
0x19f: {  	v5 =	vld [tilespmem:s10+$0x84A0];
	[tilespmem:s8+$0x8640] =	vst v3;
	v3 =	vmax.f32 v6, $0.0e+00  }
0x1a0: {  	v6 =	vld [tilespmem:s10+$0x84B0];
	[tilespmem:s8+$0x8650] =	vst v3;
	v3 =	vmax.f32 v7, $0.0e+00  }
0x1a1: {  	v7 =	vld [tilespmem:s10+$0x84C0];
	[tilespmem:s8+$0x8660] =	vst v3;
	v3 =	vmax.f32 v8, $0.0e+00  }
0x1a2: {  	v8 =	vmax.f32 v9, $0.0e+00;
	v9 =	vld [tilespmem:s10+$0x84D0];
	[tilespmem:s8+$0x8670] =	vst v3;
	s8 =	smov.u32 s10  }
0x1a3: {  	[tilespmem:s8+$0x8480] =	vst v8;
	v3 =	vmax.f32 v4, $0.0e+00;
	v4 =	vld [tilespmem:s8+$0x84E0]  }
0x1a4: {  	[tilespmem:s8+$0x8490] =	vst v3;
	v3 =	vmax.f32 v5, $0.0e+00;
	v5 =	vld [tilespmem:s8+$0x84F0]  }
0x1a5: {  	[tilespmem:s8+$0x84A0] =	vst v3;
	v3 =	vmax.f32 v6, $0.0e+00;
	v6 =	vld [tilespmem:s8+$0x8500]  }
0x1a6: {  	[tilespmem:s8+$0x84B0] =	vst v3;
	v3 =	vmax.f32 v7, $0.0e+00;
	v7 =	vld [tilespmem:s8+$0x8510]  }
0x1a7: {  	[tilespmem:s8+$0x84C0] =	vst v3;
	v3 =	vmax.f32 v9, $0.0e+00;
	v8 =	vld [tilespmem:s8+$0x8520]  }
0x1a8: {  	[tilespmem:s8+$0x84D0] =	vst v3;
	v3 =	vmax.f32 v4, $0.0e+00;
	v4 =	vld [tilespmem:s8+$0x8530]  }
0x1a9: {  	[tilespmem:s8+$0x84E0] =	vst v3;
	v3 =	vmax.f32 v5, $0.0e+00;
	v5 =	vld [tilespmem:s8+$0x8540]  }
0x1aa: {  	[tilespmem:s8+$0x84F0] =	vst v3;
	v3 =	vmax.f32 v6, $0.0e+00;
	v6 =	vld [tilespmem:s8+$0x8550]  }
0x1ab: {  	[tilespmem:s8+$0x8500] =	vst v3;
	v3 =	vmax.f32 v7, $0.0e+00;
	v7 =	vld [tilespmem:s8+$0x8560]  }
0x1ac: {  	[tilespmem:s8+$0x8510] =	vst v3;
	v3 =	vmax.f32 v8, $0.0e+00;
	v8 =	vld [tilespmem:s8+$0x8570]  }
0x1ad: {  	[tilespmem:s8+$0x8520] =	vst v3;
	v3 =	vmax.f32 v4, $0.0e+00;
	v4 =	vld [tilespmem:s8+$0x8580]  }
0x1ae: {  	[tilespmem:s8+$0x8530] =	vst v3;
	v3 =	vmax.f32 v5, $0.0e+00;
	v5 =	vld [tilespmem:s8+$0x8590]  }
0x1af: {  	[tilespmem:s8+$0x8540] =	vst v3;
	v3 =	vmax.f32 v6, $0.0e+00;
	v6 =	vld [tilespmem:s8+$0x85A0]  }
0x1b0: {  	[tilespmem:s8+$0x8550] =	vst v3;
	v3 =	vmax.f32 v7, $0.0e+00;
	v7 =	vld [tilespmem:s8+$0x85B0]  }
0x1b1: {  	[tilespmem:s8+$0x8560] =	vst v3;
	v3 =	vmax.f32 v8, $0.0e+00;
	v8 =	vld [tilespmem:s8+$0x85C0]  }
0x1b2: {  	[tilespmem:s8+$0x8570] =	vst v3;
	v3 =	vmax.f32 v4, $0.0e+00;
	v4 =	vld [tilespmem:s8+$0x85D0]  }
0x1b3: {  	[tilespmem:s8+$0x8580] =	vst v3;
	v3 =	vmax.f32 v5, $0.0e+00;
	v5 =	vld [tilespmem:s8+$0x85E0]  }
0x1b4: {  	[tilespmem:s8+$0x8590] =	vst v3;
	v3 =	vmax.f32 v6, $0.0e+00;
	v6 =	vld [tilespmem:s8+$0x85F0]  }
0x1b5: {  	[tilespmem:s8+$0x85A0] =	vst v3;
	v3 =	vmax.f32 v7, $0.0e+00;
	v7 =	vld [tilespmem:s8+$0x8600]  }
0x1b6: {  	[tilespmem:s8+$0x85B0] =	vst v3;
	v3 =	vmax.f32 v8, $0.0e+00;
	v8 =	vld [tilespmem:s8+$0x8610]  }
.Ltmp10:
0x1b7: {  	[tilespmem:s8+$0x85C0] =	vst v3;
	v3 =	vmax.f32 v4, $0.0e+00;
	v4 =	vld [tilespmem:s8+$0x8620];
	(pc) =	sbr.rel @p4 .LBB2_14-.Ltmp10, $4  }
0x1b8: {  	[tilespmem:s8+$0x85D0] =	vst v3;
	v5 =	vmax.f32 v5, $0.0e+00;
	v3 =	vld [tilespmem:s8+$0x8630]  }
0x1b9: {  	[tilespmem:s8+$0x85E0] =	vst v5;
	v6 =	vmax.f32 v6, $0.0e+00;
	v5 =	vld [tilespmem:s8+$0x8640]  }
0x1ba: {  	[tilespmem:s8+$0x85F0] =	vst v6;
	v7 =	vmax.f32 v7, $0.0e+00;
	v6 =	vld [tilespmem:s8+$0x8650]  }
0x1bb: {  	s9 =	sadd.s32 $0x800, s9;
	[tilespmem:s8+$0x8600] =	vst v7;
	v8 =	vmax.f32 v8, $0.0e+00;
	v7 =	vld [tilespmem:s8+$0x8660]  }
0x1bc: {  	[tilespmem:s8+$0x8610] =	vst v8;
	v4 =	vmax.f32 v4, $0.0e+00;
	v63 =	vld [tilespmem:s8+$0x8670]  }
0x1bd: {  	[tilespmem:s8+$0x8620] =	vst v4;
	v3 =	vmax.f32 v3, $0.0e+00  }
0x1be: {  	[tilespmem:s8+$0x8630] =	vst v3;
	v3 =	vmax.f32 v5, $0.0e+00  }
0x1bf: {  	[tilespmem:s8+$0x8640] =	vst v3;
	v3 =	vmax.f32 v6, $0.0e+00  }
0x1c0: {  	[tilespmem:s8+$0x8650] =	vst v3;
	v3 =	vmax.f32 v7, $0.0e+00  }
0x1c1: {  	[tilespmem:s8+$0x8660] =	vst v3;
	v3 =	vmax.f32 v63, $0.0e+00  }
0x1c2: {  	[tilespmem:s8+$0x8670] =	vst v3  }
0x1c3: {  	[spmem:s1] =	stream.indirect.scatter.add.f32 [tilespmem:s20], [sflag:$0x9], $0x80, s19, s13, $0xb8;
	[tilespmem:$0x1FD00] =	vst v63  }
0x1c4: {  	_ =	swait.ge [sflag:s21], $0x4000  }
0x1c5: {  	[sflag:s21] =	ssyncset.done $0x0  }
0x1c6: {  	[sflag:s21] =	ssyncadd.s32 $0xFFFFC000  }
.LBB2_16:
0x1c7: {  	s7 =	sadd.s32 $0x2, s7  }
0x1c8: {  	p2 =	sge.u32 s7, s11  }
.Ltmp11:
0x1c9: {  	_ = 	snop;
	(pc) =	sbr.rel @p2 .LBB2_18-.Ltmp11, $1  }
0x1ca: {  	_ =	sdelay $0x3  }
0x1cb: {  	s7 =	sshll.u32 s7, $0x8  }
0x1cc: {  	s7 =	sor.u32 s30, s7  }
0x1cd: {  	s8 =	sadd.s32 s5, s7  }
0x1ce: {  	[tilespmem:s22], [sflag:$0xA] =	stream.linear.gather [hbm4b:s8+s2], $0x80, $0x38;
	[tilespmem:$0x1FD00] =	vst v63  }
0x1cf: {  	_ =	swait.ge [sflag:s0], $0x80  }
0x1d0: {  	[sflag:s0] =	ssyncset.done $0x0  }
0x1d1: {  	s7 =	sadd.s32 s23, s7;
	[sflag:s0] =	ssyncadd.s32 $0xFFFFFF80  }
0x1d2: {  	[tilespmem:s19], [sflag:$0xA] =	stream.linear.gather [hbm4b:s7+s2], $0x80, $0x38;
	[tilespmem:$0x1FD00] =	vst v63  }
0x1d3: {  	_ =	swait.ge [sflag:s0], $0x80  }
0x1d4: {  	[sflag:s0] =	ssyncset.done $0x0  }
0x1d5: {  	[sflag:s0] =	ssyncadd.s32 $0xFFFFFF80  }
0x1d6: {  	v3 =	vld [tilespmem:$0x100]  }
0x1d7: {  	v4 =	vld [tilespmem:$0x400]  }
0x1d8: {  	v5 =	vld [tilespmem:$0x110]  }
0x1d9: {  	v6 =	vld [tilespmem:$0x410]  }
0x1da: {  	v7 =	vld [tilespmem:$0x120]  }
0x1db: {  	v8 =	vld [tilespmem:$0x420];
	v3 =	vadd.s32 v0, v3  }
0x1dc: {  	v54 =	vld [tilespmem:$0x130];
	[tilespmem:$0x100] =	vst v3;
	v3 =	vadd.s32 v1, v4  }
0x1dd: {  	v55 =	vld [tilespmem:$0x430];
	[tilespmem:$0x280] =	vst v3;
	v3 =	vadd.s32 v0, v5  }
0x1de: {  	v56 =	vld [tilespmem:$0x140];
	[tilespmem:$0x110] =	vst v3;
	v3 =	vadd.s32 v1, v6  }
0x1df: {  	v57 =	vld [tilespmem:$0x440];
	[tilespmem:$0x290] =	vst v3;
	v3 =	vadd.s32 v0, v7  }
0x1e0: {  	v58 =	vld [tilespmem:$0x150];
	[tilespmem:$0x120] =	vst v3;
	v3 =	vadd.s32 v1, v8  }
0x1e1: {  	v59 =	vld [tilespmem:$0x450];
	[tilespmem:$0x2A0] =	vst v3;
	v3 =	vadd.s32 v0, v54  }
0x1e2: {  	v60 =	vld [tilespmem:$0x160];
	[tilespmem:$0x130] =	vst v3;
	v3 =	vadd.s32 v1, v55  }
0x1e3: {  	v61 =	vld [tilespmem:$0x460];
	[tilespmem:$0x2B0] =	vst v3;
	v3 =	vadd.s32 v0, v56  }
0x1e4: {  	v62 =	vld [tilespmem:$0x170];
	[tilespmem:$0x140] =	vst v3;
	v3 =	vadd.s32 v1, v57  }
0x1e5: {  	v63 =	vld [tilespmem:$0x470];
	[tilespmem:$0x2C0] =	vst v3;
	v3 =	vadd.s32 v0, v58  }
0x1e6: {  	[tilespmem:$0x150] =	vst v3;
	v3 =	vadd.s32 v1, v59  }
0x1e7: {  	[tilespmem:$0x2D0] =	vst v3;
	v3 =	vadd.s32 v0, v60  }
0x1e8: {  	[tilespmem:$0x160] =	vst v3;
	v3 =	vadd.s32 v1, v61  }
0x1e9: {  	[tilespmem:$0x2E0] =	vst v3;
	v3 =	vadd.s32 v0, v62  }
0x1ea: {  	[tilespmem:$0x170] =	vst v3;
	v3 =	vadd.s32 v1, v63  }
0x1eb: {  	[tilespmem:$0x2F0] =	vst v3  }
0x1ec: {  	[tilespmem:s20], [sflag:$0x3] =	stream.indirect.gather [hbm4b:s4+s13], $0x80, s22, s13, $0xb8;
	[tilespmem:$0x1FD00] =	vst v63  }
.LBB2_18:
.Ltmp12:
0x1ed: {  	s7 =	simm.s32 @!p6 $0x2;
	(pc) =	sbr.rel @p5 .LBB2_22-.Ltmp12, $4  }
0x1ee: {  	_ =	swait.ge @!p6 [sflag:s7], $0x4000  }
0x1ef: {  	s8 =	simm.s32 @!p6 $0x200;
	[sflag:s7] =	ssyncset.done @!p6 $0x0  }
0x1f0: {  	s9 =	simm.s32 @!p6 $0x4480;
	[sflag:s7] =	ssyncadd.s32 @!p6 $0xFFFFC000;
	s7 =	simm.s32 @!p6 $0x80  }
0x1f1: {  	[tilespmem:s9], [sflag:$0x5] =	stream.indirect.gather.add.f32 @!p6 [hbm:s4], $0x80, s8, s7, $0xb8;
	[tilespmem:$0x1FD00] =	vst v63  }
0x1f2: {  	_ =	swait.ge [sflag:s24], $0x4000  }
0x1f3: {  	[sflag:s24] =	ssyncset.done $0x0  }
0x1f4: {  	s7 =	simm.s32 $0x0;
	[sflag:s24] =	ssyncadd.s32 $0xFFFFC000  }
0x1f5: {  	v3 =	vld [tilespmem:s7+$0x480]  }
0x1f6: {  	v4 =	vld [tilespmem:s7+$0x490]  }
0x1f7: {  	v5 =	vld [tilespmem:s7+$0x4A0]  }
0x1f8: {  	v6 =	vld [tilespmem:s7+$0x4B0]  }
0x1f9: {  	v7 =	vld [tilespmem:s7+$0x4C0]  }
0x1fa: {  	v8 =	vld [tilespmem:s7+$0x4D0];
	v3 =	vmax.f32 v3, $0.0e+00  }
0x1fb: {  	[tilespmem:s7+$0x480] =	vst v3;
	v3 =	vmax.f32 v4, $0.0e+00;
	v4 =	vld [tilespmem:s7+$0x4E0]  }
0x1fc: {  	[tilespmem:s7+$0x490] =	vst v3;
	v3 =	vmax.f32 v5, $0.0e+00;
	v5 =	vld [tilespmem:s7+$0x4F0]  }
0x1fd: {  	[tilespmem:s7+$0x4A0] =	vst v3;
	v3 =	vmax.f32 v6, $0.0e+00;
	v6 =	vld [tilespmem:s7+$0x500]  }
0x1fe: {  	[tilespmem:s7+$0x4B0] =	vst v3;
	v3 =	vmax.f32 v7, $0.0e+00;
	v7 =	vld [tilespmem:s7+$0x510]  }
0x1ff: {  	[tilespmem:s7+$0x4C0] =	vst v3;
	v3 =	vmax.f32 v8, $0.0e+00;
	v8 =	vld [tilespmem:s7+$0x520]  }
0x200: {  	[tilespmem:s7+$0x4D0] =	vst v3;
	v3 =	vmax.f32 v4, $0.0e+00;
	v4 =	vld [tilespmem:s7+$0x530]  }
0x201: {  	[tilespmem:s7+$0x4E0] =	vst v3;
	v3 =	vmax.f32 v5, $0.0e+00;
	v5 =	vld [tilespmem:s7+$0x540]  }
0x202: {  	[tilespmem:s7+$0x4F0] =	vst v3;
	v3 =	vmax.f32 v6, $0.0e+00;
	v6 =	vld [tilespmem:s7+$0x550]  }
0x203: {  	[tilespmem:s7+$0x500] =	vst v3;
	v3 =	vmax.f32 v7, $0.0e+00;
	v7 =	vld [tilespmem:s7+$0x560]  }
0x204: {  	[tilespmem:s7+$0x510] =	vst v3;
	v3 =	vmax.f32 v8, $0.0e+00;
	v8 =	vld [tilespmem:s7+$0x570]  }
0x205: {  	[tilespmem:s7+$0x520] =	vst v3;
	v3 =	vmax.f32 v4, $0.0e+00;
	v4 =	vld [tilespmem:s7+$0x580]  }
0x206: {  	[tilespmem:s7+$0x530] =	vst v3;
	v3 =	vmax.f32 v5, $0.0e+00;
	v5 =	vld [tilespmem:s7+$0x590]  }
0x207: {  	[tilespmem:s7+$0x540] =	vst v3;
	v3 =	vmax.f32 v6, $0.0e+00;
	v6 =	vld [tilespmem:s7+$0x5A0]  }
0x208: {  	[tilespmem:s7+$0x550] =	vst v3;
	v3 =	vmax.f32 v7, $0.0e+00;
	v7 =	vld [tilespmem:s7+$0x5B0]  }
0x209: {  	[tilespmem:s7+$0x560] =	vst v3;
	v3 =	vmax.f32 v8, $0.0e+00;
	v8 =	vld [tilespmem:s7+$0x5C0]  }
0x20a: {  	[tilespmem:s7+$0x570] =	vst v3;
	v3 =	vmax.f32 v4, $0.0e+00;
	v4 =	vld [tilespmem:s7+$0x5D0]  }
0x20b: {  	[tilespmem:s7+$0x580] =	vst v3;
	v3 =	vmax.f32 v5, $0.0e+00;
	v5 =	vld [tilespmem:s7+$0x5E0]  }
0x20c: {  	[tilespmem:s7+$0x590] =	vst v3;
	v3 =	vmax.f32 v6, $0.0e+00;
	v6 =	vld [tilespmem:s7+$0x5F0]  }
0x20d: {  	[tilespmem:s7+$0x5A0] =	vst v3;
	v3 =	vmax.f32 v7, $0.0e+00;
	v7 =	vld [tilespmem:s7+$0x600]  }
0x20e: {  	[tilespmem:s7+$0x5B0] =	vst v3;
	v3 =	vmax.f32 v8, $0.0e+00;
	v8 =	vld [tilespmem:s7+$0x610]  }
0x20f: {  	[tilespmem:s7+$0x5C0] =	vst v3;
	v3 =	vmax.f32 v4, $0.0e+00;
	v4 =	vld [tilespmem:s7+$0x620]  }
0x210: {  	[tilespmem:s7+$0x5D0] =	vst v3;
	v5 =	vmax.f32 v5, $0.0e+00;
	v3 =	vld [tilespmem:s7+$0x630]  }
0x211: {  	[tilespmem:s7+$0x5E0] =	vst v5;
	v6 =	vmax.f32 v6, $0.0e+00;
	v5 =	vld [tilespmem:s7+$0x640]  }
0x212: {  	[tilespmem:s7+$0x5F0] =	vst v6;
	v7 =	vmax.f32 v7, $0.0e+00;
	v6 =	vld [tilespmem:s7+$0x650]  }
0x213: {  	s8 =	simm.s32 $0x800;
	[tilespmem:s7+$0x600] =	vst v7;
	v8 =	vmax.f32 v8, $0.0e+00;
	v7 =	vld [tilespmem:s7+$0x660]  }
.LBB2_20:
0x214: {  	s9 =	sshra.s32 s8, $0x2;
	p4 =	sne.s32 s8, $0xF800;
	[tilespmem:s7+$0x610] =	vst v8;
	v4 =	vmax.f32 v4, $0.0e+00;
	v8 =	vld [tilespmem:s7+$0x670]  }
0x215: {  	v9 =	vld [tilespmem:s9+$0x480];
	[tilespmem:s7+$0x620] =	vst v4;
	v3 =	vmax.f32 v3, $0.0e+00  }
0x216: {  	v4 =	vld [tilespmem:s9+$0x490];
	[tilespmem:s7+$0x630] =	vst v3;
	v3 =	vmax.f32 v5, $0.0e+00  }
0x217: {  	v5 =	vld [tilespmem:s9+$0x4A0];
	[tilespmem:s7+$0x640] =	vst v3;
	v3 =	vmax.f32 v6, $0.0e+00  }
0x218: {  	v6 =	vld [tilespmem:s9+$0x4B0];
	[tilespmem:s7+$0x650] =	vst v3;
	v3 =	vmax.f32 v7, $0.0e+00  }
0x219: {  	v7 =	vld [tilespmem:s9+$0x4C0];
	[tilespmem:s7+$0x660] =	vst v3;
	v3 =	vmax.f32 v8, $0.0e+00  }
0x21a: {  	v8 =	vmax.f32 v9, $0.0e+00;
	v9 =	vld [tilespmem:s9+$0x4D0];
	[tilespmem:s7+$0x670] =	vst v3;
	s7 =	smov.u32 s9  }
0x21b: {  	[tilespmem:s7+$0x480] =	vst v8;
	v3 =	vmax.f32 v4, $0.0e+00;
	v4 =	vld [tilespmem:s7+$0x4E0]  }
0x21c: {  	[tilespmem:s7+$0x490] =	vst v3;
	v3 =	vmax.f32 v5, $0.0e+00;
	v5 =	vld [tilespmem:s7+$0x4F0]  }
0x21d: {  	[tilespmem:s7+$0x4A0] =	vst v3;
	v3 =	vmax.f32 v6, $0.0e+00;
	v6 =	vld [tilespmem:s7+$0x500]  }
0x21e: {  	[tilespmem:s7+$0x4B0] =	vst v3;
	v3 =	vmax.f32 v7, $0.0e+00;
	v7 =	vld [tilespmem:s7+$0x510]  }
0x21f: {  	[tilespmem:s7+$0x4C0] =	vst v3;
	v3 =	vmax.f32 v9, $0.0e+00;
	v8 =	vld [tilespmem:s7+$0x520]  }
0x220: {  	[tilespmem:s7+$0x4D0] =	vst v3;
	v3 =	vmax.f32 v4, $0.0e+00;
	v4 =	vld [tilespmem:s7+$0x530]  }
0x221: {  	[tilespmem:s7+$0x4E0] =	vst v3;
	v3 =	vmax.f32 v5, $0.0e+00;
	v5 =	vld [tilespmem:s7+$0x540]  }
0x222: {  	[tilespmem:s7+$0x4F0] =	vst v3;
	v3 =	vmax.f32 v6, $0.0e+00;
	v6 =	vld [tilespmem:s7+$0x550]  }
0x223: {  	[tilespmem:s7+$0x500] =	vst v3;
	v3 =	vmax.f32 v7, $0.0e+00;
	v7 =	vld [tilespmem:s7+$0x560]  }
0x224: {  	[tilespmem:s7+$0x510] =	vst v3;
	v3 =	vmax.f32 v8, $0.0e+00;
	v8 =	vld [tilespmem:s7+$0x570]  }
0x225: {  	[tilespmem:s7+$0x520] =	vst v3;
	v3 =	vmax.f32 v4, $0.0e+00;
	v4 =	vld [tilespmem:s7+$0x580]  }
0x226: {  	[tilespmem:s7+$0x530] =	vst v3;
	v3 =	vmax.f32 v5, $0.0e+00;
	v5 =	vld [tilespmem:s7+$0x590]  }
0x227: {  	[tilespmem:s7+$0x540] =	vst v3;
	v3 =	vmax.f32 v6, $0.0e+00;
	v6 =	vld [tilespmem:s7+$0x5A0]  }
0x228: {  	[tilespmem:s7+$0x550] =	vst v3;
	v3 =	vmax.f32 v7, $0.0e+00;
	v7 =	vld [tilespmem:s7+$0x5B0]  }
0x229: {  	[tilespmem:s7+$0x560] =	vst v3;
	v3 =	vmax.f32 v8, $0.0e+00;
	v8 =	vld [tilespmem:s7+$0x5C0]  }
0x22a: {  	[tilespmem:s7+$0x570] =	vst v3;
	v3 =	vmax.f32 v4, $0.0e+00;
	v4 =	vld [tilespmem:s7+$0x5D0]  }
0x22b: {  	[tilespmem:s7+$0x580] =	vst v3;
	v3 =	vmax.f32 v5, $0.0e+00;
	v5 =	vld [tilespmem:s7+$0x5E0]  }
0x22c: {  	[tilespmem:s7+$0x590] =	vst v3;
	v3 =	vmax.f32 v6, $0.0e+00;
	v6 =	vld [tilespmem:s7+$0x5F0]  }
0x22d: {  	[tilespmem:s7+$0x5A0] =	vst v3;
	v3 =	vmax.f32 v7, $0.0e+00;
	v7 =	vld [tilespmem:s7+$0x600]  }
0x22e: {  	[tilespmem:s7+$0x5B0] =	vst v3;
	v3 =	vmax.f32 v8, $0.0e+00;
	v8 =	vld [tilespmem:s7+$0x610]  }
.Ltmp13:
0x22f: {  	[tilespmem:s7+$0x5C0] =	vst v3;
	v3 =	vmax.f32 v4, $0.0e+00;
	v4 =	vld [tilespmem:s7+$0x620];
	(pc) =	sbr.rel @p4 .LBB2_20-.Ltmp13, $4  }
0x230: {  	[tilespmem:s7+$0x5D0] =	vst v3;
	v5 =	vmax.f32 v5, $0.0e+00;
	v3 =	vld [tilespmem:s7+$0x630]  }
0x231: {  	[tilespmem:s7+$0x5E0] =	vst v5;
	v6 =	vmax.f32 v6, $0.0e+00;
	v5 =	vld [tilespmem:s7+$0x640]  }
0x232: {  	[tilespmem:s7+$0x5F0] =	vst v6;
	v7 =	vmax.f32 v7, $0.0e+00;
	v6 =	vld [tilespmem:s7+$0x650]  }
0x233: {  	s8 =	sadd.s32 $0x800, s8;
	[tilespmem:s7+$0x600] =	vst v7;
	v8 =	vmax.f32 v8, $0.0e+00;
	v7 =	vld [tilespmem:s7+$0x660]  }
0x234: {  	[tilespmem:s7+$0x610] =	vst v8;
	v4 =	vmax.f32 v4, $0.0e+00;
	v63 =	vld [tilespmem:s7+$0x670]  }
0x235: {  	[tilespmem:s7+$0x620] =	vst v4;
	v3 =	vmax.f32 v3, $0.0e+00  }
0x236: {  	[tilespmem:s7+$0x630] =	vst v3;
	v3 =	vmax.f32 v5, $0.0e+00  }
.Ltmp14:
0x237: {  	[tilespmem:s7+$0x640] =	vst v3;
	v3 =	vmax.f32 v6, $0.0e+00;
	(pc) =	sbr.rel .LBB2_22-.Ltmp14, $4  }
0x238: {  	[tilespmem:s7+$0x650] =	vst v3;
	v3 =	vmax.f32 v7, $0.0e+00  }
0x239: {  	[tilespmem:s7+$0x660] =	vst v3;
	v3 =	vmax.f32 v63, $0.0e+00  }
0x23a: {  	[tilespmem:s7+$0x670] =	vst v3  }
0x23b: {  	[spmem:s1] =	stream.indirect.scatter.add.f32 [tilespmem:s31], [sflag:$0x7], $0x80, s26, s13, $0xb8;
	[tilespmem:$0x1FD00] =	vst v63  }
.LBB2_24:
0x23c: {  	_ =	sfence.sel $0x180000  }
0x23d: {  	[bflag:$0x0] =	sbarrier.arrive $0xFFFF  }
0x23e: {  	_ =	strace $0x9000004A  }
0x23f: {  	[bflag:$0x2] =	sbarrier.arrive $0xFFFF  }
0x240: {  	p0 =	sne.s32 s3, $0x0;
	s0 =	rddreg [dreg:$0x3]  }
0x241: {  	s0 =	sadd.s32 @!p0 $0x100000, s0  }
0x242: {  	[sflag:s0] =	ssyncadd.tile.s32 @!p0 $0x1;
	_ =	shalt  }
.Lfunc_end2:
_tile_overlayer_lowered:
.L_overlay_start_2:
0x243: {  	(tag) =	ssettag $0x2  }
0x244: {  	s0 =	rddreg [dreg:$0x0];
	s2 =	stileid.u32  }
0x245: {  	s1 =	rddreg [dreg:$0x1];
	p0 =	sne.s32 s2, $0x0  }
0x246: {  	s3 =	rddreg [dreg:$0x2];
	[bflag:$0x3] =	sbarrier.arrive $0xFFFF;
	s2 =	simm.s32 @!p0 $0x1C0A  }
0x247: {  	[timem:s3], [sflag:s2] =	dma.local @!p0 [hbm:s0], s1  }
0x248: {  	s0 =	simm.s32 @!p0 $0xA  }
0x249: {  	_ =	swait.ge @!p0 [sflag:s0], s1  }
0x24a: {  	s1 =	ssub.s32 @!p0 $0x0, s1;
	[sflag:s0] =	ssyncset.done @!p0 $0x0  }
0x24b: {  	[sflag:s0] =	ssyncadd.s32 @!p0 s1  }
0x24c: {  	[bflag:$0x3] =	sbarrier.arrive $0xFFFF  }
0x24d: {  	_ =	shalt  }

</sc_bundles>
